<compile_context>
chip_gen: v7x
topology: tpu7x:2x2x1
jax: 0.10.2.dev20260603
libtpu: 0.0.44.dev20260713+nightly
codegen_flags: <defaults>
</compile_context>

<pallas_src>
import functools

import jax
import jax.numpy as jnp
from jax import lax
from jax.experimental import pallas as pl
from jax.experimental.pallas import tpu as pltpu
from jax.experimental.pallas import tpu_sc as plsc

N = 10000
D = 256
DP = D // 2
E = 160000
NC, NS = 2, 16
NW = NC * NS
EPW = E // NW
CB = 128
NR = (EPW + CB - 1) // CB
NG = CB // 16


def _normalize_body(z_ref, o_ref):
    x = z_ref[...]
    n2 = jnp.sum(x * x, axis=1, keepdims=True)
    inv = 1.0 / jnp.maximum(jnp.sqrt(n2), 1e-8)
    xn = (x * inv).astype(jnp.bfloat16)
    lo = lax.bitcast_convert_type(xn[:, :DP], jnp.uint16).astype(jnp.uint32)
    hi = lax.bitcast_convert_type(xn[:, DP:], jnp.uint16).astype(jnp.uint32)
    o_ref[...] = lax.bitcast_convert_type(lo | (hi << 16), jnp.int32)


def _normalize(z):
    BR = 1000
    return pl.pallas_call(
        _normalize_body,
        out_shape=jax.ShapeDtypeStruct((N, DP), jnp.int32),
        grid=(N // BR,),
        in_specs=[pl.BlockSpec((BR, D), lambda i: (i, 0))],
        out_specs=pl.BlockSpec((BR, DP), lambda i: (i, 0)),
    )(z)


_mesh = plsc.VectorSubcoreMesh(core_axis_name="c", subcore_axis_name="s")


@functools.partial(
    pl.kernel,
    out_type=jax.ShapeDtypeStruct((E,), jnp.float32),
    mesh=_mesh,
    scratch_types=[
        pltpu.VMEM((EPW,), jnp.int32),
        pltpu.VMEM((EPW,), jnp.int32),
        pltpu.VMEM((CB, DP), jnp.int32),
        pltpu.VMEM((CB, DP), jnp.int32),
        pltpu.VMEM((CB, DP), jnp.int32),
        pltpu.VMEM((CB, DP), jnp.int32),
        pltpu.VMEM((EPW,), jnp.float32),
        pltpu.VMEM((256,), jnp.float32),
        pltpu.SemaphoreType.DMA,
        pltpu.SemaphoreType.DMA,
    ],
    compiler_params=pltpu.CompilerParams(needs_layout_passes=False),
)
def _edge_sc(zn_hbm, ei_hbm, out_hbm,
             idx_a, idx_b, ra0, rb0, ra1, rb1, out_buf, accm, sem0, sem1):
    wid = lax.axis_index("s") * NC + lax.axis_index("c")
    wbase = wid * EPW
    lane = lax.iota(jnp.int32, 16)

    def off_of(r):
        return jnp.minimum(r * CB, EPW - CB)

    def issue(r, ra, rb, sem):
        off = off_of(r)
        pltpu.async_copy(zn_hbm.at[idx_a.at[pl.ds(off, CB)]], ra, sem)
        pltpu.async_copy(zn_hbm.at[idx_b.at[pl.ds(off, CB)]], rb, sem)

    def drain(ra, rb, sem):
        pltpu.make_async_copy(zn_hbm.at[pl.ds(0, CB)], ra, sem).wait()
        pltpu.make_async_copy(zn_hbm.at[pl.ds(0, CB)], rb, sem).wait()

    def compute(r, ra, rb):
        off = off_of(r)

        def group_body(g, carry):
            for l in range(16):
                i = g * 16 + l
                acc = None
                for j in range(D // 32):
                    wa = plsc.bitcast(ra[i, pl.ds(j * 16, 16)], jnp.bfloat16)
                    wb = plsc.bitcast(rb[i, pl.ds(j * 16, 16)], jnp.bfloat16)
                    p = wa * wb
                    acc = p if acc is None else acc + p
                ae, ao = plsc.unpack(acc, format=plsc.PackFormat.INTERLEAVED)
                accm[pl.ds(l * 16, 16)] = ae + ao
            rowbase = lane * 16
            res = plsc.load_gather(accm, [rowbase])
            for j in range(1, 16):
                res = res + plsc.load_gather(accm, [rowbase + j])
            out_buf[pl.ds(off + g * 16, 16)] = 1.0 / (1.0 + jnp.exp(-res))
            return carry

        lax.fori_loop(0, NG, group_body, 0)

    pltpu.sync_copy(ei_hbm.at[pl.ds(wbase, EPW)], idx_a)
    pltpu.sync_copy(ei_hbm.at[pl.ds(E + wbase, EPW)], idx_b)
    issue(0, ra0, rb0, sem0)

    def pair_body(p, carry):
        r = p * 2
        drain(ra0, rb0, sem0)
        issue(r + 1, ra1, rb1, sem1)
        compute(r, ra0, rb0)
        drain(ra1, rb1, sem1)
        issue(r + 2, ra0, rb0, sem0)
        compute(r + 1, ra1, rb1)
        return carry

    lax.fori_loop(0, NR // 2, pair_body, 0)
    drain(ra0, rb0, sem0)
    pltpu.sync_copy(out_buf, out_hbm.at[pl.ds(wbase, EPW)])


def kernel(z, edge_index):
    ei = edge_index.astype(jnp.int32).reshape(-1)
    zp = _normalize(z)
    return _edge_sc(zp, ei)

# --- scband reference (transcript-rebuilt; emitter-appended) ---
"""Pipeline reference for scband-cosine-sim-decoder-40166534152503 (READ-ONLY COPY).

The authoritative reference and input builder live on the scoring server;
editing this copy changes nothing except your own understanding.
"""

import jax, jax.numpy as jnp
import numpy as np


def setup_inputs(seed: int = 0) -> dict:
    key = jax.random.key(seed)
    k1, k2 = jax.random.split(key)
    z = jax.random.normal(k1, (10000, 256), dtype=jnp.float32)
    edge_index = jax.random.randint(k2, (2, 160000), 0, 10000, dtype=jnp.int64)
    return {"z": z, "edge_index": edge_index}


def reference(z, edge_index):
    # Faithful translation of CosineSimDecoder.forward with sigmoid=True
    a = jnp.take(z, edge_index[0], axis=0)
    b = jnp.take(z, edge_index[1], axis=0)
    eps = 1e-8
    dot = jnp.sum(a * b, axis=1)
    norm_a = jnp.linalg.norm(a, axis=1)
    norm_b = jnp.linalg.norm(b, axis=1)
    value = dot / (jnp.maximum(norm_a, eps) * jnp.maximum(norm_b, eps))
    return jax.nn.sigmoid(value)

if __name__ == "__main__":
    import jax
    _d = setup_inputs()
    print(jax.jit(kernel)(*tuple(_d.values())))

</pallas_src>

<mosaic_0001>
#map = affine_map<(d0, d1) -> (0, 0)>
#map1 = affine_map<(d0, d1) -> (0)>
module attributes {stable_mosaic.version = 14 : i64} {
  func.func @_edge_sc(%arg0: i32, %arg1: i32, %arg2: memref<10000x128xi32, #tpu.memory_space<hbm>>, %arg3: memref<320000xi32, #tpu.memory_space<hbm>>, %arg4: memref<160000xf32, #tpu.memory_space<hbm>>, %arg5: memref<5000xi32, #tpu.memory_space<vmem>>, %arg6: memref<5000xi32, #tpu.memory_space<vmem>>, %arg7: memref<128x128xi32, #tpu.memory_space<vmem>>, %arg8: memref<128x128xi32, #tpu.memory_space<vmem>>, %arg9: memref<128x128xi32, #tpu.memory_space<vmem>>, %arg10: memref<128x128xi32, #tpu.memory_space<vmem>>, %arg11: memref<5000xf32, #tpu.memory_space<vmem>>, %arg12: memref<256xf32, #tpu.memory_space<vmem>>, %arg13: memref<!tpu.dma_semaphore, #tpu.memory_space<semaphore_mem>>, %arg14: memref<!tpu.dma_semaphore, #tpu.memory_space<semaphore_mem>>) attributes {dimension_semantics = [#tpu.dimension_semantics<core_parallel>, #tpu.dimension_semantics<subcore_parallel>], iteration_bounds = array<i64: 2, 16>, scalar_prefetch = 0 : i64, scratch_operands = 10 : i64, tpu.core_type = #tpu.core_type<sc_vector_subcore>, window_params = [{transform_indices = #map}, {transform_indices = #map1}, {transform_indices = #map1}]} {
    %mul3A = arith.constant 2 : i32
    %mul3A_0 = arith.muli %arg1, %mul3A : i32
    %add3A = arith.addi %mul3A_0, %arg0 : i32
    %mul3A_1 = arith.constant 5000 : i32
    %mul3A_2 = arith.muli %add3A, %mul3A_1 : i32
    %iota3A = tpu.iota {dimensions = array<i32: 0>} : vector<16xi32>
    "tpu.region"() ({
      %run_scoped3A = tpu.sem_alloc : memref<!tpu.dma_semaphore, #tpu.memory_space<semaphore_mem>>
      %dma_start3A_30 = tpu.memref_slice %arg3[%mul3A_2] : memref<320000xi32, #tpu.memory_space<hbm>> -> memref<5000xi32, #tpu.memory_space<hbm>>
      %dma_start3A_31 = tpu.memref_slice %arg3[%mul3A_2] : memref<320000xi32, #tpu.memory_space<hbm>> -> memref<5000xi32, #tpu.memory_space<hbm>>
      tpu.enqueue_dma source(%dma_start3A_31 : memref<5000xi32, #tpu.memory_space<hbm>>) target(%arg5 : memref<5000xi32, #tpu.memory_space<vmem>>) target_semaphore(%run_scoped3A : memref<!tpu.dma_semaphore, #tpu.memory_space<semaphore_mem>>)
      %dma_wait3A_32 = tpu.memref_slice %arg3[%mul3A_2] : memref<320000xi32, #tpu.memory_space<hbm>> -> memref<5000xi32, #tpu.memory_space<hbm>>
      %dma_wait3A_33 = tpu.memref_slice %arg3[%mul3A_2] : memref<320000xi32, #tpu.memory_space<hbm>> -> memref<5000xi32, #tpu.memory_space<hbm>>
      tpu.wait_dma2 semaphore(%run_scoped3A : memref<!tpu.dma_semaphore, #tpu.memory_space<semaphore_mem>>) src(%dma_wait3A_33 : memref<5000xi32, #tpu.memory_space<hbm>>) dst(%arg5 : memref<5000xi32, #tpu.memory_space<vmem>>)
      tpu.yield
    }) : () -> ()
    %add3A_3 = arith.constant 160000 : i32
    %add3A_4 = arith.addi %add3A_3, %mul3A_2 : i32
    "tpu.region"() ({
      %run_scoped3A = tpu.sem_alloc : memref<!tpu.dma_semaphore, #tpu.memory_space<semaphore_mem>>
      %dma_start3A_30 = tpu.memref_slice %arg3[%add3A_4] : memref<320000xi32, #tpu.memory_space<hbm>> -> memref<5000xi32, #tpu.memory_space<hbm>>
      %dma_start3A_31 = tpu.memref_slice %arg3[%add3A_4] : memref<320000xi32, #tpu.memory_space<hbm>> -> memref<5000xi32, #tpu.memory_space<hbm>>
      tpu.enqueue_dma source(%dma_start3A_31 : memref<5000xi32, #tpu.memory_space<hbm>>) target(%arg6 : memref<5000xi32, #tpu.memory_space<vmem>>) target_semaphore(%run_scoped3A : memref<!tpu.dma_semaphore, #tpu.memory_space<semaphore_mem>>)
      %dma_wait3A_32 = tpu.memref_slice %arg3[%add3A_4] : memref<320000xi32, #tpu.memory_space<hbm>> -> memref<5000xi32, #tpu.memory_space<hbm>>
      %dma_wait3A_33 = tpu.memref_slice %arg3[%add3A_4] : memref<320000xi32, #tpu.memory_space<hbm>> -> memref<5000xi32, #tpu.memory_space<hbm>>
      tpu.wait_dma2 semaphore(%run_scoped3A : memref<!tpu.dma_semaphore, #tpu.memory_space<semaphore_mem>>) src(%dma_wait3A_33 : memref<5000xi32, #tpu.memory_space<hbm>>) dst(%arg6 : memref<5000xi32, #tpu.memory_space<vmem>>)
      tpu.yield
    }) : () -> ()
    %min3A = arith.constant 0 : i32
    %min3A_5 = arith.constant 4872 : i32
    %min3A_6 = arith.minsi %min3A, %min3A_5 : i32
    %dma_start3A = tpu.memref_slice %arg5[%min3A_6] : memref<5000xi32, #tpu.memory_space<vmem>> -> memref<128xi32, #tpu.memory_space<vmem>>
    %dma_start3A_7 = arith.constant 0 : i32
    %dma_start3A_8 = arith.constant 0 : i32
    %dma_start3A_9 = tpu.memref_slice %arg2[%dma_start3A_7, %dma_start3A_8] : memref<10000x128xi32, #tpu.memory_space<hbm>> -> memref<10000x128xi32, #tpu.memory_space<hbm>>
    tpu.enqueue_indirect_dma source(%dma_start3A_9 : memref<10000x128xi32, #tpu.memory_space<hbm>>) target(%arg7 : memref<128x128xi32, #tpu.memory_space<vmem>>) offsets(%dma_start3A : memref<128xi32, #tpu.memory_space<vmem>>) semaphore(%arg13 : memref<!tpu.dma_semaphore, #tpu.memory_space<semaphore_mem>>)
    %dma_start3A_10 = tpu.memref_slice %arg6[%min3A_6] : memref<5000xi32, #tpu.memory_space<vmem>> -> memref<128xi32, #tpu.memory_space<vmem>>
    %dma_start3A_11 = arith.constant 0 : i32
    %dma_start3A_12 = arith.constant 0 : i32
    %dma_start3A_13 = tpu.memref_slice %arg2[%dma_start3A_11, %dma_start3A_12] : memref<10000x128xi32, #tpu.memory_space<hbm>> -> memref<10000x128xi32, #tpu.memory_space<hbm>>
    tpu.enqueue_indirect_dma source(%dma_start3A_13 : memref<10000x128xi32, #tpu.memory_space<hbm>>) target(%arg8 : memref<128x128xi32, #tpu.memory_space<vmem>>) offsets(%dma_start3A_10 : memref<128xi32, #tpu.memory_space<vmem>>) semaphore(%arg13 : memref<!tpu.dma_semaphore, #tpu.memory_space<semaphore_mem>>)
    %scan3A = arith.constant 0 : i32
    %scan3A_14 = arith.constant 0 : i32
    %scan3A_15 = arith.constant 20 : i32
    %scan3A_16 = arith.addi %scan3A_14, %scan3A_15 : i32
    %scan3A_17 = arith.constant 1 : i32
    scf.for %scan3A_30 = %scan3A_14 to %scan3A_16 step %scan3A_17  : i32 {
      %mul3A_31 = arith.constant 2 : i32
      %mul3A_32 = arith.muli %scan3A_30, %mul3A_31 : i32
      %dma_wait3A_33 = arith.constant 0 : i32
      %dma_wait3A_34 = arith.constant 0 : i32
      %dma_wait3A_35 = tpu.memref_slice %arg2[%dma_wait3A_33, %dma_wait3A_34] : memref<10000x128xi32, #tpu.memory_space<hbm>> -> memref<128x128xi32, #tpu.memory_space<hbm>>
      %dma_wait3A_36 = arith.constant 0 : i32
      %dma_wait3A_37 = arith.constant 0 : i32
      %dma_wait3A_38 = tpu.memref_slice %arg2[%dma_wait3A_36, %dma_wait3A_37] : memref<10000x128xi32, #tpu.memory_space<hbm>> -> memref<128x128xi32, #tpu.memory_space<hbm>>
      tpu.wait_dma2 semaphore(%arg13 : memref<!tpu.dma_semaphore, #tpu.memory_space<semaphore_mem>>) src(%dma_wait3A_38 : memref<128x128xi32, #tpu.memory_space<hbm>>) dst(%arg7 : memref<128x128xi32, #tpu.memory_space<vmem>>)
      %dma_wait3A_39 = arith.constant 0 : i32
      %dma_wait3A_40 = arith.constant 0 : i32
      %dma_wait3A_41 = tpu.memref_slice %arg2[%dma_wait3A_39, %dma_wait3A_40] : memref<10000x128xi32, #tpu.memory_space<hbm>> -> memref<128x128xi32, #tpu.memory_space<hbm>>
      %dma_wait3A_42 = arith.constant 0 : i32
      %dma_wait3A_43 = arith.constant 0 : i32
      %dma_wait3A_44 = tpu.memref_slice %arg2[%dma_wait3A_42, %dma_wait3A_43] : memref<10000x128xi32, #tpu.memory_space<hbm>> -> memref<128x128xi32, #tpu.memory_space<hbm>>
      tpu.wait_dma2 semaphore(%arg13 : memref<!tpu.dma_semaphore, #tpu.memory_space<semaphore_mem>>) src(%dma_wait3A_44 : memref<128x128xi32, #tpu.memory_space<hbm>>) dst(%arg8 : memref<128x128xi32, #tpu.memory_space<vmem>>)
      %add3A_45 = arith.constant 1 : i32
      %add3A_46 = arith.addi %mul3A_32, %add3A_45 : i32
      %mul3A_47 = arith.constant 128 : i32
      %mul3A_48 = arith.muli %add3A_46, %mul3A_47 : i32
      %min3A_49 = arith.constant 4872 : i32
      %min3A_50 = arith.minsi %mul3A_48, %min3A_49 : i32
      %dma_start3A_51 = tpu.memref_slice %arg5[%min3A_50] : memref<5000xi32, #tpu.memory_space<vmem>> -> memref<128xi32, #tpu.memory_space<vmem>>
      %dma_start3A_52 = arith.constant 0 : i32
      %dma_start3A_53 = arith.constant 0 : i32
      %dma_start3A_54 = tpu.memref_slice %arg2[%dma_start3A_52, %dma_start3A_53] : memref<10000x128xi32, #tpu.memory_space<hbm>> -> memref<10000x128xi32, #tpu.memory_space<hbm>>
      tpu.enqueue_indirect_dma source(%dma_start3A_54 : memref<10000x128xi32, #tpu.memory_space<hbm>>) target(%arg9 : memref<128x128xi32, #tpu.memory_space<vmem>>) offsets(%dma_start3A_51 : memref<128xi32, #tpu.memory_space<vmem>>) semaphore(%arg14 : memref<!tpu.dma_semaphore, #tpu.memory_space<semaphore_mem>>)
      %dma_start3A_55 = tpu.memref_slice %arg6[%min3A_50] : memref<5000xi32, #tpu.memory_space<vmem>> -> memref<128xi32, #tpu.memory_space<vmem>>
      %dma_start3A_56 = arith.constant 0 : i32
      %dma_start3A_57 = arith.constant 0 : i32
      %dma_start3A_58 = tpu.memref_slice %arg2[%dma_start3A_56, %dma_start3A_57] : memref<10000x128xi32, #tpu.memory_space<hbm>> -> memref<10000x128xi32, #tpu.memory_space<hbm>>
      tpu.enqueue_indirect_dma source(%dma_start3A_58 : memref<10000x128xi32, #tpu.memory_space<hbm>>) target(%arg10 : memref<128x128xi32, #tpu.memory_space<vmem>>) offsets(%dma_start3A_55 : memref<128xi32, #tpu.memory_space<vmem>>) semaphore(%arg14 : memref<!tpu.dma_semaphore, #tpu.memory_space<semaphore_mem>>)
      %mul3A_59 = arith.constant 128 : i32
      %mul3A_60 = arith.muli %mul3A_32, %mul3A_59 : i32
      %min3A_61 = arith.constant 4872 : i32
      %min3A_62 = arith.minsi %mul3A_60, %min3A_61 : i32
      %scan3A_63 = arith.constant 0 : i32
      %scan3A_64 = arith.constant 0 : i32
      %scan3A_65 = arith.constant 8 : i32
      %scan3A_66 = arith.addi %scan3A_64, %scan3A_65 : i32
      %scan3A_67 = arith.constant 1 : i32
      scf.for %scan3A_107 = %scan3A_64 to %scan3A_66 step %scan3A_67  : i32 {
        %mul3A_108 = arith.constant 16 : i32
        %mul3A_109 = arith.muli %scan3A_107, %mul3A_108 : i32
        %add3A_110 = arith.constant 0 : i32
        %add3A_111 = arith.addi %mul3A_109, %add3A_110 : i32
        %get3A = arith.index_cast %add3A_111 : i32 to index
        %get3A_112 = arith.constant 0 : index
        %get3A_113 = tpu.vector_load %arg7[%get3A, %get3A_112] {strides = array<i32>} : memref<128x128xi32, #tpu.memory_space<vmem>>, vector<16xi32>,
        %bitcast3A = vector.bitcast %get3A_113 : vector<16xi32> to vector<32xbf16>
        %get3A_114 = arith.index_cast %add3A_111 : i32 to index
        %get3A_115 = arith.constant 0 : index
        %get3A_116 = tpu.vector_load %arg8[%get3A_114, %get3A_115] {strides = array<i32>} : memref<128x128xi32, #tpu.memory_space<vmem>>, vector<16xi32>,
        %bitcast3A_117 = vector.bitcast %get3A_116 : vector<16xi32> to vector<32xbf16>
        %mul3A_118 = arith.mulf %bitcast3A, %bitcast3A_117 : vector<32xbf16>
        %get3A_119 = arith.index_cast %add3A_111 : i32 to index
        %get3A_120 = arith.constant 16 : index
        %get3A_121 = tpu.vector_load %arg7[%get3A_119, %get3A_120] {strides = array<i32>} : memref<128x128xi32, #tpu.memory_space<vmem>>, vector<16xi32>,
        %bitcast3A_122 = vector.bitcast %get3A_121 : vector<16xi32> to vector<32xbf16>
        %get3A_123 = arith.index_cast %add3A_111 : i32 to index
        %get3A_124 = arith.constant 16 : index
        %get3A_125 = tpu.vector_load %arg8[%get3A_123, %get3A_124] {strides = array<i32>} : memref<128x128xi32, #tpu.memory_space<vmem>>, vector<16xi32>,
        %bitcast3A_126 = vector.bitcast %get3A_125 : vector<16xi32> to vector<32xbf16>
        %mul3A_127 = arith.mulf %bitcast3A_122, %bitcast3A_126 : vector<32xbf16>
        %add3A_128 = arith.addf %mul3A_118, %mul3A_127 : vector<32xbf16>
        %get3A_129 = arith.index_cast %add3A_111 : i32 to index
        %get3A_130 = arith.constant 32 : index
        %get3A_131 = tpu.vector_load %arg7[%get3A_129, %get3A_130] {strides = array<i32>} : memref<128x128xi32, #tpu.memory_space<vmem>>, vector<16xi32>,
        %bitcast3A_132 = vector.bitcast %get3A_131 : vector<16xi32> to vector<32xbf16>
        %get3A_133 = arith.index_cast %add3A_111 : i32 to index
        %get3A_134 = arith.constant 32 : index
        %get3A_135 = tpu.vector_load %arg8[%get3A_133, %get3A_134] {strides = array<i32>} : memref<128x128xi32, #tpu.memory_space<vmem>>, vector<16xi32>,
        %bitcast3A_136 = vector.bitcast %get3A_135 : vector<16xi32> to vector<32xbf16>
        %mul3A_137 = arith.mulf %bitcast3A_132, %bitcast3A_136 : vector<32xbf16>
        %add3A_138 = arith.addf %add3A_128, %mul3A_137 : vector<32xbf16>
        %get3A_139 = arith.index_cast %add3A_111 : i32 to index
        %get3A_140 = arith.constant 48 : index
        %get3A_141 = tpu.vector_load %arg7[%get3A_139, %get3A_140] {strides = array<i32>} : memref<128x128xi32, #tpu.memory_space<vmem>>, vector<16xi32>,
        %bitcast3A_142 = vector.bitcast %get3A_141 : vector<16xi32> to vector<32xbf16>
        %get3A_143 = arith.index_cast %add3A_111 : i32 to index
        %get3A_144 = arith.constant 48 : index
        %get3A_145 = tpu.vector_load %arg8[%get3A_143, %get3A_144] {strides = array<i32>} : memref<128x128xi32, #tpu.memory_space<vmem>>, vector<16xi32>,
        %bitcast3A_146 = vector.bitcast %get3A_145 : vector<16xi32> to vector<32xbf16>
        %mul3A_147 = arith.mulf %bitcast3A_142, %bitcast3A_146 : vector<32xbf16>
        %add3A_148 = arith.addf %add3A_138, %mul3A_147 : vector<32xbf16>
        %get3A_149 = arith.index_cast %add3A_111 : i32 to index
        %get3A_150 = arith.constant 64 : index
        %get3A_151 = tpu.vector_load %arg7[%get3A_149, %get3A_150] {strides = array<i32>} : memref<128x128xi32, #tpu.memory_space<vmem>>, vector<16xi32>,
        %bitcast3A_152 = vector.bitcast %get3A_151 : vector<16xi32> to vector<32xbf16>
        %get3A_153 = arith.index_cast %add3A_111 : i32 to index
        %get3A_154 = arith.constant 64 : index
        %get3A_155 = tpu.vector_load %arg8[%get3A_153, %get3A_154] {strides = array<i32>} : memref<128x128xi32, #tpu.memory_space<vmem>>, vector<16xi32>,
        %bitcast3A_156 = vector.bitcast %get3A_155 : vector<16xi32> to vector<32xbf16>
        %mul3A_157 = arith.mulf %bitcast3A_152, %bitcast3A_156 : vector<32xbf16>
        %add3A_158 = arith.addf %add3A_148, %mul3A_157 : vector<32xbf16>
        %get3A_159 = arith.index_cast %add3A_111 : i32 to index
        %get3A_160 = arith.constant 80 : index
        %get3A_161 = tpu.vector_load %arg7[%get3A_159, %get3A_160] {strides = array<i32>} : memref<128x128xi32, #tpu.memory_space<vmem>>, vector<16xi32>,
        %bitcast3A_162 = vector.bitcast %get3A_161 : vector<16xi32> to vector<32xbf16>
        %get3A_163 = arith.index_cast %add3A_111 : i32 to index
        %get3A_164 = arith.constant 80 : index
        %get3A_165 = tpu.vector_load %arg8[%get3A_163, %get3A_164] {strides = array<i32>} : memref<128x128xi32, #tpu.memory_space<vmem>>, vector<16xi32>,
        %bitcast3A_166 = vector.bitcast %get3A_165 : vector<16xi32> to vector<32xbf16>
        %mul3A_167 = arith.mulf %bitcast3A_162, %bitcast3A_166 : vector<32xbf16>
        %add3A_168 = arith.addf %add3A_158, %mul3A_167 : vector<32xbf16>
        %get3A_169 = arith.index_cast %add3A_111 : i32 to index
        %get3A_170 = arith.constant 96 : index
        %get3A_171 = tpu.vector_load %arg7[%get3A_169, %get3A_170] {strides = array<i32>} : memref<128x128xi32, #tpu.memory_space<vmem>>, vector<16xi32>,
        %bitcast3A_172 = vector.bitcast %get3A_171 : vector<16xi32> to vector<32xbf16>
        %get3A_173 = arith.index_cast %add3A_111 : i32 to index
        %get3A_174 = arith.constant 96 : index
        %get3A_175 = tpu.vector_load %arg8[%get3A_173, %get3A_174] {strides = array<i32>} : memref<128x128xi32, #tpu.memory_space<vmem>>, vector<16xi32>,
        %bitcast3A_176 = vector.bitcast %get3A_175 : vector<16xi32> to vector<32xbf16>
        %mul3A_177 = arith.mulf %bitcast3A_172, %bitcast3A_176 : vector<32xbf16>
        %add3A_178 = arith.addf %add3A_168, %mul3A_177 : vector<32xbf16>
        %get3A_179 = arith.index_cast %add3A_111 : i32 to index
        %get3A_180 = arith.constant 112 : index
        %get3A_181 = tpu.vector_load %arg7[%get3A_179, %get3A_180] {strides = array<i32>} : memref<128x128xi32, #tpu.memory_space<vmem>>, vector<16xi32>,
        %bitcast3A_182 = vector.bitcast %get3A_181 : vector<16xi32> to vector<32xbf16>
        %get3A_183 = arith.index_cast %add3A_111 : i32 to index
        %get3A_184 = arith.constant 112 : index
        %get3A_185 = tpu.vector_load %arg8[%get3A_183, %get3A_184] {strides = array<i32>} : memref<128x128xi32, #tpu.memory_space<vmem>>, vector<16xi32>,
        %bitcast3A_186 = vector.bitcast %get3A_185 : vector<16xi32> to vector<32xbf16>
        %mul3A_187 = arith.mulf %bitcast3A_182, %bitcast3A_186 : vector<32xbf16>
        %add3A_188 = arith.addf %add3A_178, %mul3A_187 : vector<32xbf16>
        %unpack3A = tpu.unpack_subelements %add3A_188, 0 {pack_format = #tpu.pack_format<interleaved>} : vector<32xbf16> -> vector<16xf32>
        %unpack3A_189 = tpu.unpack_subelements %add3A_188, 1 {pack_format = #tpu.pack_format<interleaved>} : vector<32xbf16> -> vector<16xf32>
        %add3A_190 = arith.addf %unpack3A, %unpack3A_189 : vector<16xf32>
        %swap3A = arith.constant 0 : index
        %swap3A_191 = tpu.vector_load %arg12[%swap3A] {strides = array<i32>} : memref<256xf32, #tpu.memory_space<vmem>>, vector<16xf32>,
        tpu.vector_store %arg12[%swap3A], %add3A_190 {strides = array<i32>} : memref<256xf32, #tpu.memory_space<vmem>>, vector<16xf32>,
        %mul3A_192 = arith.constant 16 : i32
        %mul3A_193 = arith.muli %scan3A_107, %mul3A_192 : i32
        %add3A_194 = arith.constant 1 : i32
        %add3A_195 = arith.addi %mul3A_193, %add3A_194 : i32
        %get3A_196 = arith.index_cast %add3A_195 : i32 to index
        %get3A_197 = arith.constant 0 : index
        %get3A_198 = tpu.vector_load %arg7[%get3A_196, %get3A_197] {strides = array<i32>} : memref<128x128xi32, #tpu.memory_space<vmem>>, vector<16xi32>,
        %bitcast3A_199 = vector.bitcast %get3A_198 : vector<16xi32> to vector<32xbf16>
        %get3A_200 = arith.index_cast %add3A_195 : i32 to index
        %get3A_201 = arith.constant 0 : index
        %get3A_202 = tpu.vector_load %arg8[%get3A_200, %get3A_201] {strides = array<i32>} : memref<128x128xi32, #tpu.memory_space<vmem>>, vector<16xi32>,
        %bitcast3A_203 = vector.bitcast %get3A_202 : vector<16xi32> to vector<32xbf16>
        %mul3A_204 = arith.mulf %bitcast3A_199, %bitcast3A_203 : vector<32xbf16>
        %get3A_205 = arith.index_cast %add3A_195 : i32 to index
        %get3A_206 = arith.constant 16 : index
        %get3A_207 = tpu.vector_load %arg7[%get3A_205, %get3A_206] {strides = array<i32>} : memref<128x128xi32, #tpu.memory_space<vmem>>, vector<16xi32>,
        %bitcast3A_208 = vector.bitcast %get3A_207 : vector<16xi32> to vector<32xbf16>
        %get3A_209 = arith.index_cast %add3A_195 : i32 to index
        %get3A_210 = arith.constant 16 : index
        %get3A_211 = tpu.vector_load %arg8[%get3A_209, %get3A_210] {strides = array<i32>} : memref<128x128xi32, #tpu.memory_space<vmem>>, vector<16xi32>,
        %bitcast3A_212 = vector.bitcast %get3A_211 : vector<16xi32> to vector<32xbf16>
        %mul3A_213 = arith.mulf %bitcast3A_208, %bitcast3A_212 : vector<32xbf16>
        %add3A_214 = arith.addf %mul3A_204, %mul3A_213 : vector<32xbf16>
        %get3A_215 = arith.index_cast %add3A_195 : i32 to index
        %get3A_216 = arith.constant 32 : index
        %get3A_217 = tpu.vector_load %arg7[%get3A_215, %get3A_216] {strides = array<i32>} : memref<128x128xi32, #tpu.memory_space<vmem>>, vector<16xi32>,
        %bitcast3A_218 = vector.bitcast %get3A_217 : vector<16xi32> to vector<32xbf16>
        %get3A_219 = arith.index_cast %add3A_195 : i32 to index
        %get3A_220 = arith.constant 32 : index
        %get3A_221 = tpu.vector_load %arg8[%get3A_219, %get3A_220] {strides = array<i32>} : memref<128x128xi32, #tpu.memory_space<vmem>>, vector<16xi32>,
        %bitcast3A_222 = vector.bitcast %get3A_221 : vector<16xi32> to vector<32xbf16>
        %mul3A_223 = arith.mulf %bitcast3A_218, %bitcast3A_222 : vector<32xbf16>
        %add3A_224 = arith.addf %add3A_214, %mul3A_223 : vector<32xbf16>
        %get3A_225 = arith.index_cast %add3A_195 : i32 to index
        %get3A_226 = arith.constant 48 : index
        %get3A_227 = tpu.vector_load %arg7[%get3A_225, %get3A_226] {strides = array<i32>} : memref<128x128xi32, #tpu.memory_space<vmem>>, vector<16xi32>,
        %bitcast3A_228 = vector.bitcast %get3A_227 : vector<16xi32> to vector<32xbf16>
        %get3A_229 = arith.index_cast %add3A_195 : i32 to index
        %get3A_230 = arith.constant 48 : index
        %get3A_231 = tpu.vector_load %arg8[%get3A_229, %get3A_230] {strides = array<i32>} : memref<128x128xi32, #tpu.memory_space<vmem>>, vector<16xi32>,
        %bitcast3A_232 = vector.bitcast %get3A_231 : vector<16xi32> to vector<32xbf16>
        %mul3A_233 = arith.mulf %bitcast3A_228, %bitcast3A_232 : vector<32xbf16>
        %add3A_234 = arith.addf %add3A_224, %mul3A_233 : vector<32xbf16>
        %get3A_235 = arith.index_cast %add3A_195 : i32 to index
        %get3A_236 = arith.constant 64 : index
        %get3A_237 = tpu.vector_load %arg7[%get3A_235, %get3A_236] {strides = array<i32>} : memref<128x128xi32, #tpu.memory_space<vmem>>, vector<16xi32>,
        %bitcast3A_238 = vector.bitcast %get3A_237 : vector<16xi32> to vector<32xbf16>
        %get3A_239 = arith.index_cast %add3A_195 : i32 to index
        %get3A_240 = arith.constant 64 : index
        %get3A_241 = tpu.vector_load %arg8[%get3A_239, %get3A_240] {strides = array<i32>} : memref<128x128xi32, #tpu.memory_space<vmem>>, vector<16xi32>,
        %bitcast3A_242 = vector.bitcast %get3A_241 : vector<16xi32> to vector<32xbf16>
        %mul3A_243 = arith.mulf %bitcast3A_238, %bitcast3A_242 : vector<32xbf16>
        %add3A_244 = arith.addf %add3A_234, %mul3A_243 : vector<32xbf16>
        %get3A_245 = arith.index_cast %add3A_195 : i32 to index
        %get3A_246 = arith.constant 80 : index
        %get3A_247 = tpu.vector_load %arg7[%get3A_245, %get3A_246] {strides = array<i32>} : memref<128x128xi32, #tpu.memory_space<vmem>>, vector<16xi32>,
        %bitcast3A_248 = vector.bitcast %get3A_247 : vector<16xi32> to vector<32xbf16>
        %get3A_249 = arith.index_cast %add3A_195 : i32 to index
        %get3A_250 = arith.constant 80 : index
        %get3A_251 = tpu.vector_load %arg8[%get3A_249, %get3A_250] {strides = array<i32>} : memref<128x128xi32, #tpu.memory_space<vmem>>, vector<16xi32>,
        %bitcast3A_252 = vector.bitcast %get3A_251 : vector<16xi32> to vector<32xbf16>
        %mul3A_253 = arith.mulf %bitcast3A_248, %bitcast3A_252 : vector<32xbf16>
        %add3A_254 = arith.addf %add3A_244, %mul3A_253 : vector<32xbf16>
        %get3A_255 = arith.index_cast %add3A_195 : i32 to index
        %get3A_256 = arith.constant 96 : index
        %get3A_257 = tpu.vector_load %arg7[%get3A_255, %get3A_256] {strides = array<i32>} : memref<128x128xi32, #tpu.memory_space<vmem>>, vector<16xi32>,
        %bitcast3A_258 = vector.bitcast %get3A_257 : vector<16xi32> to vector<32xbf16>
        %get3A_259 = arith.index_cast %add3A_195 : i32 to index
        %get3A_260 = arith.constant 96 : index
        %get3A_261 = tpu.vector_load %arg8[%get3A_259, %get3A_260] {strides = array<i32>} : memref<128x128xi32, #tpu.memory_space<vmem>>, vector<16xi32>,
        %bitcast3A_262 = vector.bitcast %get3A_261 : vector<16xi32> to vector<32xbf16>
        %mul3A_263 = arith.mulf %bitcast3A_258, %bitcast3A_262 : vector<32xbf16>
        %add3A_264 = arith.addf %add3A_254, %mul3A_263 : vector<32xbf16>
        %get3A_265 = arith.index_cast %add3A_195 : i32 to index
        %get3A_266 = arith.constant 112 : index
        %get3A_267 = tpu.vector_load %arg7[%get3A_265, %get3A_266] {strides = array<i32>} : memref<128x128xi32, #tpu.memory_space<vmem>>, vector<16xi32>,
        %bitcast3A_268 = vector.bitcast %get3A_267 : vector<16xi32> to vector<32xbf16>
        %get3A_269 = arith.index_cast %add3A_195 : i32 to index
        %get3A_270 = arith.constant 112 : index
        %get3A_271 = tpu.vector_load %arg8[%get3A_269, %get3A_270] {strides = array<i32>} : memref<128x128xi32, #tpu.memory_space<vmem>>, vector<16xi32>,
        %bitcast3A_272 = vector.bitcast %get3A_271 : vector<16xi32> to vector<32xbf16>
        %mul3A_273 = arith.mulf %bitcast3A_268, %bitcast3A_272 : vector<32xbf16>
        %add3A_274 = arith.addf %add3A_264, %mul3A_273 : vector<32xbf16>
        %unpack3A_275 = tpu.unpack_subelements %add3A_274, 0 {pack_format = #tpu.pack_format<interleaved>} : vector<32xbf16> -> vector<16xf32>
        %unpack3A_276 = tpu.unpack_subelements %add3A_274, 1 {pack_format = #tpu.pack_format<interleaved>} : vector<32xbf16> -> vector<16xf32>
        %add3A_277 = arith.addf %unpack3A_275, %unpack3A_276 : vector<16xf32>
        %swap3A_278 = arith.constant 16 : index
        %swap3A_279 = tpu.vector_load %arg12[%swap3A_278] {strides = array<i32>} : memref<256xf32, #tpu.memory_space<vmem>>, vector<16xf32>,
        tpu.vector_store %arg12[%swap3A_278], %add3A_277 {strides = array<i32>} : memref<256xf32, #tpu.memory_space<vmem>>, vector<16xf32>,
        %mul3A_280 = arith.constant 16 : i32
        %mul3A_281 = arith.muli %scan3A_107, %mul3A_280 : i32
        %add3A_282 = arith.constant 2 : i32
        %add3A_283 = arith.addi %mul3A_281, %add3A_282 : i32
        %get3A_284 = arith.index_cast %add3A_283 : i32 to index
        %get3A_285 = arith.constant 0 : index
        %get3A_286 = tpu.vector_load %arg7[%get3A_284, %get3A_285] {strides = array<i32>} : memref<128x128xi32, #tpu.memory_space<vmem>>, vector<16xi32>,
        %bitcast3A_287 = vector.bitcast %get3A_286 : vector<16xi32> to vector<32xbf16>
        %get3A_288 = arith.index_cast %add3A_283 : i32 to index
        %get3A_289 = arith.constant 0 : index
        %get3A_290 = tpu.vector_load %arg8[%get3A_288, %get3A_289] {strides = array<i32>} : memref<128x128xi32, #tpu.memory_space<vmem>>, vector<16xi32>,
        %bitcast3A_291 = vector.bitcast %get3A_290 : vector<16xi32> to vector<32xbf16>
        %mul3A_292 = arith.mulf %bitcast3A_287, %bitcast3A_291 : vector<32xbf16>
        %get3A_293 = arith.index_cast %add3A_283 : i32 to index
        %get3A_294 = arith.constant 16 : index
        %get3A_295 = tpu.vector_load %arg7[%get3A_293, %get3A_294] {strides = array<i32>} : memref<128x128xi32, #tpu.memory_space<vmem>>, vector<16xi32>,
        %bitcast3A_296 = vector.bitcast %get3A_295 : vector<16xi32> to vector<32xbf16>
        %get3A_297 = arith.index_cast %add3A_283 : i32 to index
        %get3A_298 = arith.constant 16 : index
        %get3A_299 = tpu.vector_load %arg8[%get3A_297, %get3A_298] {strides = array<i32>} : memref<128x128xi32, #tpu.memory_space<vmem>>, vector<16xi32>,
        %bitcast3A_300 = vector.bitcast %get3A_299 : vector<16xi32> to vector<32xbf16>
        %mul3A_301 = arith.mulf %bitcast3A_296, %bitcast3A_300 : vector<32xbf16>
        %add3A_302 = arith.addf %mul3A_292, %mul3A_301 : vector<32xbf16>
        %get3A_303 = arith.index_cast %add3A_283 : i32 to index
        %get3A_304 = arith.constant 32 : index
        %get3A_305 = tpu.vector_load %arg7[%get3A_303, %get3A_304] {strides = array<i32>} : memref<128x128xi32, #tpu.memory_space<vmem>>, vector<16xi32>,
        %bitcast3A_306 = vector.bitcast %get3A_305 : vector<16xi32> to vector<32xbf16>
        %get3A_307 = arith.index_cast %add3A_283 : i32 to index
        %get3A_308 = arith.constant 32 : index
        %get3A_309 = tpu.vector_load %arg8[%get3A_307, %get3A_308] {strides = array<i32>} : memref<128x128xi32, #tpu.memory_space<vmem>>, vector<16xi32>,
        %bitcast3A_310 = vector.bitcast %get3A_309 : vector<16xi32> to vector<32xbf16>
        %mul3A_311 = arith.mulf %bitcast3A_306, %bitcast3A_310 : vector<32xbf16>
        %add3A_312 = arith.addf %add3A_302, %mul3A_311 : vector<32xbf16>
        %get3A_313 = arith.index_cast %add3A_283 : i32 to index
        %get3A_314 = arith.constant 48 : index
        %get3A_315 = tpu.vector_load %arg7[%get3A_313, %get3A_314] {strides = array<i32>} : memref<128x128xi32, #tpu.memory_space<vmem>>, vector<16xi32>,
        %bitcast3A_316 = vector.bitcast %get3A_315 : vector<16xi32> to vector<32xbf16>
        %get3A_317 = arith.index_cast %add3A_283 : i32 to index
        %get3A_318 = arith.constant 48 : index
        %get3A_319 = tpu.vector_load %arg8[%get3A_317, %get3A_318] {strides = array<i32>} : memref<128x128xi32, #tpu.memory_space<vmem>>, vector<16xi32>,
        %bitcast3A_320 = vector.bitcast %get3A_319 : vector<16xi32> to vector<32xbf16>
        %mul3A_321 = arith.mulf %bitcast3A_316, %bitcast3A_320 : vector<32xbf16>
        %add3A_322 = arith.addf %add3A_312, %mul3A_321 : vector<32xbf16>
        %get3A_323 = arith.index_cast %add3A_283 : i32 to index
        %get3A_324 = arith.constant 64 : index
        %get3A_325 = tpu.vector_load %arg7[%get3A_323, %get3A_324] {strides = array<i32>} : memref<128x128xi32, #tpu.memory_space<vmem>>, vector<16xi32>,
        %bitcast3A_326 = vector.bitcast %get3A_325 : vector<16xi32> to vector<32xbf16>
        %get3A_327 = arith.index_cast %add3A_283 : i32 to index
        %get3A_328 = arith.constant 64 : index
        %get3A_329 = tpu.vector_load %arg8[%get3A_327, %get3A_328] {strides = array<i32>} : memref<128x128xi32, #tpu.memory_space<vmem>>, vector<16xi32>,
        %bitcast3A_330 = vector.bitcast %get3A_329 : vector<16xi32> to vector<32xbf16>
        %mul3A_331 = arith.mulf %bitcast3A_326, %bitcast3A_330 : vector<32xbf16>
        %add3A_332 = arith.addf %add3A_322, %mul3A_331 : vector<32xbf16>
        %get3A_333 = arith.index_cast %add3A_283 : i32 to index
        %get3A_334 = arith.constant 80 : index
        %get3A_335 = tpu.vector_load %arg7[%get3A_333, %get3A_334] {strides = array<i32>} : memref<128x128xi32, #tpu.memory_space<vmem>>, vector<16xi32>,
        %bitcast3A_336 = vector.bitcast %get3A_335 : vector<16xi32> to vector<32xbf16>
        %get3A_337 = arith.index_cast %add3A_283 : i32 to index
        %get3A_338 = arith.constant 80 : index
        %get3A_339 = tpu.vector_load %arg8[%get3A_337, %get3A_338] {strides = array<i32>} : memref<128x128xi32, #tpu.memory_space<vmem>>, vector<16xi32>,
        %bitcast3A_340 = vector.bitcast %get3A_339 : vector<16xi32> to vector<32xbf16>
        %mul3A_341 = arith.mulf %bitcast3A_336, %bitcast3A_340 : vector<32xbf16>
        %add3A_342 = arith.addf %add3A_332, %mul3A_341 : vector<32xbf16>
        %get3A_343 = arith.index_cast %add3A_283 : i32 to index
        %get3A_344 = arith.constant 96 : index
        %get3A_345 = tpu.vector_load %arg7[%get3A_343, %get3A_344] {strides = array<i32>} : memref<128x128xi32, #tpu.memory_space<vmem>>, vector<16xi32>,
        %bitcast3A_346 = vector.bitcast %get3A_345 : vector<16xi32> to vector<32xbf16>
        %get3A_347 = arith.index_cast %add3A_283 : i32 to index
        %get3A_348 = arith.constant 96 : index
        %get3A_349 = tpu.vector_load %arg8[%get3A_347, %get3A_348] {strides = array<i32>} : memref<128x128xi32, #tpu.memory_space<vmem>>, vector<16xi32>,
        %bitcast3A_350 = vector.bitcast %get3A_349 : vector<16xi32> to vector<32xbf16>
        %mul3A_351 = arith.mulf %bitcast3A_346, %bitcast3A_350 : vector<32xbf16>
        %add3A_352 = arith.addf %add3A_342, %mul3A_351 : vector<32xbf16>
        %get3A_353 = arith.index_cast %add3A_283 : i32 to index
        %get3A_354 = arith.constant 112 : index
        %get3A_355 = tpu.vector_load %arg7[%get3A_353, %get3A_354] {strides = array<i32>} : memref<128x128xi32, #tpu.memory_space<vmem>>, vector<16xi32>,
        %bitcast3A_356 = vector.bitcast %get3A_355 : vector<16xi32> to vector<32xbf16>
        %get3A_357 = arith.index_cast %add3A_283 : i32 to index
        %get3A_358 = arith.constant 112 : index
        %get3A_359 = tpu.vector_load %arg8[%get3A_357, %get3A_358] {strides = array<i32>} : memref<128x128xi32, #tpu.memory_space<vmem>>, vector<16xi32>,
        %bitcast3A_360 = vector.bitcast %get3A_359 : vector<16xi32> to vector<32xbf16>
        %mul3A_361 = arith.mulf %bitcast3A_356, %bitcast3A_360 : vector<32xbf16>
        %add3A_362 = arith.addf %add3A_352, %mul3A_361 : vector<32xbf16>
        %unpack3A_363 = tpu.unpack_subelements %add3A_362, 0 {pack_format = #tpu.pack_format<interleaved>} : vector<32xbf16> -> vector<16xf32>
        %unpack3A_364 = tpu.unpack_subelements %add3A_362, 1 {pack_format = #tpu.pack_format<interleaved>} : vector<32xbf16> -> vector<16xf32>
        %add3A_365 = arith.addf %unpack3A_363, %unpack3A_364 : vector<16xf32>
        %swap3A_366 = arith.constant 32 : index
        %swap3A_367 = tpu.vector_load %arg12[%swap3A_366] {strides = array<i32>} : memref<256xf32, #tpu.memory_space<vmem>>, vector<16xf32>,
        tpu.vector_store %arg12[%swap3A_366], %add3A_365 {strides = array<i32>} : memref<256xf32, #tpu.memory_space<vmem>>, vector<16xf32>,
        %mul3A_368 = arith.constant 16 : i32
        %mul3A_369 = arith.muli %scan3A_107, %mul3A_368 : i32
        %add3A_370 = arith.constant 3 : i32
        %add3A_371 = arith.addi %mul3A_369, %add3A_370 : i32
        %get3A_372 = arith.index_cast %add3A_371 : i32 to index
        %get3A_373 = arith.constant 0 : index
        %get3A_374 = tpu.vector_load %arg7[%get3A_372, %get3A_373] {strides = array<i32>} : memref<128x128xi32, #tpu.memory_space<vmem>>, vector<16xi32>,
        %bitcast3A_375 = vector.bitcast %get3A_374 : vector<16xi32> to vector<32xbf16>
        %get3A_376 = arith.index_cast %add3A_371 : i32 to index
        %get3A_377 = arith.constant 0 : index
        %get3A_378 = tpu.vector_load %arg8[%get3A_376, %get3A_377] {strides = array<i32>} : memref<128x128xi32, #tpu.memory_space<vmem>>, vector<16xi32>,
        %bitcast3A_379 = vector.bitcast %get3A_378 : vector<16xi32> to vector<32xbf16>
        %mul3A_380 = arith.mulf %bitcast3A_375, %bitcast3A_379 : vector<32xbf16>
        %get3A_381 = arith.index_cast %add3A_371 : i32 to index
        %get3A_382 = arith.constant 16 : index
        %get3A_383 = tpu.vector_load %arg7[%get3A_381, %get3A_382] {strides = array<i32>} : memref<128x128xi32, #tpu.memory_space<vmem>>, vector<16xi32>,
        %bitcast3A_384 = vector.bitcast %get3A_383 : vector<16xi32> to vector<32xbf16>
        %get3A_385 = arith.index_cast %add3A_371 : i32 to index
        %get3A_386 = arith.constant 16 : index
        %get3A_387 = tpu.vector_load %arg8[%get3A_385, %get3A_386] {strides = array<i32>} : memref<128x128xi32, #tpu.memory_space<vmem>>, vector<16xi32>,
        %bitcast3A_388 = vector.bitcast %get3A_387 : vector<16xi32> to vector<32xbf16>
        %mul3A_389 = arith.mulf %bitcast3A_384, %bitcast3A_388 : vector<32xbf16>
        %add3A_390 = arith.addf %mul3A_380, %mul3A_389 : vector<32xbf16>
        %get3A_391 = arith.index_cast %add3A_371 : i32 to index
        %get3A_392 = arith.constant 32 : index
        %get3A_393 = tpu.vector_load %arg7[%get3A_391, %get3A_392] {strides = array<i32>} : memref<128x128xi32, #tpu.memory_space<vmem>>, vector<16xi32>,
        %bitcast3A_394 = vector.bitcast %get3A_393 : vector<16xi32> to vector<32xbf16>
        %get3A_395 = arith.index_cast %add3A_371 : i32 to index
        %get3A_396 = arith.constant 32 : index
        %get3A_397 = tpu.vector_load %arg8[%get3A_395, %get3A_396] {strides = array<i32>} : memref<128x128xi32, #tpu.memory_space<vmem>>, vector<16xi32>,
        %bitcast3A_398 = vector.bitcast %get3A_397 : vector<16xi32> to vector<32xbf16>
        %mul3A_399 = arith.mulf %bitcast3A_394, %bitcast3A_398 : vector<32xbf16>
        %add3A_400 = arith.addf %add3A_390, %mul3A_399 : vector<32xbf16>
        %get3A_401 = arith.index_cast %add3A_371 : i32 to index
        %get3A_402 = arith.constant 48 : index
        %get3A_403 = tpu.vector_load %arg7[%get3A_401, %get3A_402] {strides = array<i32>} : memref<128x128xi32, #tpu.memory_space<vmem>>, vector<16xi32>,
        %bitcast3A_404 = vector.bitcast %get3A_403 : vector<16xi32> to vector<32xbf16>
        %get3A_405 = arith.index_cast %add3A_371 : i32 to index
        %get3A_406 = arith.constant 48 : index
        %get3A_407 = tpu.vector_load %arg8[%get3A_405, %get3A_406] {strides = array<i32>} : memref<128x128xi32, #tpu.memory_space<vmem>>, vector<16xi32>,
        %bitcast3A_408 = vector.bitcast %get3A_407 : vector<16xi32> to vector<32xbf16>
        %mul3A_409 = arith.mulf %bitcast3A_404, %bitcast3A_408 : vector<32xbf16>
        %add3A_410 = arith.addf %add3A_400, %mul3A_409 : vector<32xbf16>
        %get3A_411 = arith.index_cast %add3A_371 : i32 to index
        %get3A_412 = arith.constant 64 : index
        %get3A_413 = tpu.vector_load %arg7[%get3A_411, %get3A_412] {strides = array<i32>} : memref<128x128xi32, #tpu.memory_space<vmem>>, vector<16xi32>,
        %bitcast3A_414 = vector.bitcast %get3A_413 : vector<16xi32> to vector<32xbf16>
        %get3A_415 = arith.index_cast %add3A_371 : i32 to index
        %get3A_416 = arith.constant 64 : index
        %get3A_417 = tpu.vector_load %arg8[%get3A_415, %get3A_416] {strides = array<i32>} : memref<128x128xi32, #tpu.memory_space<vmem>>, vector<16xi32>,
        %bitcast3A_418 = vector.bitcast %get3A_417 : vector<16xi32> to vector<32xbf16>
        %mul3A_419 = arith.mulf %bitcast3A_414, %bitcast3A_418 : vector<32xbf16>
        %add3A_420 = arith.addf %add3A_410, %mul3A_419 : vector<32xbf16>
        %get3A_421 = arith.index_cast %add3A_371 : i32 to index
        %get3A_422 = arith.constant 80 : index
        %get3A_423 = tpu.vector_load %arg7[%get3A_421, %get3A_422] {strides = array<i32>} : memref<128x128xi32, #tpu.memory_space<vmem>>, vector<16xi32>,
        %bitcast3A_424 = vector.bitcast %get3A_423 : vector<16xi32> to vector<32xbf16>
        %get3A_425 = arith.index_cast %add3A_371 : i32 to index
        %get3A_426 = arith.constant 80 : index
        %get3A_427 = tpu.vector_load %arg8[%get3A_425, %get3A_426] {strides = array<i32>} : memref<128x128xi32, #tpu.memory_space<vmem>>, vector<16xi32>,
        %bitcast3A_428 = vector.bitcast %get3A_427 : vector<16xi32> to vector<32xbf16>
        %mul3A_429 = arith.mulf %bitcast3A_424, %bitcast3A_428 : vector<32xbf16>
        %add3A_430 = arith.addf %add3A_420, %mul3A_429 : vector<32xbf16>
        %get3A_431 = arith.index_cast %add3A_371 : i32 to index
        %get3A_432 = arith.constant 96 : index
        %get3A_433 = tpu.vector_load %arg7[%get3A_431, %get3A_432] {strides = array<i32>} : memref<128x128xi32, #tpu.memory_space<vmem>>, vector<16xi32>,
        %bitcast3A_434 = vector.bitcast %get3A_433 : vector<16xi32> to vector<32xbf16>
        %get3A_435 = arith.index_cast %add3A_371 : i32 to index
        %get3A_436 = arith.constant 96 : index
        %get3A_437 = tpu.vector_load %arg8[%get3A_435, %get3A_436] {strides = array<i32>} : memref<128x128xi32, #tpu.memory_space<vmem>>, vector<16xi32>,
        %bitcast3A_438 = vector.bitcast %get3A_437 : vector<16xi32> to vector<32xbf16>
        %mul3A_439 = arith.mulf %bitcast3A_434, %bitcast3A_438 : vector<32xbf16>
        %add3A_440 = arith.addf %add3A_430, %mul3A_439 : vector<32xbf16>
        %get3A_441 = arith.index_cast %add3A_371 : i32 to index
        %get3A_442 = arith.constant 112 : index
        %get3A_443 = tpu.vector_load %arg7[%get3A_441, %get3A_442] {strides = array<i32>} : memref<128x128xi32, #tpu.memory_space<vmem>>, vector<16xi32>,
        %bitcast3A_444 = vector.bitcast %get3A_443 : vector<16xi32> to vector<32xbf16>
        %get3A_445 = arith.index_cast %add3A_371 : i32 to index
        %get3A_446 = arith.constant 112 : index
        %get3A_447 = tpu.vector_load %arg8[%get3A_445, %get3A_446] {strides = array<i32>} : memref<128x128xi32, #tpu.memory_space<vmem>>, vector<16xi32>,
        %bitcast3A_448 = vector.bitcast %get3A_447 : vector<16xi32> to vector<32xbf16>
        %mul3A_449 = arith.mulf %bitcast3A_444, %bitcast3A_448 : vector<32xbf16>
        %add3A_450 = arith.addf %add3A_440, %mul3A_449 : vector<32xbf16>
        %unpack3A_451 = tpu.unpack_subelements %add3A_450, 0 {pack_format = #tpu.pack_format<interleaved>} : vector<32xbf16> -> vector<16xf32>
        %unpack3A_452 = tpu.unpack_subelements %add3A_450, 1 {pack_format = #tpu.pack_format<interleaved>} : vector<32xbf16> -> vector<16xf32>
        %add3A_453 = arith.addf %unpack3A_451, %unpack3A_452 : vector<16xf32>
        %swap3A_454 = arith.constant 48 : index
        %swap3A_455 = tpu.vector_load %arg12[%swap3A_454] {strides = array<i32>} : memref<256xf32, #tpu.memory_space<vmem>>, vector<16xf32>,
        tpu.vector_store %arg12[%swap3A_454], %add3A_453 {strides = array<i32>} : memref<256xf32, #tpu.memory_space<vmem>>, vector<16xf32>,
        %mul3A_456 = arith.constant 16 : i32
        %mul3A_457 = arith.muli %scan3A_107, %mul3A_456 : i32
        %add3A_458 = arith.constant 4 : i32
        %add3A_459 = arith.addi %mul3A_457, %add3A_458 : i32
        %get3A_460 = arith.index_cast %add3A_459 : i32 to index
        %get3A_461 = arith.constant 0 : index
        %get3A_462 = tpu.vector_load %arg7[%get3A_460, %get3A_461] {strides = array<i32>} : memref<128x128xi32, #tpu.memory_space<vmem>>, vector<16xi32>,
        %bitcast3A_463 = vector.bitcast %get3A_462 : vector<16xi32> to vector<32xbf16>
        %get3A_464 = arith.index_cast %add3A_459 : i32 to index
        %get3A_465 = arith.constant 0 : index
        %get3A_466 = tpu.vector_load %arg8[%get3A_464, %get3A_465] {strides = array<i32>} : memref<128x128xi32, #tpu.memory_space<vmem>>, vector<16xi32>,
        %bitcast3A_467 = vector.bitcast %get3A_466 : vector<16xi32> to vector<32xbf16>
        %mul3A_468 = arith.mulf %bitcast3A_463, %bitcast3A_467 : vector<32xbf16>
        %get3A_469 = arith.index_cast %add3A_459 : i32 to index
        %get3A_470 = arith.constant 16 : index
        %get3A_471 = tpu.vector_load %arg7[%get3A_469, %get3A_470] {strides = array<i32>} : memref<128x128xi32, #tpu.memory_space<vmem>>, vector<16xi32>,
        %bitcast3A_472 = vector.bitcast %get3A_471 : vector<16xi32> to vector<32xbf16>
        %get3A_473 = arith.index_cast %add3A_459 : i32 to index
        %get3A_474 = arith.constant 16 : index
        %get3A_475 = tpu.vector_load %arg8[%get3A_473, %get3A_474] {strides = array<i32>} : memref<128x128xi32, #tpu.memory_space<vmem>>, vector<16xi32>,
        %bitcast3A_476 = vector.bitcast %get3A_475 : vector<16xi32> to vector<32xbf16>
        %mul3A_477 = arith.mulf %bitcast3A_472, %bitcast3A_476 : vector<32xbf16>
        %add3A_478 = arith.addf %mul3A_468, %mul3A_477 : vector<32xbf16>
        %get3A_479 = arith.index_cast %add3A_459 : i32 to index
        %get3A_480 = arith.constant 32 : index
        %get3A_481 = tpu.vector_load %arg7[%get3A_479, %get3A_480] {strides = array<i32>} : memref<128x128xi32, #tpu.memory_space<vmem>>, vector<16xi32>,
        %bitcast3A_482 = vector.bitcast %get3A_481 : vector<16xi32> to vector<32xbf16>
        %get3A_483 = arith.index_cast %add3A_459 : i32 to index
        %get3A_484 = arith.constant 32 : index
        %get3A_485 = tpu.vector_load %arg8[%get3A_483, %get3A_484] {strides = array<i32>} : memref<128x128xi32, #tpu.memory_space<vmem>>, vector<16xi32>,
        %bitcast3A_486 = vector.bitcast %get3A_485 : vector<16xi32> to vector<32xbf16>
        %mul3A_487 = arith.mulf %bitcast3A_482, %bitcast3A_486 : vector<32xbf16>
        %add3A_488 = arith.addf %add3A_478, %mul3A_487 : vector<32xbf16>
        %get3A_489 = arith.index_cast %add3A_459 : i32 to index
        %get3A_490 = arith.constant 48 : index
        %get3A_491 = tpu.vector_load %arg7[%get3A_489, %get3A_490] {strides = array<i32>} : memref<128x128xi32, #tpu.memory_space<vmem>>, vector<16xi32>,
        %bitcast3A_492 = vector.bitcast %get3A_491 : vector<16xi32> to vector<32xbf16>
        %get3A_493 = arith.index_cast %add3A_459 : i32 to index
        %get3A_494 = arith.constant 48 : index
        %get3A_495 = tpu.vector_load %arg8[%get3A_493, %get3A_494] {strides = array<i32>} : memref<128x128xi32, #tpu.memory_space<vmem>>, vector<16xi32>,
        %bitcast3A_496 = vector.bitcast %get3A_495 : vector<16xi32> to vector<32xbf16>
        %mul3A_497 = arith.mulf %bitcast3A_492, %bitcast3A_496 : vector<32xbf16>
        %add3A_498 = arith.addf %add3A_488, %mul3A_497 : vector<32xbf16>
        %get3A_499 = arith.index_cast %add3A_459 : i32 to index
        %get3A_500 = arith.constant 64 : index
        %get3A_501 = tpu.vector_load %arg7[%get3A_499, %get3A_500] {strides = array<i32>} : memref<128x128xi32, #tpu.memory_space<vmem>>, vector<16xi32>,
        %bitcast3A_502 = vector.bitcast %get3A_501 : vector<16xi32> to vector<32xbf16>
        %get3A_503 = arith.index_cast %add3A_459 : i32 to index
        %get3A_504 = arith.constant 64 : index
        %get3A_505 = tpu.vector_load %arg8[%get3A_503, %get3A_504] {strides = array<i32>} : memref<128x128xi32, #tpu.memory_space<vmem>>, vector<16xi32>,
        %bitcast3A_506 = vector.bitcast %get3A_505 : vector<16xi32> to vector<32xbf16>
        %mul3A_507 = arith.mulf %bitcast3A_502, %bitcast3A_506 : vector<32xbf16>
        %add3A_508 = arith.addf %add3A_498, %mul3A_507 : vector<32xbf16>
        %get3A_509 = arith.index_cast %add3A_459 : i32 to index
        %get3A_510 = arith.constant 80 : index
        %get3A_511 = tpu.vector_load %arg7[%get3A_509, %get3A_510] {strides = array<i32>} : memref<128x128xi32, #tpu.memory_space<vmem>>, vector<16xi32>,
        %bitcast3A_512 = vector.bitcast %get3A_511 : vector<16xi32> to vector<32xbf16>
        %get3A_513 = arith.index_cast %add3A_459 : i32 to index
        %get3A_514 = arith.constant 80 : index
        %get3A_515 = tpu.vector_load %arg8[%get3A_513, %get3A_514] {strides = array<i32>} : memref<128x128xi32, #tpu.memory_space<vmem>>, vector<16xi32>,
        %bitcast3A_516 = vector.bitcast %get3A_515 : vector<16xi32> to vector<32xbf16>
        %mul3A_517 = arith.mulf %bitcast3A_512, %bitcast3A_516 : vector<32xbf16>
        %add3A_518 = arith.addf %add3A_508, %mul3A_517 : vector<32xbf16>
        %get3A_519 = arith.index_cast %add3A_459 : i32 to index
        %get3A_520 = arith.constant 96 : index
        %get3A_521 = tpu.vector_load %arg7[%get3A_519, %get3A_520] {strides = array<i32>} : memref<128x128xi32, #tpu.memory_space<vmem>>, vector<16xi32>,
        %bitcast3A_522 = vector.bitcast %get3A_521 : vector<16xi32> to vector<32xbf16>
        %get3A_523 = arith.index_cast %add3A_459 : i32 to index
        %get3A_524 = arith.constant 96 : index
        %get3A_525 = tpu.vector_load %arg8[%get3A_523, %get3A_524] {strides = array<i32>} : memref<128x128xi32, #tpu.memory_space<vmem>>, vector<16xi32>,
        %bitcast3A_526 = vector.bitcast %get3A_525 : vector<16xi32> to vector<32xbf16>
        %mul3A_527 = arith.mulf %bitcast3A_522, %bitcast3A_526 : vector<32xbf16>
        %add3A_528 = arith.addf %add3A_518, %mul3A_527 : vector<32xbf16>
        %get3A_529 = arith.index_cast %add3A_459 : i32 to index
        %get3A_530 = arith.constant 112 : index
        %get3A_531 = tpu.vector_load %arg7[%get3A_529, %get3A_530] {strides = array<i32>} : memref<128x128xi32, #tpu.memory_space<vmem>>, vector<16xi32>,
        %bitcast3A_532 = vector.bitcast %get3A_531 : vector<16xi32> to vector<32xbf16>
        %get3A_533 = arith.index_cast %add3A_459 : i32 to index
        %get3A_534 = arith.constant 112 : index
        %get3A_535 = tpu.vector_load %arg8[%get3A_533, %get3A_534] {strides = array<i32>} : memref<128x128xi32, #tpu.memory_space<vmem>>, vector<16xi32>,
        %bitcast3A_536 = vector.bitcast %get3A_535 : vector<16xi32> to vector<32xbf16>
        %mul3A_537 = arith.mulf %bitcast3A_532, %bitcast3A_536 : vector<32xbf16>
        %add3A_538 = arith.addf %add3A_528, %mul3A_537 : vector<32xbf16>
        %unpack3A_539 = tpu.unpack_subelements %add3A_538, 0 {pack_format = #tpu.pack_format<interleaved>} : vector<32xbf16> -> vector<16xf32>
        %unpack3A_540 = tpu.unpack_subelements %add3A_538, 1 {pack_format = #tpu.pack_format<interleaved>} : vector<32xbf16> -> vector<16xf32>
        %add3A_541 = arith.addf %unpack3A_539, %unpack3A_540 : vector<16xf32>
        %swap3A_542 = arith.constant 64 : index
        %swap3A_543 = tpu.vector_load %arg12[%swap3A_542] {strides = array<i32>} : memref<256xf32, #tpu.memory_space<vmem>>, vector<16xf32>,
        tpu.vector_store %arg12[%swap3A_542], %add3A_541 {strides = array<i32>} : memref<256xf32, #tpu.memory_space<vmem>>, vector<16xf32>,
        %mul3A_544 = arith.constant 16 : i32
        %mul3A_545 = arith.muli %scan3A_107, %mul3A_544 : i32
        %add3A_546 = arith.constant 5 : i32
        %add3A_547 = arith.addi %mul3A_545, %add3A_546 : i32
        %get3A_548 = arith.index_cast %add3A_547 : i32 to index
        %get3A_549 = arith.constant 0 : index
        %get3A_550 = tpu.vector_load %arg7[%get3A_548, %get3A_549] {strides = array<i32>} : memref<128x128xi32, #tpu.memory_space<vmem>>, vector<16xi32>,
        %bitcast3A_551 = vector.bitcast %get3A_550 : vector<16xi32> to vector<32xbf16>
        %get3A_552 = arith.index_cast %add3A_547 : i32 to index
        %get3A_553 = arith.constant 0 : index
        %get3A_554 = tpu.vector_load %arg8[%get3A_552, %get3A_553] {strides = array<i32>} : memref<128x128xi32, #tpu.memory_space<vmem>>, vector<16xi32>,
        %bitcast3A_555 = vector.bitcast %get3A_554 : vector<16xi32> to vector<32xbf16>
        %mul3A_556 = arith.mulf %bitcast3A_551, %bitcast3A_555 : vector<32xbf16>
        %get3A_557 = arith.index_cast %add3A_547 : i32 to index
        %get3A_558 = arith.constant 16 : index
        %get3A_559 = tpu.vector_load %arg7[%get3A_557, %get3A_558] {strides = array<i32>} : memref<128x128xi32, #tpu.memory_space<vmem>>, vector<16xi32>,
        %bitcast3A_560 = vector.bitcast %get3A_559 : vector<16xi32> to vector<32xbf16>
        %get3A_561 = arith.index_cast %add3A_547 : i32 to index
        %get3A_562 = arith.constant 16 : index
        %get3A_563 = tpu.vector_load %arg8[%get3A_561, %get3A_562] {strides = array<i32>} : memref<128x128xi32, #tpu.memory_space<vmem>>, vector<16xi32>,
        %bitcast3A_564 = vector.bitcast %get3A_563 : vector<16xi32> to vector<32xbf16>
        %mul3A_565 = arith.mulf %bitcast3A_560, %bitcast3A_564 : vector<32xbf16>
        %add3A_566 = arith.addf %mul3A_556, %mul3A_565 : vector<32xbf16>
        %get3A_567 = arith.index_cast %add3A_547 : i32 to index
        %get3A_568 = arith.constant 32 : index
        %get3A_569 = tpu.vector_load %arg7[%get3A_567, %get3A_568] {strides = array<i32>} : memref<128x128xi32, #tpu.memory_space<vmem>>, vector<16xi32>,
        %bitcast3A_570 = vector.bitcast %get3A_569 : vector<16xi32> to vector<32xbf16>
        %get3A_571 = arith.index_cast %add3A_547 : i32 to index
        %get3A_572 = arith.constant 32 : index
        %get3A_573 = tpu.vector_load %arg8[%get3A_571, %get3A_572] {strides = array<i32>} : memref<128x128xi32, #tpu.memory_space<vmem>>, vector<16xi32>,
        %bitcast3A_574 = vector.bitcast %get3A_573 : vector<16xi32> to vector<32xbf16>
        %mul3A_575 = arith.mulf %bitcast3A_570, %bitcast3A_574 : vector<32xbf16>
        %add3A_576 = arith.addf %add3A_566, %mul3A_575 : vector<32xbf16>
        %get3A_577 = arith.index_cast %add3A_547 : i32 to index
        %get3A_578 = arith.constant 48 : index
        %get3A_579 = tpu.vector_load %arg7[%get3A_577, %get3A_578] {strides = array<i32>} : memref<128x128xi32, #tpu.memory_space<vmem>>, vector<16xi32>,
        %bitcast3A_580 = vector.bitcast %get3A_579 : vector<16xi32> to vector<32xbf16>
        %get3A_581 = arith.index_cast %add3A_547 : i32 to index
        %get3A_582 = arith.constant 48 : index
        %get3A_583 = tpu.vector_load %arg8[%get3A_581, %get3A_582] {strides = array<i32>} : memref<128x128xi32, #tpu.memory_space<vmem>>, vector<16xi32>,
        %bitcast3A_584 = vector.bitcast %get3A_583 : vector<16xi32> to vector<32xbf16>
        %mul3A_585 = arith.mulf %bitcast3A_580, %bitcast3A_584 : vector<32xbf16>
        %add3A_586 = arith.addf %add3A_576, %mul3A_585 : vector<32xbf16>
        %get3A_587 = arith.index_cast %add3A_547 : i32 to index
        %get3A_588 = arith.constant 64 : index
        %get3A_589 = tpu.vector_load %arg7[%get3A_587, %get3A_588] {strides = array<i32>} : memref<128x128xi32, #tpu.memory_space<vmem>>, vector<16xi32>,
        %bitcast3A_590 = vector.bitcast %get3A_589 : vector<16xi32> to vector<32xbf16>
        %get3A_591 = arith.index_cast %add3A_547 : i32 to index
        %get3A_592 = arith.constant 64 : index
        %get3A_593 = tpu.vector_load %arg8[%get3A_591, %get3A_592] {strides = array<i32>} : memref<128x128xi32, #tpu.memory_space<vmem>>, vector<16xi32>,
        %bitcast3A_594 = vector.bitcast %get3A_593 : vector<16xi32> to vector<32xbf16>
        %mul3A_595 = arith.mulf %bitcast3A_590, %bitcast3A_594 : vector<32xbf16>
        %add3A_596 = arith.addf %add3A_586, %mul3A_595 : vector<32xbf16>
        %get3A_597 = arith.index_cast %add3A_547 : i32 to index
        %get3A_598 = arith.constant 80 : index
        %get3A_599 = tpu.vector_load %arg7[%get3A_597, %get3A_598] {strides = array<i32>} : memref<128x128xi32, #tpu.memory_space<vmem>>, vector<16xi32>,
        %bitcast3A_600 = vector.bitcast %get3A_599 : vector<16xi32> to vector<32xbf16>
        %get3A_601 = arith.index_cast %add3A_547 : i32 to index
        %get3A_602 = arith.constant 80 : index
        %get3A_603 = tpu.vector_load %arg8[%get3A_601, %get3A_602] {strides = array<i32>} : memref<128x128xi32, #tpu.memory_space<vmem>>, vector<16xi32>,
        %bitcast3A_604 = vector.bitcast %get3A_603 : vector<16xi32> to vector<32xbf16>
        %mul3A_605 = arith.mulf %bitcast3A_600, %bitcast3A_604 : vector<32xbf16>
        %add3A_606 = arith.addf %add3A_596, %mul3A_605 : vector<32xbf16>
        %get3A_607 = arith.index_cast %add3A_547 : i32 to index
        %get3A_608 = arith.constant 96 : index
        %get3A_609 = tpu.vector_load %arg7[%get3A_607, %get3A_608] {strides = array<i32>} : memref<128x128xi32, #tpu.memory_space<vmem>>, vector<16xi32>,
        %bitcast3A_610 = vector.bitcast %get3A_609 : vector<16xi32> to vector<32xbf16>
        %get3A_611 = arith.index_cast %add3A_547 : i32 to index
        %get3A_612 = arith.constant 96 : index
        %get3A_613 = tpu.vector_load %arg8[%get3A_611, %get3A_612] {strides = array<i32>} : memref<128x128xi32, #tpu.memory_space<vmem>>, vector<16xi32>,
        %bitcast3A_614 = vector.bitcast %get3A_613 : vector<16xi32> to vector<32xbf16>
        %mul3A_615 = arith.mulf %bitcast3A_610, %bitcast3A_614 : vector<32xbf16>
        %add3A_616 = arith.addf %add3A_606, %mul3A_615 : vector<32xbf16>
        %get3A_617 = arith.index_cast %add3A_547 : i32 to index
        %get3A_618 = arith.constant 112 : index
        %get3A_619 = tpu.vector_load %arg7[%get3A_617, %get3A_618] {strides = array<i32>} : memref<128x128xi32, #tpu.memory_space<vmem>>, vector<16xi32>,
        %bitcast3A_620 = vector.bitcast %get3A_619 : vector<16xi32> to vector<32xbf16>
        %get3A_621 = arith.index_cast %add3A_547 : i32 to index
        %get3A_622 = arith.constant 112 : index
        %get3A_623 = tpu.vector_load %arg8[%get3A_621, %get3A_622] {strides = array<i32>} : memref<128x128xi32, #tpu.memory_space<vmem>>, vector<16xi32>,
        %bitcast3A_624 = vector.bitcast %get3A_623 : vector<16xi32> to vector<32xbf16>
        %mul3A_625 = arith.mulf %bitcast3A_620, %bitcast3A_624 : vector<32xbf16>
        %add3A_626 = arith.addf %add3A_616, %mul3A_625 : vector<32xbf16>
        %unpack3A_627 = tpu.unpack_subelements %add3A_626, 0 {pack_format = #tpu.pack_format<interleaved>} : vector<32xbf16> -> vector<16xf32>
        %unpack3A_628 = tpu.unpack_subelements %add3A_626, 1 {pack_format = #tpu.pack_format<interleaved>} : vector<32xbf16> -> vector<16xf32>
        %add3A_629 = arith.addf %unpack3A_627, %unpack3A_628 : vector<16xf32>
        %swap3A_630 = arith.constant 80 : index
        %swap3A_631 = tpu.vector_load %arg12[%swap3A_630] {strides = array<i32>} : memref<256xf32, #tpu.memory_space<vmem>>, vector<16xf32>,
        tpu.vector_store %arg12[%swap3A_630], %add3A_629 {strides = array<i32>} : memref<256xf32, #tpu.memory_space<vmem>>, vector<16xf32>,
        %mul3A_632 = arith.constant 16 : i32
        %mul3A_633 = arith.muli %scan3A_107, %mul3A_632 : i32
        %add3A_634 = arith.constant 6 : i32
        %add3A_635 = arith.addi %mul3A_633, %add3A_634 : i32
        %get3A_636 = arith.index_cast %add3A_635 : i32 to index
        %get3A_637 = arith.constant 0 : index
        %get3A_638 = tpu.vector_load %arg7[%get3A_636, %get3A_637] {strides = array<i32>} : memref<128x128xi32, #tpu.memory_space<vmem>>, vector<16xi32>,
        %bitcast3A_639 = vector.bitcast %get3A_638 : vector<16xi32> to vector<32xbf16>
        %get3A_640 = arith.index_cast %add3A_635 : i32 to index
        %get3A_641 = arith.constant 0 : index
        %get3A_642 = tpu.vector_load %arg8[%get3A_640, %get3A_641] {strides = array<i32>} : memref<128x128xi32, #tpu.memory_space<vmem>>, vector<16xi32>,
        %bitcast3A_643 = vector.bitcast %get3A_642 : vector<16xi32> to vector<32xbf16>
        %mul3A_644 = arith.mulf %bitcast3A_639, %bitcast3A_643 : vector<32xbf16>
        %get3A_645 = arith.index_cast %add3A_635 : i32 to index
        %get3A_646 = arith.constant 16 : index
        %get3A_647 = tpu.vector_load %arg7[%get3A_645, %get3A_646] {strides = array<i32>} : memref<128x128xi32, #tpu.memory_space<vmem>>, vector<16xi32>,
        %bitcast3A_648 = vector.bitcast %get3A_647 : vector<16xi32> to vector<32xbf16>
        %get3A_649 = arith.index_cast %add3A_635 : i32 to index
        %get3A_650 = arith.constant 16 : index
        %get3A_651 = tpu.vector_load %arg8[%get3A_649, %get3A_650] {strides = array<i32>} : memref<128x128xi32, #tpu.memory_space<vmem>>, vector<16xi32>,
        %bitcast3A_652 = vector.bitcast %get3A_651 : vector<16xi32> to vector<32xbf16>
        %mul3A_653 = arith.mulf %bitcast3A_648, %bitcast3A_652 : vector<32xbf16>
        %add3A_654 = arith.addf %mul3A_644, %mul3A_653 : vector<32xbf16>
        %get3A_655 = arith.index_cast %add3A_635 : i32 to index
        %get3A_656 = arith.constant 32 : index
        %get3A_657 = tpu.vector_load %arg7[%get3A_655, %get3A_656] {strides = array<i32>} : memref<128x128xi32, #tpu.memory_space<vmem>>, vector<16xi32>,
        %bitcast3A_658 = vector.bitcast %get3A_657 : vector<16xi32> to vector<32xbf16>
        %get3A_659 = arith.index_cast %add3A_635 : i32 to index
        %get3A_660 = arith.constant 32 : index
        %get3A_661 = tpu.vector_load %arg8[%get3A_659, %get3A_660] {strides = array<i32>} : memref<128x128xi32, #tpu.memory_space<vmem>>, vector<16xi32>,
        %bitcast3A_662 = vector.bitcast %get3A_661 : vector<16xi32> to vector<32xbf16>
        %mul3A_663 = arith.mulf %bitcast3A_658, %bitcast3A_662 : vector<32xbf16>
        %add3A_664 = arith.addf %add3A_654, %mul3A_663 : vector<32xbf16>
        %get3A_665 = arith.index_cast %add3A_635 : i32 to index
        %get3A_666 = arith.constant 48 : index
        %get3A_667 = tpu.vector_load %arg7[%get3A_665, %get3A_666] {strides = array<i32>} : memref<128x128xi32, #tpu.memory_space<vmem>>, vector<16xi32>,
        %bitcast3A_668 = vector.bitcast %get3A_667 : vector<16xi32> to vector<32xbf16>
        %get3A_669 = arith.index_cast %add3A_635 : i32 to index
        %get3A_670 = arith.constant 48 : index
        %get3A_671 = tpu.vector_load %arg8[%get3A_669, %get3A_670] {strides = array<i32>} : memref<128x128xi32, #tpu.memory_space<vmem>>, vector<16xi32>,
        %bitcast3A_672 = vector.bitcast %get3A_671 : vector<16xi32> to vector<32xbf16>
        %mul3A_673 = arith.mulf %bitcast3A_668, %bitcast3A_672 : vector<32xbf16>
        %add3A_674 = arith.addf %add3A_664, %mul3A_673 : vector<32xbf16>
        %get3A_675 = arith.index_cast %add3A_635 : i32 to index
        %get3A_676 = arith.constant 64 : index
        %get3A_677 = tpu.vector_load %arg7[%get3A_675, %get3A_676] {strides = array<i32>} : memref<128x128xi32, #tpu.memory_space<vmem>>, vector<16xi32>,
        %bitcast3A_678 = vector.bitcast %get3A_677 : vector<16xi32> to vector<32xbf16>
        %get3A_679 = arith.index_cast %add3A_635 : i32 to index
        %get3A_680 = arith.constant 64 : index
        %get3A_681 = tpu.vector_load %arg8[%get3A_679, %get3A_680] {strides = array<i32>} : memref<128x128xi32, #tpu.memory_space<vmem>>, vector<16xi32>,
        %bitcast3A_682 = vector.bitcast %get3A_681 : vector<16xi32> to vector<32xbf16>
        %mul3A_683 = arith.mulf %bitcast3A_678, %bitcast3A_682 : vector<32xbf16>
        %add3A_684 = arith.addf %add3A_674, %mul3A_683 : vector<32xbf16>
        %get3A_685 = arith.index_cast %add3A_635 : i32 to index
        %get3A_686 = arith.constant 80 : index
        %get3A_687 = tpu.vector_load %arg7[%get3A_685, %get3A_686] {strides = array<i32>} : memref<128x128xi32, #tpu.memory_space<vmem>>, vector<16xi32>,
        %bitcast3A_688 = vector.bitcast %get3A_687 : vector<16xi32> to vector<32xbf16>
        %get3A_689 = arith.index_cast %add3A_635 : i32 to index
        %get3A_690 = arith.constant 80 : index
        %get3A_691 = tpu.vector_load %arg8[%get3A_689, %get3A_690] {strides = array<i32>} : memref<128x128xi32, #tpu.memory_space<vmem>>, vector<16xi32>,
        %bitcast3A_692 = vector.bitcast %get3A_691 : vector<16xi32> to vector<32xbf16>
        %mul3A_693 = arith.mulf %bitcast3A_688, %bitcast3A_692 : vector<32xbf16>
        %add3A_694 = arith.addf %add3A_684, %mul3A_693 : vector<32xbf16>
        %get3A_695 = arith.index_cast %add3A_635 : i32 to index
        %get3A_696 = arith.constant 96 : index
        %get3A_697 = tpu.vector_load %arg7[%get3A_695, %get3A_696] {strides = array<i32>} : memref<128x128xi32, #tpu.memory_space<vmem>>, vector<16xi32>,
        %bitcast3A_698 = vector.bitcast %get3A_697 : vector<16xi32> to vector<32xbf16>
        %get3A_699 = arith.index_cast %add3A_635 : i32 to index
        %get3A_700 = arith.constant 96 : index
        %get3A_701 = tpu.vector_load %arg8[%get3A_699, %get3A_700] {strides = array<i32>} : memref<128x128xi32, #tpu.memory_space<vmem>>, vector<16xi32>,
        %bitcast3A_702 = vector.bitcast %get3A_701 : vector<16xi32> to vector<32xbf16>
        %mul3A_703 = arith.mulf %bitcast3A_698, %bitcast3A_702 : vector<32xbf16>
        %add3A_704 = arith.addf %add3A_694, %mul3A_703 : vector<32xbf16>
        %get3A_705 = arith.index_cast %add3A_635 : i32 to index
        %get3A_706 = arith.constant 112 : index
        %get3A_707 = tpu.vector_load %arg7[%get3A_705, %get3A_706] {strides = array<i32>} : memref<128x128xi32, #tpu.memory_space<vmem>>, vector<16xi32>,
        %bitcast3A_708 = vector.bitcast %get3A_707 : vector<16xi32> to vector<32xbf16>
        %get3A_709 = arith.index_cast %add3A_635 : i32 to index
        %get3A_710 = arith.constant 112 : index
        %get3A_711 = tpu.vector_load %arg8[%get3A_709, %get3A_710] {strides = array<i32>} : memref<128x128xi32, #tpu.memory_space<vmem>>, vector<16xi32>,
        %bitcast3A_712 = vector.bitcast %get3A_711 : vector<16xi32> to vector<32xbf16>
        %mul3A_713 = arith.mulf %bitcast3A_708, %bitcast3A_712 : vector<32xbf16>
        %add3A_714 = arith.addf %add3A_704, %mul3A_713 : vector<32xbf16>
        %unpack3A_715 = tpu.unpack_subelements %add3A_714, 0 {pack_format = #tpu.pack_format<interleaved>} : vector<32xbf16> -> vector<16xf32>
        %unpack3A_716 = tpu.unpack_subelements %add3A_714, 1 {pack_format = #tpu.pack_format<interleaved>} : vector<32xbf16> -> vector<16xf32>
        %add3A_717 = arith.addf %unpack3A_715, %unpack3A_716 : vector<16xf32>
        %swap3A_718 = arith.constant 96 : index
        %swap3A_719 = tpu.vector_load %arg12[%swap3A_718] {strides = array<i32>} : memref<256xf32, #tpu.memory_space<vmem>>, vector<16xf32>,
        tpu.vector_store %arg12[%swap3A_718], %add3A_717 {strides = array<i32>} : memref<256xf32, #tpu.memory_space<vmem>>, vector<16xf32>,
        %mul3A_720 = arith.constant 16 : i32
        %mul3A_721 = arith.muli %scan3A_107, %mul3A_720 : i32
        %add3A_722 = arith.constant 7 : i32
        %add3A_723 = arith.addi %mul3A_721, %add3A_722 : i32
        %get3A_724 = arith.index_cast %add3A_723 : i32 to index
        %get3A_725 = arith.constant 0 : index
        %get3A_726 = tpu.vector_load %arg7[%get3A_724, %get3A_725] {strides = array<i32>} : memref<128x128xi32, #tpu.memory_space<vmem>>, vector<16xi32>,
        %bitcast3A_727 = vector.bitcast %get3A_726 : vector<16xi32> to vector<32xbf16>
        %get3A_728 = arith.index_cast %add3A_723 : i32 to index
        %get3A_729 = arith.constant 0 : index
        %get3A_730 = tpu.vector_load %arg8[%get3A_728, %get3A_729] {strides = array<i32>} : memref<128x128xi32, #tpu.memory_space<vmem>>, vector<16xi32>,
        %bitcast3A_731 = vector.bitcast %get3A_730 : vector<16xi32> to vector<32xbf16>
        %mul3A_732 = arith.mulf %bitcast3A_727, %bitcast3A_731 : vector<32xbf16>
        %get3A_733 = arith.index_cast %add3A_723 : i32 to index
        %get3A_734 = arith.constant 16 : index
        %get3A_735 = tpu.vector_load %arg7[%get3A_733, %get3A_734] {strides = array<i32>} : memref<128x128xi32, #tpu.memory_space<vmem>>, vector<16xi32>,
        %bitcast3A_736 = vector.bitcast %get3A_735 : vector<16xi32> to vector<32xbf16>
        %get3A_737 = arith.index_cast %add3A_723 : i32 to index
        %get3A_738 = arith.constant 16 : index
        %get3A_739 = tpu.vector_load %arg8[%get3A_737, %get3A_738] {strides = array<i32>} : memref<128x128xi32, #tpu.memory_space<vmem>>, vector<16xi32>,
        %bitcast3A_740 = vector.bitcast %get3A_739 : vector<16xi32> to vector<32xbf16>
        %mul3A_741 = arith.mulf %bitcast3A_736, %bitcast3A_740 : vector<32xbf16>
        %add3A_742 = arith.addf %mul3A_732, %mul3A_741 : vector<32xbf16>
        %get3A_743 = arith.index_cast %add3A_723 : i32 to index
        %get3A_744 = arith.constant 32 : index
        %get3A_745 = tpu.vector_load %arg7[%get3A_743, %get3A_744] {strides = array<i32>} : memref<128x128xi32, #tpu.memory_space<vmem>>, vector<16xi32>,
        %bitcast3A_746 = vector.bitcast %get3A_745 : vector<16xi32> to vector<32xbf16>
        %get3A_747 = arith.index_cast %add3A_723 : i32 to index
        %get3A_748 = arith.constant 32 : index
        %get3A_749 = tpu.vector_load %arg8[%get3A_747, %get3A_748] {strides = array<i32>} : memref<128x128xi32, #tpu.memory_space<vmem>>, vector<16xi32>,
        %bitcast3A_750 = vector.bitcast %get3A_749 : vector<16xi32> to vector<32xbf16>
        %mul3A_751 = arith.mulf %bitcast3A_746, %bitcast3A_750 : vector<32xbf16>
        %add3A_752 = arith.addf %add3A_742, %mul3A_751 : vector<32xbf16>
        %get3A_753 = arith.index_cast %add3A_723 : i32 to index
        %get3A_754 = arith.constant 48 : index
        %get3A_755 = tpu.vector_load %arg7[%get3A_753, %get3A_754] {strides = array<i32>} : memref<128x128xi32, #tpu.memory_space<vmem>>, vector<16xi32>,
        %bitcast3A_756 = vector.bitcast %get3A_755 : vector<16xi32> to vector<32xbf16>
        %get3A_757 = arith.index_cast %add3A_723 : i32 to index
        %get3A_758 = arith.constant 48 : index
        %get3A_759 = tpu.vector_load %arg8[%get3A_757, %get3A_758] {strides = array<i32>} : memref<128x128xi32, #tpu.memory_space<vmem>>, vector<16xi32>,
        %bitcast3A_760 = vector.bitcast %get3A_759 : vector<16xi32> to vector<32xbf16>
        %mul3A_761 = arith.mulf %bitcast3A_756, %bitcast3A_760 : vector<32xbf16>
        %add3A_762 = arith.addf %add3A_752, %mul3A_761 : vector<32xbf16>
        %get3A_763 = arith.index_cast %add3A_723 : i32 to index
        %get3A_764 = arith.constant 64 : index
        %get3A_765 = tpu.vector_load %arg7[%get3A_763, %get3A_764] {strides = array<i32>} : memref<128x128xi32, #tpu.memory_space<vmem>>, vector<16xi32>,
        %bitcast3A_766 = vector.bitcast %get3A_765 : vector<16xi32> to vector<32xbf16>
        %get3A_767 = arith.index_cast %add3A_723 : i32 to index
        %get3A_768 = arith.constant 64 : index
        %get3A_769 = tpu.vector_load %arg8[%get3A_767, %get3A_768] {strides = array<i32>} : memref<128x128xi32, #tpu.memory_space<vmem>>, vector<16xi32>,
        %bitcast3A_770 = vector.bitcast %get3A_769 : vector<16xi32> to vector<32xbf16>
        %mul3A_771 = arith.mulf %bitcast3A_766, %bitcast3A_770 : vector<32xbf16>
        %add3A_772 = arith.addf %add3A_762, %mul3A_771 : vector<32xbf16>
        %get3A_773 = arith.index_cast %add3A_723 : i32 to index
        %get3A_774 = arith.constant 80 : index
        %get3A_775 = tpu.vector_load %arg7[%get3A_773, %get3A_774] {strides = array<i32>} : memref<128x128xi32, #tpu.memory_space<vmem>>, vector<16xi32>,
        %bitcast3A_776 = vector.bitcast %get3A_775 : vector<16xi32> to vector<32xbf16>
        %get3A_777 = arith.index_cast %add3A_723 : i32 to index
        %get3A_778 = arith.constant 80 : index
        %get3A_779 = tpu.vector_load %arg8[%get3A_777, %get3A_778] {strides = array<i32>} : memref<128x128xi32, #tpu.memory_space<vmem>>, vector<16xi32>,
        %bitcast3A_780 = vector.bitcast %get3A_779 : vector<16xi32> to vector<32xbf16>
        %mul3A_781 = arith.mulf %bitcast3A_776, %bitcast3A_780 : vector<32xbf16>
        %add3A_782 = arith.addf %add3A_772, %mul3A_781 : vector<32xbf16>
        %get3A_783 = arith.index_cast %add3A_723 : i32 to index
        %get3A_784 = arith.constant 96 : index
        %get3A_785 = tpu.vector_load %arg7[%get3A_783, %get3A_784] {strides = array<i32>} : memref<128x128xi32, #tpu.memory_space<vmem>>, vector<16xi32>,
        %bitcast3A_786 = vector.bitcast %get3A_785 : vector<16xi32> to vector<32xbf16>
        %get3A_787 = arith.index_cast %add3A_723 : i32 to index
        %get3A_788 = arith.constant 96 : index
        %get3A_789 = tpu.vector_load %arg8[%get3A_787, %get3A_788] {strides = array<i32>} : memref<128x128xi32, #tpu.memory_space<vmem>>, vector<16xi32>,
        %bitcast3A_790 = vector.bitcast %get3A_789 : vector<16xi32> to vector<32xbf16>
        %mul3A_791 = arith.mulf %bitcast3A_786, %bitcast3A_790 : vector<32xbf16>
        %add3A_792 = arith.addf %add3A_782, %mul3A_791 : vector<32xbf16>
        %get3A_793 = arith.index_cast %add3A_723 : i32 to index
        %get3A_794 = arith.constant 112 : index
        %get3A_795 = tpu.vector_load %arg7[%get3A_793, %get3A_794] {strides = array<i32>} : memref<128x128xi32, #tpu.memory_space<vmem>>, vector<16xi32>,
        %bitcast3A_796 = vector.bitcast %get3A_795 : vector<16xi32> to vector<32xbf16>
        %get3A_797 = arith.index_cast %add3A_723 : i32 to index
        %get3A_798 = arith.constant 112 : index
        %get3A_799 = tpu.vector_load %arg8[%get3A_797, %get3A_798] {strides = array<i32>} : memref<128x128xi32, #tpu.memory_space<vmem>>, vector<16xi32>,
        %bitcast3A_800 = vector.bitcast %get3A_799 : vector<16xi32> to vector<32xbf16>
        %mul3A_801 = arith.mulf %bitcast3A_796, %bitcast3A_800 : vector<32xbf16>
        %add3A_802 = arith.addf %add3A_792, %mul3A_801 : vector<32xbf16>
        %unpack3A_803 = tpu.unpack_subelements %add3A_802, 0 {pack_format = #tpu.pack_format<interleaved>} : vector<32xbf16> -> vector<16xf32>
        %unpack3A_804 = tpu.unpack_subelements %add3A_802, 1 {pack_format = #tpu.pack_format<interleaved>} : vector<32xbf16> -> vector<16xf32>
        %add3A_805 = arith.addf %unpack3A_803, %unpack3A_804 : vector<16xf32>
        %swap3A_806 = arith.constant 112 : index
        %swap3A_807 = tpu.vector_load %arg12[%swap3A_806] {strides = array<i32>} : memref<256xf32, #tpu.memory_space<vmem>>, vector<16xf32>,
        tpu.vector_store %arg12[%swap3A_806], %add3A_805 {strides = array<i32>} : memref<256xf32, #tpu.memory_space<vmem>>, vector<16xf32>,
        %mul3A_808 = arith.constant 16 : i32
        %mul3A_809 = arith.muli %scan3A_107, %mul3A_808 : i32
        %add3A_810 = arith.constant 8 : i32
        %add3A_811 = arith.addi %mul3A_809, %add3A_810 : i32
        %get3A_812 = arith.index_cast %add3A_811 : i32 to index
        %get3A_813 = arith.constant 0 : index
        %get3A_814 = tpu.vector_load %arg7[%get3A_812, %get3A_813] {strides = array<i32>} : memref<128x128xi32, #tpu.memory_space<vmem>>, vector<16xi32>,
        %bitcast3A_815 = vector.bitcast %get3A_814 : vector<16xi32> to vector<32xbf16>
        %get3A_816 = arith.index_cast %add3A_811 : i32 to index
        %get3A_817 = arith.constant 0 : index
        %get3A_818 = tpu.vector_load %arg8[%get3A_816, %get3A_817] {strides = array<i32>} : memref<128x128xi32, #tpu.memory_space<vmem>>, vector<16xi32>,
        %bitcast3A_819 = vector.bitcast %get3A_818 : vector<16xi32> to vector<32xbf16>
        %mul3A_820 = arith.mulf %bitcast3A_815, %bitcast3A_819 : vector<32xbf16>
        %get3A_821 = arith.index_cast %add3A_811 : i32 to index
        %get3A_822 = arith.constant 16 : index
        %get3A_823 = tpu.vector_load %arg7[%get3A_821, %get3A_822] {strides = array<i32>} : memref<128x128xi32, #tpu.memory_space<vmem>>, vector<16xi32>,
        %bitcast3A_824 = vector.bitcast %get3A_823 : vector<16xi32> to vector<32xbf16>
        %get3A_825 = arith.index_cast %add3A_811 : i32 to index
        %get3A_826 = arith.constant 16 : index
        %get3A_827 = tpu.vector_load %arg8[%get3A_825, %get3A_826] {strides = array<i32>} : memref<128x128xi32, #tpu.memory_space<vmem>>, vector<16xi32>,
        %bitcast3A_828 = vector.bitcast %get3A_827 : vector<16xi32> to vector<32xbf16>
        %mul3A_829 = arith.mulf %bitcast3A_824, %bitcast3A_828 : vector<32xbf16>
        %add3A_830 = arith.addf %mul3A_820, %mul3A_829 : vector<32xbf16>
        %get3A_831 = arith.index_cast %add3A_811 : i32 to index
        %get3A_832 = arith.constant 32 : index
        %get3A_833 = tpu.vector_load %arg7[%get3A_831, %get3A_832] {strides = array<i32>} : memref<128x128xi32, #tpu.memory_space<vmem>>, vector<16xi32>,
        %bitcast3A_834 = vector.bitcast %get3A_833 : vector<16xi32> to vector<32xbf16>
        %get3A_835 = arith.index_cast %add3A_811 : i32 to index
        %get3A_836 = arith.constant 32 : index
        %get3A_837 = tpu.vector_load %arg8[%get3A_835, %get3A_836] {strides = array<i32>} : memref<128x128xi32, #tpu.memory_space<vmem>>, vector<16xi32>,
        %bitcast3A_838 = vector.bitcast %get3A_837 : vector<16xi32> to vector<32xbf16>
        %mul3A_839 = arith.mulf %bitcast3A_834, %bitcast3A_838 : vector<32xbf16>
        %add3A_840 = arith.addf %add3A_830, %mul3A_839 : vector<32xbf16>
        %get3A_841 = arith.index_cast %add3A_811 : i32 to index
        %get3A_842 = arith.constant 48 : index
        %get3A_843 = tpu.vector_load %arg7[%get3A_841, %get3A_842] {strides = array<i32>} : memref<128x128xi32, #tpu.memory_space<vmem>>, vector<16xi32>,
        %bitcast3A_844 = vector.bitcast %get3A_843 : vector<16xi32> to vector<32xbf16>
        %get3A_845 = arith.index_cast %add3A_811 : i32 to index
        %get3A_846 = arith.constant 48 : index
        %get3A_847 = tpu.vector_load %arg8[%get3A_845, %get3A_846] {strides = array<i32>} : memref<128x128xi32, #tpu.memory_space<vmem>>, vector<16xi32>,
        %bitcast3A_848 = vector.bitcast %get3A_847 : vector<16xi32> to vector<32xbf16>
        %mul3A_849 = arith.mulf %bitcast3A_844, %bitcast3A_848 : vector<32xbf16>
        %add3A_850 = arith.addf %add3A_840, %mul3A_849 : vector<32xbf16>
        %get3A_851 = arith.index_cast %add3A_811 : i32 to index
        %get3A_852 = arith.constant 64 : index
        %get3A_853 = tpu.vector_load %arg7[%get3A_851, %get3A_852] {strides = array<i32>} : memref<128x128xi32, #tpu.memory_space<vmem>>, vector<16xi32>,
        %bitcast3A_854 = vector.bitcast %get3A_853 : vector<16xi32> to vector<32xbf16>
        %get3A_855 = arith.index_cast %add3A_811 : i32 to index
        %get3A_856 = arith.constant 64 : index
        %get3A_857 = tpu.vector_load %arg8[%get3A_855, %get3A_856] {strides = array<i32>} : memref<128x128xi32, #tpu.memory_space<vmem>>, vector<16xi32>,
        %bitcast3A_858 = vector.bitcast %get3A_857 : vector<16xi32> to vector<32xbf16>
        %mul3A_859 = arith.mulf %bitcast3A_854, %bitcast3A_858 : vector<32xbf16>
        %add3A_860 = arith.addf %add3A_850, %mul3A_859 : vector<32xbf16>
        %get3A_861 = arith.index_cast %add3A_811 : i32 to index
        %get3A_862 = arith.constant 80 : index
        %get3A_863 = tpu.vector_load %arg7[%get3A_861, %get3A_862] {strides = array<i32>} : memref<128x128xi32, #tpu.memory_space<vmem>>, vector<16xi32>,
        %bitcast3A_864 = vector.bitcast %get3A_863 : vector<16xi32> to vector<32xbf16>
        %get3A_865 = arith.index_cast %add3A_811 : i32 to index
        %get3A_866 = arith.constant 80 : index
        %get3A_867 = tpu.vector_load %arg8[%get3A_865, %get3A_866] {strides = array<i32>} : memref<128x128xi32, #tpu.memory_space<vmem>>, vector<16xi32>,
        %bitcast3A_868 = vector.bitcast %get3A_867 : vector<16xi32> to vector<32xbf16>
        %mul3A_869 = arith.mulf %bitcast3A_864, %bitcast3A_868 : vector<32xbf16>
        %add3A_870 = arith.addf %add3A_860, %mul3A_869 : vector<32xbf16>
        %get3A_871 = arith.index_cast %add3A_811 : i32 to index
        %get3A_872 = arith.constant 96 : index
        %get3A_873 = tpu.vector_load %arg7[%get3A_871, %get3A_872] {strides = array<i32>} : memref<128x128xi32, #tpu.memory_space<vmem>>, vector<16xi32>,
        %bitcast3A_874 = vector.bitcast %get3A_873 : vector<16xi32> to vector<32xbf16>
        %get3A_875 = arith.index_cast %add3A_811 : i32 to index
        %get3A_876 = arith.constant 96 : index
        %get3A_877 = tpu.vector_load %arg8[%get3A_875, %get3A_876] {strides = array<i32>} : memref<128x128xi32, #tpu.memory_space<vmem>>, vector<16xi32>,
        %bitcast3A_878 = vector.bitcast %get3A_877 : vector<16xi32> to vector<32xbf16>
        %mul3A_879 = arith.mulf %bitcast3A_874, %bitcast3A_878 : vector<32xbf16>
        %add3A_880 = arith.addf %add3A_870, %mul3A_879 : vector<32xbf16>
        %get3A_881 = arith.index_cast %add3A_811 : i32 to index
        %get3A_882 = arith.constant 112 : index
        %get3A_883 = tpu.vector_load %arg7[%get3A_881, %get3A_882] {strides = array<i32>} : memref<128x128xi32, #tpu.memory_space<vmem>>, vector<16xi32>,
        %bitcast3A_884 = vector.bitcast %get3A_883 : vector<16xi32> to vector<32xbf16>
        %get3A_885 = arith.index_cast %add3A_811 : i32 to index
        %get3A_886 = arith.constant 112 : index
        %get3A_887 = tpu.vector_load %arg8[%get3A_885, %get3A_886] {strides = array<i32>} : memref<128x128xi32, #tpu.memory_space<vmem>>, vector<16xi32>,
        %bitcast3A_888 = vector.bitcast %get3A_887 : vector<16xi32> to vector<32xbf16>
        %mul3A_889 = arith.mulf %bitcast3A_884, %bitcast3A_888 : vector<32xbf16>
        %add3A_890 = arith.addf %add3A_880, %mul3A_889 : vector<32xbf16>
        %unpack3A_891 = tpu.unpack_subelements %add3A_890, 0 {pack_format = #tpu.pack_format<interleaved>} : vector<32xbf16> -> vector<16xf32>
        %unpack3A_892 = tpu.unpack_subelements %add3A_890, 1 {pack_format = #tpu.pack_format<interleaved>} : vector<32xbf16> -> vector<16xf32>
        %add3A_893 = arith.addf %unpack3A_891, %unpack3A_892 : vector<16xf32>
        %swap3A_894 = arith.constant 128 : index
        %swap3A_895 = tpu.vector_load %arg12[%swap3A_894] {strides = array<i32>} : memref<256xf32, #tpu.memory_space<vmem>>, vector<16xf32>,
        tpu.vector_store %arg12[%swap3A_894], %add3A_893 {strides = array<i32>} : memref<256xf32, #tpu.memory_space<vmem>>, vector<16xf32>,
        %mul3A_896 = arith.constant 16 : i32
        %mul3A_897 = arith.muli %scan3A_107, %mul3A_896 : i32
        %add3A_898 = arith.constant 9 : i32
        %add3A_899 = arith.addi %mul3A_897, %add3A_898 : i32
        %get3A_900 = arith.index_cast %add3A_899 : i32 to index
        %get3A_901 = arith.constant 0 : index
        %get3A_902 = tpu.vector_load %arg7[%get3A_900, %get3A_901] {strides = array<i32>} : memref<128x128xi32, #tpu.memory_space<vmem>>, vector<16xi32>,
        %bitcast3A_903 = vector.bitcast %get3A_902 : vector<16xi32> to vector<32xbf16>
        %get3A_904 = arith.index_cast %add3A_899 : i32 to index
        %get3A_905 = arith.constant 0 : index
        %get3A_906 = tpu.vector_load %arg8[%get3A_904, %get3A_905] {strides = array<i32>} : memref<128x128xi32, #tpu.memory_space<vmem>>, vector<16xi32>,
        %bitcast3A_907 = vector.bitcast %get3A_906 : vector<16xi32> to vector<32xbf16>
        %mul3A_908 = arith.mulf %bitcast3A_903, %bitcast3A_907 : vector<32xbf16>
        %get3A_909 = arith.index_cast %add3A_899 : i32 to index
        %get3A_910 = arith.constant 16 : index
        %get3A_911 = tpu.vector_load %arg7[%get3A_909, %get3A_910] {strides = array<i32>} : memref<128x128xi32, #tpu.memory_space<vmem>>, vector<16xi32>,
        %bitcast3A_912 = vector.bitcast %get3A_911 : vector<16xi32> to vector<32xbf16>
        %get3A_913 = arith.index_cast %add3A_899 : i32 to index
        %get3A_914 = arith.constant 16 : index
        %get3A_915 = tpu.vector_load %arg8[%get3A_913, %get3A_914] {strides = array<i32>} : memref<128x128xi32, #tpu.memory_space<vmem>>, vector<16xi32>,
        %bitcast3A_916 = vector.bitcast %get3A_915 : vector<16xi32> to vector<32xbf16>
        %mul3A_917 = arith.mulf %bitcast3A_912, %bitcast3A_916 : vector<32xbf16>
        %add3A_918 = arith.addf %mul3A_908, %mul3A_917 : vector<32xbf16>
        %get3A_919 = arith.index_cast %add3A_899 : i32 to index
        %get3A_920 = arith.constant 32 : index
        %get3A_921 = tpu.vector_load %arg7[%get3A_919, %get3A_920] {strides = array<i32>} : memref<128x128xi32, #tpu.memory_space<vmem>>, vector<16xi32>,
        %bitcast3A_922 = vector.bitcast %get3A_921 : vector<16xi32> to vector<32xbf16>
        %get3A_923 = arith.index_cast %add3A_899 : i32 to index
        %get3A_924 = arith.constant 32 : index
        %get3A_925 = tpu.vector_load %arg8[%get3A_923, %get3A_924] {strides = array<i32>} : memref<128x128xi32, #tpu.memory_space<vmem>>, vector<16xi32>,
        %bitcast3A_926 = vector.bitcast %get3A_925 : vector<16xi32> to vector<32xbf16>
        %mul3A_927 = arith.mulf %bitcast3A_922, %bitcast3A_926 : vector<32xbf16>
        %add3A_928 = arith.addf %add3A_918, %mul3A_927 : vector<32xbf16>
        %get3A_929 = arith.index_cast %add3A_899 : i32 to index
        %get3A_930 = arith.constant 48 : index
        %get3A_931 = tpu.vector_load %arg7[%get3A_929, %get3A_930] {strides = array<i32>} : memref<128x128xi32, #tpu.memory_space<vmem>>, vector<16xi32>,
        %bitcast3A_932 = vector.bitcast %get3A_931 : vector<16xi32> to vector<32xbf16>
        %get3A_933 = arith.index_cast %add3A_899 : i32 to index
        %get3A_934 = arith.constant 48 : index
        %get3A_935 = tpu.vector_load %arg8[%get3A_933, %get3A_934] {strides = array<i32>} : memref<128x128xi32, #tpu.memory_space<vmem>>, vector<16xi32>,
        %bitcast3A_936 = vector.bitcast %get3A_935 : vector<16xi32> to vector<32xbf16>
        %mul3A_937 = arith.mulf %bitcast3A_932, %bitcast3A_936 : vector<32xbf16>
        %add3A_938 = arith.addf %add3A_928, %mul3A_937 : vector<32xbf16>
        %get3A_939 = arith.index_cast %add3A_899 : i32 to index
        %get3A_940 = arith.constant 64 : index
        %get3A_941 = tpu.vector_load %arg7[%get3A_939, %get3A_940] {strides = array<i32>} : memref<128x128xi32, #tpu.memory_space<vmem>>, vector<16xi32>,
        %bitcast3A_942 = vector.bitcast %get3A_941 : vector<16xi32> to vector<32xbf16>
        %get3A_943 = arith.index_cast %add3A_899 : i32 to index
        %get3A_944 = arith.constant 64 : index
        %get3A_945 = tpu.vector_load %arg8[%get3A_943, %get3A_944] {strides = array<i32>} : memref<128x128xi32, #tpu.memory_space<vmem>>, vector<16xi32>,
        %bitcast3A_946 = vector.bitcast %get3A_945 : vector<16xi32> to vector<32xbf16>
        %mul3A_947 = arith.mulf %bitcast3A_942, %bitcast3A_946 : vector<32xbf16>
        %add3A_948 = arith.addf %add3A_938, %mul3A_947 : vector<32xbf16>
        %get3A_949 = arith.index_cast %add3A_899 : i32 to index
        %get3A_950 = arith.constant 80 : index
        %get3A_951 = tpu.vector_load %arg7[%get3A_949, %get3A_950] {strides = array<i32>} : memref<128x128xi32, #tpu.memory_space<vmem>>, vector<16xi32>,
        %bitcast3A_952 = vector.bitcast %get3A_951 : vector<16xi32> to vector<32xbf16>
        %get3A_953 = arith.index_cast %add3A_899 : i32 to index
        %get3A_954 = arith.constant 80 : index
        %get3A_955 = tpu.vector_load %arg8[%get3A_953, %get3A_954] {strides = array<i32>} : memref<128x128xi32, #tpu.memory_space<vmem>>, vector<16xi32>,
        %bitcast3A_956 = vector.bitcast %get3A_955 : vector<16xi32> to vector<32xbf16>
        %mul3A_957 = arith.mulf %bitcast3A_952, %bitcast3A_956 : vector<32xbf16>
        %add3A_958 = arith.addf %add3A_948, %mul3A_957 : vector<32xbf16>
        %get3A_959 = arith.index_cast %add3A_899 : i32 to index
        %get3A_960 = arith.constant 96 : index
        %get3A_961 = tpu.vector_load %arg7[%get3A_959, %get3A_960] {strides = array<i32>} : memref<128x128xi32, #tpu.memory_space<vmem>>, vector<16xi32>,
        %bitcast3A_962 = vector.bitcast %get3A_961 : vector<16xi32> to vector<32xbf16>
        %get3A_963 = arith.index_cast %add3A_899 : i32 to index
        %get3A_964 = arith.constant 96 : index
        %get3A_965 = tpu.vector_load %arg8[%get3A_963, %get3A_964] {strides = array<i32>} : memref<128x128xi32, #tpu.memory_space<vmem>>, vector<16xi32>,
        %bitcast3A_966 = vector.bitcast %get3A_965 : vector<16xi32> to vector<32xbf16>
        %mul3A_967 = arith.mulf %bitcast3A_962, %bitcast3A_966 : vector<32xbf16>
        %add3A_968 = arith.addf %add3A_958, %mul3A_967 : vector<32xbf16>
        %get3A_969 = arith.index_cast %add3A_899 : i32 to index
        %get3A_970 = arith.constant 112 : index
        %get3A_971 = tpu.vector_load %arg7[%get3A_969, %get3A_970] {strides = array<i32>} : memref<128x128xi32, #tpu.memory_space<vmem>>, vector<16xi32>,
        %bitcast3A_972 = vector.bitcast %get3A_971 : vector<16xi32> to vector<32xbf16>
        %get3A_973 = arith.index_cast %add3A_899 : i32 to index
        %get3A_974 = arith.constant 112 : index
        %get3A_975 = tpu.vector_load %arg8[%get3A_973, %get3A_974] {strides = array<i32>} : memref<128x128xi32, #tpu.memory_space<vmem>>, vector<16xi32>,
        %bitcast3A_976 = vector.bitcast %get3A_975 : vector<16xi32> to vector<32xbf16>
        %mul3A_977 = arith.mulf %bitcast3A_972, %bitcast3A_976 : vector<32xbf16>
        %add3A_978 = arith.addf %add3A_968, %mul3A_977 : vector<32xbf16>
        %unpack3A_979 = tpu.unpack_subelements %add3A_978, 0 {pack_format = #tpu.pack_format<interleaved>} : vector<32xbf16> -> vector<16xf32>
        %unpack3A_980 = tpu.unpack_subelements %add3A_978, 1 {pack_format = #tpu.pack_format<interleaved>} : vector<32xbf16> -> vector<16xf32>
        %add3A_981 = arith.addf %unpack3A_979, %unpack3A_980 : vector<16xf32>
        %swap3A_982 = arith.constant 144 : index
        %swap3A_983 = tpu.vector_load %arg12[%swap3A_982] {strides = array<i32>} : memref<256xf32, #tpu.memory_space<vmem>>, vector<16xf32>,
        tpu.vector_store %arg12[%swap3A_982], %add3A_981 {strides = array<i32>} : memref<256xf32, #tpu.memory_space<vmem>>, vector<16xf32>,
        %mul3A_984 = arith.constant 16 : i32
        %mul3A_985 = arith.muli %scan3A_107, %mul3A_984 : i32
        %add3A_986 = arith.constant 10 : i32
        %add3A_987 = arith.addi %mul3A_985, %add3A_986 : i32
        %get3A_988 = arith.index_cast %add3A_987 : i32 to index
        %get3A_989 = arith.constant 0 : index
        %get3A_990 = tpu.vector_load %arg7[%get3A_988, %get3A_989] {strides = array<i32>} : memref<128x128xi32, #tpu.memory_space<vmem>>, vector<16xi32>,
        %bitcast3A_991 = vector.bitcast %get3A_990 : vector<16xi32> to vector<32xbf16>
        %get3A_992 = arith.index_cast %add3A_987 : i32 to index
        %get3A_993 = arith.constant 0 : index
        %get3A_994 = tpu.vector_load %arg8[%get3A_992, %get3A_993] {strides = array<i32>} : memref<128x128xi32, #tpu.memory_space<vmem>>, vector<16xi32>,
        %bitcast3A_995 = vector.bitcast %get3A_994 : vector<16xi32> to vector<32xbf16>
        %mul3A_996 = arith.mulf %bitcast3A_991, %bitcast3A_995 : vector<32xbf16>
        %get3A_997 = arith.index_cast %add3A_987 : i32 to index
        %get3A_998 = arith.constant 16 : index
        %get3A_999 = tpu.vector_load %arg7[%get3A_997, %get3A_998] {strides = array<i32>} : memref<128x128xi32, #tpu.memory_space<vmem>>, vector<16xi32>,
        %bitcast3A_1000 = vector.bitcast %get3A_999 : vector<16xi32> to vector<32xbf16>
        %get3A_1001 = arith.index_cast %add3A_987 : i32 to index
        %get3A_1002 = arith.constant 16 : index
        %get3A_1003 = tpu.vector_load %arg8[%get3A_1001, %get3A_1002] {strides = array<i32>} : memref<128x128xi32, #tpu.memory_space<vmem>>, vector<16xi32>,
        %bitcast3A_1004 = vector.bitcast %get3A_1003 : vector<16xi32> to vector<32xbf16>
        %mul3A_1005 = arith.mulf %bitcast3A_1000, %bitcast3A_1004 : vector<32xbf16>
        %add3A_1006 = arith.addf %mul3A_996, %mul3A_1005 : vector<32xbf16>
        %get3A_1007 = arith.index_cast %add3A_987 : i32 to index
        %get3A_1008 = arith.constant 32 : index
        %get3A_1009 = tpu.vector_load %arg7[%get3A_1007, %get3A_1008] {strides = array<i32>} : memref<128x128xi32, #tpu.memory_space<vmem>>, vector<16xi32>,
        %bitcast3A_1010 = vector.bitcast %get3A_1009 : vector<16xi32> to vector<32xbf16>
        %get3A_1011 = arith.index_cast %add3A_987 : i32 to index
        %get3A_1012 = arith.constant 32 : index
        %get3A_1013 = tpu.vector_load %arg8[%get3A_1011, %get3A_1012] {strides = array<i32>} : memref<128x128xi32, #tpu.memory_space<vmem>>, vector<16xi32>,
        %bitcast3A_1014 = vector.bitcast %get3A_1013 : vector<16xi32> to vector<32xbf16>
        %mul3A_1015 = arith.mulf %bitcast3A_1010, %bitcast3A_1014 : vector<32xbf16>
        %add3A_1016 = arith.addf %add3A_1006, %mul3A_1015 : vector<32xbf16>
        %get3A_1017 = arith.index_cast %add3A_987 : i32 to index
        %get3A_1018 = arith.constant 48 : index
        %get3A_1019 = tpu.vector_load %arg7[%get3A_1017, %get3A_1018] {strides = array<i32>} : memref<128x128xi32, #tpu.memory_space<vmem>>, vector<16xi32>,
        %bitcast3A_1020 = vector.bitcast %get3A_1019 : vector<16xi32> to vector<32xbf16>
        %get3A_1021 = arith.index_cast %add3A_987 : i32 to index
        %get3A_1022 = arith.constant 48 : index
        %get3A_1023 = tpu.vector_load %arg8[%get3A_1021, %get3A_1022] {strides = array<i32>} : memref<128x128xi32, #tpu.memory_space<vmem>>, vector<16xi32>,
        %bitcast3A_1024 = vector.bitcast %get3A_1023 : vector<16xi32> to vector<32xbf16>
        %mul3A_1025 = arith.mulf %bitcast3A_1020, %bitcast3A_1024 : vector<32xbf16>
        %add3A_1026 = arith.addf %add3A_1016, %mul3A_1025 : vector<32xbf16>
        %get3A_1027 = arith.index_cast %add3A_987 : i32 to index
        %get3A_1028 = arith.constant 64 : index
        %get3A_1029 = tpu.vector_load %arg7[%get3A_1027, %get3A_1028] {strides = array<i32>} : memref<128x128xi32, #tpu.memory_space<vmem>>, vector<16xi32>,
        %bitcast3A_1030 = vector.bitcast %get3A_1029 : vector<16xi32> to vector<32xbf16>
        %get3A_1031 = arith.index_cast %add3A_987 : i32 to index
        %get3A_1032 = arith.constant 64 : index
        %get3A_1033 = tpu.vector_load %arg8[%get3A_1031, %get3A_1032] {strides = array<i32>} : memref<128x128xi32, #tpu.memory_space<vmem>>, vector<16xi32>,
        %bitcast3A_1034 = vector.bitcast %get3A_1033 : vector<16xi32> to vector<32xbf16>
        %mul3A_1035 = arith.mulf %bitcast3A_1030, %bitcast3A_1034 : vector<32xbf16>
        %add3A_1036 = arith.addf %add3A_1026, %mul3A_1035 : vector<32xbf16>
        %get3A_1037 = arith.index_cast %add3A_987 : i32 to index
        %get3A_1038 = arith.constant 80 : index
        %get3A_1039 = tpu.vector_load %arg7[%get3A_1037, %get3A_1038] {strides = array<i32>} : memref<128x128xi32, #tpu.memory_space<vmem>>, vector<16xi32>,
        %bitcast3A_1040 = vector.bitcast %get3A_1039 : vector<16xi32> to vector<32xbf16>
        %get3A_1041 = arith.index_cast %add3A_987 : i32 to index
        %get3A_1042 = arith.constant 80 : index
        %get3A_1043 = tpu.vector_load %arg8[%get3A_1041, %get3A_1042] {strides = array<i32>} : memref<128x128xi32, #tpu.memory_space<vmem>>, vector<16xi32>,
        %bitcast3A_1044 = vector.bitcast %get3A_1043 : vector<16xi32> to vector<32xbf16>
        %mul3A_1045 = arith.mulf %bitcast3A_1040, %bitcast3A_1044 : vector<32xbf16>
        %add3A_1046 = arith.addf %add3A_1036, %mul3A_1045 : vector<32xbf16>
        %get3A_1047 = arith.index_cast %add3A_987 : i32 to index
        %get3A_1048 = arith.constant 96 : index
        %get3A_1049 = tpu.vector_load %arg7[%get3A_1047, %get3A_1048] {strides = array<i32>} : memref<128x128xi32, #tpu.memory_space<vmem>>, vector<16xi32>,
        %bitcast3A_1050 = vector.bitcast %get3A_1049 : vector<16xi32> to vector<32xbf16>
        %get3A_1051 = arith.index_cast %add3A_987 : i32 to index
        %get3A_1052 = arith.constant 96 : index
        %get3A_1053 = tpu.vector_load %arg8[%get3A_1051, %get3A_1052] {strides = array<i32>} : memref<128x128xi32, #tpu.memory_space<vmem>>, vector<16xi32>,
        %bitcast3A_1054 = vector.bitcast %get3A_1053 : vector<16xi32> to vector<32xbf16>
        %mul3A_1055 = arith.mulf %bitcast3A_1050, %bitcast3A_1054 : vector<32xbf16>
        %add3A_1056 = arith.addf %add3A_1046, %mul3A_1055 : vector<32xbf16>
        %get3A_1057 = arith.index_cast %add3A_987 : i32 to index
        %get3A_1058 = arith.constant 112 : index
        %get3A_1059 = tpu.vector_load %arg7[%get3A_1057, %get3A_1058] {strides = array<i32>} : memref<128x128xi32, #tpu.memory_space<vmem>>, vector<16xi32>,
        %bitcast3A_1060 = vector.bitcast %get3A_1059 : vector<16xi32> to vector<32xbf16>
        %get3A_1061 = arith.index_cast %add3A_987 : i32 to index
        %get3A_1062 = arith.constant 112 : index
        %get3A_1063 = tpu.vector_load %arg8[%get3A_1061, %get3A_1062] {strides = array<i32>} : memref<128x128xi32, #tpu.memory_space<vmem>>, vector<16xi32>,
        %bitcast3A_1064 = vector.bitcast %get3A_1063 : vector<16xi32> to vector<32xbf16>
        %mul3A_1065 = arith.mulf %bitcast3A_1060, %bitcast3A_1064 : vector<32xbf16>
        %add3A_1066 = arith.addf %add3A_1056, %mul3A_1065 : vector<32xbf16>
        %unpack3A_1067 = tpu.unpack_subelements %add3A_1066, 0 {pack_format = #tpu.pack_format<interleaved>} : vector<32xbf16> -> vector<16xf32>
        %unpack3A_1068 = tpu.unpack_subelements %add3A_1066, 1 {pack_format = #tpu.pack_format<interleaved>} : vector<32xbf16> -> vector<16xf32>
        %add3A_1069 = arith.addf %unpack3A_1067, %unpack3A_1068 : vector<16xf32>
        %swap3A_1070 = arith.constant 160 : index
        %swap3A_1071 = tpu.vector_load %arg12[%swap3A_1070] {strides = array<i32>} : memref<256xf32, #tpu.memory_space<vmem>>, vector<16xf32>,
        tpu.vector_store %arg12[%swap3A_1070], %add3A_1069 {strides = array<i32>} : memref<256xf32, #tpu.memory_space<vmem>>, vector<16xf32>,
        %mul3A_1072 = arith.constant 16 : i32
        %mul3A_1073 = arith.muli %scan3A_107, %mul3A_1072 : i32
        %add3A_1074 = arith.constant 11 : i32
        %add3A_1075 = arith.addi %mul3A_1073, %add3A_1074 : i32
        %get3A_1076 = arith.index_cast %add3A_1075 : i32 to index
        %get3A_1077 = arith.constant 0 : index
        %get3A_1078 = tpu.vector_load %arg7[%get3A_1076, %get3A_1077] {strides = array<i32>} : memref<128x128xi32, #tpu.memory_space<vmem>>, vector<16xi32>,
        %bitcast3A_1079 = vector.bitcast %get3A_1078 : vector<16xi32> to vector<32xbf16>
        %get3A_1080 = arith.index_cast %add3A_1075 : i32 to index
        %get3A_1081 = arith.constant 0 : index
        %get3A_1082 = tpu.vector_load %arg8[%get3A_1080, %get3A_1081] {strides = array<i32>} : memref<128x128xi32, #tpu.memory_space<vmem>>, vector<16xi32>,
        %bitcast3A_1083 = vector.bitcast %get3A_1082 : vector<16xi32> to vector<32xbf16>
        %mul3A_1084 = arith.mulf %bitcast3A_1079, %bitcast3A_1083 : vector<32xbf16>
        %get3A_1085 = arith.index_cast %add3A_1075 : i32 to index
        %get3A_1086 = arith.constant 16 : index
        %get3A_1087 = tpu.vector_load %arg7[%get3A_1085, %get3A_1086] {strides = array<i32>} : memref<128x128xi32, #tpu.memory_space<vmem>>, vector<16xi32>,
        %bitcast3A_1088 = vector.bitcast %get3A_1087 : vector<16xi32> to vector<32xbf16>
        %get3A_1089 = arith.index_cast %add3A_1075 : i32 to index
        %get3A_1090 = arith.constant 16 : index
        %get3A_1091 = tpu.vector_load %arg8[%get3A_1089, %get3A_1090] {strides = array<i32>} : memref<128x128xi32, #tpu.memory_space<vmem>>, vector<16xi32>,
        %bitcast3A_1092 = vector.bitcast %get3A_1091 : vector<16xi32> to vector<32xbf16>
        %mul3A_1093 = arith.mulf %bitcast3A_1088, %bitcast3A_1092 : vector<32xbf16>
        %add3A_1094 = arith.addf %mul3A_1084, %mul3A_1093 : vector<32xbf16>
        %get3A_1095 = arith.index_cast %add3A_1075 : i32 to index
        %get3A_1096 = arith.constant 32 : index
        %get3A_1097 = tpu.vector_load %arg7[%get3A_1095, %get3A_1096] {strides = array<i32>} : memref<128x128xi32, #tpu.memory_space<vmem>>, vector<16xi32>,
        %bitcast3A_1098 = vector.bitcast %get3A_1097 : vector<16xi32> to vector<32xbf16>
        %get3A_1099 = arith.index_cast %add3A_1075 : i32 to index
        %get3A_1100 = arith.constant 32 : index
        %get3A_1101 = tpu.vector_load %arg8[%get3A_1099, %get3A_1100] {strides = array<i32>} : memref<128x128xi32, #tpu.memory_space<vmem>>, vector<16xi32>,
        %bitcast3A_1102 = vector.bitcast %get3A_1101 : vector<16xi32> to vector<32xbf16>
        %mul3A_1103 = arith.mulf %bitcast3A_1098, %bitcast3A_1102 : vector<32xbf16>
        %add3A_1104 = arith.addf %add3A_1094, %mul3A_1103 : vector<32xbf16>
        %get3A_1105 = arith.index_cast %add3A_1075 : i32 to index
        %get3A_1106 = arith.constant 48 : index
        %get3A_1107 = tpu.vector_load %arg7[%get3A_1105, %get3A_1106] {strides = array<i32>} : memref<128x128xi32, #tpu.memory_space<vmem>>, vector<16xi32>,
        %bitcast3A_1108 = vector.bitcast %get3A_1107 : vector<16xi32> to vector<32xbf16>
        %get3A_1109 = arith.index_cast %add3A_1075 : i32 to index
        %get3A_1110 = arith.constant 48 : index
        %get3A_1111 = tpu.vector_load %arg8[%get3A_1109, %get3A_1110] {strides = array<i32>} : memref<128x128xi32, #tpu.memory_space<vmem>>, vector<16xi32>,
        %bitcast3A_1112 = vector.bitcast %get3A_1111 : vector<16xi32> to vector<32xbf16>
        %mul3A_1113 = arith.mulf %bitcast3A_1108, %bitcast3A_1112 : vector<32xbf16>
        %add3A_1114 = arith.addf %add3A_1104, %mul3A_1113 : vector<32xbf16>
        %get3A_1115 = arith.index_cast %add3A_1075 : i32 to index
        %get3A_1116 = arith.constant 64 : index
        %get3A_1117 = tpu.vector_load %arg7[%get3A_1115, %get3A_1116] {strides = array<i32>} : memref<128x128xi32, #tpu.memory_space<vmem>>, vector<16xi32>,
        %bitcast3A_1118 = vector.bitcast %get3A_1117 : vector<16xi32> to vector<32xbf16>
        %get3A_1119 = arith.index_cast %add3A_1075 : i32 to index
        %get3A_1120 = arith.constant 64 : index
        %get3A_1121 = tpu.vector_load %arg8[%get3A_1119, %get3A_1120] {strides = array<i32>} : memref<128x128xi32, #tpu.memory_space<vmem>>, vector<16xi32>,
        %bitcast3A_1122 = vector.bitcast %get3A_1121 : vector<16xi32> to vector<32xbf16>
        %mul3A_1123 = arith.mulf %bitcast3A_1118, %bitcast3A_1122 : vector<32xbf16>
        %add3A_1124 = arith.addf %add3A_1114, %mul3A_1123 : vector<32xbf16>
        %get3A_1125 = arith.index_cast %add3A_1075 : i32 to index
        %get3A_1126 = arith.constant 80 : index
        %get3A_1127 = tpu.vector_load %arg7[%get3A_1125, %get3A_1126] {strides = array<i32>} : memref<128x128xi32, #tpu.memory_space<vmem>>, vector<16xi32>,
        %bitcast3A_1128 = vector.bitcast %get3A_1127 : vector<16xi32> to vector<32xbf16>
        %get3A_1129 = arith.index_cast %add3A_1075 : i32 to index
        %get3A_1130 = arith.constant 80 : index
        %get3A_1131 = tpu.vector_load %arg8[%get3A_1129, %get3A_1130] {strides = array<i32>} : memref<128x128xi32, #tpu.memory_space<vmem>>, vector<16xi32>,
        %bitcast3A_1132 = vector.bitcast %get3A_1131 : vector<16xi32> to vector<32xbf16>
        %mul3A_1133 = arith.mulf %bitcast3A_1128, %bitcast3A_1132 : vector<32xbf16>
        %add3A_1134 = arith.addf %add3A_1124, %mul3A_1133 : vector<32xbf16>
        %get3A_1135 = arith.index_cast %add3A_1075 : i32 to index
        %get3A_1136 = arith.constant 96 : index
        %get3A_1137 = tpu.vector_load %arg7[%get3A_1135, %get3A_1136] {strides = array<i32>} : memref<128x128xi32, #tpu.memory_space<vmem>>, vector<16xi32>,
        %bitcast3A_1138 = vector.bitcast %get3A_1137 : vector<16xi32> to vector<32xbf16>
        %get3A_1139 = arith.index_cast %add3A_1075 : i32 to index
        %get3A_1140 = arith.constant 96 : index
        %get3A_1141 = tpu.vector_load %arg8[%get3A_1139, %get3A_1140] {strides = array<i32>} : memref<128x128xi32, #tpu.memory_space<vmem>>, vector<16xi32>,
        %bitcast3A_1142 = vector.bitcast %get3A_1141 : vector<16xi32> to vector<32xbf16>
        %mul3A_1143 = arith.mulf %bitcast3A_1138, %bitcast3A_1142 : vector<32xbf16>
        %add3A_1144 = arith.addf %add3A_1134, %mul3A_1143 : vector<32xbf16>
        %get3A_1145 = arith.index_cast %add3A_1075 : i32 to index
        %get3A_1146 = arith.constant 112 : index
        %get3A_1147 = tpu.vector_load %arg7[%get3A_1145, %get3A_1146] {strides = array<i32>} : memref<128x128xi32, #tpu.memory_space<vmem>>, vector<16xi32>,
        %bitcast3A_1148 = vector.bitcast %get3A_1147 : vector<16xi32> to vector<32xbf16>
        %get3A_1149 = arith.index_cast %add3A_1075 : i32 to index
        %get3A_1150 = arith.constant 112 : index
        %get3A_1151 = tpu.vector_load %arg8[%get3A_1149, %get3A_1150] {strides = array<i32>} : memref<128x128xi32, #tpu.memory_space<vmem>>, vector<16xi32>,
        %bitcast3A_1152 = vector.bitcast %get3A_1151 : vector<16xi32> to vector<32xbf16>
        %mul3A_1153 = arith.mulf %bitcast3A_1148, %bitcast3A_1152 : vector<32xbf16>
        %add3A_1154 = arith.addf %add3A_1144, %mul3A_1153 : vector<32xbf16>
        %unpack3A_1155 = tpu.unpack_subelements %add3A_1154, 0 {pack_format = #tpu.pack_format<interleaved>} : vector<32xbf16> -> vector<16xf32>
        %unpack3A_1156 = tpu.unpack_subelements %add3A_1154, 1 {pack_format = #tpu.pack_format<interleaved>} : vector<32xbf16> -> vector<16xf32>
        %add3A_1157 = arith.addf %unpack3A_1155, %unpack3A_1156 : vector<16xf32>
        %swap3A_1158 = arith.constant 176 : index
        %swap3A_1159 = tpu.vector_load %arg12[%swap3A_1158] {strides = array<i32>} : memref<256xf32, #tpu.memory_space<vmem>>, vector<16xf32>,
        tpu.vector_store %arg12[%swap3A_1158], %add3A_1157 {strides = array<i32>} : memref<256xf32, #tpu.memory_space<vmem>>, vector<16xf32>,
        %mul3A_1160 = arith.constant 16 : i32
        %mul3A_1161 = arith.muli %scan3A_107, %mul3A_1160 : i32
        %add3A_1162 = arith.constant 12 : i32
        %add3A_1163 = arith.addi %mul3A_1161, %add3A_1162 : i32
        %get3A_1164 = arith.index_cast %add3A_1163 : i32 to index
        %get3A_1165 = arith.constant 0 : index
        %get3A_1166 = tpu.vector_load %arg7[%get3A_1164, %get3A_1165] {strides = array<i32>} : memref<128x128xi32, #tpu.memory_space<vmem>>, vector<16xi32>,
        %bitcast3A_1167 = vector.bitcast %get3A_1166 : vector<16xi32> to vector<32xbf16>
        %get3A_1168 = arith.index_cast %add3A_1163 : i32 to index
        %get3A_1169 = arith.constant 0 : index
        %get3A_1170 = tpu.vector_load %arg8[%get3A_1168, %get3A_1169] {strides = array<i32>} : memref<128x128xi32, #tpu.memory_space<vmem>>, vector<16xi32>,
        %bitcast3A_1171 = vector.bitcast %get3A_1170 : vector<16xi32> to vector<32xbf16>
        %mul3A_1172 = arith.mulf %bitcast3A_1167, %bitcast3A_1171 : vector<32xbf16>
        %get3A_1173 = arith.index_cast %add3A_1163 : i32 to index
        %get3A_1174 = arith.constant 16 : index
        %get3A_1175 = tpu.vector_load %arg7[%get3A_1173, %get3A_1174] {strides = array<i32>} : memref<128x128xi32, #tpu.memory_space<vmem>>, vector<16xi32>,
        %bitcast3A_1176 = vector.bitcast %get3A_1175 : vector<16xi32> to vector<32xbf16>
        %get3A_1177 = arith.index_cast %add3A_1163 : i32 to index
        %get3A_1178 = arith.constant 16 : index
        %get3A_1179 = tpu.vector_load %arg8[%get3A_1177, %get3A_1178] {strides = array<i32>} : memref<128x128xi32, #tpu.memory_space<vmem>>, vector<16xi32>,
        %bitcast3A_1180 = vector.bitcast %get3A_1179 : vector<16xi32> to vector<32xbf16>
        %mul3A_1181 = arith.mulf %bitcast3A_1176, %bitcast3A_1180 : vector<32xbf16>
        %add3A_1182 = arith.addf %mul3A_1172, %mul3A_1181 : vector<32xbf16>
        %get3A_1183 = arith.index_cast %add3A_1163 : i32 to index
        %get3A_1184 = arith.constant 32 : index
        %get3A_1185 = tpu.vector_load %arg7[%get3A_1183, %get3A_1184] {strides = array<i32>} : memref<128x128xi32, #tpu.memory_space<vmem>>, vector<16xi32>,
        %bitcast3A_1186 = vector.bitcast %get3A_1185 : vector<16xi32> to vector<32xbf16>
        %get3A_1187 = arith.index_cast %add3A_1163 : i32 to index
        %get3A_1188 = arith.constant 32 : index
        %get3A_1189 = tpu.vector_load %arg8[%get3A_1187, %get3A_1188] {strides = array<i32>} : memref<128x128xi32, #tpu.memory_space<vmem>>, vector<16xi32>,
        %bitcast3A_1190 = vector.bitcast %get3A_1189 : vector<16xi32> to vector<32xbf16>
        %mul3A_1191 = arith.mulf %bitcast3A_1186, %bitcast3A_1190 : vector<32xbf16>
        %add3A_1192 = arith.addf %add3A_1182, %mul3A_1191 : vector<32xbf16>
        %get3A_1193 = arith.index_cast %add3A_1163 : i32 to index
        %get3A_1194 = arith.constant 48 : index
        %get3A_1195 = tpu.vector_load %arg7[%get3A_1193, %get3A_1194] {strides = array<i32>} : memref<128x128xi32, #tpu.memory_space<vmem>>, vector<16xi32>,
        %bitcast3A_1196 = vector.bitcast %get3A_1195 : vector<16xi32> to vector<32xbf16>
        %get3A_1197 = arith.index_cast %add3A_1163 : i32 to index
        %get3A_1198 = arith.constant 48 : index
        %get3A_1199 = tpu.vector_load %arg8[%get3A_1197, %get3A_1198] {strides = array<i32>} : memref<128x128xi32, #tpu.memory_space<vmem>>, vector<16xi32>,
        %bitcast3A_1200 = vector.bitcast %get3A_1199 : vector<16xi32> to vector<32xbf16>
        %mul3A_1201 = arith.mulf %bitcast3A_1196, %bitcast3A_1200 : vector<32xbf16>
        %add3A_1202 = arith.addf %add3A_1192, %mul3A_1201 : vector<32xbf16>
        %get3A_1203 = arith.index_cast %add3A_1163 : i32 to index
        %get3A_1204 = arith.constant 64 : index
        %get3A_1205 = tpu.vector_load %arg7[%get3A_1203, %get3A_1204] {strides = array<i32>} : memref<128x128xi32, #tpu.memory_space<vmem>>, vector<16xi32>,
        %bitcast3A_1206 = vector.bitcast %get3A_1205 : vector<16xi32> to vector<32xbf16>
        %get3A_1207 = arith.index_cast %add3A_1163 : i32 to index
        %get3A_1208 = arith.constant 64 : index
        %get3A_1209 = tpu.vector_load %arg8[%get3A_1207, %get3A_1208] {strides = array<i32>} : memref<128x128xi32, #tpu.memory_space<vmem>>, vector<16xi32>,
        %bitcast3A_1210 = vector.bitcast %get3A_1209 : vector<16xi32> to vector<32xbf16>
        %mul3A_1211 = arith.mulf %bitcast3A_1206, %bitcast3A_1210 : vector<32xbf16>
        %add3A_1212 = arith.addf %add3A_1202, %mul3A_1211 : vector<32xbf16>
        %get3A_1213 = arith.index_cast %add3A_1163 : i32 to index
        %get3A_1214 = arith.constant 80 : index
        %get3A_1215 = tpu.vector_load %arg7[%get3A_1213, %get3A_1214] {strides = array<i32>} : memref<128x128xi32, #tpu.memory_space<vmem>>, vector<16xi32>,
        %bitcast3A_1216 = vector.bitcast %get3A_1215 : vector<16xi32> to vector<32xbf16>
        %get3A_1217 = arith.index_cast %add3A_1163 : i32 to index
        %get3A_1218 = arith.constant 80 : index
        %get3A_1219 = tpu.vector_load %arg8[%get3A_1217, %get3A_1218] {strides = array<i32>} : memref<128x128xi32, #tpu.memory_space<vmem>>, vector<16xi32>,
        %bitcast3A_1220 = vector.bitcast %get3A_1219 : vector<16xi32> to vector<32xbf16>
        %mul3A_1221 = arith.mulf %bitcast3A_1216, %bitcast3A_1220 : vector<32xbf16>
        %add3A_1222 = arith.addf %add3A_1212, %mul3A_1221 : vector<32xbf16>
        %get3A_1223 = arith.index_cast %add3A_1163 : i32 to index
        %get3A_1224 = arith.constant 96 : index
        %get3A_1225 = tpu.vector_load %arg7[%get3A_1223, %get3A_1224] {strides = array<i32>} : memref<128x128xi32, #tpu.memory_space<vmem>>, vector<16xi32>,
        %bitcast3A_1226 = vector.bitcast %get3A_1225 : vector<16xi32> to vector<32xbf16>
        %get3A_1227 = arith.index_cast %add3A_1163 : i32 to index
        %get3A_1228 = arith.constant 96 : index
        %get3A_1229 = tpu.vector_load %arg8[%get3A_1227, %get3A_1228] {strides = array<i32>} : memref<128x128xi32, #tpu.memory_space<vmem>>, vector<16xi32>,
        %bitcast3A_1230 = vector.bitcast %get3A_1229 : vector<16xi32> to vector<32xbf16>
        %mul3A_1231 = arith.mulf %bitcast3A_1226, %bitcast3A_1230 : vector<32xbf16>
        %add3A_1232 = arith.addf %add3A_1222, %mul3A_1231 : vector<32xbf16>
        %get3A_1233 = arith.index_cast %add3A_1163 : i32 to index
        %get3A_1234 = arith.constant 112 : index
        %get3A_1235 = tpu.vector_load %arg7[%get3A_1233, %get3A_1234] {strides = array<i32>} : memref<128x128xi32, #tpu.memory_space<vmem>>, vector<16xi32>,
        %bitcast3A_1236 = vector.bitcast %get3A_1235 : vector<16xi32> to vector<32xbf16>
        %get3A_1237 = arith.index_cast %add3A_1163 : i32 to index
        %get3A_1238 = arith.constant 112 : index
        %get3A_1239 = tpu.vector_load %arg8[%get3A_1237, %get3A_1238] {strides = array<i32>} : memref<128x128xi32, #tpu.memory_space<vmem>>, vector<16xi32>,
        %bitcast3A_1240 = vector.bitcast %get3A_1239 : vector<16xi32> to vector<32xbf16>
        %mul3A_1241 = arith.mulf %bitcast3A_1236, %bitcast3A_1240 : vector<32xbf16>
        %add3A_1242 = arith.addf %add3A_1232, %mul3A_1241 : vector<32xbf16>
        %unpack3A_1243 = tpu.unpack_subelements %add3A_1242, 0 {pack_format = #tpu.pack_format<interleaved>} : vector<32xbf16> -> vector<16xf32>
        %unpack3A_1244 = tpu.unpack_subelements %add3A_1242, 1 {pack_format = #tpu.pack_format<interleaved>} : vector<32xbf16> -> vector<16xf32>
        %add3A_1245 = arith.addf %unpack3A_1243, %unpack3A_1244 : vector<16xf32>
        %swap3A_1246 = arith.constant 192 : index
        %swap3A_1247 = tpu.vector_load %arg12[%swap3A_1246] {strides = array<i32>} : memref<256xf32, #tpu.memory_space<vmem>>, vector<16xf32>,
        tpu.vector_store %arg12[%swap3A_1246], %add3A_1245 {strides = array<i32>} : memref<256xf32, #tpu.memory_space<vmem>>, vector<16xf32>,
        %mul3A_1248 = arith.constant 16 : i32
        %mul3A_1249 = arith.muli %scan3A_107, %mul3A_1248 : i32
        %add3A_1250 = arith.constant 13 : i32
        %add3A_1251 = arith.addi %mul3A_1249, %add3A_1250 : i32
        %get3A_1252 = arith.index_cast %add3A_1251 : i32 to index
        %get3A_1253 = arith.constant 0 : index
        %get3A_1254 = tpu.vector_load %arg7[%get3A_1252, %get3A_1253] {strides = array<i32>} : memref<128x128xi32, #tpu.memory_space<vmem>>, vector<16xi32>,
        %bitcast3A_1255 = vector.bitcast %get3A_1254 : vector<16xi32> to vector<32xbf16>
        %get3A_1256 = arith.index_cast %add3A_1251 : i32 to index
        %get3A_1257 = arith.constant 0 : index
        %get3A_1258 = tpu.vector_load %arg8[%get3A_1256, %get3A_1257] {strides = array<i32>} : memref<128x128xi32, #tpu.memory_space<vmem>>, vector<16xi32>,
        %bitcast3A_1259 = vector.bitcast %get3A_1258 : vector<16xi32> to vector<32xbf16>
        %mul3A_1260 = arith.mulf %bitcast3A_1255, %bitcast3A_1259 : vector<32xbf16>
        %get3A_1261 = arith.index_cast %add3A_1251 : i32 to index
        %get3A_1262 = arith.constant 16 : index
        %get3A_1263 = tpu.vector_load %arg7[%get3A_1261, %get3A_1262] {strides = array<i32>} : memref<128x128xi32, #tpu.memory_space<vmem>>, vector<16xi32>,
        %bitcast3A_1264 = vector.bitcast %get3A_1263 : vector<16xi32> to vector<32xbf16>
        %get3A_1265 = arith.index_cast %add3A_1251 : i32 to index
        %get3A_1266 = arith.constant 16 : index
        %get3A_1267 = tpu.vector_load %arg8[%get3A_1265, %get3A_1266] {strides = array<i32>} : memref<128x128xi32, #tpu.memory_space<vmem>>, vector<16xi32>,
        %bitcast3A_1268 = vector.bitcast %get3A_1267 : vector<16xi32> to vector<32xbf16>
        %mul3A_1269 = arith.mulf %bitcast3A_1264, %bitcast3A_1268 : vector<32xbf16>
        %add3A_1270 = arith.addf %mul3A_1260, %mul3A_1269 : vector<32xbf16>
        %get3A_1271 = arith.index_cast %add3A_1251 : i32 to index
        %get3A_1272 = arith.constant 32 : index
        %get3A_1273 = tpu.vector_load %arg7[%get3A_1271, %get3A_1272] {strides = array<i32>} : memref<128x128xi32, #tpu.memory_space<vmem>>, vector<16xi32>,
        %bitcast3A_1274 = vector.bitcast %get3A_1273 : vector<16xi32> to vector<32xbf16>
        %get3A_1275 = arith.index_cast %add3A_1251 : i32 to index
        %get3A_1276 = arith.constant 32 : index
        %get3A_1277 = tpu.vector_load %arg8[%get3A_1275, %get3A_1276] {strides = array<i32>} : memref<128x128xi32, #tpu.memory_space<vmem>>, vector<16xi32>,
        %bitcast3A_1278 = vector.bitcast %get3A_1277 : vector<16xi32> to vector<32xbf16>
        %mul3A_1279 = arith.mulf %bitcast3A_1274, %bitcast3A_1278 : vector<32xbf16>
        %add3A_1280 = arith.addf %add3A_1270, %mul3A_1279 : vector<32xbf16>
        %get3A_1281 = arith.index_cast %add3A_1251 : i32 to index
        %get3A_1282 = arith.constant 48 : index
        %get3A_1283 = tpu.vector_load %arg7[%get3A_1281, %get3A_1282] {strides = array<i32>} : memref<128x128xi32, #tpu.memory_space<vmem>>, vector<16xi32>,
        %bitcast3A_1284 = vector.bitcast %get3A_1283 : vector<16xi32> to vector<32xbf16>
        %get3A_1285 = arith.index_cast %add3A_1251 : i32 to index
        %get3A_1286 = arith.constant 48 : index
        %get3A_1287 = tpu.vector_load %arg8[%get3A_1285, %get3A_1286] {strides = array<i32>} : memref<128x128xi32, #tpu.memory_space<vmem>>, vector<16xi32>,
        %bitcast3A_1288 = vector.bitcast %get3A_1287 : vector<16xi32> to vector<32xbf16>
        %mul3A_1289 = arith.mulf %bitcast3A_1284, %bitcast3A_1288 : vector<32xbf16>
        %add3A_1290 = arith.addf %add3A_1280, %mul3A_1289 : vector<32xbf16>
        %get3A_1291 = arith.index_cast %add3A_1251 : i32 to index
        %get3A_1292 = arith.constant 64 : index
        %get3A_1293 = tpu.vector_load %arg7[%get3A_1291, %get3A_1292] {strides = array<i32>} : memref<128x128xi32, #tpu.memory_space<vmem>>, vector<16xi32>,
        %bitcast3A_1294 = vector.bitcast %get3A_1293 : vector<16xi32> to vector<32xbf16>
        %get3A_1295 = arith.index_cast %add3A_1251 : i32 to index
        %get3A_1296 = arith.constant 64 : index
        %get3A_1297 = tpu.vector_load %arg8[%get3A_1295, %get3A_1296] {strides = array<i32>} : memref<128x128xi32, #tpu.memory_space<vmem>>, vector<16xi32>,
        %bitcast3A_1298 = vector.bitcast %get3A_1297 : vector<16xi32> to vector<32xbf16>
        %mul3A_1299 = arith.mulf %bitcast3A_1294, %bitcast3A_1298 : vector<32xbf16>
        %add3A_1300 = arith.addf %add3A_1290, %mul3A_1299 : vector<32xbf16>
        %get3A_1301 = arith.index_cast %add3A_1251 : i32 to index
        %get3A_1302 = arith.constant 80 : index
        %get3A_1303 = tpu.vector_load %arg7[%get3A_1301, %get3A_1302] {strides = array<i32>} : memref<128x128xi32, #tpu.memory_space<vmem>>, vector<16xi32>,
        %bitcast3A_1304 = vector.bitcast %get3A_1303 : vector<16xi32> to vector<32xbf16>
        %get3A_1305 = arith.index_cast %add3A_1251 : i32 to index
        %get3A_1306 = arith.constant 80 : index
        %get3A_1307 = tpu.vector_load %arg8[%get3A_1305, %get3A_1306] {strides = array<i32>} : memref<128x128xi32, #tpu.memory_space<vmem>>, vector<16xi32>,
        %bitcast3A_1308 = vector.bitcast %get3A_1307 : vector<16xi32> to vector<32xbf16>
        %mul3A_1309 = arith.mulf %bitcast3A_1304, %bitcast3A_1308 : vector<32xbf16>
        %add3A_1310 = arith.addf %add3A_1300, %mul3A_1309 : vector<32xbf16>
        %get3A_1311 = arith.index_cast %add3A_1251 : i32 to index
        %get3A_1312 = arith.constant 96 : index
        %get3A_1313 = tpu.vector_load %arg7[%get3A_1311, %get3A_1312] {strides = array<i32>} : memref<128x128xi32, #tpu.memory_space<vmem>>, vector<16xi32>,
        %bitcast3A_1314 = vector.bitcast %get3A_1313 : vector<16xi32> to vector<32xbf16>
        %get3A_1315 = arith.index_cast %add3A_1251 : i32 to index
        %get3A_1316 = arith.constant 96 : index
        %get3A_1317 = tpu.vector_load %arg8[%get3A_1315, %get3A_1316] {strides = array<i32>} : memref<128x128xi32, #tpu.memory_space<vmem>>, vector<16xi32>,
        %bitcast3A_1318 = vector.bitcast %get3A_1317 : vector<16xi32> to vector<32xbf16>
        %mul3A_1319 = arith.mulf %bitcast3A_1314, %bitcast3A_1318 : vector<32xbf16>
        %add3A_1320 = arith.addf %add3A_1310, %mul3A_1319 : vector<32xbf16>
        %get3A_1321 = arith.index_cast %add3A_1251 : i32 to index
        %get3A_1322 = arith.constant 112 : index
        %get3A_1323 = tpu.vector_load %arg7[%get3A_1321, %get3A_1322] {strides = array<i32>} : memref<128x128xi32, #tpu.memory_space<vmem>>, vector<16xi32>,
        %bitcast3A_1324 = vector.bitcast %get3A_1323 : vector<16xi32> to vector<32xbf16>
        %get3A_1325 = arith.index_cast %add3A_1251 : i32 to index
        %get3A_1326 = arith.constant 112 : index
        %get3A_1327 = tpu.vector_load %arg8[%get3A_1325, %get3A_1326] {strides = array<i32>} : memref<128x128xi32, #tpu.memory_space<vmem>>, vector<16xi32>,
        %bitcast3A_1328 = vector.bitcast %get3A_1327 : vector<16xi32> to vector<32xbf16>
        %mul3A_1329 = arith.mulf %bitcast3A_1324, %bitcast3A_1328 : vector<32xbf16>
        %add3A_1330 = arith.addf %add3A_1320, %mul3A_1329 : vector<32xbf16>
        %unpack3A_1331 = tpu.unpack_subelements %add3A_1330, 0 {pack_format = #tpu.pack_format<interleaved>} : vector<32xbf16> -> vector<16xf32>
        %unpack3A_1332 = tpu.unpack_subelements %add3A_1330, 1 {pack_format = #tpu.pack_format<interleaved>} : vector<32xbf16> -> vector<16xf32>
        %add3A_1333 = arith.addf %unpack3A_1331, %unpack3A_1332 : vector<16xf32>
        %swap3A_1334 = arith.constant 208 : index
        %swap3A_1335 = tpu.vector_load %arg12[%swap3A_1334] {strides = array<i32>} : memref<256xf32, #tpu.memory_space<vmem>>, vector<16xf32>,
        tpu.vector_store %arg12[%swap3A_1334], %add3A_1333 {strides = array<i32>} : memref<256xf32, #tpu.memory_space<vmem>>, vector<16xf32>,
        %mul3A_1336 = arith.constant 16 : i32
        %mul3A_1337 = arith.muli %scan3A_107, %mul3A_1336 : i32
        %add3A_1338 = arith.constant 14 : i32
        %add3A_1339 = arith.addi %mul3A_1337, %add3A_1338 : i32
        %get3A_1340 = arith.index_cast %add3A_1339 : i32 to index
        %get3A_1341 = arith.constant 0 : index
        %get3A_1342 = tpu.vector_load %arg7[%get3A_1340, %get3A_1341] {strides = array<i32>} : memref<128x128xi32, #tpu.memory_space<vmem>>, vector<16xi32>,
        %bitcast3A_1343 = vector.bitcast %get3A_1342 : vector<16xi32> to vector<32xbf16>
        %get3A_1344 = arith.index_cast %add3A_1339 : i32 to index
        %get3A_1345 = arith.constant 0 : index
        %get3A_1346 = tpu.vector_load %arg8[%get3A_1344, %get3A_1345] {strides = array<i32>} : memref<128x128xi32, #tpu.memory_space<vmem>>, vector<16xi32>,
        %bitcast3A_1347 = vector.bitcast %get3A_1346 : vector<16xi32> to vector<32xbf16>
        %mul3A_1348 = arith.mulf %bitcast3A_1343, %bitcast3A_1347 : vector<32xbf16>
        %get3A_1349 = arith.index_cast %add3A_1339 : i32 to index
        %get3A_1350 = arith.constant 16 : index
        %get3A_1351 = tpu.vector_load %arg7[%get3A_1349, %get3A_1350] {strides = array<i32>} : memref<128x128xi32, #tpu.memory_space<vmem>>, vector<16xi32>,
        %bitcast3A_1352 = vector.bitcast %get3A_1351 : vector<16xi32> to vector<32xbf16>
        %get3A_1353 = arith.index_cast %add3A_1339 : i32 to index
        %get3A_1354 = arith.constant 16 : index
        %get3A_1355 = tpu.vector_load %arg8[%get3A_1353, %get3A_1354] {strides = array<i32>} : memref<128x128xi32, #tpu.memory_space<vmem>>, vector<16xi32>,
        %bitcast3A_1356 = vector.bitcast %get3A_1355 : vector<16xi32> to vector<32xbf16>
        %mul3A_1357 = arith.mulf %bitcast3A_1352, %bitcast3A_1356 : vector<32xbf16>
        %add3A_1358 = arith.addf %mul3A_1348, %mul3A_1357 : vector<32xbf16>
        %get3A_1359 = arith.index_cast %add3A_1339 : i32 to index
        %get3A_1360 = arith.constant 32 : index
        %get3A_1361 = tpu.vector_load %arg7[%get3A_1359, %get3A_1360] {strides = array<i32>} : memref<128x128xi32, #tpu.memory_space<vmem>>, vector<16xi32>,
        %bitcast3A_1362 = vector.bitcast %get3A_1361 : vector<16xi32> to vector<32xbf16>
        %get3A_1363 = arith.index_cast %add3A_1339 : i32 to index
        %get3A_1364 = arith.constant 32 : index
        %get3A_1365 = tpu.vector_load %arg8[%get3A_1363, %get3A_1364] {strides = array<i32>} : memref<128x128xi32, #tpu.memory_space<vmem>>, vector<16xi32>,
        %bitcast3A_1366 = vector.bitcast %get3A_1365 : vector<16xi32> to vector<32xbf16>
        %mul3A_1367 = arith.mulf %bitcast3A_1362, %bitcast3A_1366 : vector<32xbf16>
        %add3A_1368 = arith.addf %add3A_1358, %mul3A_1367 : vector<32xbf16>
        %get3A_1369 = arith.index_cast %add3A_1339 : i32 to index
        %get3A_1370 = arith.constant 48 : index
        %get3A_1371 = tpu.vector_load %arg7[%get3A_1369, %get3A_1370] {strides = array<i32>} : memref<128x128xi32, #tpu.memory_space<vmem>>, vector<16xi32>,
        %bitcast3A_1372 = vector.bitcast %get3A_1371 : vector<16xi32> to vector<32xbf16>
        %get3A_1373 = arith.index_cast %add3A_1339 : i32 to index
        %get3A_1374 = arith.constant 48 : index
        %get3A_1375 = tpu.vector_load %arg8[%get3A_1373, %get3A_1374] {strides = array<i32>} : memref<128x128xi32, #tpu.memory_space<vmem>>, vector<16xi32>,
        %bitcast3A_1376 = vector.bitcast %get3A_1375 : vector<16xi32> to vector<32xbf16>
        %mul3A_1377 = arith.mulf %bitcast3A_1372, %bitcast3A_1376 : vector<32xbf16>
        %add3A_1378 = arith.addf %add3A_1368, %mul3A_1377 : vector<32xbf16>
        %get3A_1379 = arith.index_cast %add3A_1339 : i32 to index
        %get3A_1380 = arith.constant 64 : index
        %get3A_1381 = tpu.vector_load %arg7[%get3A_1379, %get3A_1380] {strides = array<i32>} : memref<128x128xi32, #tpu.memory_space<vmem>>, vector<16xi32>,
        %bitcast3A_1382 = vector.bitcast %get3A_1381 : vector<16xi32> to vector<32xbf16>
        %get3A_1383 = arith.index_cast %add3A_1339 : i32 to index
        %get3A_1384 = arith.constant 64 : index
        %get3A_1385 = tpu.vector_load %arg8[%get3A_1383, %get3A_1384] {strides = array<i32>} : memref<128x128xi32, #tpu.memory_space<vmem>>, vector<16xi32>,
        %bitcast3A_1386 = vector.bitcast %get3A_1385 : vector<16xi32> to vector<32xbf16>
        %mul3A_1387 = arith.mulf %bitcast3A_1382, %bitcast3A_1386 : vector<32xbf16>
        %add3A_1388 = arith.addf %add3A_1378, %mul3A_1387 : vector<32xbf16>
        %get3A_1389 = arith.index_cast %add3A_1339 : i32 to index
        %get3A_1390 = arith.constant 80 : index
        %get3A_1391 = tpu.vector_load %arg7[%get3A_1389, %get3A_1390] {strides = array<i32>} : memref<128x128xi32, #tpu.memory_space<vmem>>, vector<16xi32>,
        %bitcast3A_1392 = vector.bitcast %get3A_1391 : vector<16xi32> to vector<32xbf16>
        %get3A_1393 = arith.index_cast %add3A_1339 : i32 to index
        %get3A_1394 = arith.constant 80 : index
        %get3A_1395 = tpu.vector_load %arg8[%get3A_1393, %get3A_1394] {strides = array<i32>} : memref<128x128xi32, #tpu.memory_space<vmem>>, vector<16xi32>,
        %bitcast3A_1396 = vector.bitcast %get3A_1395 : vector<16xi32> to vector<32xbf16>
        %mul3A_1397 = arith.mulf %bitcast3A_1392, %bitcast3A_1396 : vector<32xbf16>
        %add3A_1398 = arith.addf %add3A_1388, %mul3A_1397 : vector<32xbf16>
        %get3A_1399 = arith.index_cast %add3A_1339 : i32 to index
        %get3A_1400 = arith.constant 96 : index
        %get3A_1401 = tpu.vector_load %arg7[%get3A_1399, %get3A_1400] {strides = array<i32>} : memref<128x128xi32, #tpu.memory_space<vmem>>, vector<16xi32>,
        %bitcast3A_1402 = vector.bitcast %get3A_1401 : vector<16xi32> to vector<32xbf16>
        %get3A_1403 = arith.index_cast %add3A_1339 : i32 to index
        %get3A_1404 = arith.constant 96 : index
        %get3A_1405 = tpu.vector_load %arg8[%get3A_1403, %get3A_1404] {strides = array<i32>} : memref<128x128xi32, #tpu.memory_space<vmem>>, vector<16xi32>,
        %bitcast3A_1406 = vector.bitcast %get3A_1405 : vector<16xi32> to vector<32xbf16>
        %mul3A_1407 = arith.mulf %bitcast3A_1402, %bitcast3A_1406 : vector<32xbf16>
        %add3A_1408 = arith.addf %add3A_1398, %mul3A_1407 : vector<32xbf16>
        %get3A_1409 = arith.index_cast %add3A_1339 : i32 to index
        %get3A_1410 = arith.constant 112 : index
        %get3A_1411 = tpu.vector_load %arg7[%get3A_1409, %get3A_1410] {strides = array<i32>} : memref<128x128xi32, #tpu.memory_space<vmem>>, vector<16xi32>,
        %bitcast3A_1412 = vector.bitcast %get3A_1411 : vector<16xi32> to vector<32xbf16>
        %get3A_1413 = arith.index_cast %add3A_1339 : i32 to index
        %get3A_1414 = arith.constant 112 : index
        %get3A_1415 = tpu.vector_load %arg8[%get3A_1413, %get3A_1414] {strides = array<i32>} : memref<128x128xi32, #tpu.memory_space<vmem>>, vector<16xi32>,
        %bitcast3A_1416 = vector.bitcast %get3A_1415 : vector<16xi32> to vector<32xbf16>
        %mul3A_1417 = arith.mulf %bitcast3A_1412, %bitcast3A_1416 : vector<32xbf16>
        %add3A_1418 = arith.addf %add3A_1408, %mul3A_1417 : vector<32xbf16>
        %unpack3A_1419 = tpu.unpack_subelements %add3A_1418, 0 {pack_format = #tpu.pack_format<interleaved>} : vector<32xbf16> -> vector<16xf32>
        %unpack3A_1420 = tpu.unpack_subelements %add3A_1418, 1 {pack_format = #tpu.pack_format<interleaved>} : vector<32xbf16> -> vector<16xf32>
        %add3A_1421 = arith.addf %unpack3A_1419, %unpack3A_1420 : vector<16xf32>
        %swap3A_1422 = arith.constant 224 : index
        %swap3A_1423 = tpu.vector_load %arg12[%swap3A_1422] {strides = array<i32>} : memref<256xf32, #tpu.memory_space<vmem>>, vector<16xf32>,
        tpu.vector_store %arg12[%swap3A_1422], %add3A_1421 {strides = array<i32>} : memref<256xf32, #tpu.memory_space<vmem>>, vector<16xf32>,
        %mul3A_1424 = arith.constant 16 : i32
        %mul3A_1425 = arith.muli %scan3A_107, %mul3A_1424 : i32
        %add3A_1426 = arith.constant 15 : i32
        %add3A_1427 = arith.addi %mul3A_1425, %add3A_1426 : i32
        %get3A_1428 = arith.index_cast %add3A_1427 : i32 to index
        %get3A_1429 = arith.constant 0 : index
        %get3A_1430 = tpu.vector_load %arg7[%get3A_1428, %get3A_1429] {strides = array<i32>} : memref<128x128xi32, #tpu.memory_space<vmem>>, vector<16xi32>,
        %bitcast3A_1431 = vector.bitcast %get3A_1430 : vector<16xi32> to vector<32xbf16>
        %get3A_1432 = arith.index_cast %add3A_1427 : i32 to index
        %get3A_1433 = arith.constant 0 : index
        %get3A_1434 = tpu.vector_load %arg8[%get3A_1432, %get3A_1433] {strides = array<i32>} : memref<128x128xi32, #tpu.memory_space<vmem>>, vector<16xi32>,
        %bitcast3A_1435 = vector.bitcast %get3A_1434 : vector<16xi32> to vector<32xbf16>
        %mul3A_1436 = arith.mulf %bitcast3A_1431, %bitcast3A_1435 : vector<32xbf16>
        %get3A_1437 = arith.index_cast %add3A_1427 : i32 to index
        %get3A_1438 = arith.constant 16 : index
        %get3A_1439 = tpu.vector_load %arg7[%get3A_1437, %get3A_1438] {strides = array<i32>} : memref<128x128xi32, #tpu.memory_space<vmem>>, vector<16xi32>,
        %bitcast3A_1440 = vector.bitcast %get3A_1439 : vector<16xi32> to vector<32xbf16>
        %get3A_1441 = arith.index_cast %add3A_1427 : i32 to index
        %get3A_1442 = arith.constant 16 : index
        %get3A_1443 = tpu.vector_load %arg8[%get3A_1441, %get3A_1442] {strides = array<i32>} : memref<128x128xi32, #tpu.memory_space<vmem>>, vector<16xi32>,
        %bitcast3A_1444 = vector.bitcast %get3A_1443 : vector<16xi32> to vector<32xbf16>
        %mul3A_1445 = arith.mulf %bitcast3A_1440, %bitcast3A_1444 : vector<32xbf16>
        %add3A_1446 = arith.addf %mul3A_1436, %mul3A_1445 : vector<32xbf16>
        %get3A_1447 = arith.index_cast %add3A_1427 : i32 to index
        %get3A_1448 = arith.constant 32 : index
        %get3A_1449 = tpu.vector_load %arg7[%get3A_1447, %get3A_1448] {strides = array<i32>} : memref<128x128xi32, #tpu.memory_space<vmem>>, vector<16xi32>,
        %bitcast3A_1450 = vector.bitcast %get3A_1449 : vector<16xi32> to vector<32xbf16>
        %get3A_1451 = arith.index_cast %add3A_1427 : i32 to index
        %get3A_1452 = arith.constant 32 : index
        %get3A_1453 = tpu.vector_load %arg8[%get3A_1451, %get3A_1452] {strides = array<i32>} : memref<128x128xi32, #tpu.memory_space<vmem>>, vector<16xi32>,
        %bitcast3A_1454 = vector.bitcast %get3A_1453 : vector<16xi32> to vector<32xbf16>
        %mul3A_1455 = arith.mulf %bitcast3A_1450, %bitcast3A_1454 : vector<32xbf16>
        %add3A_1456 = arith.addf %add3A_1446, %mul3A_1455 : vector<32xbf16>
        %get3A_1457 = arith.index_cast %add3A_1427 : i32 to index
        %get3A_1458 = arith.constant 48 : index
        %get3A_1459 = tpu.vector_load %arg7[%get3A_1457, %get3A_1458] {strides = array<i32>} : memref<128x128xi32, #tpu.memory_space<vmem>>, vector<16xi32>,
        %bitcast3A_1460 = vector.bitcast %get3A_1459 : vector<16xi32> to vector<32xbf16>
        %get3A_1461 = arith.index_cast %add3A_1427 : i32 to index
        %get3A_1462 = arith.constant 48 : index
        %get3A_1463 = tpu.vector_load %arg8[%get3A_1461, %get3A_1462] {strides = array<i32>} : memref<128x128xi32, #tpu.memory_space<vmem>>, vector<16xi32>,
        %bitcast3A_1464 = vector.bitcast %get3A_1463 : vector<16xi32> to vector<32xbf16>
        %mul3A_1465 = arith.mulf %bitcast3A_1460, %bitcast3A_1464 : vector<32xbf16>
        %add3A_1466 = arith.addf %add3A_1456, %mul3A_1465 : vector<32xbf16>
        %get3A_1467 = arith.index_cast %add3A_1427 : i32 to index
        %get3A_1468 = arith.constant 64 : index
        %get3A_1469 = tpu.vector_load %arg7[%get3A_1467, %get3A_1468] {strides = array<i32>} : memref<128x128xi32, #tpu.memory_space<vmem>>, vector<16xi32>,
        %bitcast3A_1470 = vector.bitcast %get3A_1469 : vector<16xi32> to vector<32xbf16>
        %get3A_1471 = arith.index_cast %add3A_1427 : i32 to index
        %get3A_1472 = arith.constant 64 : index
        %get3A_1473 = tpu.vector_load %arg8[%get3A_1471, %get3A_1472] {strides = array<i32>} : memref<128x128xi32, #tpu.memory_space<vmem>>, vector<16xi32>,
        %bitcast3A_1474 = vector.bitcast %get3A_1473 : vector<16xi32> to vector<32xbf16>
        %mul3A_1475 = arith.mulf %bitcast3A_1470, %bitcast3A_1474 : vector<32xbf16>
        %add3A_1476 = arith.addf %add3A_1466, %mul3A_1475 : vector<32xbf16>
        %get3A_1477 = arith.index_cast %add3A_1427 : i32 to index
        %get3A_1478 = arith.constant 80 : index
        %get3A_1479 = tpu.vector_load %arg7[%get3A_1477, %get3A_1478] {strides = array<i32>} : memref<128x128xi32, #tpu.memory_space<vmem>>, vector<16xi32>,
        %bitcast3A_1480 = vector.bitcast %get3A_1479 : vector<16xi32> to vector<32xbf16>
        %get3A_1481 = arith.index_cast %add3A_1427 : i32 to index
        %get3A_1482 = arith.constant 80 : index
        %get3A_1483 = tpu.vector_load %arg8[%get3A_1481, %get3A_1482] {strides = array<i32>} : memref<128x128xi32, #tpu.memory_space<vmem>>, vector<16xi32>,
        %bitcast3A_1484 = vector.bitcast %get3A_1483 : vector<16xi32> to vector<32xbf16>
        %mul3A_1485 = arith.mulf %bitcast3A_1480, %bitcast3A_1484 : vector<32xbf16>
        %add3A_1486 = arith.addf %add3A_1476, %mul3A_1485 : vector<32xbf16>
        %get3A_1487 = arith.index_cast %add3A_1427 : i32 to index
        %get3A_1488 = arith.constant 96 : index
        %get3A_1489 = tpu.vector_load %arg7[%get3A_1487, %get3A_1488] {strides = array<i32>} : memref<128x128xi32, #tpu.memory_space<vmem>>, vector<16xi32>,
        %bitcast3A_1490 = vector.bitcast %get3A_1489 : vector<16xi32> to vector<32xbf16>
        %get3A_1491 = arith.index_cast %add3A_1427 : i32 to index
        %get3A_1492 = arith.constant 96 : index
        %get3A_1493 = tpu.vector_load %arg8[%get3A_1491, %get3A_1492] {strides = array<i32>} : memref<128x128xi32, #tpu.memory_space<vmem>>, vector<16xi32>,
        %bitcast3A_1494 = vector.bitcast %get3A_1493 : vector<16xi32> to vector<32xbf16>
        %mul3A_1495 = arith.mulf %bitcast3A_1490, %bitcast3A_1494 : vector<32xbf16>
        %add3A_1496 = arith.addf %add3A_1486, %mul3A_1495 : vector<32xbf16>
        %get3A_1497 = arith.index_cast %add3A_1427 : i32 to index
        %get3A_1498 = arith.constant 112 : index
        %get3A_1499 = tpu.vector_load %arg7[%get3A_1497, %get3A_1498] {strides = array<i32>} : memref<128x128xi32, #tpu.memory_space<vmem>>, vector<16xi32>,
        %bitcast3A_1500 = vector.bitcast %get3A_1499 : vector<16xi32> to vector<32xbf16>
        %get3A_1501 = arith.index_cast %add3A_1427 : i32 to index
        %get3A_1502 = arith.constant 112 : index
        %get3A_1503 = tpu.vector_load %arg8[%get3A_1501, %get3A_1502] {strides = array<i32>} : memref<128x128xi32, #tpu.memory_space<vmem>>, vector<16xi32>,
        %bitcast3A_1504 = vector.bitcast %get3A_1503 : vector<16xi32> to vector<32xbf16>
        %mul3A_1505 = arith.mulf %bitcast3A_1500, %bitcast3A_1504 : vector<32xbf16>
        %add3A_1506 = arith.addf %add3A_1496, %mul3A_1505 : vector<32xbf16>
        %unpack3A_1507 = tpu.unpack_subelements %add3A_1506, 0 {pack_format = #tpu.pack_format<interleaved>} : vector<32xbf16> -> vector<16xf32>
        %unpack3A_1508 = tpu.unpack_subelements %add3A_1506, 1 {pack_format = #tpu.pack_format<interleaved>} : vector<32xbf16> -> vector<16xf32>
        %add3A_1509 = arith.addf %unpack3A_1507, %unpack3A_1508 : vector<16xf32>
        %swap3A_1510 = arith.constant 240 : index
        %swap3A_1511 = tpu.vector_load %arg12[%swap3A_1510] {strides = array<i32>} : memref<256xf32, #tpu.memory_space<vmem>>, vector<16xf32>,
        tpu.vector_store %arg12[%swap3A_1510], %add3A_1509 {strides = array<i32>} : memref<256xf32, #tpu.memory_space<vmem>>, vector<16xf32>,
        %mul3A_1512 = arith.constant 16 : i32
        %mul3A_1513 = vector.broadcast %mul3A_1512 : i32 to vector<16xi32>
        %mul3A_1514 = arith.muli %iota3A, %mul3A_1513 : vector<16xi32>
        %gather3A = tpu.vector_load_idx %arg12[%mul3A_1514] : memref<256xf32, #tpu.memory_space<vmem>>[vector<16xi32>], vector<16xf32>,
        %add3A_1515 = arith.constant 1 : i32
        %add3A_1516 = vector.broadcast %add3A_1515 : i32 to vector<16xi32>
        %add3A_1517 = arith.addi %mul3A_1514, %add3A_1516 : vector<16xi32>
        %gather3A_1518 = tpu.vector_load_idx %arg12[%add3A_1517] : memref<256xf32, #tpu.memory_space<vmem>>[vector<16xi32>], vector<16xf32>,
        %add3A_1519 = arith.addf %gather3A, %gather3A_1518 : vector<16xf32>
        %add3A_1520 = arith.constant 2 : i32
        %add3A_1521 = vector.broadcast %add3A_1520 : i32 to vector<16xi32>
        %add3A_1522 = arith.addi %mul3A_1514, %add3A_1521 : vector<16xi32>
        %gather3A_1523 = tpu.vector_load_idx %arg12[%add3A_1522] : memref<256xf32, #tpu.memory_space<vmem>>[vector<16xi32>], vector<16xf32>,
        %add3A_1524 = arith.addf %add3A_1519, %gather3A_1523 : vector<16xf32>
        %add3A_1525 = arith.constant 3 : i32
        %add3A_1526 = vector.broadcast %add3A_1525 : i32 to vector<16xi32>
        %add3A_1527 = arith.addi %mul3A_1514, %add3A_1526 : vector<16xi32>
        %gather3A_1528 = tpu.vector_load_idx %arg12[%add3A_1527] : memref<256xf32, #tpu.memory_space<vmem>>[vector<16xi32>], vector<16xf32>,
        %add3A_1529 = arith.addf %add3A_1524, %gather3A_1528 : vector<16xf32>
        %add3A_1530 = arith.constant 4 : i32
        %add3A_1531 = vector.broadcast %add3A_1530 : i32 to vector<16xi32>
        %add3A_1532 = arith.addi %mul3A_1514, %add3A_1531 : vector<16xi32>
        %gather3A_1533 = tpu.vector_load_idx %arg12[%add3A_1532] : memref<256xf32, #tpu.memory_space<vmem>>[vector<16xi32>], vector<16xf32>,
        %add3A_1534 = arith.addf %add3A_1529, %gather3A_1533 : vector<16xf32>
        %add3A_1535 = arith.constant 5 : i32
        %add3A_1536 = vector.broadcast %add3A_1535 : i32 to vector<16xi32>
        %add3A_1537 = arith.addi %mul3A_1514, %add3A_1536 : vector<16xi32>
        %gather3A_1538 = tpu.vector_load_idx %arg12[%add3A_1537] : memref<256xf32, #tpu.memory_space<vmem>>[vector<16xi32>], vector<16xf32>,
        %add3A_1539 = arith.addf %add3A_1534, %gather3A_1538 : vector<16xf32>
        %add3A_1540 = arith.constant 6 : i32
        %add3A_1541 = vector.broadcast %add3A_1540 : i32 to vector<16xi32>
        %add3A_1542 = arith.addi %mul3A_1514, %add3A_1541 : vector<16xi32>
        %gather3A_1543 = tpu.vector_load_idx %arg12[%add3A_1542] : memref<256xf32, #tpu.memory_space<vmem>>[vector<16xi32>], vector<16xf32>,
        %add3A_1544 = arith.addf %add3A_1539, %gather3A_1543 : vector<16xf32>
        %add3A_1545 = arith.constant 7 : i32
        %add3A_1546 = vector.broadcast %add3A_1545 : i32 to vector<16xi32>
        %add3A_1547 = arith.addi %mul3A_1514, %add3A_1546 : vector<16xi32>
        %gather3A_1548 = tpu.vector_load_idx %arg12[%add3A_1547] : memref<256xf32, #tpu.memory_space<vmem>>[vector<16xi32>], vector<16xf32>,
        %add3A_1549 = arith.addf %add3A_1544, %gather3A_1548 : vector<16xf32>
        %add3A_1550 = arith.constant 8 : i32
        %add3A_1551 = vector.broadcast %add3A_1550 : i32 to vector<16xi32>
        %add3A_1552 = arith.addi %mul3A_1514, %add3A_1551 : vector<16xi32>
        %gather3A_1553 = tpu.vector_load_idx %arg12[%add3A_1552] : memref<256xf32, #tpu.memory_space<vmem>>[vector<16xi32>], vector<16xf32>,
        %add3A_1554 = arith.addf %add3A_1549, %gather3A_1553 : vector<16xf32>
        %add3A_1555 = arith.constant 9 : i32
        %add3A_1556 = vector.broadcast %add3A_1555 : i32 to vector<16xi32>
        %add3A_1557 = arith.addi %mul3A_1514, %add3A_1556 : vector<16xi32>
        %gather3A_1558 = tpu.vector_load_idx %arg12[%add3A_1557] : memref<256xf32, #tpu.memory_space<vmem>>[vector<16xi32>], vector<16xf32>,
        %add3A_1559 = arith.addf %add3A_1554, %gather3A_1558 : vector<16xf32>
        %add3A_1560 = arith.constant 10 : i32
        %add3A_1561 = vector.broadcast %add3A_1560 : i32 to vector<16xi32>
        %add3A_1562 = arith.addi %mul3A_1514, %add3A_1561 : vector<16xi32>
        %gather3A_1563 = tpu.vector_load_idx %arg12[%add3A_1562] : memref<256xf32, #tpu.memory_space<vmem>>[vector<16xi32>], vector<16xf32>,
        %add3A_1564 = arith.addf %add3A_1559, %gather3A_1563 : vector<16xf32>
        %add3A_1565 = arith.constant 11 : i32
        %add3A_1566 = vector.broadcast %add3A_1565 : i32 to vector<16xi32>
        %add3A_1567 = arith.addi %mul3A_1514, %add3A_1566 : vector<16xi32>
        %gather3A_1568 = tpu.vector_load_idx %arg12[%add3A_1567] : memref<256xf32, #tpu.memory_space<vmem>>[vector<16xi32>], vector<16xf32>,
        %add3A_1569 = arith.addf %add3A_1564, %gather3A_1568 : vector<16xf32>
        %add3A_1570 = arith.constant 12 : i32
        %add3A_1571 = vector.broadcast %add3A_1570 : i32 to vector<16xi32>
        %add3A_1572 = arith.addi %mul3A_1514, %add3A_1571 : vector<16xi32>
        %gather3A_1573 = tpu.vector_load_idx %arg12[%add3A_1572] : memref<256xf32, #tpu.memory_space<vmem>>[vector<16xi32>], vector<16xf32>,
        %add3A_1574 = arith.addf %add3A_1569, %gather3A_1573 : vector<16xf32>
        %add3A_1575 = arith.constant 13 : i32
        %add3A_1576 = vector.broadcast %add3A_1575 : i32 to vector<16xi32>
        %add3A_1577 = arith.addi %mul3A_1514, %add3A_1576 : vector<16xi32>
        %gather3A_1578 = tpu.vector_load_idx %arg12[%add3A_1577] : memref<256xf32, #tpu.memory_space<vmem>>[vector<16xi32>], vector<16xf32>,
        %add3A_1579 = arith.addf %add3A_1574, %gather3A_1578 : vector<16xf32>
        %add3A_1580 = arith.constant 14 : i32
        %add3A_1581 = vector.broadcast %add3A_1580 : i32 to vector<16xi32>
        %add3A_1582 = arith.addi %mul3A_1514, %add3A_1581 : vector<16xi32>
        %gather3A_1583 = tpu.vector_load_idx %arg12[%add3A_1582] : memref<256xf32, #tpu.memory_space<vmem>>[vector<16xi32>], vector<16xf32>,
        %add3A_1584 = arith.addf %add3A_1579, %gather3A_1583 : vector<16xf32>
        %add3A_1585 = arith.constant 15 : i32
        %add3A_1586 = vector.broadcast %add3A_1585 : i32 to vector<16xi32>
        %add3A_1587 = arith.addi %mul3A_1514, %add3A_1586 : vector<16xi32>
        %gather3A_1588 = tpu.vector_load_idx %arg12[%add3A_1587] : memref<256xf32, #tpu.memory_space<vmem>>[vector<16xi32>], vector<16xf32>,
        %add3A_1589 = arith.addf %add3A_1584, %gather3A_1588 : vector<16xf32>
        %neg3A = arith.constant 0.000000e+00 : f32
        %neg3A_1590 = vector.broadcast %neg3A : f32 to vector<16xf32>
        %neg3A_1591 = arith.subf %neg3A_1590, %add3A_1589 : vector<16xf32>
        %exp3A = math.exp %neg3A_1591 : vector<16xf32>
        %add3A_1592 = arith.constant 1.000000e+00 : f32
        %add3A_1593 = vector.broadcast %add3A_1592 : f32 to vector<16xf32>
        %add3A_1594 = arith.addf %add3A_1593, %exp3A : vector<16xf32>
        %div3A = arith.constant 1.000000e+00 : f32
        %div3A_1595 = vector.broadcast %div3A : f32 to vector<16xf32>
        %div3A_1596 = arith.divf %div3A_1595, %add3A_1594 : vector<16xf32>
        %mul3A_1597 = arith.constant 16 : i32
        %mul3A_1598 = arith.muli %scan3A_107, %mul3A_1597 : i32
        %add3A_1599 = arith.addi %min3A_62, %mul3A_1598 : i32
        %swap3A_1600 = arith.index_cast %add3A_1599 : i32 to index
        %swap3A_1601 = tpu.vector_load %arg11[%swap3A_1600] {strides = array<i32>} : memref<5000xf32, #tpu.memory_space<vmem>>, vector<16xf32>,
        tpu.vector_store %arg11[%swap3A_1600], %div3A_1596 {strides = array<i32>} : memref<5000xf32, #tpu.memory_space<vmem>>, vector<16xf32>,
      }
      %scan3A_68 = arith.constant 8 : i32
      %dma_wait3A_69 = arith.constant 0 : i32
      %dma_wait3A_70 = arith.constant 0 : i32
      %dma_wait3A_71 = tpu.memref_slice %arg2[%dma_wait3A_69, %dma_wait3A_70] : memref<10000x128xi32, #tpu.memory_space<hbm>> -> memref<128x128xi32, #tpu.memory_space<hbm>>
      %dma_wait3A_72 = arith.constant 0 : i32
      %dma_wait3A_73 = arith.constant 0 : i32
      %dma_wait3A_74 = tpu.memref_slice %arg2[%dma_wait3A_72, %dma_wait3A_73] : memref<10000x128xi32, #tpu.memory_space<hbm>> -> memref<128x128xi32, #tpu.memory_space<hbm>>
      tpu.wait_dma2 semaphore(%arg14 : memref<!tpu.dma_semaphore, #tpu.memory_space<semaphore_mem>>) src(%dma_wait3A_74 : memref<128x128xi32, #tpu.memory_space<hbm>>) dst(%arg9 : memref<128x128xi32, #tpu.memory_space<vmem>>)
      %dma_wait3A_75 = arith.constant 0 : i32
      %dma_wait3A_76 = arith.constant 0 : i32
      %dma_wait3A_77 = tpu.memref_slice %arg2[%dma_wait3A_75, %dma_wait3A_76] : memref<10000x128xi32, #tpu.memory_space<hbm>> -> memref<128x128xi32, #tpu.memory_space<hbm>>
      %dma_wait3A_78 = arith.constant 0 : i32
      %dma_wait3A_79 = arith.constant 0 : i32
      %dma_wait3A_80 = tpu.memref_slice %arg2[%dma_wait3A_78, %dma_wait3A_79] : memref<10000x128xi32, #tpu.memory_space<hbm>> -> memref<128x128xi32, #tpu.memory_space<hbm>>
      tpu.wait_dma2 semaphore(%arg14 : memref<!tpu.dma_semaphore, #tpu.memory_space<semaphore_mem>>) src(%dma_wait3A_80 : memref<128x128xi32, #tpu.memory_space<hbm>>) dst(%arg10 : memref<128x128xi32, #tpu.memory_space<vmem>>)
      %add3A_81 = arith.constant 2 : i32
      %add3A_82 = arith.addi %mul3A_32, %add3A_81 : i32
      %mul3A_83 = arith.constant 128 : i32
      %mul3A_84 = arith.muli %add3A_82, %mul3A_83 : i32
      %min3A_85 = arith.constant 4872 : i32
      %min3A_86 = arith.minsi %mul3A_84, %min3A_85 : i32
      %dma_start3A_87 = tpu.memref_slice %arg5[%min3A_86] : memref<5000xi32, #tpu.memory_space<vmem>> -> memref<128xi32, #tpu.memory_space<vmem>>
      %dma_start3A_88 = arith.constant 0 : i32
      %dma_start3A_89 = arith.constant 0 : i32
      %dma_start3A_90 = tpu.memref_slice %arg2[%dma_start3A_88, %dma_start3A_89] : memref<10000x128xi32, #tpu.memory_space<hbm>> -> memref<10000x128xi32, #tpu.memory_space<hbm>>
      tpu.enqueue_indirect_dma source(%dma_start3A_90 : memref<10000x128xi32, #tpu.memory_space<hbm>>) target(%arg7 : memref<128x128xi32, #tpu.memory_space<vmem>>) offsets(%dma_start3A_87 : memref<128xi32, #tpu.memory_space<vmem>>) semaphore(%arg13 : memref<!tpu.dma_semaphore, #tpu.memory_space<semaphore_mem>>)
      %dma_start3A_91 = tpu.memref_slice %arg6[%min3A_86] : memref<5000xi32, #tpu.memory_space<vmem>> -> memref<128xi32, #tpu.memory_space<vmem>>
      %dma_start3A_92 = arith.constant 0 : i32
      %dma_start3A_93 = arith.constant 0 : i32
      %dma_start3A_94 = tpu.memref_slice %arg2[%dma_start3A_92, %dma_start3A_93] : memref<10000x128xi32, #tpu.memory_space<hbm>> -> memref<10000x128xi32, #tpu.memory_space<hbm>>
      tpu.enqueue_indirect_dma source(%dma_start3A_94 : memref<10000x128xi32, #tpu.memory_space<hbm>>) target(%arg8 : memref<128x128xi32, #tpu.memory_space<vmem>>) offsets(%dma_start3A_91 : memref<128xi32, #tpu.memory_space<vmem>>) semaphore(%arg13 : memref<!tpu.dma_semaphore, #tpu.memory_space<semaphore_mem>>)
      %add3A_95 = arith.constant 1 : i32
      %add3A_96 = arith.addi %mul3A_32, %add3A_95 : i32
      %mul3A_97 = arith.constant 128 : i32
      %mul3A_98 = arith.muli %add3A_96, %mul3A_97 : i32
      %min3A_99 = arith.constant 4872 : i32
      %min3A_100 = arith.minsi %mul3A_98, %min3A_99 : i32
      %scan3A_101 = arith.constant 0 : i32
      %scan3A_102 = arith.constant 0 : i32
      %scan3A_103 = arith.constant 8 : i32
      %scan3A_104 = arith.addi %scan3A_102, %scan3A_103 : i32
      %scan3A_105 = arith.constant 1 : i32
      scf.for %scan3A_107 = %scan3A_102 to %scan3A_104 step %scan3A_105  : i32 {
        %mul3A_108 = arith.constant 16 : i32
        %mul3A_109 = arith.muli %scan3A_107, %mul3A_108 : i32
        %add3A_110 = arith.constant 0 : i32
        %add3A_111 = arith.addi %mul3A_109, %add3A_110 : i32
        %get3A = arith.index_cast %add3A_111 : i32 to index
        %get3A_112 = arith.constant 0 : index
        %get3A_113 = tpu.vector_load %arg9[%get3A, %get3A_112] {strides = array<i32>} : memref<128x128xi32, #tpu.memory_space<vmem>>, vector<16xi32>,
        %bitcast3A = vector.bitcast %get3A_113 : vector<16xi32> to vector<32xbf16>
        %get3A_114 = arith.index_cast %add3A_111 : i32 to index
        %get3A_115 = arith.constant 0 : index
        %get3A_116 = tpu.vector_load %arg10[%get3A_114, %get3A_115] {strides = array<i32>} : memref<128x128xi32, #tpu.memory_space<vmem>>, vector<16xi32>,
        %bitcast3A_117 = vector.bitcast %get3A_116 : vector<16xi32> to vector<32xbf16>
        %mul3A_118 = arith.mulf %bitcast3A, %bitcast3A_117 : vector<32xbf16>
        %get3A_119 = arith.index_cast %add3A_111 : i32 to index
        %get3A_120 = arith.constant 16 : index
        %get3A_121 = tpu.vector_load %arg9[%get3A_119, %get3A_120] {strides = array<i32>} : memref<128x128xi32, #tpu.memory_space<vmem>>, vector<16xi32>,
        %bitcast3A_122 = vector.bitcast %get3A_121 : vector<16xi32> to vector<32xbf16>
        %get3A_123 = arith.index_cast %add3A_111 : i32 to index
        %get3A_124 = arith.constant 16 : index
        %get3A_125 = tpu.vector_load %arg10[%get3A_123, %get3A_124] {strides = array<i32>} : memref<128x128xi32, #tpu.memory_space<vmem>>, vector<16xi32>,
        %bitcast3A_126 = vector.bitcast %get3A_125 : vector<16xi32> to vector<32xbf16>
        %mul3A_127 = arith.mulf %bitcast3A_122, %bitcast3A_126 : vector<32xbf16>
        %add3A_128 = arith.addf %mul3A_118, %mul3A_127 : vector<32xbf16>
        %get3A_129 = arith.index_cast %add3A_111 : i32 to index
        %get3A_130 = arith.constant 32 : index
        %get3A_131 = tpu.vector_load %arg9[%get3A_129, %get3A_130] {strides = array<i32>} : memref<128x128xi32, #tpu.memory_space<vmem>>, vector<16xi32>,
        %bitcast3A_132 = vector.bitcast %get3A_131 : vector<16xi32> to vector<32xbf16>
        %get3A_133 = arith.index_cast %add3A_111 : i32 to index
        %get3A_134 = arith.constant 32 : index
        %get3A_135 = tpu.vector_load %arg10[%get3A_133, %get3A_134] {strides = array<i32>} : memref<128x128xi32, #tpu.memory_space<vmem>>, vector<16xi32>,
        %bitcast3A_136 = vector.bitcast %get3A_135 : vector<16xi32> to vector<32xbf16>
        %mul3A_137 = arith.mulf %bitcast3A_132, %bitcast3A_136 : vector<32xbf16>
        %add3A_138 = arith.addf %add3A_128, %mul3A_137 : vector<32xbf16>
        %get3A_139 = arith.index_cast %add3A_111 : i32 to index
        %get3A_140 = arith.constant 48 : index
        %get3A_141 = tpu.vector_load %arg9[%get3A_139, %get3A_140] {strides = array<i32>} : memref<128x128xi32, #tpu.memory_space<vmem>>, vector<16xi32>,
        %bitcast3A_142 = vector.bitcast %get3A_141 : vector<16xi32> to vector<32xbf16>
        %get3A_143 = arith.index_cast %add3A_111 : i32 to index
        %get3A_144 = arith.constant 48 : index
        %get3A_145 = tpu.vector_load %arg10[%get3A_143, %get3A_144] {strides = array<i32>} : memref<128x128xi32, #tpu.memory_space<vmem>>, vector<16xi32>,
        %bitcast3A_146 = vector.bitcast %get3A_145 : vector<16xi32> to vector<32xbf16>
        %mul3A_147 = arith.mulf %bitcast3A_142, %bitcast3A_146 : vector<32xbf16>
        %add3A_148 = arith.addf %add3A_138, %mul3A_147 : vector<32xbf16>
        %get3A_149 = arith.index_cast %add3A_111 : i32 to index
        %get3A_150 = arith.constant 64 : index
        %get3A_151 = tpu.vector_load %arg9[%get3A_149, %get3A_150] {strides = array<i32>} : memref<128x128xi32, #tpu.memory_space<vmem>>, vector<16xi32>,
        %bitcast3A_152 = vector.bitcast %get3A_151 : vector<16xi32> to vector<32xbf16>
        %get3A_153 = arith.index_cast %add3A_111 : i32 to index
        %get3A_154 = arith.constant 64 : index
        %get3A_155 = tpu.vector_load %arg10[%get3A_153, %get3A_154] {strides = array<i32>} : memref<128x128xi32, #tpu.memory_space<vmem>>, vector<16xi32>,
        %bitcast3A_156 = vector.bitcast %get3A_155 : vector<16xi32> to vector<32xbf16>
        %mul3A_157 = arith.mulf %bitcast3A_152, %bitcast3A_156 : vector<32xbf16>
        %add3A_158 = arith.addf %add3A_148, %mul3A_157 : vector<32xbf16>
        %get3A_159 = arith.index_cast %add3A_111 : i32 to index
        %get3A_160 = arith.constant 80 : index
        %get3A_161 = tpu.vector_load %arg9[%get3A_159, %get3A_160] {strides = array<i32>} : memref<128x128xi32, #tpu.memory_space<vmem>>, vector<16xi32>,
        %bitcast3A_162 = vector.bitcast %get3A_161 : vector<16xi32> to vector<32xbf16>
        %get3A_163 = arith.index_cast %add3A_111 : i32 to index
        %get3A_164 = arith.constant 80 : index
        %get3A_165 = tpu.vector_load %arg10[%get3A_163, %get3A_164] {strides = array<i32>} : memref<128x128xi32, #tpu.memory_space<vmem>>, vector<16xi32>,
        %bitcast3A_166 = vector.bitcast %get3A_165 : vector<16xi32> to vector<32xbf16>
        %mul3A_167 = arith.mulf %bitcast3A_162, %bitcast3A_166 : vector<32xbf16>
        %add3A_168 = arith.addf %add3A_158, %mul3A_167 : vector<32xbf16>
        %get3A_169 = arith.index_cast %add3A_111 : i32 to index
        %get3A_170 = arith.constant 96 : index
        %get3A_171 = tpu.vector_load %arg9[%get3A_169, %get3A_170] {strides = array<i32>} : memref<128x128xi32, #tpu.memory_space<vmem>>, vector<16xi32>,
        %bitcast3A_172 = vector.bitcast %get3A_171 : vector<16xi32> to vector<32xbf16>
        %get3A_173 = arith.index_cast %add3A_111 : i32 to index
        %get3A_174 = arith.constant 96 : index
        %get3A_175 = tpu.vector_load %arg10[%get3A_173, %get3A_174] {strides = array<i32>} : memref<128x128xi32, #tpu.memory_space<vmem>>, vector<16xi32>,
        %bitcast3A_176 = vector.bitcast %get3A_175 : vector<16xi32> to vector<32xbf16>
        %mul3A_177 = arith.mulf %bitcast3A_172, %bitcast3A_176 : vector<32xbf16>
        %add3A_178 = arith.addf %add3A_168, %mul3A_177 : vector<32xbf16>
        %get3A_179 = arith.index_cast %add3A_111 : i32 to index
        %get3A_180 = arith.constant 112 : index
        %get3A_181 = tpu.vector_load %arg9[%get3A_179, %get3A_180] {strides = array<i32>} : memref<128x128xi32, #tpu.memory_space<vmem>>, vector<16xi32>,
        %bitcast3A_182 = vector.bitcast %get3A_181 : vector<16xi32> to vector<32xbf16>
        %get3A_183 = arith.index_cast %add3A_111 : i32 to index
        %get3A_184 = arith.constant 112 : index
        %get3A_185 = tpu.vector_load %arg10[%get3A_183, %get3A_184] {strides = array<i32>} : memref<128x128xi32, #tpu.memory_space<vmem>>, vector<16xi32>,
        %bitcast3A_186 = vector.bitcast %get3A_185 : vector<16xi32> to vector<32xbf16>
        %mul3A_187 = arith.mulf %bitcast3A_182, %bitcast3A_186 : vector<32xbf16>
        %add3A_188 = arith.addf %add3A_178, %mul3A_187 : vector<32xbf16>
        %unpack3A = tpu.unpack_subelements %add3A_188, 0 {pack_format = #tpu.pack_format<interleaved>} : vector<32xbf16> -> vector<16xf32>
        %unpack3A_189 = tpu.unpack_subelements %add3A_188, 1 {pack_format = #tpu.pack_format<interleaved>} : vector<32xbf16> -> vector<16xf32>
        %add3A_190 = arith.addf %unpack3A, %unpack3A_189 : vector<16xf32>
        %swap3A = arith.constant 0 : index
        %swap3A_191 = tpu.vector_load %arg12[%swap3A] {strides = array<i32>} : memref<256xf32, #tpu.memory_space<vmem>>, vector<16xf32>,
        tpu.vector_store %arg12[%swap3A], %add3A_190 {strides = array<i32>} : memref<256xf32, #tpu.memory_space<vmem>>, vector<16xf32>,
        %mul3A_192 = arith.constant 16 : i32
        %mul3A_193 = arith.muli %scan3A_107, %mul3A_192 : i32
        %add3A_194 = arith.constant 1 : i32
        %add3A_195 = arith.addi %mul3A_193, %add3A_194 : i32
        %get3A_196 = arith.index_cast %add3A_195 : i32 to index
        %get3A_197 = arith.constant 0 : index
        %get3A_198 = tpu.vector_load %arg9[%get3A_196, %get3A_197] {strides = array<i32>} : memref<128x128xi32, #tpu.memory_space<vmem>>, vector<16xi32>,
        %bitcast3A_199 = vector.bitcast %get3A_198 : vector<16xi32> to vector<32xbf16>
        %get3A_200 = arith.index_cast %add3A_195 : i32 to index
        %get3A_201 = arith.constant 0 : index
        %get3A_202 = tpu.vector_load %arg10[%get3A_200, %get3A_201] {strides = array<i32>} : memref<128x128xi32, #tpu.memory_space<vmem>>, vector<16xi32>,
        %bitcast3A_203 = vector.bitcast %get3A_202 : vector<16xi32> to vector<32xbf16>
        %mul3A_204 = arith.mulf %bitcast3A_199, %bitcast3A_203 : vector<32xbf16>
        %get3A_205 = arith.index_cast %add3A_195 : i32 to index
        %get3A_206 = arith.constant 16 : index
        %get3A_207 = tpu.vector_load %arg9[%get3A_205, %get3A_206] {strides = array<i32>} : memref<128x128xi32, #tpu.memory_space<vmem>>, vector<16xi32>,
        %bitcast3A_208 = vector.bitcast %get3A_207 : vector<16xi32> to vector<32xbf16>
        %get3A_209 = arith.index_cast %add3A_195 : i32 to index
        %get3A_210 = arith.constant 16 : index
        %get3A_211 = tpu.vector_load %arg10[%get3A_209, %get3A_210] {strides = array<i32>} : memref<128x128xi32, #tpu.memory_space<vmem>>, vector<16xi32>,
        %bitcast3A_212 = vector.bitcast %get3A_211 : vector<16xi32> to vector<32xbf16>
        %mul3A_213 = arith.mulf %bitcast3A_208, %bitcast3A_212 : vector<32xbf16>
        %add3A_214 = arith.addf %mul3A_204, %mul3A_213 : vector<32xbf16>
        %get3A_215 = arith.index_cast %add3A_195 : i32 to index
        %get3A_216 = arith.constant 32 : index
        %get3A_217 = tpu.vector_load %arg9[%get3A_215, %get3A_216] {strides = array<i32>} : memref<128x128xi32, #tpu.memory_space<vmem>>, vector<16xi32>,
        %bitcast3A_218 = vector.bitcast %get3A_217 : vector<16xi32> to vector<32xbf16>
        %get3A_219 = arith.index_cast %add3A_195 : i32 to index
        %get3A_220 = arith.constant 32 : index
        %get3A_221 = tpu.vector_load %arg10[%get3A_219, %get3A_220] {strides = array<i32>} : memref<128x128xi32, #tpu.memory_space<vmem>>, vector<16xi32>,
        %bitcast3A_222 = vector.bitcast %get3A_221 : vector<16xi32> to vector<32xbf16>
        %mul3A_223 = arith.mulf %bitcast3A_218, %bitcast3A_222 : vector<32xbf16>
        %add3A_224 = arith.addf %add3A_214, %mul3A_223 : vector<32xbf16>
        %get3A_225 = arith.index_cast %add3A_195 : i32 to index
        %get3A_226 = arith.constant 48 : index
        %get3A_227 = tpu.vector_load %arg9[%get3A_225, %get3A_226] {strides = array<i32>} : memref<128x128xi32, #tpu.memory_space<vmem>>, vector<16xi32>,
        %bitcast3A_228 = vector.bitcast %get3A_227 : vector<16xi32> to vector<32xbf16>
        %get3A_229 = arith.index_cast %add3A_195 : i32 to index
        %get3A_230 = arith.constant 48 : index
        %get3A_231 = tpu.vector_load %arg10[%get3A_229, %get3A_230] {strides = array<i32>} : memref<128x128xi32, #tpu.memory_space<vmem>>, vector<16xi32>,
        %bitcast3A_232 = vector.bitcast %get3A_231 : vector<16xi32> to vector<32xbf16>
        %mul3A_233 = arith.mulf %bitcast3A_228, %bitcast3A_232 : vector<32xbf16>
        %add3A_234 = arith.addf %add3A_224, %mul3A_233 : vector<32xbf16>
        %get3A_235 = arith.index_cast %add3A_195 : i32 to index
        %get3A_236 = arith.constant 64 : index
        %get3A_237 = tpu.vector_load %arg9[%get3A_235, %get3A_236] {strides = array<i32>} : memref<128x128xi32, #tpu.memory_space<vmem>>, vector<16xi32>,
        %bitcast3A_238 = vector.bitcast %get3A_237 : vector<16xi32> to vector<32xbf16>
        %get3A_239 = arith.index_cast %add3A_195 : i32 to index
        %get3A_240 = arith.constant 64 : index
        %get3A_241 = tpu.vector_load %arg10[%get3A_239, %get3A_240] {strides = array<i32>} : memref<128x128xi32, #tpu.memory_space<vmem>>, vector<16xi32>,
        %bitcast3A_242 = vector.bitcast %get3A_241 : vector<16xi32> to vector<32xbf16>
        %mul3A_243 = arith.mulf %bitcast3A_238, %bitcast3A_242 : vector<32xbf16>
        %add3A_244 = arith.addf %add3A_234, %mul3A_243 : vector<32xbf16>
        %get3A_245 = arith.index_cast %add3A_195 : i32 to index
        %get3A_246 = arith.constant 80 : index
        %get3A_247 = tpu.vector_load %arg9[%get3A_245, %get3A_246] {strides = array<i32>} : memref<128x128xi32, #tpu.memory_space<vmem>>, vector<16xi32>,
        %bitcast3A_248 = vector.bitcast %get3A_247 : vector<16xi32> to vector<32xbf16>
        %get3A_249 = arith.index_cast %add3A_195 : i32 to index
        %get3A_250 = arith.constant 80 : index
        %get3A_251 = tpu.vector_load %arg10[%get3A_249, %get3A_250] {strides = array<i32>} : memref<128x128xi32, #tpu.memory_space<vmem>>, vector<16xi32>,
        %bitcast3A_252 = vector.bitcast %get3A_251 : vector<16xi32> to vector<32xbf16>
        %mul3A_253 = arith.mulf %bitcast3A_248, %bitcast3A_252 : vector<32xbf16>
        %add3A_254 = arith.addf %add3A_244, %mul3A_253 : vector<32xbf16>
        %get3A_255 = arith.index_cast %add3A_195 : i32 to index
        %get3A_256 = arith.constant 96 : index
        %get3A_257 = tpu.vector_load %arg9[%get3A_255, %get3A_256] {strides = array<i32>} : memref<128x128xi32, #tpu.memory_space<vmem>>, vector<16xi32>,
        %bitcast3A_258 = vector.bitcast %get3A_257 : vector<16xi32> to vector<32xbf16>
        %get3A_259 = arith.index_cast %add3A_195 : i32 to index
        %get3A_260 = arith.constant 96 : index
        %get3A_261 = tpu.vector_load %arg10[%get3A_259, %get3A_260] {strides = array<i32>} : memref<128x128xi32, #tpu.memory_space<vmem>>, vector<16xi32>,
        %bitcast3A_262 = vector.bitcast %get3A_261 : vector<16xi32> to vector<32xbf16>
        %mul3A_263 = arith.mulf %bitcast3A_258, %bitcast3A_262 : vector<32xbf16>
        %add3A_264 = arith.addf %add3A_254, %mul3A_263 : vector<32xbf16>
        %get3A_265 = arith.index_cast %add3A_195 : i32 to index
        %get3A_266 = arith.constant 112 : index
        %get3A_267 = tpu.vector_load %arg9[%get3A_265, %get3A_266] {strides = array<i32>} : memref<128x128xi32, #tpu.memory_space<vmem>>, vector<16xi32>,
        %bitcast3A_268 = vector.bitcast %get3A_267 : vector<16xi32> to vector<32xbf16>
        %get3A_269 = arith.index_cast %add3A_195 : i32 to index
        %get3A_270 = arith.constant 112 : index
        %get3A_271 = tpu.vector_load %arg10[%get3A_269, %get3A_270] {strides = array<i32>} : memref<128x128xi32, #tpu.memory_space<vmem>>, vector<16xi32>,
        %bitcast3A_272 = vector.bitcast %get3A_271 : vector<16xi32> to vector<32xbf16>
        %mul3A_273 = arith.mulf %bitcast3A_268, %bitcast3A_272 : vector<32xbf16>
        %add3A_274 = arith.addf %add3A_264, %mul3A_273 : vector<32xbf16>
        %unpack3A_275 = tpu.unpack_subelements %add3A_274, 0 {pack_format = #tpu.pack_format<interleaved>} : vector<32xbf16> -> vector<16xf32>
        %unpack3A_276 = tpu.unpack_subelements %add3A_274, 1 {pack_format = #tpu.pack_format<interleaved>} : vector<32xbf16> -> vector<16xf32>
        %add3A_277 = arith.addf %unpack3A_275, %unpack3A_276 : vector<16xf32>
        %swap3A_278 = arith.constant 16 : index
        %swap3A_279 = tpu.vector_load %arg12[%swap3A_278] {strides = array<i32>} : memref<256xf32, #tpu.memory_space<vmem>>, vector<16xf32>,
        tpu.vector_store %arg12[%swap3A_278], %add3A_277 {strides = array<i32>} : memref<256xf32, #tpu.memory_space<vmem>>, vector<16xf32>,
        %mul3A_280 = arith.constant 16 : i32
        %mul3A_281 = arith.muli %scan3A_107, %mul3A_280 : i32
        %add3A_282 = arith.constant 2 : i32
        %add3A_283 = arith.addi %mul3A_281, %add3A_282 : i32
        %get3A_284 = arith.index_cast %add3A_283 : i32 to index
        %get3A_285 = arith.constant 0 : index
        %get3A_286 = tpu.vector_load %arg9[%get3A_284, %get3A_285] {strides = array<i32>} : memref<128x128xi32, #tpu.memory_space<vmem>>, vector<16xi32>,
        %bitcast3A_287 = vector.bitcast %get3A_286 : vector<16xi32> to vector<32xbf16>
        %get3A_288 = arith.index_cast %add3A_283 : i32 to index
        %get3A_289 = arith.constant 0 : index
        %get3A_290 = tpu.vector_load %arg10[%get3A_288, %get3A_289] {strides = array<i32>} : memref<128x128xi32, #tpu.memory_space<vmem>>, vector<16xi32>,
        %bitcast3A_291 = vector.bitcast %get3A_290 : vector<16xi32> to vector<32xbf16>
        %mul3A_292 = arith.mulf %bitcast3A_287, %bitcast3A_291 : vector<32xbf16>
        %get3A_293 = arith.index_cast %add3A_283 : i32 to index
        %get3A_294 = arith.constant 16 : index
        %get3A_295 = tpu.vector_load %arg9[%get3A_293, %get3A_294] {strides = array<i32>} : memref<128x128xi32, #tpu.memory_space<vmem>>, vector<16xi32>,
        %bitcast3A_296 = vector.bitcast %get3A_295 : vector<16xi32> to vector<32xbf16>
        %get3A_297 = arith.index_cast %add3A_283 : i32 to index
        %get3A_298 = arith.constant 16 : index
        %get3A_299 = tpu.vector_load %arg10[%get3A_297, %get3A_298] {strides = array<i32>} : memref<128x128xi32, #tpu.memory_space<vmem>>, vector<16xi32>,
        %bitcast3A_300 = vector.bitcast %get3A_299 : vector<16xi32> to vector<32xbf16>
        %mul3A_301 = arith.mulf %bitcast3A_296, %bitcast3A_300 : vector<32xbf16>
        %add3A_302 = arith.addf %mul3A_292, %mul3A_301 : vector<32xbf16>
        %get3A_303 = arith.index_cast %add3A_283 : i32 to index
        %get3A_304 = arith.constant 32 : index
        %get3A_305 = tpu.vector_load %arg9[%get3A_303, %get3A_304] {strides = array<i32>} : memref<128x128xi32, #tpu.memory_space<vmem>>, vector<16xi32>,
        %bitcast3A_306 = vector.bitcast %get3A_305 : vector<16xi32> to vector<32xbf16>
        %get3A_307 = arith.index_cast %add3A_283 : i32 to index
        %get3A_308 = arith.constant 32 : index
        %get3A_309 = tpu.vector_load %arg10[%get3A_307, %get3A_308] {strides = array<i32>} : memref<128x128xi32, #tpu.memory_space<vmem>>, vector<16xi32>,
        %bitcast3A_310 = vector.bitcast %get3A_309 : vector<16xi32> to vector<32xbf16>
        %mul3A_311 = arith.mulf %bitcast3A_306, %bitcast3A_310 : vector<32xbf16>
        %add3A_312 = arith.addf %add3A_302, %mul3A_311 : vector<32xbf16>
        %get3A_313 = arith.index_cast %add3A_283 : i32 to index
        %get3A_314 = arith.constant 48 : index
        %get3A_315 = tpu.vector_load %arg9[%get3A_313, %get3A_314] {strides = array<i32>} : memref<128x128xi32, #tpu.memory_space<vmem>>, vector<16xi32>,
        %bitcast3A_316 = vector.bitcast %get3A_315 : vector<16xi32> to vector<32xbf16>
        %get3A_317 = arith.index_cast %add3A_283 : i32 to index
        %get3A_318 = arith.constant 48 : index
        %get3A_319 = tpu.vector_load %arg10[%get3A_317, %get3A_318] {strides = array<i32>} : memref<128x128xi32, #tpu.memory_space<vmem>>, vector<16xi32>,
        %bitcast3A_320 = vector.bitcast %get3A_319 : vector<16xi32> to vector<32xbf16>
        %mul3A_321 = arith.mulf %bitcast3A_316, %bitcast3A_320 : vector<32xbf16>
        %add3A_322 = arith.addf %add3A_312, %mul3A_321 : vector<32xbf16>
        %get3A_323 = arith.index_cast %add3A_283 : i32 to index
        %get3A_324 = arith.constant 64 : index
        %get3A_325 = tpu.vector_load %arg9[%get3A_323, %get3A_324] {strides = array<i32>} : memref<128x128xi32, #tpu.memory_space<vmem>>, vector<16xi32>,
        %bitcast3A_326 = vector.bitcast %get3A_325 : vector<16xi32> to vector<32xbf16>
        %get3A_327 = arith.index_cast %add3A_283 : i32 to index
        %get3A_328 = arith.constant 64 : index
        %get3A_329 = tpu.vector_load %arg10[%get3A_327, %get3A_328] {strides = array<i32>} : memref<128x128xi32, #tpu.memory_space<vmem>>, vector<16xi32>,
        %bitcast3A_330 = vector.bitcast %get3A_329 : vector<16xi32> to vector<32xbf16>
        %mul3A_331 = arith.mulf %bitcast3A_326, %bitcast3A_330 : vector<32xbf16>
        %add3A_332 = arith.addf %add3A_322, %mul3A_331 : vector<32xbf16>
        %get3A_333 = arith.index_cast %add3A_283 : i32 to index
        %get3A_334 = arith.constant 80 : index
        %get3A_335 = tpu.vector_load %arg9[%get3A_333, %get3A_334] {strides = array<i32>} : memref<128x128xi32, #tpu.memory_space<vmem>>, vector<16xi32>,
        %bitcast3A_336 = vector.bitcast %get3A_335 : vector<16xi32> to vector<32xbf16>
        %get3A_337 = arith.index_cast %add3A_283 : i32 to index
        %get3A_338 = arith.constant 80 : index
        %get3A_339 = tpu.vector_load %arg10[%get3A_337, %get3A_338] {strides = array<i32>} : memref<128x128xi32, #tpu.memory_space<vmem>>, vector<16xi32>,
        %bitcast3A_340 = vector.bitcast %get3A_339 : vector<16xi32> to vector<32xbf16>
        %mul3A_341 = arith.mulf %bitcast3A_336, %bitcast3A_340 : vector<32xbf16>
        %add3A_342 = arith.addf %add3A_332, %mul3A_341 : vector<32xbf16>
        %get3A_343 = arith.index_cast %add3A_283 : i32 to index
        %get3A_344 = arith.constant 96 : index
        %get3A_345 = tpu.vector_load %arg9[%get3A_343, %get3A_344] {strides = array<i32>} : memref<128x128xi32, #tpu.memory_space<vmem>>, vector<16xi32>,
        %bitcast3A_346 = vector.bitcast %get3A_345 : vector<16xi32> to vector<32xbf16>
        %get3A_347 = arith.index_cast %add3A_283 : i32 to index
        %get3A_348 = arith.constant 96 : index
        %get3A_349 = tpu.vector_load %arg10[%get3A_347, %get3A_348] {strides = array<i32>} : memref<128x128xi32, #tpu.memory_space<vmem>>, vector<16xi32>,
        %bitcast3A_350 = vector.bitcast %get3A_349 : vector<16xi32> to vector<32xbf16>
        %mul3A_351 = arith.mulf %bitcast3A_346, %bitcast3A_350 : vector<32xbf16>
        %add3A_352 = arith.addf %add3A_342, %mul3A_351 : vector<32xbf16>
        %get3A_353 = arith.index_cast %add3A_283 : i32 to index
        %get3A_354 = arith.constant 112 : index
        %get3A_355 = tpu.vector_load %arg9[%get3A_353, %get3A_354] {strides = array<i32>} : memref<128x128xi32, #tpu.memory_space<vmem>>, vector<16xi32>,
        %bitcast3A_356 = vector.bitcast %get3A_355 : vector<16xi32> to vector<32xbf16>
        %get3A_357 = arith.index_cast %add3A_283 : i32 to index
        %get3A_358 = arith.constant 112 : index
        %get3A_359 = tpu.vector_load %arg10[%get3A_357, %get3A_358] {strides = array<i32>} : memref<128x128xi32, #tpu.memory_space<vmem>>, vector<16xi32>,
        %bitcast3A_360 = vector.bitcast %get3A_359 : vector<16xi32> to vector<32xbf16>
        %mul3A_361 = arith.mulf %bitcast3A_356, %bitcast3A_360 : vector<32xbf16>
        %add3A_362 = arith.addf %add3A_352, %mul3A_361 : vector<32xbf16>
        %unpack3A_363 = tpu.unpack_subelements %add3A_362, 0 {pack_format = #tpu.pack_format<interleaved>} : vector<32xbf16> -> vector<16xf32>
        %unpack3A_364 = tpu.unpack_subelements %add3A_362, 1 {pack_format = #tpu.pack_format<interleaved>} : vector<32xbf16> -> vector<16xf32>
        %add3A_365 = arith.addf %unpack3A_363, %unpack3A_364 : vector<16xf32>
        %swap3A_366 = arith.constant 32 : index
        %swap3A_367 = tpu.vector_load %arg12[%swap3A_366] {strides = array<i32>} : memref<256xf32, #tpu.memory_space<vmem>>, vector<16xf32>,
        tpu.vector_store %arg12[%swap3A_366], %add3A_365 {strides = array<i32>} : memref<256xf32, #tpu.memory_space<vmem>>, vector<16xf32>,
        %mul3A_368 = arith.constant 16 : i32
        %mul3A_369 = arith.muli %scan3A_107, %mul3A_368 : i32
        %add3A_370 = arith.constant 3 : i32
        %add3A_371 = arith.addi %mul3A_369, %add3A_370 : i32
        %get3A_372 = arith.index_cast %add3A_371 : i32 to index
        %get3A_373 = arith.constant 0 : index
        %get3A_374 = tpu.vector_load %arg9[%get3A_372, %get3A_373] {strides = array<i32>} : memref<128x128xi32, #tpu.memory_space<vmem>>, vector<16xi32>,
        %bitcast3A_375 = vector.bitcast %get3A_374 : vector<16xi32> to vector<32xbf16>
        %get3A_376 = arith.index_cast %add3A_371 : i32 to index
        %get3A_377 = arith.constant 0 : index
        %get3A_378 = tpu.vector_load %arg10[%get3A_376, %get3A_377] {strides = array<i32>} : memref<128x128xi32, #tpu.memory_space<vmem>>, vector<16xi32>,
        %bitcast3A_379 = vector.bitcast %get3A_378 : vector<16xi32> to vector<32xbf16>
        %mul3A_380 = arith.mulf %bitcast3A_375, %bitcast3A_379 : vector<32xbf16>
        %get3A_381 = arith.index_cast %add3A_371 : i32 to index
        %get3A_382 = arith.constant 16 : index
        %get3A_383 = tpu.vector_load %arg9[%get3A_381, %get3A_382] {strides = array<i32>} : memref<128x128xi32, #tpu.memory_space<vmem>>, vector<16xi32>,
        %bitcast3A_384 = vector.bitcast %get3A_383 : vector<16xi32> to vector<32xbf16>
        %get3A_385 = arith.index_cast %add3A_371 : i32 to index
        %get3A_386 = arith.constant 16 : index
        %get3A_387 = tpu.vector_load %arg10[%get3A_385, %get3A_386] {strides = array<i32>} : memref<128x128xi32, #tpu.memory_space<vmem>>, vector<16xi32>,
        %bitcast3A_388 = vector.bitcast %get3A_387 : vector<16xi32> to vector<32xbf16>
        %mul3A_389 = arith.mulf %bitcast3A_384, %bitcast3A_388 : vector<32xbf16>
        %add3A_390 = arith.addf %mul3A_380, %mul3A_389 : vector<32xbf16>
        %get3A_391 = arith.index_cast %add3A_371 : i32 to index
        %get3A_392 = arith.constant 32 : index
        %get3A_393 = tpu.vector_load %arg9[%get3A_391, %get3A_392] {strides = array<i32>} : memref<128x128xi32, #tpu.memory_space<vmem>>, vector<16xi32>,
        %bitcast3A_394 = vector.bitcast %get3A_393 : vector<16xi32> to vector<32xbf16>
        %get3A_395 = arith.index_cast %add3A_371 : i32 to index
        %get3A_396 = arith.constant 32 : index
        %get3A_397 = tpu.vector_load %arg10[%get3A_395, %get3A_396] {strides = array<i32>} : memref<128x128xi32, #tpu.memory_space<vmem>>, vector<16xi32>,
        %bitcast3A_398 = vector.bitcast %get3A_397 : vector<16xi32> to vector<32xbf16>
        %mul3A_399 = arith.mulf %bitcast3A_394, %bitcast3A_398 : vector<32xbf16>
        %add3A_400 = arith.addf %add3A_390, %mul3A_399 : vector<32xbf16>
        %get3A_401 = arith.index_cast %add3A_371 : i32 to index
        %get3A_402 = arith.constant 48 : index
        %get3A_403 = tpu.vector_load %arg9[%get3A_401, %get3A_402] {strides = array<i32>} : memref<128x128xi32, #tpu.memory_space<vmem>>, vector<16xi32>,
        %bitcast3A_404 = vector.bitcast %get3A_403 : vector<16xi32> to vector<32xbf16>
        %get3A_405 = arith.index_cast %add3A_371 : i32 to index
        %get3A_406 = arith.constant 48 : index
        %get3A_407 = tpu.vector_load %arg10[%get3A_405, %get3A_406] {strides = array<i32>} : memref<128x128xi32, #tpu.memory_space<vmem>>, vector<16xi32>,
        %bitcast3A_408 = vector.bitcast %get3A_407 : vector<16xi32> to vector<32xbf16>
        %mul3A_409 = arith.mulf %bitcast3A_404, %bitcast3A_408 : vector<32xbf16>
        %add3A_410 = arith.addf %add3A_400, %mul3A_409 : vector<32xbf16>
        %get3A_411 = arith.index_cast %add3A_371 : i32 to index
        %get3A_412 = arith.constant 64 : index
        %get3A_413 = tpu.vector_load %arg9[%get3A_411, %get3A_412] {strides = array<i32>} : memref<128x128xi32, #tpu.memory_space<vmem>>, vector<16xi32>,
        %bitcast3A_414 = vector.bitcast %get3A_413 : vector<16xi32> to vector<32xbf16>
        %get3A_415 = arith.index_cast %add3A_371 : i32 to index
        %get3A_416 = arith.constant 64 : index
        %get3A_417 = tpu.vector_load %arg10[%get3A_415, %get3A_416] {strides = array<i32>} : memref<128x128xi32, #tpu.memory_space<vmem>>, vector<16xi32>,
        %bitcast3A_418 = vector.bitcast %get3A_417 : vector<16xi32> to vector<32xbf16>
        %mul3A_419 = arith.mulf %bitcast3A_414, %bitcast3A_418 : vector<32xbf16>
        %add3A_420 = arith.addf %add3A_410, %mul3A_419 : vector<32xbf16>
        %get3A_421 = arith.index_cast %add3A_371 : i32 to index
        %get3A_422 = arith.constant 80 : index
        %get3A_423 = tpu.vector_load %arg9[%get3A_421, %get3A_422] {strides = array<i32>} : memref<128x128xi32, #tpu.memory_space<vmem>>, vector<16xi32>,
        %bitcast3A_424 = vector.bitcast %get3A_423 : vector<16xi32> to vector<32xbf16>
        %get3A_425 = arith.index_cast %add3A_371 : i32 to index
        %get3A_426 = arith.constant 80 : index
        %get3A_427 = tpu.vector_load %arg10[%get3A_425, %get3A_426] {strides = array<i32>} : memref<128x128xi32, #tpu.memory_space<vmem>>, vector<16xi32>,
        %bitcast3A_428 = vector.bitcast %get3A_427 : vector<16xi32> to vector<32xbf16>
        %mul3A_429 = arith.mulf %bitcast3A_424, %bitcast3A_428 : vector<32xbf16>
        %add3A_430 = arith.addf %add3A_420, %mul3A_429 : vector<32xbf16>
        %get3A_431 = arith.index_cast %add3A_371 : i32 to index
        %get3A_432 = arith.constant 96 : index
        %get3A_433 = tpu.vector_load %arg9[%get3A_431, %get3A_432] {strides = array<i32>} : memref<128x128xi32, #tpu.memory_space<vmem>>, vector<16xi32>,
        %bitcast3A_434 = vector.bitcast %get3A_433 : vector<16xi32> to vector<32xbf16>
        %get3A_435 = arith.index_cast %add3A_371 : i32 to index
        %get3A_436 = arith.constant 96 : index
        %get3A_437 = tpu.vector_load %arg10[%get3A_435, %get3A_436] {strides = array<i32>} : memref<128x128xi32, #tpu.memory_space<vmem>>, vector<16xi32>,
        %bitcast3A_438 = vector.bitcast %get3A_437 : vector<16xi32> to vector<32xbf16>
        %mul3A_439 = arith.mulf %bitcast3A_434, %bitcast3A_438 : vector<32xbf16>
        %add3A_440 = arith.addf %add3A_430, %mul3A_439 : vector<32xbf16>
        %get3A_441 = arith.index_cast %add3A_371 : i32 to index
        %get3A_442 = arith.constant 112 : index
        %get3A_443 = tpu.vector_load %arg9[%get3A_441, %get3A_442] {strides = array<i32>} : memref<128x128xi32, #tpu.memory_space<vmem>>, vector<16xi32>,
        %bitcast3A_444 = vector.bitcast %get3A_443 : vector<16xi32> to vector<32xbf16>
        %get3A_445 = arith.index_cast %add3A_371 : i32 to index
        %get3A_446 = arith.constant 112 : index
        %get3A_447 = tpu.vector_load %arg10[%get3A_445, %get3A_446] {strides = array<i32>} : memref<128x128xi32, #tpu.memory_space<vmem>>, vector<16xi32>,
        %bitcast3A_448 = vector.bitcast %get3A_447 : vector<16xi32> to vector<32xbf16>
        %mul3A_449 = arith.mulf %bitcast3A_444, %bitcast3A_448 : vector<32xbf16>
        %add3A_450 = arith.addf %add3A_440, %mul3A_449 : vector<32xbf16>
        %unpack3A_451 = tpu.unpack_subelements %add3A_450, 0 {pack_format = #tpu.pack_format<interleaved>} : vector<32xbf16> -> vector<16xf32>
        %unpack3A_452 = tpu.unpack_subelements %add3A_450, 1 {pack_format = #tpu.pack_format<interleaved>} : vector<32xbf16> -> vector<16xf32>
        %add3A_453 = arith.addf %unpack3A_451, %unpack3A_452 : vector<16xf32>
        %swap3A_454 = arith.constant 48 : index
        %swap3A_455 = tpu.vector_load %arg12[%swap3A_454] {strides = array<i32>} : memref<256xf32, #tpu.memory_space<vmem>>, vector<16xf32>,
        tpu.vector_store %arg12[%swap3A_454], %add3A_453 {strides = array<i32>} : memref<256xf32, #tpu.memory_space<vmem>>, vector<16xf32>,
        %mul3A_456 = arith.constant 16 : i32
        %mul3A_457 = arith.muli %scan3A_107, %mul3A_456 : i32
        %add3A_458 = arith.constant 4 : i32
        %add3A_459 = arith.addi %mul3A_457, %add3A_458 : i32
        %get3A_460 = arith.index_cast %add3A_459 : i32 to index
        %get3A_461 = arith.constant 0 : index
        %get3A_462 = tpu.vector_load %arg9[%get3A_460, %get3A_461] {strides = array<i32>} : memref<128x128xi32, #tpu.memory_space<vmem>>, vector<16xi32>,
        %bitcast3A_463 = vector.bitcast %get3A_462 : vector<16xi32> to vector<32xbf16>
        %get3A_464 = arith.index_cast %add3A_459 : i32 to index
        %get3A_465 = arith.constant 0 : index
        %get3A_466 = tpu.vector_load %arg10[%get3A_464, %get3A_465] {strides = array<i32>} : memref<128x128xi32, #tpu.memory_space<vmem>>, vector<16xi32>,
        %bitcast3A_467 = vector.bitcast %get3A_466 : vector<16xi32> to vector<32xbf16>
        %mul3A_468 = arith.mulf %bitcast3A_463, %bitcast3A_467 : vector<32xbf16>
        %get3A_469 = arith.index_cast %add3A_459 : i32 to index
        %get3A_470 = arith.constant 16 : index
        %get3A_471 = tpu.vector_load %arg9[%get3A_469, %get3A_470] {strides = array<i32>} : memref<128x128xi32, #tpu.memory_space<vmem>>, vector<16xi32>,
        %bitcast3A_472 = vector.bitcast %get3A_471 : vector<16xi32> to vector<32xbf16>
        %get3A_473 = arith.index_cast %add3A_459 : i32 to index
        %get3A_474 = arith.constant 16 : index
        %get3A_475 = tpu.vector_load %arg10[%get3A_473, %get3A_474] {strides = array<i32>} : memref<128x128xi32, #tpu.memory_space<vmem>>, vector<16xi32>,
        %bitcast3A_476 = vector.bitcast %get3A_475 : vector<16xi32> to vector<32xbf16>
        %mul3A_477 = arith.mulf %bitcast3A_472, %bitcast3A_476 : vector<32xbf16>
        %add3A_478 = arith.addf %mul3A_468, %mul3A_477 : vector<32xbf16>
        %get3A_479 = arith.index_cast %add3A_459 : i32 to index
        %get3A_480 = arith.constant 32 : index
        %get3A_481 = tpu.vector_load %arg9[%get3A_479, %get3A_480] {strides = array<i32>} : memref<128x128xi32, #tpu.memory_space<vmem>>, vector<16xi32>,
        %bitcast3A_482 = vector.bitcast %get3A_481 : vector<16xi32> to vector<32xbf16>
        %get3A_483 = arith.index_cast %add3A_459 : i32 to index
        %get3A_484 = arith.constant 32 : index
        %get3A_485 = tpu.vector_load %arg10[%get3A_483, %get3A_484] {strides = array<i32>} : memref<128x128xi32, #tpu.memory_space<vmem>>, vector<16xi32>,
        %bitcast3A_486 = vector.bitcast %get3A_485 : vector<16xi32> to vector<32xbf16>
        %mul3A_487 = arith.mulf %bitcast3A_482, %bitcast3A_486 : vector<32xbf16>
        %add3A_488 = arith.addf %add3A_478, %mul3A_487 : vector<32xbf16>
        %get3A_489 = arith.index_cast %add3A_459 : i32 to index
        %get3A_490 = arith.constant 48 : index
        %get3A_491 = tpu.vector_load %arg9[%get3A_489, %get3A_490] {strides = array<i32>} : memref<128x128xi32, #tpu.memory_space<vmem>>, vector<16xi32>,
        %bitcast3A_492 = vector.bitcast %get3A_491 : vector<16xi32> to vector<32xbf16>
        %get3A_493 = arith.index_cast %add3A_459 : i32 to index
        %get3A_494 = arith.constant 48 : index
        %get3A_495 = tpu.vector_load %arg10[%get3A_493, %get3A_494] {strides = array<i32>} : memref<128x128xi32, #tpu.memory_space<vmem>>, vector<16xi32>,
        %bitcast3A_496 = vector.bitcast %get3A_495 : vector<16xi32> to vector<32xbf16>
        %mul3A_497 = arith.mulf %bitcast3A_492, %bitcast3A_496 : vector<32xbf16>
        %add3A_498 = arith.addf %add3A_488, %mul3A_497 : vector<32xbf16>
        %get3A_499 = arith.index_cast %add3A_459 : i32 to index
        %get3A_500 = arith.constant 64 : index
        %get3A_501 = tpu.vector_load %arg9[%get3A_499, %get3A_500] {strides = array<i32>} : memref<128x128xi32, #tpu.memory_space<vmem>>, vector<16xi32>,
        %bitcast3A_502 = vector.bitcast %get3A_501 : vector<16xi32> to vector<32xbf16>
        %get3A_503 = arith.index_cast %add3A_459 : i32 to index
        %get3A_504 = arith.constant 64 : index
        %get3A_505 = tpu.vector_load %arg10[%get3A_503, %get3A_504] {strides = array<i32>} : memref<128x128xi32, #tpu.memory_space<vmem>>, vector<16xi32>,
        %bitcast3A_506 = vector.bitcast %get3A_505 : vector<16xi32> to vector<32xbf16>
        %mul3A_507 = arith.mulf %bitcast3A_502, %bitcast3A_506 : vector<32xbf16>
        %add3A_508 = arith.addf %add3A_498, %mul3A_507 : vector<32xbf16>
        %get3A_509 = arith.index_cast %add3A_459 : i32 to index
        %get3A_510 = arith.constant 80 : index
        %get3A_511 = tpu.vector_load %arg9[%get3A_509, %get3A_510] {strides = array<i32>} : memref<128x128xi32, #tpu.memory_space<vmem>>, vector<16xi32>,
        %bitcast3A_512 = vector.bitcast %get3A_511 : vector<16xi32> to vector<32xbf16>
        %get3A_513 = arith.index_cast %add3A_459 : i32 to index
        %get3A_514 = arith.constant 80 : index
        %get3A_515 = tpu.vector_load %arg10[%get3A_513, %get3A_514] {strides = array<i32>} : memref<128x128xi32, #tpu.memory_space<vmem>>, vector<16xi32>,
        %bitcast3A_516 = vector.bitcast %get3A_515 : vector<16xi32> to vector<32xbf16>
        %mul3A_517 = arith.mulf %bitcast3A_512, %bitcast3A_516 : vector<32xbf16>
        %add3A_518 = arith.addf %add3A_508, %mul3A_517 : vector<32xbf16>
        %get3A_519 = arith.index_cast %add3A_459 : i32 to index
        %get3A_520 = arith.constant 96 : index
        %get3A_521 = tpu.vector_load %arg9[%get3A_519, %get3A_520] {strides = array<i32>} : memref<128x128xi32, #tpu.memory_space<vmem>>, vector<16xi32>,
        %bitcast3A_522 = vector.bitcast %get3A_521 : vector<16xi32> to vector<32xbf16>
        %get3A_523 = arith.index_cast %add3A_459 : i32 to index
        %get3A_524 = arith.constant 96 : index
        %get3A_525 = tpu.vector_load %arg10[%get3A_523, %get3A_524] {strides = array<i32>} : memref<128x128xi32, #tpu.memory_space<vmem>>, vector<16xi32>,
        %bitcast3A_526 = vector.bitcast %get3A_525 : vector<16xi32> to vector<32xbf16>
        %mul3A_527 = arith.mulf %bitcast3A_522, %bitcast3A_526 : vector<32xbf16>
        %add3A_528 = arith.addf %add3A_518, %mul3A_527 : vector<32xbf16>
        %get3A_529 = arith.index_cast %add3A_459 : i32 to index
        %get3A_530 = arith.constant 112 : index
        %get3A_531 = tpu.vector_load %arg9[%get3A_529, %get3A_530] {strides = array<i32>} : memref<128x128xi32, #tpu.memory_space<vmem>>, vector<16xi32>,
        %bitcast3A_532 = vector.bitcast %get3A_531 : vector<16xi32> to vector<32xbf16>
        %get3A_533 = arith.index_cast %add3A_459 : i32 to index
        %get3A_534 = arith.constant 112 : index
        %get3A_535 = tpu.vector_load %arg10[%get3A_533, %get3A_534] {strides = array<i32>} : memref<128x128xi32, #tpu.memory_space<vmem>>, vector<16xi32>,
        %bitcast3A_536 = vector.bitcast %get3A_535 : vector<16xi32> to vector<32xbf16>
        %mul3A_537 = arith.mulf %bitcast3A_532, %bitcast3A_536 : vector<32xbf16>
        %add3A_538 = arith.addf %add3A_528, %mul3A_537 : vector<32xbf16>
        %unpack3A_539 = tpu.unpack_subelements %add3A_538, 0 {pack_format = #tpu.pack_format<interleaved>} : vector<32xbf16> -> vector<16xf32>
        %unpack3A_540 = tpu.unpack_subelements %add3A_538, 1 {pack_format = #tpu.pack_format<interleaved>} : vector<32xbf16> -> vector<16xf32>
        %add3A_541 = arith.addf %unpack3A_539, %unpack3A_540 : vector<16xf32>
        %swap3A_542 = arith.constant 64 : index
        %swap3A_543 = tpu.vector_load %arg12[%swap3A_542] {strides = array<i32>} : memref<256xf32, #tpu.memory_space<vmem>>, vector<16xf32>,
        tpu.vector_store %arg12[%swap3A_542], %add3A_541 {strides = array<i32>} : memref<256xf32, #tpu.memory_space<vmem>>, vector<16xf32>,
        %mul3A_544 = arith.constant 16 : i32
        %mul3A_545 = arith.muli %scan3A_107, %mul3A_544 : i32
        %add3A_546 = arith.constant 5 : i32
        %add3A_547 = arith.addi %mul3A_545, %add3A_546 : i32
        %get3A_548 = arith.index_cast %add3A_547 : i32 to index
        %get3A_549 = arith.constant 0 : index
        %get3A_550 = tpu.vector_load %arg9[%get3A_548, %get3A_549] {strides = array<i32>} : memref<128x128xi32, #tpu.memory_space<vmem>>, vector<16xi32>,
        %bitcast3A_551 = vector.bitcast %get3A_550 : vector<16xi32> to vector<32xbf16>
        %get3A_552 = arith.index_cast %add3A_547 : i32 to index
        %get3A_553 = arith.constant 0 : index
        %get3A_554 = tpu.vector_load %arg10[%get3A_552, %get3A_553] {strides = array<i32>} : memref<128x128xi32, #tpu.memory_space<vmem>>, vector<16xi32>,
        %bitcast3A_555 = vector.bitcast %get3A_554 : vector<16xi32> to vector<32xbf16>
        %mul3A_556 = arith.mulf %bitcast3A_551, %bitcast3A_555 : vector<32xbf16>
        %get3A_557 = arith.index_cast %add3A_547 : i32 to index
        %get3A_558 = arith.constant 16 : index
        %get3A_559 = tpu.vector_load %arg9[%get3A_557, %get3A_558] {strides = array<i32>} : memref<128x128xi32, #tpu.memory_space<vmem>>, vector<16xi32>,
        %bitcast3A_560 = vector.bitcast %get3A_559 : vector<16xi32> to vector<32xbf16>
        %get3A_561 = arith.index_cast %add3A_547 : i32 to index
        %get3A_562 = arith.constant 16 : index
        %get3A_563 = tpu.vector_load %arg10[%get3A_561, %get3A_562] {strides = array<i32>} : memref<128x128xi32, #tpu.memory_space<vmem>>, vector<16xi32>,
        %bitcast3A_564 = vector.bitcast %get3A_563 : vector<16xi32> to vector<32xbf16>
        %mul3A_565 = arith.mulf %bitcast3A_560, %bitcast3A_564 : vector<32xbf16>
        %add3A_566 = arith.addf %mul3A_556, %mul3A_565 : vector<32xbf16>
        %get3A_567 = arith.index_cast %add3A_547 : i32 to index
        %get3A_568 = arith.constant 32 : index
        %get3A_569 = tpu.vector_load %arg9[%get3A_567, %get3A_568] {strides = array<i32>} : memref<128x128xi32, #tpu.memory_space<vmem>>, vector<16xi32>,
        %bitcast3A_570 = vector.bitcast %get3A_569 : vector<16xi32> to vector<32xbf16>
        %get3A_571 = arith.index_cast %add3A_547 : i32 to index
        %get3A_572 = arith.constant 32 : index
        %get3A_573 = tpu.vector_load %arg10[%get3A_571, %get3A_572] {strides = array<i32>} : memref<128x128xi32, #tpu.memory_space<vmem>>, vector<16xi32>,
        %bitcast3A_574 = vector.bitcast %get3A_573 : vector<16xi32> to vector<32xbf16>
        %mul3A_575 = arith.mulf %bitcast3A_570, %bitcast3A_574 : vector<32xbf16>
        %add3A_576 = arith.addf %add3A_566, %mul3A_575 : vector<32xbf16>
        %get3A_577 = arith.index_cast %add3A_547 : i32 to index
        %get3A_578 = arith.constant 48 : index
        %get3A_579 = tpu.vector_load %arg9[%get3A_577, %get3A_578] {strides = array<i32>} : memref<128x128xi32, #tpu.memory_space<vmem>>, vector<16xi32>,
        %bitcast3A_580 = vector.bitcast %get3A_579 : vector<16xi32> to vector<32xbf16>
        %get3A_581 = arith.index_cast %add3A_547 : i32 to index
        %get3A_582 = arith.constant 48 : index
        %get3A_583 = tpu.vector_load %arg10[%get3A_581, %get3A_582] {strides = array<i32>} : memref<128x128xi32, #tpu.memory_space<vmem>>, vector<16xi32>,
        %bitcast3A_584 = vector.bitcast %get3A_583 : vector<16xi32> to vector<32xbf16>
        %mul3A_585 = arith.mulf %bitcast3A_580, %bitcast3A_584 : vector<32xbf16>
        %add3A_586 = arith.addf %add3A_576, %mul3A_585 : vector<32xbf16>
        %get3A_587 = arith.index_cast %add3A_547 : i32 to index
        %get3A_588 = arith.constant 64 : index
        %get3A_589 = tpu.vector_load %arg9[%get3A_587, %get3A_588] {strides = array<i32>} : memref<128x128xi32, #tpu.memory_space<vmem>>, vector<16xi32>,
        %bitcast3A_590 = vector.bitcast %get3A_589 : vector<16xi32> to vector<32xbf16>
        %get3A_591 = arith.index_cast %add3A_547 : i32 to index
        %get3A_592 = arith.constant 64 : index
        %get3A_593 = tpu.vector_load %arg10[%get3A_591, %get3A_592] {strides = array<i32>} : memref<128x128xi32, #tpu.memory_space<vmem>>, vector<16xi32>,
        %bitcast3A_594 = vector.bitcast %get3A_593 : vector<16xi32> to vector<32xbf16>
        %mul3A_595 = arith.mulf %bitcast3A_590, %bitcast3A_594 : vector<32xbf16>
        %add3A_596 = arith.addf %add3A_586, %mul3A_595 : vector<32xbf16>
        %get3A_597 = arith.index_cast %add3A_547 : i32 to index
        %get3A_598 = arith.constant 80 : index
        %get3A_599 = tpu.vector_load %arg9[%get3A_597, %get3A_598] {strides = array<i32>} : memref<128x128xi32, #tpu.memory_space<vmem>>, vector<16xi32>,
        %bitcast3A_600 = vector.bitcast %get3A_599 : vector<16xi32> to vector<32xbf16>
        %get3A_601 = arith.index_cast %add3A_547 : i32 to index
        %get3A_602 = arith.constant 80 : index
        %get3A_603 = tpu.vector_load %arg10[%get3A_601, %get3A_602] {strides = array<i32>} : memref<128x128xi32, #tpu.memory_space<vmem>>, vector<16xi32>,
        %bitcast3A_604 = vector.bitcast %get3A_603 : vector<16xi32> to vector<32xbf16>
        %mul3A_605 = arith.mulf %bitcast3A_600, %bitcast3A_604 : vector<32xbf16>
        %add3A_606 = arith.addf %add3A_596, %mul3A_605 : vector<32xbf16>
        %get3A_607 = arith.index_cast %add3A_547 : i32 to index
        %get3A_608 = arith.constant 96 : index
        %get3A_609 = tpu.vector_load %arg9[%get3A_607, %get3A_608] {strides = array<i32>} : memref<128x128xi32, #tpu.memory_space<vmem>>, vector<16xi32>,
        %bitcast3A_610 = vector.bitcast %get3A_609 : vector<16xi32> to vector<32xbf16>
        %get3A_611 = arith.index_cast %add3A_547 : i32 to index
        %get3A_612 = arith.constant 96 : index
        %get3A_613 = tpu.vector_load %arg10[%get3A_611, %get3A_612] {strides = array<i32>} : memref<128x128xi32, #tpu.memory_space<vmem>>, vector<16xi32>,
        %bitcast3A_614 = vector.bitcast %get3A_613 : vector<16xi32> to vector<32xbf16>
        %mul3A_615 = arith.mulf %bitcast3A_610, %bitcast3A_614 : vector<32xbf16>
        %add3A_616 = arith.addf %add3A_606, %mul3A_615 : vector<32xbf16>
        %get3A_617 = arith.index_cast %add3A_547 : i32 to index
        %get3A_618 = arith.constant 112 : index
        %get3A_619 = tpu.vector_load %arg9[%get3A_617, %get3A_618] {strides = array<i32>} : memref<128x128xi32, #tpu.memory_space<vmem>>, vector<16xi32>,
        %bitcast3A_620 = vector.bitcast %get3A_619 : vector<16xi32> to vector<32xbf16>
        %get3A_621 = arith.index_cast %add3A_547 : i32 to index
        %get3A_622 = arith.constant 112 : index
        %get3A_623 = tpu.vector_load %arg10[%get3A_621, %get3A_622] {strides = array<i32>} : memref<128x128xi32, #tpu.memory_space<vmem>>, vector<16xi32>,
        %bitcast3A_624 = vector.bitcast %get3A_623 : vector<16xi32> to vector<32xbf16>
        %mul3A_625 = arith.mulf %bitcast3A_620, %bitcast3A_624 : vector<32xbf16>
        %add3A_626 = arith.addf %add3A_616, %mul3A_625 : vector<32xbf16>
        %unpack3A_627 = tpu.unpack_subelements %add3A_626, 0 {pack_format = #tpu.pack_format<interleaved>} : vector<32xbf16> -> vector<16xf32>
        %unpack3A_628 = tpu.unpack_subelements %add3A_626, 1 {pack_format = #tpu.pack_format<interleaved>} : vector<32xbf16> -> vector<16xf32>
        %add3A_629 = arith.addf %unpack3A_627, %unpack3A_628 : vector<16xf32>
        %swap3A_630 = arith.constant 80 : index
        %swap3A_631 = tpu.vector_load %arg12[%swap3A_630] {strides = array<i32>} : memref<256xf32, #tpu.memory_space<vmem>>, vector<16xf32>,
        tpu.vector_store %arg12[%swap3A_630], %add3A_629 {strides = array<i32>} : memref<256xf32, #tpu.memory_space<vmem>>, vector<16xf32>,
        %mul3A_632 = arith.constant 16 : i32
        %mul3A_633 = arith.muli %scan3A_107, %mul3A_632 : i32
        %add3A_634 = arith.constant 6 : i32
        %add3A_635 = arith.addi %mul3A_633, %add3A_634 : i32
        %get3A_636 = arith.index_cast %add3A_635 : i32 to index
        %get3A_637 = arith.constant 0 : index
        %get3A_638 = tpu.vector_load %arg9[%get3A_636, %get3A_637] {strides = array<i32>} : memref<128x128xi32, #tpu.memory_space<vmem>>, vector<16xi32>,
        %bitcast3A_639 = vector.bitcast %get3A_638 : vector<16xi32> to vector<32xbf16>
        %get3A_640 = arith.index_cast %add3A_635 : i32 to index
        %get3A_641 = arith.constant 0 : index
        %get3A_642 = tpu.vector_load %arg10[%get3A_640, %get3A_641] {strides = array<i32>} : memref<128x128xi32, #tpu.memory_space<vmem>>, vector<16xi32>,
        %bitcast3A_643 = vector.bitcast %get3A_642 : vector<16xi32> to vector<32xbf16>
        %mul3A_644 = arith.mulf %bitcast3A_639, %bitcast3A_643 : vector<32xbf16>
        %get3A_645 = arith.index_cast %add3A_635 : i32 to index
        %get3A_646 = arith.constant 16 : index
        %get3A_647 = tpu.vector_load %arg9[%get3A_645, %get3A_646] {strides = array<i32>} : memref<128x128xi32, #tpu.memory_space<vmem>>, vector<16xi32>,
        %bitcast3A_648 = vector.bitcast %get3A_647 : vector<16xi32> to vector<32xbf16>
        %get3A_649 = arith.index_cast %add3A_635 : i32 to index
        %get3A_650 = arith.constant 16 : index
        %get3A_651 = tpu.vector_load %arg10[%get3A_649, %get3A_650] {strides = array<i32>} : memref<128x128xi32, #tpu.memory_space<vmem>>, vector<16xi32>,
        %bitcast3A_652 = vector.bitcast %get3A_651 : vector<16xi32> to vector<32xbf16>
        %mul3A_653 = arith.mulf %bitcast3A_648, %bitcast3A_652 : vector<32xbf16>
        %add3A_654 = arith.addf %mul3A_644, %mul3A_653 : vector<32xbf16>
        %get3A_655 = arith.index_cast %add3A_635 : i32 to index
        %get3A_656 = arith.constant 32 : index
        %get3A_657 = tpu.vector_load %arg9[%get3A_655, %get3A_656] {strides = array<i32>} : memref<128x128xi32, #tpu.memory_space<vmem>>, vector<16xi32>,
        %bitcast3A_658 = vector.bitcast %get3A_657 : vector<16xi32> to vector<32xbf16>
        %get3A_659 = arith.index_cast %add3A_635 : i32 to index
        %get3A_660 = arith.constant 32 : index
        %get3A_661 = tpu.vector_load %arg10[%get3A_659, %get3A_660] {strides = array<i32>} : memref<128x128xi32, #tpu.memory_space<vmem>>, vector<16xi32>,
        %bitcast3A_662 = vector.bitcast %get3A_661 : vector<16xi32> to vector<32xbf16>
        %mul3A_663 = arith.mulf %bitcast3A_658, %bitcast3A_662 : vector<32xbf16>
        %add3A_664 = arith.addf %add3A_654, %mul3A_663 : vector<32xbf16>
        %get3A_665 = arith.index_cast %add3A_635 : i32 to index
        %get3A_666 = arith.constant 48 : index
        %get3A_667 = tpu.vector_load %arg9[%get3A_665, %get3A_666] {strides = array<i32>} : memref<128x128xi32, #tpu.memory_space<vmem>>, vector<16xi32>,
        %bitcast3A_668 = vector.bitcast %get3A_667 : vector<16xi32> to vector<32xbf16>
        %get3A_669 = arith.index_cast %add3A_635 : i32 to index
        %get3A_670 = arith.constant 48 : index
        %get3A_671 = tpu.vector_load %arg10[%get3A_669, %get3A_670] {strides = array<i32>} : memref<128x128xi32, #tpu.memory_space<vmem>>, vector<16xi32>,
        %bitcast3A_672 = vector.bitcast %get3A_671 : vector<16xi32> to vector<32xbf16>
        %mul3A_673 = arith.mulf %bitcast3A_668, %bitcast3A_672 : vector<32xbf16>
        %add3A_674 = arith.addf %add3A_664, %mul3A_673 : vector<32xbf16>
        %get3A_675 = arith.index_cast %add3A_635 : i32 to index
        %get3A_676 = arith.constant 64 : index
        %get3A_677 = tpu.vector_load %arg9[%get3A_675, %get3A_676] {strides = array<i32>} : memref<128x128xi32, #tpu.memory_space<vmem>>, vector<16xi32>,
        %bitcast3A_678 = vector.bitcast %get3A_677 : vector<16xi32> to vector<32xbf16>
        %get3A_679 = arith.index_cast %add3A_635 : i32 to index
        %get3A_680 = arith.constant 64 : index
        %get3A_681 = tpu.vector_load %arg10[%get3A_679, %get3A_680] {strides = array<i32>} : memref<128x128xi32, #tpu.memory_space<vmem>>, vector<16xi32>,
        %bitcast3A_682 = vector.bitcast %get3A_681 : vector<16xi32> to vector<32xbf16>
        %mul3A_683 = arith.mulf %bitcast3A_678, %bitcast3A_682 : vector<32xbf16>
        %add3A_684 = arith.addf %add3A_674, %mul3A_683 : vector<32xbf16>
        %get3A_685 = arith.index_cast %add3A_635 : i32 to index
        %get3A_686 = arith.constant 80 : index
        %get3A_687 = tpu.vector_load %arg9[%get3A_685, %get3A_686] {strides = array<i32>} : memref<128x128xi32, #tpu.memory_space<vmem>>, vector<16xi32>,
        %bitcast3A_688 = vector.bitcast %get3A_687 : vector<16xi32> to vector<32xbf16>
        %get3A_689 = arith.index_cast %add3A_635 : i32 to index
        %get3A_690 = arith.constant 80 : index
        %get3A_691 = tpu.vector_load %arg10[%get3A_689, %get3A_690] {strides = array<i32>} : memref<128x128xi32, #tpu.memory_space<vmem>>, vector<16xi32>,
        %bitcast3A_692 = vector.bitcast %get3A_691 : vector<16xi32> to vector<32xbf16>
        %mul3A_693 = arith.mulf %bitcast3A_688, %bitcast3A_692 : vector<32xbf16>
        %add3A_694 = arith.addf %add3A_684, %mul3A_693 : vector<32xbf16>
        %get3A_695 = arith.index_cast %add3A_635 : i32 to index
        %get3A_696 = arith.constant 96 : index
        %get3A_697 = tpu.vector_load %arg9[%get3A_695, %get3A_696] {strides = array<i32>} : memref<128x128xi32, #tpu.memory_space<vmem>>, vector<16xi32>,
        %bitcast3A_698 = vector.bitcast %get3A_697 : vector<16xi32> to vector<32xbf16>
        %get3A_699 = arith.index_cast %add3A_635 : i32 to index
        %get3A_700 = arith.constant 96 : index
        %get3A_701 = tpu.vector_load %arg10[%get3A_699, %get3A_700] {strides = array<i32>} : memref<128x128xi32, #tpu.memory_space<vmem>>, vector<16xi32>,
        %bitcast3A_702 = vector.bitcast %get3A_701 : vector<16xi32> to vector<32xbf16>
        %mul3A_703 = arith.mulf %bitcast3A_698, %bitcast3A_702 : vector<32xbf16>
        %add3A_704 = arith.addf %add3A_694, %mul3A_703 : vector<32xbf16>
        %get3A_705 = arith.index_cast %add3A_635 : i32 to index
        %get3A_706 = arith.constant 112 : index
        %get3A_707 = tpu.vector_load %arg9[%get3A_705, %get3A_706] {strides = array<i32>} : memref<128x128xi32, #tpu.memory_space<vmem>>, vector<16xi32>,
        %bitcast3A_708 = vector.bitcast %get3A_707 : vector<16xi32> to vector<32xbf16>
        %get3A_709 = arith.index_cast %add3A_635 : i32 to index
        %get3A_710 = arith.constant 112 : index
        %get3A_711 = tpu.vector_load %arg10[%get3A_709, %get3A_710] {strides = array<i32>} : memref<128x128xi32, #tpu.memory_space<vmem>>, vector<16xi32>,
        %bitcast3A_712 = vector.bitcast %get3A_711 : vector<16xi32> to vector<32xbf16>
        %mul3A_713 = arith.mulf %bitcast3A_708, %bitcast3A_712 : vector<32xbf16>
        %add3A_714 = arith.addf %add3A_704, %mul3A_713 : vector<32xbf16>
        %unpack3A_715 = tpu.unpack_subelements %add3A_714, 0 {pack_format = #tpu.pack_format<interleaved>} : vector<32xbf16> -> vector<16xf32>
        %unpack3A_716 = tpu.unpack_subelements %add3A_714, 1 {pack_format = #tpu.pack_format<interleaved>} : vector<32xbf16> -> vector<16xf32>
        %add3A_717 = arith.addf %unpack3A_715, %unpack3A_716 : vector<16xf32>
        %swap3A_718 = arith.constant 96 : index
        %swap3A_719 = tpu.vector_load %arg12[%swap3A_718] {strides = array<i32>} : memref<256xf32, #tpu.memory_space<vmem>>, vector<16xf32>,
        tpu.vector_store %arg12[%swap3A_718], %add3A_717 {strides = array<i32>} : memref<256xf32, #tpu.memory_space<vmem>>, vector<16xf32>,
        %mul3A_720 = arith.constant 16 : i32
        %mul3A_721 = arith.muli %scan3A_107, %mul3A_720 : i32
        %add3A_722 = arith.constant 7 : i32
        %add3A_723 = arith.addi %mul3A_721, %add3A_722 : i32
        %get3A_724 = arith.index_cast %add3A_723 : i32 to index
        %get3A_725 = arith.constant 0 : index
        %get3A_726 = tpu.vector_load %arg9[%get3A_724, %get3A_725] {strides = array<i32>} : memref<128x128xi32, #tpu.memory_space<vmem>>, vector<16xi32>,
        %bitcast3A_727 = vector.bitcast %get3A_726 : vector<16xi32> to vector<32xbf16>
        %get3A_728 = arith.index_cast %add3A_723 : i32 to index
        %get3A_729 = arith.constant 0 : index
        %get3A_730 = tpu.vector_load %arg10[%get3A_728, %get3A_729] {strides = array<i32>} : memref<128x128xi32, #tpu.memory_space<vmem>>, vector<16xi32>,
        %bitcast3A_731 = vector.bitcast %get3A_730 : vector<16xi32> to vector<32xbf16>
        %mul3A_732 = arith.mulf %bitcast3A_727, %bitcast3A_731 : vector<32xbf16>
        %get3A_733 = arith.index_cast %add3A_723 : i32 to index
        %get3A_734 = arith.constant 16 : index
        %get3A_735 = tpu.vector_load %arg9[%get3A_733, %get3A_734] {strides = array<i32>} : memref<128x128xi32, #tpu.memory_space<vmem>>, vector<16xi32>,
        %bitcast3A_736 = vector.bitcast %get3A_735 : vector<16xi32> to vector<32xbf16>
        %get3A_737 = arith.index_cast %add3A_723 : i32 to index
        %get3A_738 = arith.constant 16 : index
        %get3A_739 = tpu.vector_load %arg10[%get3A_737, %get3A_738] {strides = array<i32>} : memref<128x128xi32, #tpu.memory_space<vmem>>, vector<16xi32>,
        %bitcast3A_740 = vector.bitcast %get3A_739 : vector<16xi32> to vector<32xbf16>
        %mul3A_741 = arith.mulf %bitcast3A_736, %bitcast3A_740 : vector<32xbf16>
        %add3A_742 = arith.addf %mul3A_732, %mul3A_741 : vector<32xbf16>
        %get3A_743 = arith.index_cast %add3A_723 : i32 to index
        %get3A_744 = arith.constant 32 : index
        %get3A_745 = tpu.vector_load %arg9[%get3A_743, %get3A_744] {strides = array<i32>} : memref<128x128xi32, #tpu.memory_space<vmem>>, vector<16xi32>,
        %bitcast3A_746 = vector.bitcast %get3A_745 : vector<16xi32> to vector<32xbf16>
        %get3A_747 = arith.index_cast %add3A_723 : i32 to index
        %get3A_748 = arith.constant 32 : index
        %get3A_749 = tpu.vector_load %arg10[%get3A_747, %get3A_748] {strides = array<i32>} : memref<128x128xi32, #tpu.memory_space<vmem>>, vector<16xi32>,
        %bitcast3A_750 = vector.bitcast %get3A_749 : vector<16xi32> to vector<32xbf16>
        %mul3A_751 = arith.mulf %bitcast3A_746, %bitcast3A_750 : vector<32xbf16>
        %add3A_752 = arith.addf %add3A_742, %mul3A_751 : vector<32xbf16>
        %get3A_753 = arith.index_cast %add3A_723 : i32 to index
        %get3A_754 = arith.constant 48 : index
        %get3A_755 = tpu.vector_load %arg9[%get3A_753, %get3A_754] {strides = array<i32>} : memref<128x128xi32, #tpu.memory_space<vmem>>, vector<16xi32>,
        %bitcast3A_756 = vector.bitcast %get3A_755 : vector<16xi32> to vector<32xbf16>
        %get3A_757 = arith.index_cast %add3A_723 : i32 to index
        %get3A_758 = arith.constant 48 : index
        %get3A_759 = tpu.vector_load %arg10[%get3A_757, %get3A_758] {strides = array<i32>} : memref<128x128xi32, #tpu.memory_space<vmem>>, vector<16xi32>,
        %bitcast3A_760 = vector.bitcast %get3A_759 : vector<16xi32> to vector<32xbf16>
        %mul3A_761 = arith.mulf %bitcast3A_756, %bitcast3A_760 : vector<32xbf16>
        %add3A_762 = arith.addf %add3A_752, %mul3A_761 : vector<32xbf16>
        %get3A_763 = arith.index_cast %add3A_723 : i32 to index
        %get3A_764 = arith.constant 64 : index
        %get3A_765 = tpu.vector_load %arg9[%get3A_763, %get3A_764] {strides = array<i32>} : memref<128x128xi32, #tpu.memory_space<vmem>>, vector<16xi32>,
        %bitcast3A_766 = vector.bitcast %get3A_765 : vector<16xi32> to vector<32xbf16>
        %get3A_767 = arith.index_cast %add3A_723 : i32 to index
        %get3A_768 = arith.constant 64 : index
        %get3A_769 = tpu.vector_load %arg10[%get3A_767, %get3A_768] {strides = array<i32>} : memref<128x128xi32, #tpu.memory_space<vmem>>, vector<16xi32>,
        %bitcast3A_770 = vector.bitcast %get3A_769 : vector<16xi32> to vector<32xbf16>
        %mul3A_771 = arith.mulf %bitcast3A_766, %bitcast3A_770 : vector<32xbf16>
        %add3A_772 = arith.addf %add3A_762, %mul3A_771 : vector<32xbf16>
        %get3A_773 = arith.index_cast %add3A_723 : i32 to index
        %get3A_774 = arith.constant 80 : index
        %get3A_775 = tpu.vector_load %arg9[%get3A_773, %get3A_774] {strides = array<i32>} : memref<128x128xi32, #tpu.memory_space<vmem>>, vector<16xi32>,
        %bitcast3A_776 = vector.bitcast %get3A_775 : vector<16xi32> to vector<32xbf16>
        %get3A_777 = arith.index_cast %add3A_723 : i32 to index
        %get3A_778 = arith.constant 80 : index
        %get3A_779 = tpu.vector_load %arg10[%get3A_777, %get3A_778] {strides = array<i32>} : memref<128x128xi32, #tpu.memory_space<vmem>>, vector<16xi32>,
        %bitcast3A_780 = vector.bitcast %get3A_779 : vector<16xi32> to vector<32xbf16>
        %mul3A_781 = arith.mulf %bitcast3A_776, %bitcast3A_780 : vector<32xbf16>
        %add3A_782 = arith.addf %add3A_772, %mul3A_781 : vector<32xbf16>
        %get3A_783 = arith.index_cast %add3A_723 : i32 to index
        %get3A_784 = arith.constant 96 : index
        %get3A_785 = tpu.vector_load %arg9[%get3A_783, %get3A_784] {strides = array<i32>} : memref<128x128xi32, #tpu.memory_space<vmem>>, vector<16xi32>,
        %bitcast3A_786 = vector.bitcast %get3A_785 : vector<16xi32> to vector<32xbf16>
        %get3A_787 = arith.index_cast %add3A_723 : i32 to index
        %get3A_788 = arith.constant 96 : index
        %get3A_789 = tpu.vector_load %arg10[%get3A_787, %get3A_788] {strides = array<i32>} : memref<128x128xi32, #tpu.memory_space<vmem>>, vector<16xi32>,
        %bitcast3A_790 = vector.bitcast %get3A_789 : vector<16xi32> to vector<32xbf16>
        %mul3A_791 = arith.mulf %bitcast3A_786, %bitcast3A_790 : vector<32xbf16>
        %add3A_792 = arith.addf %add3A_782, %mul3A_791 : vector<32xbf16>
        %get3A_793 = arith.index_cast %add3A_723 : i32 to index
        %get3A_794 = arith.constant 112 : index
        %get3A_795 = tpu.vector_load %arg9[%get3A_793, %get3A_794] {strides = array<i32>} : memref<128x128xi32, #tpu.memory_space<vmem>>, vector<16xi32>,
        %bitcast3A_796 = vector.bitcast %get3A_795 : vector<16xi32> to vector<32xbf16>
        %get3A_797 = arith.index_cast %add3A_723 : i32 to index
        %get3A_798 = arith.constant 112 : index
        %get3A_799 = tpu.vector_load %arg10[%get3A_797, %get3A_798] {strides = array<i32>} : memref<128x128xi32, #tpu.memory_space<vmem>>, vector<16xi32>,
        %bitcast3A_800 = vector.bitcast %get3A_799 : vector<16xi32> to vector<32xbf16>
        %mul3A_801 = arith.mulf %bitcast3A_796, %bitcast3A_800 : vector<32xbf16>
        %add3A_802 = arith.addf %add3A_792, %mul3A_801 : vector<32xbf16>
        %unpack3A_803 = tpu.unpack_subelements %add3A_802, 0 {pack_format = #tpu.pack_format<interleaved>} : vector<32xbf16> -> vector<16xf32>
        %unpack3A_804 = tpu.unpack_subelements %add3A_802, 1 {pack_format = #tpu.pack_format<interleaved>} : vector<32xbf16> -> vector<16xf32>
        %add3A_805 = arith.addf %unpack3A_803, %unpack3A_804 : vector<16xf32>
        %swap3A_806 = arith.constant 112 : index
        %swap3A_807 = tpu.vector_load %arg12[%swap3A_806] {strides = array<i32>} : memref<256xf32, #tpu.memory_space<vmem>>, vector<16xf32>,
        tpu.vector_store %arg12[%swap3A_806], %add3A_805 {strides = array<i32>} : memref<256xf32, #tpu.memory_space<vmem>>, vector<16xf32>,
        %mul3A_808 = arith.constant 16 : i32
        %mul3A_809 = arith.muli %scan3A_107, %mul3A_808 : i32
        %add3A_810 = arith.constant 8 : i32
        %add3A_811 = arith.addi %mul3A_809, %add3A_810 : i32
        %get3A_812 = arith.index_cast %add3A_811 : i32 to index
        %get3A_813 = arith.constant 0 : index
        %get3A_814 = tpu.vector_load %arg9[%get3A_812, %get3A_813] {strides = array<i32>} : memref<128x128xi32, #tpu.memory_space<vmem>>, vector<16xi32>,
        %bitcast3A_815 = vector.bitcast %get3A_814 : vector<16xi32> to vector<32xbf16>
        %get3A_816 = arith.index_cast %add3A_811 : i32 to index
        %get3A_817 = arith.constant 0 : index
        %get3A_818 = tpu.vector_load %arg10[%get3A_816, %get3A_817] {strides = array<i32>} : memref<128x128xi32, #tpu.memory_space<vmem>>, vector<16xi32>,
        %bitcast3A_819 = vector.bitcast %get3A_818 : vector<16xi32> to vector<32xbf16>
        %mul3A_820 = arith.mulf %bitcast3A_815, %bitcast3A_819 : vector<32xbf16>
        %get3A_821 = arith.index_cast %add3A_811 : i32 to index
        %get3A_822 = arith.constant 16 : index
        %get3A_823 = tpu.vector_load %arg9[%get3A_821, %get3A_822] {strides = array<i32>} : memref<128x128xi32, #tpu.memory_space<vmem>>, vector<16xi32>,
        %bitcast3A_824 = vector.bitcast %get3A_823 : vector<16xi32> to vector<32xbf16>
        %get3A_825 = arith.index_cast %add3A_811 : i32 to index
        %get3A_826 = arith.constant 16 : index
        %get3A_827 = tpu.vector_load %arg10[%get3A_825, %get3A_826] {strides = array<i32>} : memref<128x128xi32, #tpu.memory_space<vmem>>, vector<16xi32>,
        %bitcast3A_828 = vector.bitcast %get3A_827 : vector<16xi32> to vector<32xbf16>
        %mul3A_829 = arith.mulf %bitcast3A_824, %bitcast3A_828 : vector<32xbf16>
        %add3A_830 = arith.addf %mul3A_820, %mul3A_829 : vector<32xbf16>
        %get3A_831 = arith.index_cast %add3A_811 : i32 to index
        %get3A_832 = arith.constant 32 : index
        %get3A_833 = tpu.vector_load %arg9[%get3A_831, %get3A_832] {strides = array<i32>} : memref<128x128xi32, #tpu.memory_space<vmem>>, vector<16xi32>,
        %bitcast3A_834 = vector.bitcast %get3A_833 : vector<16xi32> to vector<32xbf16>
        %get3A_835 = arith.index_cast %add3A_811 : i32 to index
        %get3A_836 = arith.constant 32 : index
        %get3A_837 = tpu.vector_load %arg10[%get3A_835, %get3A_836] {strides = array<i32>} : memref<128x128xi32, #tpu.memory_space<vmem>>, vector<16xi32>,
        %bitcast3A_838 = vector.bitcast %get3A_837 : vector<16xi32> to vector<32xbf16>
        %mul3A_839 = arith.mulf %bitcast3A_834, %bitcast3A_838 : vector<32xbf16>
        %add3A_840 = arith.addf %add3A_830, %mul3A_839 : vector<32xbf16>
        %get3A_841 = arith.index_cast %add3A_811 : i32 to index
        %get3A_842 = arith.constant 48 : index
        %get3A_843 = tpu.vector_load %arg9[%get3A_841, %get3A_842] {strides = array<i32>} : memref<128x128xi32, #tpu.memory_space<vmem>>, vector<16xi32>,
        %bitcast3A_844 = vector.bitcast %get3A_843 : vector<16xi32> to vector<32xbf16>
        %get3A_845 = arith.index_cast %add3A_811 : i32 to index
        %get3A_846 = arith.constant 48 : index
        %get3A_847 = tpu.vector_load %arg10[%get3A_845, %get3A_846] {strides = array<i32>} : memref<128x128xi32, #tpu.memory_space<vmem>>, vector<16xi32>,
        %bitcast3A_848 = vector.bitcast %get3A_847 : vector<16xi32> to vector<32xbf16>
        %mul3A_849 = arith.mulf %bitcast3A_844, %bitcast3A_848 : vector<32xbf16>
        %add3A_850 = arith.addf %add3A_840, %mul3A_849 : vector<32xbf16>
        %get3A_851 = arith.index_cast %add3A_811 : i32 to index
        %get3A_852 = arith.constant 64 : index
        %get3A_853 = tpu.vector_load %arg9[%get3A_851, %get3A_852] {strides = array<i32>} : memref<128x128xi32, #tpu.memory_space<vmem>>, vector<16xi32>,
        %bitcast3A_854 = vector.bitcast %get3A_853 : vector<16xi32> to vector<32xbf16>
        %get3A_855 = arith.index_cast %add3A_811 : i32 to index
        %get3A_856 = arith.constant 64 : index
        %get3A_857 = tpu.vector_load %arg10[%get3A_855, %get3A_856] {strides = array<i32>} : memref<128x128xi32, #tpu.memory_space<vmem>>, vector<16xi32>,
        %bitcast3A_858 = vector.bitcast %get3A_857 : vector<16xi32> to vector<32xbf16>
        %mul3A_859 = arith.mulf %bitcast3A_854, %bitcast3A_858 : vector<32xbf16>
        %add3A_860 = arith.addf %add3A_850, %mul3A_859 : vector<32xbf16>
        %get3A_861 = arith.index_cast %add3A_811 : i32 to index
        %get3A_862 = arith.constant 80 : index
        %get3A_863 = tpu.vector_load %arg9[%get3A_861, %get3A_862] {strides = array<i32>} : memref<128x128xi32, #tpu.memory_space<vmem>>, vector<16xi32>,
        %bitcast3A_864 = vector.bitcast %get3A_863 : vector<16xi32> to vector<32xbf16>
        %get3A_865 = arith.index_cast %add3A_811 : i32 to index
        %get3A_866 = arith.constant 80 : index
        %get3A_867 = tpu.vector_load %arg10[%get3A_865, %get3A_866] {strides = array<i32>} : memref<128x128xi32, #tpu.memory_space<vmem>>, vector<16xi32>,
        %bitcast3A_868 = vector.bitcast %get3A_867 : vector<16xi32> to vector<32xbf16>
        %mul3A_869 = arith.mulf %bitcast3A_864, %bitcast3A_868 : vector<32xbf16>
        %add3A_870 = arith.addf %add3A_860, %mul3A_869 : vector<32xbf16>
        %get3A_871 = arith.index_cast %add3A_811 : i32 to index
        %get3A_872 = arith.constant 96 : index
        %get3A_873 = tpu.vector_load %arg9[%get3A_871, %get3A_872] {strides = array<i32>} : memref<128x128xi32, #tpu.memory_space<vmem>>, vector<16xi32>,
        %bitcast3A_874 = vector.bitcast %get3A_873 : vector<16xi32> to vector<32xbf16>
        %get3A_875 = arith.index_cast %add3A_811 : i32 to index
        %get3A_876 = arith.constant 96 : index
        %get3A_877 = tpu.vector_load %arg10[%get3A_875, %get3A_876] {strides = array<i32>} : memref<128x128xi32, #tpu.memory_space<vmem>>, vector<16xi32>,
        %bitcast3A_878 = vector.bitcast %get3A_877 : vector<16xi32> to vector<32xbf16>
        %mul3A_879 = arith.mulf %bitcast3A_874, %bitcast3A_878 : vector<32xbf16>
        %add3A_880 = arith.addf %add3A_870, %mul3A_879 : vector<32xbf16>
        %get3A_881 = arith.index_cast %add3A_811 : i32 to index
        %get3A_882 = arith.constant 112 : index
        %get3A_883 = tpu.vector_load %arg9[%get3A_881, %get3A_882] {strides = array<i32>} : memref<128x128xi32, #tpu.memory_space<vmem>>, vector<16xi32>,
        %bitcast3A_884 = vector.bitcast %get3A_883 : vector<16xi32> to vector<32xbf16>
        %get3A_885 = arith.index_cast %add3A_811 : i32 to index
        %get3A_886 = arith.constant 112 : index
        %get3A_887 = tpu.vector_load %arg10[%get3A_885, %get3A_886] {strides = array<i32>} : memref<128x128xi32, #tpu.memory_space<vmem>>, vector<16xi32>,
        %bitcast3A_888 = vector.bitcast %get3A_887 : vector<16xi32> to vector<32xbf16>
        %mul3A_889 = arith.mulf %bitcast3A_884, %bitcast3A_888 : vector<32xbf16>
        %add3A_890 = arith.addf %add3A_880, %mul3A_889 : vector<32xbf16>
        %unpack3A_891 = tpu.unpack_subelements %add3A_890, 0 {pack_format = #tpu.pack_format<interleaved>} : vector<32xbf16> -> vector<16xf32>
        %unpack3A_892 = tpu.unpack_subelements %add3A_890, 1 {pack_format = #tpu.pack_format<interleaved>} : vector<32xbf16> -> vector<16xf32>
        %add3A_893 = arith.addf %unpack3A_891, %unpack3A_892 : vector<16xf32>
        %swap3A_894 = arith.constant 128 : index
        %swap3A_895 = tpu.vector_load %arg12[%swap3A_894] {strides = array<i32>} : memref<256xf32, #tpu.memory_space<vmem>>, vector<16xf32>,
        tpu.vector_store %arg12[%swap3A_894], %add3A_893 {strides = array<i32>} : memref<256xf32, #tpu.memory_space<vmem>>, vector<16xf32>,
        %mul3A_896 = arith.constant 16 : i32
        %mul3A_897 = arith.muli %scan3A_107, %mul3A_896 : i32
        %add3A_898 = arith.constant 9 : i32
        %add3A_899 = arith.addi %mul3A_897, %add3A_898 : i32
        %get3A_900 = arith.index_cast %add3A_899 : i32 to index
        %get3A_901 = arith.constant 0 : index
        %get3A_902 = tpu.vector_load %arg9[%get3A_900, %get3A_901] {strides = array<i32>} : memref<128x128xi32, #tpu.memory_space<vmem>>, vector<16xi32>,
        %bitcast3A_903 = vector.bitcast %get3A_902 : vector<16xi32> to vector<32xbf16>
        %get3A_904 = arith.index_cast %add3A_899 : i32 to index
        %get3A_905 = arith.constant 0 : index
        %get3A_906 = tpu.vector_load %arg10[%get3A_904, %get3A_905] {strides = array<i32>} : memref<128x128xi32, #tpu.memory_space<vmem>>, vector<16xi32>,
        %bitcast3A_907 = vector.bitcast %get3A_906 : vector<16xi32> to vector<32xbf16>
        %mul3A_908 = arith.mulf %bitcast3A_903, %bitcast3A_907 : vector<32xbf16>
        %get3A_909 = arith.index_cast %add3A_899 : i32 to index
        %get3A_910 = arith.constant 16 : index
        %get3A_911 = tpu.vector_load %arg9[%get3A_909, %get3A_910] {strides = array<i32>} : memref<128x128xi32, #tpu.memory_space<vmem>>, vector<16xi32>,
        %bitcast3A_912 = vector.bitcast %get3A_911 : vector<16xi32> to vector<32xbf16>
        %get3A_913 = arith.index_cast %add3A_899 : i32 to index
        %get3A_914 = arith.constant 16 : index
        %get3A_915 = tpu.vector_load %arg10[%get3A_913, %get3A_914] {strides = array<i32>} : memref<128x128xi32, #tpu.memory_space<vmem>>, vector<16xi32>,
        %bitcast3A_916 = vector.bitcast %get3A_915 : vector<16xi32> to vector<32xbf16>
        %mul3A_917 = arith.mulf %bitcast3A_912, %bitcast3A_916 : vector<32xbf16>
        %add3A_918 = arith.addf %mul3A_908, %mul3A_917 : vector<32xbf16>
        %get3A_919 = arith.index_cast %add3A_899 : i32 to index
        %get3A_920 = arith.constant 32 : index
        %get3A_921 = tpu.vector_load %arg9[%get3A_919, %get3A_920] {strides = array<i32>} : memref<128x128xi32, #tpu.memory_space<vmem>>, vector<16xi32>,
        %bitcast3A_922 = vector.bitcast %get3A_921 : vector<16xi32> to vector<32xbf16>
        %get3A_923 = arith.index_cast %add3A_899 : i32 to index
        %get3A_924 = arith.constant 32 : index
        %get3A_925 = tpu.vector_load %arg10[%get3A_923, %get3A_924] {strides = array<i32>} : memref<128x128xi32, #tpu.memory_space<vmem>>, vector<16xi32>,
        %bitcast3A_926 = vector.bitcast %get3A_925 : vector<16xi32> to vector<32xbf16>
        %mul3A_927 = arith.mulf %bitcast3A_922, %bitcast3A_926 : vector<32xbf16>
        %add3A_928 = arith.addf %add3A_918, %mul3A_927 : vector<32xbf16>
        %get3A_929 = arith.index_cast %add3A_899 : i32 to index
        %get3A_930 = arith.constant 48 : index
        %get3A_931 = tpu.vector_load %arg9[%get3A_929, %get3A_930] {strides = array<i32>} : memref<128x128xi32, #tpu.memory_space<vmem>>, vector<16xi32>,
        %bitcast3A_932 = vector.bitcast %get3A_931 : vector<16xi32> to vector<32xbf16>
        %get3A_933 = arith.index_cast %add3A_899 : i32 to index
        %get3A_934 = arith.constant 48 : index
        %get3A_935 = tpu.vector_load %arg10[%get3A_933, %get3A_934] {strides = array<i32>} : memref<128x128xi32, #tpu.memory_space<vmem>>, vector<16xi32>,
        %bitcast3A_936 = vector.bitcast %get3A_935 : vector<16xi32> to vector<32xbf16>
        %mul3A_937 = arith.mulf %bitcast3A_932, %bitcast3A_936 : vector<32xbf16>
        %add3A_938 = arith.addf %add3A_928, %mul3A_937 : vector<32xbf16>
        %get3A_939 = arith.index_cast %add3A_899 : i32 to index
        %get3A_940 = arith.constant 64 : index
        %get3A_941 = tpu.vector_load %arg9[%get3A_939, %get3A_940] {strides = array<i32>} : memref<128x128xi32, #tpu.memory_space<vmem>>, vector<16xi32>,
        %bitcast3A_942 = vector.bitcast %get3A_941 : vector<16xi32> to vector<32xbf16>
        %get3A_943 = arith.index_cast %add3A_899 : i32 to index
        %get3A_944 = arith.constant 64 : index
        %get3A_945 = tpu.vector_load %arg10[%get3A_943, %get3A_944] {strides = array<i32>} : memref<128x128xi32, #tpu.memory_space<vmem>>, vector<16xi32>,
        %bitcast3A_946 = vector.bitcast %get3A_945 : vector<16xi32> to vector<32xbf16>
        %mul3A_947 = arith.mulf %bitcast3A_942, %bitcast3A_946 : vector<32xbf16>
        %add3A_948 = arith.addf %add3A_938, %mul3A_947 : vector<32xbf16>
        %get3A_949 = arith.index_cast %add3A_899 : i32 to index
        %get3A_950 = arith.constant 80 : index
        %get3A_951 = tpu.vector_load %arg9[%get3A_949, %get3A_950] {strides = array<i32>} : memref<128x128xi32, #tpu.memory_space<vmem>>, vector<16xi32>,
        %bitcast3A_952 = vector.bitcast %get3A_951 : vector<16xi32> to vector<32xbf16>
        %get3A_953 = arith.index_cast %add3A_899 : i32 to index
        %get3A_954 = arith.constant 80 : index
        %get3A_955 = tpu.vector_load %arg10[%get3A_953, %get3A_954] {strides = array<i32>} : memref<128x128xi32, #tpu.memory_space<vmem>>, vector<16xi32>,
        %bitcast3A_956 = vector.bitcast %get3A_955 : vector<16xi32> to vector<32xbf16>
        %mul3A_957 = arith.mulf %bitcast3A_952, %bitcast3A_956 : vector<32xbf16>
        %add3A_958 = arith.addf %add3A_948, %mul3A_957 : vector<32xbf16>
        %get3A_959 = arith.index_cast %add3A_899 : i32 to index
        %get3A_960 = arith.constant 96 : index
        %get3A_961 = tpu.vector_load %arg9[%get3A_959, %get3A_960] {strides = array<i32>} : memref<128x128xi32, #tpu.memory_space<vmem>>, vector<16xi32>,
        %bitcast3A_962 = vector.bitcast %get3A_961 : vector<16xi32> to vector<32xbf16>
        %get3A_963 = arith.index_cast %add3A_899 : i32 to index
        %get3A_964 = arith.constant 96 : index
        %get3A_965 = tpu.vector_load %arg10[%get3A_963, %get3A_964] {strides = array<i32>} : memref<128x128xi32, #tpu.memory_space<vmem>>, vector<16xi32>,
        %bitcast3A_966 = vector.bitcast %get3A_965 : vector<16xi32> to vector<32xbf16>
        %mul3A_967 = arith.mulf %bitcast3A_962, %bitcast3A_966 : vector<32xbf16>
        %add3A_968 = arith.addf %add3A_958, %mul3A_967 : vector<32xbf16>
        %get3A_969 = arith.index_cast %add3A_899 : i32 to index
        %get3A_970 = arith.constant 112 : index
        %get3A_971 = tpu.vector_load %arg9[%get3A_969, %get3A_970] {strides = array<i32>} : memref<128x128xi32, #tpu.memory_space<vmem>>, vector<16xi32>,
        %bitcast3A_972 = vector.bitcast %get3A_971 : vector<16xi32> to vector<32xbf16>
        %get3A_973 = arith.index_cast %add3A_899 : i32 to index
        %get3A_974 = arith.constant 112 : index
        %get3A_975 = tpu.vector_load %arg10[%get3A_973, %get3A_974] {strides = array<i32>} : memref<128x128xi32, #tpu.memory_space<vmem>>, vector<16xi32>,
        %bitcast3A_976 = vector.bitcast %get3A_975 : vector<16xi32> to vector<32xbf16>
        %mul3A_977 = arith.mulf %bitcast3A_972, %bitcast3A_976 : vector<32xbf16>
        %add3A_978 = arith.addf %add3A_968, %mul3A_977 : vector<32xbf16>
        %unpack3A_979 = tpu.unpack_subelements %add3A_978, 0 {pack_format = #tpu.pack_format<interleaved>} : vector<32xbf16> -> vector<16xf32>
        %unpack3A_980 = tpu.unpack_subelements %add3A_978, 1 {pack_format = #tpu.pack_format<interleaved>} : vector<32xbf16> -> vector<16xf32>
        %add3A_981 = arith.addf %unpack3A_979, %unpack3A_980 : vector<16xf32>
        %swap3A_982 = arith.constant 144 : index
        %swap3A_983 = tpu.vector_load %arg12[%swap3A_982] {strides = array<i32>} : memref<256xf32, #tpu.memory_space<vmem>>, vector<16xf32>,
        tpu.vector_store %arg12[%swap3A_982], %add3A_981 {strides = array<i32>} : memref<256xf32, #tpu.memory_space<vmem>>, vector<16xf32>,
        %mul3A_984 = arith.constant 16 : i32
        %mul3A_985 = arith.muli %scan3A_107, %mul3A_984 : i32
        %add3A_986 = arith.constant 10 : i32
        %add3A_987 = arith.addi %mul3A_985, %add3A_986 : i32
        %get3A_988 = arith.index_cast %add3A_987 : i32 to index
        %get3A_989 = arith.constant 0 : index
        %get3A_990 = tpu.vector_load %arg9[%get3A_988, %get3A_989] {strides = array<i32>} : memref<128x128xi32, #tpu.memory_space<vmem>>, vector<16xi32>,
        %bitcast3A_991 = vector.bitcast %get3A_990 : vector<16xi32> to vector<32xbf16>
        %get3A_992 = arith.index_cast %add3A_987 : i32 to index
        %get3A_993 = arith.constant 0 : index
        %get3A_994 = tpu.vector_load %arg10[%get3A_992, %get3A_993] {strides = array<i32>} : memref<128x128xi32, #tpu.memory_space<vmem>>, vector<16xi32>,
        %bitcast3A_995 = vector.bitcast %get3A_994 : vector<16xi32> to vector<32xbf16>
        %mul3A_996 = arith.mulf %bitcast3A_991, %bitcast3A_995 : vector<32xbf16>
        %get3A_997 = arith.index_cast %add3A_987 : i32 to index
        %get3A_998 = arith.constant 16 : index
        %get3A_999 = tpu.vector_load %arg9[%get3A_997, %get3A_998] {strides = array<i32>} : memref<128x128xi32, #tpu.memory_space<vmem>>, vector<16xi32>,
        %bitcast3A_1000 = vector.bitcast %get3A_999 : vector<16xi32> to vector<32xbf16>
        %get3A_1001 = arith.index_cast %add3A_987 : i32 to index
        %get3A_1002 = arith.constant 16 : index
        %get3A_1003 = tpu.vector_load %arg10[%get3A_1001, %get3A_1002] {strides = array<i32>} : memref<128x128xi32, #tpu.memory_space<vmem>>, vector<16xi32>,
        %bitcast3A_1004 = vector.bitcast %get3A_1003 : vector<16xi32> to vector<32xbf16>
        %mul3A_1005 = arith.mulf %bitcast3A_1000, %bitcast3A_1004 : vector<32xbf16>
        %add3A_1006 = arith.addf %mul3A_996, %mul3A_1005 : vector<32xbf16>
        %get3A_1007 = arith.index_cast %add3A_987 : i32 to index
        %get3A_1008 = arith.constant 32 : index
        %get3A_1009 = tpu.vector_load %arg9[%get3A_1007, %get3A_1008] {strides = array<i32>} : memref<128x128xi32, #tpu.memory_space<vmem>>, vector<16xi32>,
        %bitcast3A_1010 = vector.bitcast %get3A_1009 : vector<16xi32> to vector<32xbf16>
        %get3A_1011 = arith.index_cast %add3A_987 : i32 to index
        %get3A_1012 = arith.constant 32 : index
        %get3A_1013 = tpu.vector_load %arg10[%get3A_1011, %get3A_1012] {strides = array<i32>} : memref<128x128xi32, #tpu.memory_space<vmem>>, vector<16xi32>,
        %bitcast3A_1014 = vector.bitcast %get3A_1013 : vector<16xi32> to vector<32xbf16>
        %mul3A_1015 = arith.mulf %bitcast3A_1010, %bitcast3A_1014 : vector<32xbf16>
        %add3A_1016 = arith.addf %add3A_1006, %mul3A_1015 : vector<32xbf16>
        %get3A_1017 = arith.index_cast %add3A_987 : i32 to index
        %get3A_1018 = arith.constant 48 : index
        %get3A_1019 = tpu.vector_load %arg9[%get3A_1017, %get3A_1018] {strides = array<i32>} : memref<128x128xi32, #tpu.memory_space<vmem>>, vector<16xi32>,
        %bitcast3A_1020 = vector.bitcast %get3A_1019 : vector<16xi32> to vector<32xbf16>
        %get3A_1021 = arith.index_cast %add3A_987 : i32 to index
        %get3A_1022 = arith.constant 48 : index
        %get3A_1023 = tpu.vector_load %arg10[%get3A_1021, %get3A_1022] {strides = array<i32>} : memref<128x128xi32, #tpu.memory_space<vmem>>, vector<16xi32>,
        %bitcast3A_1024 = vector.bitcast %get3A_1023 : vector<16xi32> to vector<32xbf16>
        %mul3A_1025 = arith.mulf %bitcast3A_1020, %bitcast3A_1024 : vector<32xbf16>
        %add3A_1026 = arith.addf %add3A_1016, %mul3A_1025 : vector<32xbf16>
        %get3A_1027 = arith.index_cast %add3A_987 : i32 to index
        %get3A_1028 = arith.constant 64 : index
        %get3A_1029 = tpu.vector_load %arg9[%get3A_1027, %get3A_1028] {strides = array<i32>} : memref<128x128xi32, #tpu.memory_space<vmem>>, vector<16xi32>,
        %bitcast3A_1030 = vector.bitcast %get3A_1029 : vector<16xi32> to vector<32xbf16>
        %get3A_1031 = arith.index_cast %add3A_987 : i32 to index
        %get3A_1032 = arith.constant 64 : index
        %get3A_1033 = tpu.vector_load %arg10[%get3A_1031, %get3A_1032] {strides = array<i32>} : memref<128x128xi32, #tpu.memory_space<vmem>>, vector<16xi32>,
        %bitcast3A_1034 = vector.bitcast %get3A_1033 : vector<16xi32> to vector<32xbf16>
        %mul3A_1035 = arith.mulf %bitcast3A_1030, %bitcast3A_1034 : vector<32xbf16>
        %add3A_1036 = arith.addf %add3A_1026, %mul3A_1035 : vector<32xbf16>
        %get3A_1037 = arith.index_cast %add3A_987 : i32 to index
        %get3A_1038 = arith.constant 80 : index
        %get3A_1039 = tpu.vector_load %arg9[%get3A_1037, %get3A_1038] {strides = array<i32>} : memref<128x128xi32, #tpu.memory_space<vmem>>, vector<16xi32>,
        %bitcast3A_1040 = vector.bitcast %get3A_1039 : vector<16xi32> to vector<32xbf16>
        %get3A_1041 = arith.index_cast %add3A_987 : i32 to index
        %get3A_1042 = arith.constant 80 : index
        %get3A_1043 = tpu.vector_load %arg10[%get3A_1041, %get3A_1042] {strides = array<i32>} : memref<128x128xi32, #tpu.memory_space<vmem>>, vector<16xi32>,
        %bitcast3A_1044 = vector.bitcast %get3A_1043 : vector<16xi32> to vector<32xbf16>
        %mul3A_1045 = arith.mulf %bitcast3A_1040, %bitcast3A_1044 : vector<32xbf16>
        %add3A_1046 = arith.addf %add3A_1036, %mul3A_1045 : vector<32xbf16>
        %get3A_1047 = arith.index_cast %add3A_987 : i32 to index
        %get3A_1048 = arith.constant 96 : index
        %get3A_1049 = tpu.vector_load %arg9[%get3A_1047, %get3A_1048] {strides = array<i32>} : memref<128x128xi32, #tpu.memory_space<vmem>>, vector<16xi32>,
        %bitcast3A_1050 = vector.bitcast %get3A_1049 : vector<16xi32> to vector<32xbf16>
        %get3A_1051 = arith.index_cast %add3A_987 : i32 to index
        %get3A_1052 = arith.constant 96 : index
        %get3A_1053 = tpu.vector_load %arg10[%get3A_1051, %get3A_1052] {strides = array<i32>} : memref<128x128xi32, #tpu.memory_space<vmem>>, vector<16xi32>,
        %bitcast3A_1054 = vector.bitcast %get3A_1053 : vector<16xi32> to vector<32xbf16>
        %mul3A_1055 = arith.mulf %bitcast3A_1050, %bitcast3A_1054 : vector<32xbf16>
        %add3A_1056 = arith.addf %add3A_1046, %mul3A_1055 : vector<32xbf16>
        %get3A_1057 = arith.index_cast %add3A_987 : i32 to index
        %get3A_1058 = arith.constant 112 : index
        %get3A_1059 = tpu.vector_load %arg9[%get3A_1057, %get3A_1058] {strides = array<i32>} : memref<128x128xi32, #tpu.memory_space<vmem>>, vector<16xi32>,
        %bitcast3A_1060 = vector.bitcast %get3A_1059 : vector<16xi32> to vector<32xbf16>
        %get3A_1061 = arith.index_cast %add3A_987 : i32 to index
        %get3A_1062 = arith.constant 112 : index
        %get3A_1063 = tpu.vector_load %arg10[%get3A_1061, %get3A_1062] {strides = array<i32>} : memref<128x128xi32, #tpu.memory_space<vmem>>, vector<16xi32>,
        %bitcast3A_1064 = vector.bitcast %get3A_1063 : vector<16xi32> to vector<32xbf16>
        %mul3A_1065 = arith.mulf %bitcast3A_1060, %bitcast3A_1064 : vector<32xbf16>
        %add3A_1066 = arith.addf %add3A_1056, %mul3A_1065 : vector<32xbf16>
        %unpack3A_1067 = tpu.unpack_subelements %add3A_1066, 0 {pack_format = #tpu.pack_format<interleaved>} : vector<32xbf16> -> vector<16xf32>
        %unpack3A_1068 = tpu.unpack_subelements %add3A_1066, 1 {pack_format = #tpu.pack_format<interleaved>} : vector<32xbf16> -> vector<16xf32>
        %add3A_1069 = arith.addf %unpack3A_1067, %unpack3A_1068 : vector<16xf32>
        %swap3A_1070 = arith.constant 160 : index
        %swap3A_1071 = tpu.vector_load %arg12[%swap3A_1070] {strides = array<i32>} : memref<256xf32, #tpu.memory_space<vmem>>, vector<16xf32>,
        tpu.vector_store %arg12[%swap3A_1070], %add3A_1069 {strides = array<i32>} : memref<256xf32, #tpu.memory_space<vmem>>, vector<16xf32>,
        %mul3A_1072 = arith.constant 16 : i32
        %mul3A_1073 = arith.muli %scan3A_107, %mul3A_1072 : i32
        %add3A_1074 = arith.constant 11 : i32
        %add3A_1075 = arith.addi %mul3A_1073, %add3A_1074 : i32
        %get3A_1076 = arith.index_cast %add3A_1075 : i32 to index
        %get3A_1077 = arith.constant 0 : index
        %get3A_1078 = tpu.vector_load %arg9[%get3A_1076, %get3A_1077] {strides = array<i32>} : memref<128x128xi32, #tpu.memory_space<vmem>>, vector<16xi32>,
        %bitcast3A_1079 = vector.bitcast %get3A_1078 : vector<16xi32> to vector<32xbf16>
        %get3A_1080 = arith.index_cast %add3A_1075 : i32 to index
        %get3A_1081 = arith.constant 0 : index
        %get3A_1082 = tpu.vector_load %arg10[%get3A_1080, %get3A_1081] {strides = array<i32>} : memref<128x128xi32, #tpu.memory_space<vmem>>, vector<16xi32>,
        %bitcast3A_1083 = vector.bitcast %get3A_1082 : vector<16xi32> to vector<32xbf16>
        %mul3A_1084 = arith.mulf %bitcast3A_1079, %bitcast3A_1083 : vector<32xbf16>
        %get3A_1085 = arith.index_cast %add3A_1075 : i32 to index
        %get3A_1086 = arith.constant 16 : index
        %get3A_1087 = tpu.vector_load %arg9[%get3A_1085, %get3A_1086] {strides = array<i32>} : memref<128x128xi32, #tpu.memory_space<vmem>>, vector<16xi32>,
        %bitcast3A_1088 = vector.bitcast %get3A_1087 : vector<16xi32> to vector<32xbf16>
        %get3A_1089 = arith.index_cast %add3A_1075 : i32 to index
        %get3A_1090 = arith.constant 16 : index
        %get3A_1091 = tpu.vector_load %arg10[%get3A_1089, %get3A_1090] {strides = array<i32>} : memref<128x128xi32, #tpu.memory_space<vmem>>, vector<16xi32>,
        %bitcast3A_1092 = vector.bitcast %get3A_1091 : vector<16xi32> to vector<32xbf16>
        %mul3A_1093 = arith.mulf %bitcast3A_1088, %bitcast3A_1092 : vector<32xbf16>
        %add3A_1094 = arith.addf %mul3A_1084, %mul3A_1093 : vector<32xbf16>
        %get3A_1095 = arith.index_cast %add3A_1075 : i32 to index
        %get3A_1096 = arith.constant 32 : index
        %get3A_1097 = tpu.vector_load %arg9[%get3A_1095, %get3A_1096] {strides = array<i32>} : memref<128x128xi32, #tpu.memory_space<vmem>>, vector<16xi32>,
        %bitcast3A_1098 = vector.bitcast %get3A_1097 : vector<16xi32> to vector<32xbf16>
        %get3A_1099 = arith.index_cast %add3A_1075 : i32 to index
        %get3A_1100 = arith.constant 32 : index
        %get3A_1101 = tpu.vector_load %arg10[%get3A_1099, %get3A_1100] {strides = array<i32>} : memref<128x128xi32, #tpu.memory_space<vmem>>, vector<16xi32>,
        %bitcast3A_1102 = vector.bitcast %get3A_1101 : vector<16xi32> to vector<32xbf16>
        %mul3A_1103 = arith.mulf %bitcast3A_1098, %bitcast3A_1102 : vector<32xbf16>
        %add3A_1104 = arith.addf %add3A_1094, %mul3A_1103 : vector<32xbf16>
        %get3A_1105 = arith.index_cast %add3A_1075 : i32 to index
        %get3A_1106 = arith.constant 48 : index
        %get3A_1107 = tpu.vector_load %arg9[%get3A_1105, %get3A_1106] {strides = array<i32>} : memref<128x128xi32, #tpu.memory_space<vmem>>, vector<16xi32>,
        %bitcast3A_1108 = vector.bitcast %get3A_1107 : vector<16xi32> to vector<32xbf16>
        %get3A_1109 = arith.index_cast %add3A_1075 : i32 to index
        %get3A_1110 = arith.constant 48 : index
        %get3A_1111 = tpu.vector_load %arg10[%get3A_1109, %get3A_1110] {strides = array<i32>} : memref<128x128xi32, #tpu.memory_space<vmem>>, vector<16xi32>,
        %bitcast3A_1112 = vector.bitcast %get3A_1111 : vector<16xi32> to vector<32xbf16>
        %mul3A_1113 = arith.mulf %bitcast3A_1108, %bitcast3A_1112 : vector<32xbf16>
        %add3A_1114 = arith.addf %add3A_1104, %mul3A_1113 : vector<32xbf16>
        %get3A_1115 = arith.index_cast %add3A_1075 : i32 to index
        %get3A_1116 = arith.constant 64 : index
        %get3A_1117 = tpu.vector_load %arg9[%get3A_1115, %get3A_1116] {strides = array<i32>} : memref<128x128xi32, #tpu.memory_space<vmem>>, vector<16xi32>,
        %bitcast3A_1118 = vector.bitcast %get3A_1117 : vector<16xi32> to vector<32xbf16>
        %get3A_1119 = arith.index_cast %add3A_1075 : i32 to index
        %get3A_1120 = arith.constant 64 : index
        %get3A_1121 = tpu.vector_load %arg10[%get3A_1119, %get3A_1120] {strides = array<i32>} : memref<128x128xi32, #tpu.memory_space<vmem>>, vector<16xi32>,
        %bitcast3A_1122 = vector.bitcast %get3A_1121 : vector<16xi32> to vector<32xbf16>
        %mul3A_1123 = arith.mulf %bitcast3A_1118, %bitcast3A_1122 : vector<32xbf16>
        %add3A_1124 = arith.addf %add3A_1114, %mul3A_1123 : vector<32xbf16>
        %get3A_1125 = arith.index_cast %add3A_1075 : i32 to index
        %get3A_1126 = arith.constant 80 : index
        %get3A_1127 = tpu.vector_load %arg9[%get3A_1125, %get3A_1126] {strides = array<i32>} : memref<128x128xi32, #tpu.memory_space<vmem>>, vector<16xi32>,
        %bitcast3A_1128 = vector.bitcast %get3A_1127 : vector<16xi32> to vector<32xbf16>
        %get3A_1129 = arith.index_cast %add3A_1075 : i32 to index
        %get3A_1130 = arith.constant 80 : index
        %get3A_1131 = tpu.vector_load %arg10[%get3A_1129, %get3A_1130] {strides = array<i32>} : memref<128x128xi32, #tpu.memory_space<vmem>>, vector<16xi32>,
        %bitcast3A_1132 = vector.bitcast %get3A_1131 : vector<16xi32> to vector<32xbf16>
        %mul3A_1133 = arith.mulf %bitcast3A_1128, %bitcast3A_1132 : vector<32xbf16>
        %add3A_1134 = arith.addf %add3A_1124, %mul3A_1133 : vector<32xbf16>
        %get3A_1135 = arith.index_cast %add3A_1075 : i32 to index
        %get3A_1136 = arith.constant 96 : index
        %get3A_1137 = tpu.vector_load %arg9[%get3A_1135, %get3A_1136] {strides = array<i32>} : memref<128x128xi32, #tpu.memory_space<vmem>>, vector<16xi32>,
        %bitcast3A_1138 = vector.bitcast %get3A_1137 : vector<16xi32> to vector<32xbf16>
        %get3A_1139 = arith.index_cast %add3A_1075 : i32 to index
        %get3A_1140 = arith.constant 96 : index
        %get3A_1141 = tpu.vector_load %arg10[%get3A_1139, %get3A_1140] {strides = array<i32>} : memref<128x128xi32, #tpu.memory_space<vmem>>, vector<16xi32>,
        %bitcast3A_1142 = vector.bitcast %get3A_1141 : vector<16xi32> to vector<32xbf16>
        %mul3A_1143 = arith.mulf %bitcast3A_1138, %bitcast3A_1142 : vector<32xbf16>
        %add3A_1144 = arith.addf %add3A_1134, %mul3A_1143 : vector<32xbf16>
        %get3A_1145 = arith.index_cast %add3A_1075 : i32 to index
        %get3A_1146 = arith.constant 112 : index
        %get3A_1147 = tpu.vector_load %arg9[%get3A_1145, %get3A_1146] {strides = array<i32>} : memref<128x128xi32, #tpu.memory_space<vmem>>, vector<16xi32>,
        %bitcast3A_1148 = vector.bitcast %get3A_1147 : vector<16xi32> to vector<32xbf16>
        %get3A_1149 = arith.index_cast %add3A_1075 : i32 to index
        %get3A_1150 = arith.constant 112 : index
        %get3A_1151 = tpu.vector_load %arg10[%get3A_1149, %get3A_1150] {strides = array<i32>} : memref<128x128xi32, #tpu.memory_space<vmem>>, vector<16xi32>,
        %bitcast3A_1152 = vector.bitcast %get3A_1151 : vector<16xi32> to vector<32xbf16>
        %mul3A_1153 = arith.mulf %bitcast3A_1148, %bitcast3A_1152 : vector<32xbf16>
        %add3A_1154 = arith.addf %add3A_1144, %mul3A_1153 : vector<32xbf16>
        %unpack3A_1155 = tpu.unpack_subelements %add3A_1154, 0 {pack_format = #tpu.pack_format<interleaved>} : vector<32xbf16> -> vector<16xf32>
        %unpack3A_1156 = tpu.unpack_subelements %add3A_1154, 1 {pack_format = #tpu.pack_format<interleaved>} : vector<32xbf16> -> vector<16xf32>
        %add3A_1157 = arith.addf %unpack3A_1155, %unpack3A_1156 : vector<16xf32>
        %swap3A_1158 = arith.constant 176 : index
        %swap3A_1159 = tpu.vector_load %arg12[%swap3A_1158] {strides = array<i32>} : memref<256xf32, #tpu.memory_space<vmem>>, vector<16xf32>,
        tpu.vector_store %arg12[%swap3A_1158], %add3A_1157 {strides = array<i32>} : memref<256xf32, #tpu.memory_space<vmem>>, vector<16xf32>,
        %mul3A_1160 = arith.constant 16 : i32
        %mul3A_1161 = arith.muli %scan3A_107, %mul3A_1160 : i32
        %add3A_1162 = arith.constant 12 : i32
        %add3A_1163 = arith.addi %mul3A_1161, %add3A_1162 : i32
        %get3A_1164 = arith.index_cast %add3A_1163 : i32 to index
        %get3A_1165 = arith.constant 0 : index
        %get3A_1166 = tpu.vector_load %arg9[%get3A_1164, %get3A_1165] {strides = array<i32>} : memref<128x128xi32, #tpu.memory_space<vmem>>, vector<16xi32>,
        %bitcast3A_1167 = vector.bitcast %get3A_1166 : vector<16xi32> to vector<32xbf16>
        %get3A_1168 = arith.index_cast %add3A_1163 : i32 to index
        %get3A_1169 = arith.constant 0 : index
        %get3A_1170 = tpu.vector_load %arg10[%get3A_1168, %get3A_1169] {strides = array<i32>} : memref<128x128xi32, #tpu.memory_space<vmem>>, vector<16xi32>,
        %bitcast3A_1171 = vector.bitcast %get3A_1170 : vector<16xi32> to vector<32xbf16>
        %mul3A_1172 = arith.mulf %bitcast3A_1167, %bitcast3A_1171 : vector<32xbf16>
        %get3A_1173 = arith.index_cast %add3A_1163 : i32 to index
        %get3A_1174 = arith.constant 16 : index
        %get3A_1175 = tpu.vector_load %arg9[%get3A_1173, %get3A_1174] {strides = array<i32>} : memref<128x128xi32, #tpu.memory_space<vmem>>, vector<16xi32>,
        %bitcast3A_1176 = vector.bitcast %get3A_1175 : vector<16xi32> to vector<32xbf16>
        %get3A_1177 = arith.index_cast %add3A_1163 : i32 to index
        %get3A_1178 = arith.constant 16 : index
        %get3A_1179 = tpu.vector_load %arg10[%get3A_1177, %get3A_1178] {strides = array<i32>} : memref<128x128xi32, #tpu.memory_space<vmem>>, vector<16xi32>,
        %bitcast3A_1180 = vector.bitcast %get3A_1179 : vector<16xi32> to vector<32xbf16>
        %mul3A_1181 = arith.mulf %bitcast3A_1176, %bitcast3A_1180 : vector<32xbf16>
        %add3A_1182 = arith.addf %mul3A_1172, %mul3A_1181 : vector<32xbf16>
        %get3A_1183 = arith.index_cast %add3A_1163 : i32 to index
        %get3A_1184 = arith.constant 32 : index
        %get3A_1185 = tpu.vector_load %arg9[%get3A_1183, %get3A_1184] {strides = array<i32>} : memref<128x128xi32, #tpu.memory_space<vmem>>, vector<16xi32>,
        %bitcast3A_1186 = vector.bitcast %get3A_1185 : vector<16xi32> to vector<32xbf16>
        %get3A_1187 = arith.index_cast %add3A_1163 : i32 to index
        %get3A_1188 = arith.constant 32 : index
        %get3A_1189 = tpu.vector_load %arg10[%get3A_1187, %get3A_1188] {strides = array<i32>} : memref<128x128xi32, #tpu.memory_space<vmem>>, vector<16xi32>,
        %bitcast3A_1190 = vector.bitcast %get3A_1189 : vector<16xi32> to vector<32xbf16>
        %mul3A_1191 = arith.mulf %bitcast3A_1186, %bitcast3A_1190 : vector<32xbf16>
        %add3A_1192 = arith.addf %add3A_1182, %mul3A_1191 : vector<32xbf16>
        %get3A_1193 = arith.index_cast %add3A_1163 : i32 to index
        %get3A_1194 = arith.constant 48 : index
        %get3A_1195 = tpu.vector_load %arg9[%get3A_1193, %get3A_1194] {strides = array<i32>} : memref<128x128xi32, #tpu.memory_space<vmem>>, vector<16xi32>,
        %bitcast3A_1196 = vector.bitcast %get3A_1195 : vector<16xi32> to vector<32xbf16>
        %get3A_1197 = arith.index_cast %add3A_1163 : i32 to index
        %get3A_1198 = arith.constant 48 : index
        %get3A_1199 = tpu.vector_load %arg10[%get3A_1197, %get3A_1198] {strides = array<i32>} : memref<128x128xi32, #tpu.memory_space<vmem>>, vector<16xi32>,
        %bitcast3A_1200 = vector.bitcast %get3A_1199 : vector<16xi32> to vector<32xbf16>
        %mul3A_1201 = arith.mulf %bitcast3A_1196, %bitcast3A_1200 : vector<32xbf16>
        %add3A_1202 = arith.addf %add3A_1192, %mul3A_1201 : vector<32xbf16>
        %get3A_1203 = arith.index_cast %add3A_1163 : i32 to index
        %get3A_1204 = arith.constant 64 : index
        %get3A_1205 = tpu.vector_load %arg9[%get3A_1203, %get3A_1204] {strides = array<i32>} : memref<128x128xi32, #tpu.memory_space<vmem>>, vector<16xi32>,
        %bitcast3A_1206 = vector.bitcast %get3A_1205 : vector<16xi32> to vector<32xbf16>
        %get3A_1207 = arith.index_cast %add3A_1163 : i32 to index
        %get3A_1208 = arith.constant 64 : index
        %get3A_1209 = tpu.vector_load %arg10[%get3A_1207, %get3A_1208] {strides = array<i32>} : memref<128x128xi32, #tpu.memory_space<vmem>>, vector<16xi32>,
        %bitcast3A_1210 = vector.bitcast %get3A_1209 : vector<16xi32> to vector<32xbf16>
        %mul3A_1211 = arith.mulf %bitcast3A_1206, %bitcast3A_1210 : vector<32xbf16>
        %add3A_1212 = arith.addf %add3A_1202, %mul3A_1211 : vector<32xbf16>
        %get3A_1213 = arith.index_cast %add3A_1163 : i32 to index
        %get3A_1214 = arith.constant 80 : index
        %get3A_1215 = tpu.vector_load %arg9[%get3A_1213, %get3A_1214] {strides = array<i32>} : memref<128x128xi32, #tpu.memory_space<vmem>>, vector<16xi32>,
        %bitcast3A_1216 = vector.bitcast %get3A_1215 : vector<16xi32> to vector<32xbf16>
        %get3A_1217 = arith.index_cast %add3A_1163 : i32 to index
        %get3A_1218 = arith.constant 80 : index
        %get3A_1219 = tpu.vector_load %arg10[%get3A_1217, %get3A_1218] {strides = array<i32>} : memref<128x128xi32, #tpu.memory_space<vmem>>, vector<16xi32>,
        %bitcast3A_1220 = vector.bitcast %get3A_1219 : vector<16xi32> to vector<32xbf16>
        %mul3A_1221 = arith.mulf %bitcast3A_1216, %bitcast3A_1220 : vector<32xbf16>
        %add3A_1222 = arith.addf %add3A_1212, %mul3A_1221 : vector<32xbf16>
        %get3A_1223 = arith.index_cast %add3A_1163 : i32 to index
        %get3A_1224 = arith.constant 96 : index
        %get3A_1225 = tpu.vector_load %arg9[%get3A_1223, %get3A_1224] {strides = array<i32>} : memref<128x128xi32, #tpu.memory_space<vmem>>, vector<16xi32>,
        %bitcast3A_1226 = vector.bitcast %get3A_1225 : vector<16xi32> to vector<32xbf16>
        %get3A_1227 = arith.index_cast %add3A_1163 : i32 to index
        %get3A_1228 = arith.constant 96 : index
        %get3A_1229 = tpu.vector_load %arg10[%get3A_1227, %get3A_1228] {strides = array<i32>} : memref<128x128xi32, #tpu.memory_space<vmem>>, vector<16xi32>,
        %bitcast3A_1230 = vector.bitcast %get3A_1229 : vector<16xi32> to vector<32xbf16>
        %mul3A_1231 = arith.mulf %bitcast3A_1226, %bitcast3A_1230 : vector<32xbf16>
        %add3A_1232 = arith.addf %add3A_1222, %mul3A_1231 : vector<32xbf16>
        %get3A_1233 = arith.index_cast %add3A_1163 : i32 to index
        %get3A_1234 = arith.constant 112 : index
        %get3A_1235 = tpu.vector_load %arg9[%get3A_1233, %get3A_1234] {strides = array<i32>} : memref<128x128xi32, #tpu.memory_space<vmem>>, vector<16xi32>,
        %bitcast3A_1236 = vector.bitcast %get3A_1235 : vector<16xi32> to vector<32xbf16>
        %get3A_1237 = arith.index_cast %add3A_1163 : i32 to index
        %get3A_1238 = arith.constant 112 : index
        %get3A_1239 = tpu.vector_load %arg10[%get3A_1237, %get3A_1238] {strides = array<i32>} : memref<128x128xi32, #tpu.memory_space<vmem>>, vector<16xi32>,
        %bitcast3A_1240 = vector.bitcast %get3A_1239 : vector<16xi32> to vector<32xbf16>
        %mul3A_1241 = arith.mulf %bitcast3A_1236, %bitcast3A_1240 : vector<32xbf16>
        %add3A_1242 = arith.addf %add3A_1232, %mul3A_1241 : vector<32xbf16>
        %unpack3A_1243 = tpu.unpack_subelements %add3A_1242, 0 {pack_format = #tpu.pack_format<interleaved>} : vector<32xbf16> -> vector<16xf32>
        %unpack3A_1244 = tpu.unpack_subelements %add3A_1242, 1 {pack_format = #tpu.pack_format<interleaved>} : vector<32xbf16> -> vector<16xf32>
        %add3A_1245 = arith.addf %unpack3A_1243, %unpack3A_1244 : vector<16xf32>
        %swap3A_1246 = arith.constant 192 : index
        %swap3A_1247 = tpu.vector_load %arg12[%swap3A_1246] {strides = array<i32>} : memref<256xf32, #tpu.memory_space<vmem>>, vector<16xf32>,
        tpu.vector_store %arg12[%swap3A_1246], %add3A_1245 {strides = array<i32>} : memref<256xf32, #tpu.memory_space<vmem>>, vector<16xf32>,
        %mul3A_1248 = arith.constant 16 : i32
        %mul3A_1249 = arith.muli %scan3A_107, %mul3A_1248 : i32
        %add3A_1250 = arith.constant 13 : i32
        %add3A_1251 = arith.addi %mul3A_1249, %add3A_1250 : i32
        %get3A_1252 = arith.index_cast %add3A_1251 : i32 to index
        %get3A_1253 = arith.constant 0 : index
        %get3A_1254 = tpu.vector_load %arg9[%get3A_1252, %get3A_1253] {strides = array<i32>} : memref<128x128xi32, #tpu.memory_space<vmem>>, vector<16xi32>,
        %bitcast3A_1255 = vector.bitcast %get3A_1254 : vector<16xi32> to vector<32xbf16>
        %get3A_1256 = arith.index_cast %add3A_1251 : i32 to index
        %get3A_1257 = arith.constant 0 : index
        %get3A_1258 = tpu.vector_load %arg10[%get3A_1256, %get3A_1257] {strides = array<i32>} : memref<128x128xi32, #tpu.memory_space<vmem>>, vector<16xi32>,
        %bitcast3A_1259 = vector.bitcast %get3A_1258 : vector<16xi32> to vector<32xbf16>
        %mul3A_1260 = arith.mulf %bitcast3A_1255, %bitcast3A_1259 : vector<32xbf16>
        %get3A_1261 = arith.index_cast %add3A_1251 : i32 to index
        %get3A_1262 = arith.constant 16 : index
        %get3A_1263 = tpu.vector_load %arg9[%get3A_1261, %get3A_1262] {strides = array<i32>} : memref<128x128xi32, #tpu.memory_space<vmem>>, vector<16xi32>,
        %bitcast3A_1264 = vector.bitcast %get3A_1263 : vector<16xi32> to vector<32xbf16>
        %get3A_1265 = arith.index_cast %add3A_1251 : i32 to index
        %get3A_1266 = arith.constant 16 : index
        %get3A_1267 = tpu.vector_load %arg10[%get3A_1265, %get3A_1266] {strides = array<i32>} : memref<128x128xi32, #tpu.memory_space<vmem>>, vector<16xi32>,
        %bitcast3A_1268 = vector.bitcast %get3A_1267 : vector<16xi32> to vector<32xbf16>
        %mul3A_1269 = arith.mulf %bitcast3A_1264, %bitcast3A_1268 : vector<32xbf16>
        %add3A_1270 = arith.addf %mul3A_1260, %mul3A_1269 : vector<32xbf16>
        %get3A_1271 = arith.index_cast %add3A_1251 : i32 to index
        %get3A_1272 = arith.constant 32 : index
        %get3A_1273 = tpu.vector_load %arg9[%get3A_1271, %get3A_1272] {strides = array<i32>} : memref<128x128xi32, #tpu.memory_space<vmem>>, vector<16xi32>,
        %bitcast3A_1274 = vector.bitcast %get3A_1273 : vector<16xi32> to vector<32xbf16>
        %get3A_1275 = arith.index_cast %add3A_1251 : i32 to index
        %get3A_1276 = arith.constant 32 : index
        %get3A_1277 = tpu.vector_load %arg10[%get3A_1275, %get3A_1276] {strides = array<i32>} : memref<128x128xi32, #tpu.memory_space<vmem>>, vector<16xi32>,
        %bitcast3A_1278 = vector.bitcast %get3A_1277 : vector<16xi32> to vector<32xbf16>
        %mul3A_1279 = arith.mulf %bitcast3A_1274, %bitcast3A_1278 : vector<32xbf16>
        %add3A_1280 = arith.addf %add3A_1270, %mul3A_1279 : vector<32xbf16>
        %get3A_1281 = arith.index_cast %add3A_1251 : i32 to index
        %get3A_1282 = arith.constant 48 : index
        %get3A_1283 = tpu.vector_load %arg9[%get3A_1281, %get3A_1282] {strides = array<i32>} : memref<128x128xi32, #tpu.memory_space<vmem>>, vector<16xi32>,
        %bitcast3A_1284 = vector.bitcast %get3A_1283 : vector<16xi32> to vector<32xbf16>
        %get3A_1285 = arith.index_cast %add3A_1251 : i32 to index
        %get3A_1286 = arith.constant 48 : index
        %get3A_1287 = tpu.vector_load %arg10[%get3A_1285, %get3A_1286] {strides = array<i32>} : memref<128x128xi32, #tpu.memory_space<vmem>>, vector<16xi32>,
        %bitcast3A_1288 = vector.bitcast %get3A_1287 : vector<16xi32> to vector<32xbf16>
        %mul3A_1289 = arith.mulf %bitcast3A_1284, %bitcast3A_1288 : vector<32xbf16>
        %add3A_1290 = arith.addf %add3A_1280, %mul3A_1289 : vector<32xbf16>
        %get3A_1291 = arith.index_cast %add3A_1251 : i32 to index
        %get3A_1292 = arith.constant 64 : index
        %get3A_1293 = tpu.vector_load %arg9[%get3A_1291, %get3A_1292] {strides = array<i32>} : memref<128x128xi32, #tpu.memory_space<vmem>>, vector<16xi32>,
        %bitcast3A_1294 = vector.bitcast %get3A_1293 : vector<16xi32> to vector<32xbf16>
        %get3A_1295 = arith.index_cast %add3A_1251 : i32 to index
        %get3A_1296 = arith.constant 64 : index
        %get3A_1297 = tpu.vector_load %arg10[%get3A_1295, %get3A_1296] {strides = array<i32>} : memref<128x128xi32, #tpu.memory_space<vmem>>, vector<16xi32>,
        %bitcast3A_1298 = vector.bitcast %get3A_1297 : vector<16xi32> to vector<32xbf16>
        %mul3A_1299 = arith.mulf %bitcast3A_1294, %bitcast3A_1298 : vector<32xbf16>
        %add3A_1300 = arith.addf %add3A_1290, %mul3A_1299 : vector<32xbf16>
        %get3A_1301 = arith.index_cast %add3A_1251 : i32 to index
        %get3A_1302 = arith.constant 80 : index
        %get3A_1303 = tpu.vector_load %arg9[%get3A_1301, %get3A_1302] {strides = array<i32>} : memref<128x128xi32, #tpu.memory_space<vmem>>, vector<16xi32>,
        %bitcast3A_1304 = vector.bitcast %get3A_1303 : vector<16xi32> to vector<32xbf16>
        %get3A_1305 = arith.index_cast %add3A_1251 : i32 to index
        %get3A_1306 = arith.constant 80 : index
        %get3A_1307 = tpu.vector_load %arg10[%get3A_1305, %get3A_1306] {strides = array<i32>} : memref<128x128xi32, #tpu.memory_space<vmem>>, vector<16xi32>,
        %bitcast3A_1308 = vector.bitcast %get3A_1307 : vector<16xi32> to vector<32xbf16>
        %mul3A_1309 = arith.mulf %bitcast3A_1304, %bitcast3A_1308 : vector<32xbf16>
        %add3A_1310 = arith.addf %add3A_1300, %mul3A_1309 : vector<32xbf16>
        %get3A_1311 = arith.index_cast %add3A_1251 : i32 to index
        %get3A_1312 = arith.constant 96 : index
        %get3A_1313 = tpu.vector_load %arg9[%get3A_1311, %get3A_1312] {strides = array<i32>} : memref<128x128xi32, #tpu.memory_space<vmem>>, vector<16xi32>,
        %bitcast3A_1314 = vector.bitcast %get3A_1313 : vector<16xi32> to vector<32xbf16>
        %get3A_1315 = arith.index_cast %add3A_1251 : i32 to index
        %get3A_1316 = arith.constant 96 : index
        %get3A_1317 = tpu.vector_load %arg10[%get3A_1315, %get3A_1316] {strides = array<i32>} : memref<128x128xi32, #tpu.memory_space<vmem>>, vector<16xi32>,
        %bitcast3A_1318 = vector.bitcast %get3A_1317 : vector<16xi32> to vector<32xbf16>
        %mul3A_1319 = arith.mulf %bitcast3A_1314, %bitcast3A_1318 : vector<32xbf16>
        %add3A_1320 = arith.addf %add3A_1310, %mul3A_1319 : vector<32xbf16>
        %get3A_1321 = arith.index_cast %add3A_1251 : i32 to index
        %get3A_1322 = arith.constant 112 : index
        %get3A_1323 = tpu.vector_load %arg9[%get3A_1321, %get3A_1322] {strides = array<i32>} : memref<128x128xi32, #tpu.memory_space<vmem>>, vector<16xi32>,
        %bitcast3A_1324 = vector.bitcast %get3A_1323 : vector<16xi32> to vector<32xbf16>
        %get3A_1325 = arith.index_cast %add3A_1251 : i32 to index
        %get3A_1326 = arith.constant 112 : index
        %get3A_1327 = tpu.vector_load %arg10[%get3A_1325, %get3A_1326] {strides = array<i32>} : memref<128x128xi32, #tpu.memory_space<vmem>>, vector<16xi32>,
        %bitcast3A_1328 = vector.bitcast %get3A_1327 : vector<16xi32> to vector<32xbf16>
        %mul3A_1329 = arith.mulf %bitcast3A_1324, %bitcast3A_1328 : vector<32xbf16>
        %add3A_1330 = arith.addf %add3A_1320, %mul3A_1329 : vector<32xbf16>
        %unpack3A_1331 = tpu.unpack_subelements %add3A_1330, 0 {pack_format = #tpu.pack_format<interleaved>} : vector<32xbf16> -> vector<16xf32>
        %unpack3A_1332 = tpu.unpack_subelements %add3A_1330, 1 {pack_format = #tpu.pack_format<interleaved>} : vector<32xbf16> -> vector<16xf32>
        %add3A_1333 = arith.addf %unpack3A_1331, %unpack3A_1332 : vector<16xf32>
        %swap3A_1334 = arith.constant 208 : index
        %swap3A_1335 = tpu.vector_load %arg12[%swap3A_1334] {strides = array<i32>} : memref<256xf32, #tpu.memory_space<vmem>>, vector<16xf32>,
        tpu.vector_store %arg12[%swap3A_1334], %add3A_1333 {strides = array<i32>} : memref<256xf32, #tpu.memory_space<vmem>>, vector<16xf32>,
        %mul3A_1336 = arith.constant 16 : i32
        %mul3A_1337 = arith.muli %scan3A_107, %mul3A_1336 : i32
        %add3A_1338 = arith.constant 14 : i32
        %add3A_1339 = arith.addi %mul3A_1337, %add3A_1338 : i32
        %get3A_1340 = arith.index_cast %add3A_1339 : i32 to index
        %get3A_1341 = arith.constant 0 : index
        %get3A_1342 = tpu.vector_load %arg9[%get3A_1340, %get3A_1341] {strides = array<i32>} : memref<128x128xi32, #tpu.memory_space<vmem>>, vector<16xi32>,
        %bitcast3A_1343 = vector.bitcast %get3A_1342 : vector<16xi32> to vector<32xbf16>
        %get3A_1344 = arith.index_cast %add3A_1339 : i32 to index
        %get3A_1345 = arith.constant 0 : index
        %get3A_1346 = tpu.vector_load %arg10[%get3A_1344, %get3A_1345] {strides = array<i32>} : memref<128x128xi32, #tpu.memory_space<vmem>>, vector<16xi32>,
        %bitcast3A_1347 = vector.bitcast %get3A_1346 : vector<16xi32> to vector<32xbf16>
        %mul3A_1348 = arith.mulf %bitcast3A_1343, %bitcast3A_1347 : vector<32xbf16>
        %get3A_1349 = arith.index_cast %add3A_1339 : i32 to index
        %get3A_1350 = arith.constant 16 : index
        %get3A_1351 = tpu.vector_load %arg9[%get3A_1349, %get3A_1350] {strides = array<i32>} : memref<128x128xi32, #tpu.memory_space<vmem>>, vector<16xi32>,
        %bitcast3A_1352 = vector.bitcast %get3A_1351 : vector<16xi32> to vector<32xbf16>
        %get3A_1353 = arith.index_cast %add3A_1339 : i32 to index
        %get3A_1354 = arith.constant 16 : index
        %get3A_1355 = tpu.vector_load %arg10[%get3A_1353, %get3A_1354] {strides = array<i32>} : memref<128x128xi32, #tpu.memory_space<vmem>>, vector<16xi32>,
        %bitcast3A_1356 = vector.bitcast %get3A_1355 : vector<16xi32> to vector<32xbf16>
        %mul3A_1357 = arith.mulf %bitcast3A_1352, %bitcast3A_1356 : vector<32xbf16>
        %add3A_1358 = arith.addf %mul3A_1348, %mul3A_1357 : vector<32xbf16>
        %get3A_1359 = arith.index_cast %add3A_1339 : i32 to index
        %get3A_1360 = arith.constant 32 : index
        %get3A_1361 = tpu.vector_load %arg9[%get3A_1359, %get3A_1360] {strides = array<i32>} : memref<128x128xi32, #tpu.memory_space<vmem>>, vector<16xi32>,
        %bitcast3A_1362 = vector.bitcast %get3A_1361 : vector<16xi32> to vector<32xbf16>
        %get3A_1363 = arith.index_cast %add3A_1339 : i32 to index
        %get3A_1364 = arith.constant 32 : index
        %get3A_1365 = tpu.vector_load %arg10[%get3A_1363, %get3A_1364] {strides = array<i32>} : memref<128x128xi32, #tpu.memory_space<vmem>>, vector<16xi32>,
        %bitcast3A_1366 = vector.bitcast %get3A_1365 : vector<16xi32> to vector<32xbf16>
        %mul3A_1367 = arith.mulf %bitcast3A_1362, %bitcast3A_1366 : vector<32xbf16>
        %add3A_1368 = arith.addf %add3A_1358, %mul3A_1367 : vector<32xbf16>
        %get3A_1369 = arith.index_cast %add3A_1339 : i32 to index
        %get3A_1370 = arith.constant 48 : index
        %get3A_1371 = tpu.vector_load %arg9[%get3A_1369, %get3A_1370] {strides = array<i32>} : memref<128x128xi32, #tpu.memory_space<vmem>>, vector<16xi32>,
        %bitcast3A_1372 = vector.bitcast %get3A_1371 : vector<16xi32> to vector<32xbf16>
        %get3A_1373 = arith.index_cast %add3A_1339 : i32 to index
        %get3A_1374 = arith.constant 48 : index
        %get3A_1375 = tpu.vector_load %arg10[%get3A_1373, %get3A_1374] {strides = array<i32>} : memref<128x128xi32, #tpu.memory_space<vmem>>, vector<16xi32>,
        %bitcast3A_1376 = vector.bitcast %get3A_1375 : vector<16xi32> to vector<32xbf16>
        %mul3A_1377 = arith.mulf %bitcast3A_1372, %bitcast3A_1376 : vector<32xbf16>
        %add3A_1378 = arith.addf %add3A_1368, %mul3A_1377 : vector<32xbf16>
        %get3A_1379 = arith.index_cast %add3A_1339 : i32 to index
        %get3A_1380 = arith.constant 64 : index
        %get3A_1381 = tpu.vector_load %arg9[%get3A_1379, %get3A_1380] {strides = array<i32>} : memref<128x128xi32, #tpu.memory_space<vmem>>, vector<16xi32>,
        %bitcast3A_1382 = vector.bitcast %get3A_1381 : vector<16xi32> to vector<32xbf16>
        %get3A_1383 = arith.index_cast %add3A_1339 : i32 to index
        %get3A_1384 = arith.constant 64 : index
        %get3A_1385 = tpu.vector_load %arg10[%get3A_1383, %get3A_1384] {strides = array<i32>} : memref<128x128xi32, #tpu.memory_space<vmem>>, vector<16xi32>,
        %bitcast3A_1386 = vector.bitcast %get3A_1385 : vector<16xi32> to vector<32xbf16>
        %mul3A_1387 = arith.mulf %bitcast3A_1382, %bitcast3A_1386 : vector<32xbf16>
        %add3A_1388 = arith.addf %add3A_1378, %mul3A_1387 : vector<32xbf16>
        %get3A_1389 = arith.index_cast %add3A_1339 : i32 to index
        %get3A_1390 = arith.constant 80 : index
        %get3A_1391 = tpu.vector_load %arg9[%get3A_1389, %get3A_1390] {strides = array<i32>} : memref<128x128xi32, #tpu.memory_space<vmem>>, vector<16xi32>,
        %bitcast3A_1392 = vector.bitcast %get3A_1391 : vector<16xi32> to vector<32xbf16>
        %get3A_1393 = arith.index_cast %add3A_1339 : i32 to index
        %get3A_1394 = arith.constant 80 : index
        %get3A_1395 = tpu.vector_load %arg10[%get3A_1393, %get3A_1394] {strides = array<i32>} : memref<128x128xi32, #tpu.memory_space<vmem>>, vector<16xi32>,
        %bitcast3A_1396 = vector.bitcast %get3A_1395 : vector<16xi32> to vector<32xbf16>
        %mul3A_1397 = arith.mulf %bitcast3A_1392, %bitcast3A_1396 : vector<32xbf16>
        %add3A_1398 = arith.addf %add3A_1388, %mul3A_1397 : vector<32xbf16>
        %get3A_1399 = arith.index_cast %add3A_1339 : i32 to index
        %get3A_1400 = arith.constant 96 : index
        %get3A_1401 = tpu.vector_load %arg9[%get3A_1399, %get3A_1400] {strides = array<i32>} : memref<128x128xi32, #tpu.memory_space<vmem>>, vector<16xi32>,
        %bitcast3A_1402 = vector.bitcast %get3A_1401 : vector<16xi32> to vector<32xbf16>
        %get3A_1403 = arith.index_cast %add3A_1339 : i32 to index
        %get3A_1404 = arith.constant 96 : index
        %get3A_1405 = tpu.vector_load %arg10[%get3A_1403, %get3A_1404] {strides = array<i32>} : memref<128x128xi32, #tpu.memory_space<vmem>>, vector<16xi32>,
        %bitcast3A_1406 = vector.bitcast %get3A_1405 : vector<16xi32> to vector<32xbf16>
        %mul3A_1407 = arith.mulf %bitcast3A_1402, %bitcast3A_1406 : vector<32xbf16>
        %add3A_1408 = arith.addf %add3A_1398, %mul3A_1407 : vector<32xbf16>
        %get3A_1409 = arith.index_cast %add3A_1339 : i32 to index
        %get3A_1410 = arith.constant 112 : index
        %get3A_1411 = tpu.vector_load %arg9[%get3A_1409, %get3A_1410] {strides = array<i32>} : memref<128x128xi32, #tpu.memory_space<vmem>>, vector<16xi32>,
        %bitcast3A_1412 = vector.bitcast %get3A_1411 : vector<16xi32> to vector<32xbf16>
        %get3A_1413 = arith.index_cast %add3A_1339 : i32 to index
        %get3A_1414 = arith.constant 112 : index
        %get3A_1415 = tpu.vector_load %arg10[%get3A_1413, %get3A_1414] {strides = array<i32>} : memref<128x128xi32, #tpu.memory_space<vmem>>, vector<16xi32>,
        %bitcast3A_1416 = vector.bitcast %get3A_1415 : vector<16xi32> to vector<32xbf16>
        %mul3A_1417 = arith.mulf %bitcast3A_1412, %bitcast3A_1416 : vector<32xbf16>
        %add3A_1418 = arith.addf %add3A_1408, %mul3A_1417 : vector<32xbf16>
        %unpack3A_1419 = tpu.unpack_subelements %add3A_1418, 0 {pack_format = #tpu.pack_format<interleaved>} : vector<32xbf16> -> vector<16xf32>
        %unpack3A_1420 = tpu.unpack_subelements %add3A_1418, 1 {pack_format = #tpu.pack_format<interleaved>} : vector<32xbf16> -> vector<16xf32>
        %add3A_1421 = arith.addf %unpack3A_1419, %unpack3A_1420 : vector<16xf32>
        %swap3A_1422 = arith.constant 224 : index
        %swap3A_1423 = tpu.vector_load %arg12[%swap3A_1422] {strides = array<i32>} : memref<256xf32, #tpu.memory_space<vmem>>, vector<16xf32>,
        tpu.vector_store %arg12[%swap3A_1422], %add3A_1421 {strides = array<i32>} : memref<256xf32, #tpu.memory_space<vmem>>, vector<16xf32>,
        %mul3A_1424 = arith.constant 16 : i32
        %mul3A_1425 = arith.muli %scan3A_107, %mul3A_1424 : i32
        %add3A_1426 = arith.constant 15 : i32
        %add3A_1427 = arith.addi %mul3A_1425, %add3A_1426 : i32
        %get3A_1428 = arith.index_cast %add3A_1427 : i32 to index
        %get3A_1429 = arith.constant 0 : index
        %get3A_1430 = tpu.vector_load %arg9[%get3A_1428, %get3A_1429] {strides = array<i32>} : memref<128x128xi32, #tpu.memory_space<vmem>>, vector<16xi32>,
        %bitcast3A_1431 = vector.bitcast %get3A_1430 : vector<16xi32> to vector<32xbf16>
        %get3A_1432 = arith.index_cast %add3A_1427 : i32 to index
        %get3A_1433 = arith.constant 0 : index
        %get3A_1434 = tpu.vector_load %arg10[%get3A_1432, %get3A_1433] {strides = array<i32>} : memref<128x128xi32, #tpu.memory_space<vmem>>, vector<16xi32>,
        %bitcast3A_1435 = vector.bitcast %get3A_1434 : vector<16xi32> to vector<32xbf16>
        %mul3A_1436 = arith.mulf %bitcast3A_1431, %bitcast3A_1435 : vector<32xbf16>
        %get3A_1437 = arith.index_cast %add3A_1427 : i32 to index
        %get3A_1438 = arith.constant 16 : index
        %get3A_1439 = tpu.vector_load %arg9[%get3A_1437, %get3A_1438] {strides = array<i32>} : memref<128x128xi32, #tpu.memory_space<vmem>>, vector<16xi32>,
        %bitcast3A_1440 = vector.bitcast %get3A_1439 : vector<16xi32> to vector<32xbf16>
        %get3A_1441 = arith.index_cast %add3A_1427 : i32 to index
        %get3A_1442 = arith.constant 16 : index
        %get3A_1443 = tpu.vector_load %arg10[%get3A_1441, %get3A_1442] {strides = array<i32>} : memref<128x128xi32, #tpu.memory_space<vmem>>, vector<16xi32>,
        %bitcast3A_1444 = vector.bitcast %get3A_1443 : vector<16xi32> to vector<32xbf16>
        %mul3A_1445 = arith.mulf %bitcast3A_1440, %bitcast3A_1444 : vector<32xbf16>
        %add3A_1446 = arith.addf %mul3A_1436, %mul3A_1445 : vector<32xbf16>
        %get3A_1447 = arith.index_cast %add3A_1427 : i32 to index
        %get3A_1448 = arith.constant 32 : index
        %get3A_1449 = tpu.vector_load %arg9[%get3A_1447, %get3A_1448] {strides = array<i32>} : memref<128x128xi32, #tpu.memory_space<vmem>>, vector<16xi32>,
        %bitcast3A_1450 = vector.bitcast %get3A_1449 : vector<16xi32> to vector<32xbf16>
        %get3A_1451 = arith.index_cast %add3A_1427 : i32 to index
        %get3A_1452 = arith.constant 32 : index
        %get3A_1453 = tpu.vector_load %arg10[%get3A_1451, %get3A_1452] {strides = array<i32>} : memref<128x128xi32, #tpu.memory_space<vmem>>, vector<16xi32>,
        %bitcast3A_1454 = vector.bitcast %get3A_1453 : vector<16xi32> to vector<32xbf16>
        %mul3A_1455 = arith.mulf %bitcast3A_1450, %bitcast3A_1454 : vector<32xbf16>
        %add3A_1456 = arith.addf %add3A_1446, %mul3A_1455 : vector<32xbf16>
        %get3A_1457 = arith.index_cast %add3A_1427 : i32 to index
        %get3A_1458 = arith.constant 48 : index
        %get3A_1459 = tpu.vector_load %arg9[%get3A_1457, %get3A_1458] {strides = array<i32>} : memref<128x128xi32, #tpu.memory_space<vmem>>, vector<16xi32>,
        %bitcast3A_1460 = vector.bitcast %get3A_1459 : vector<16xi32> to vector<32xbf16>
        %get3A_1461 = arith.index_cast %add3A_1427 : i32 to index
        %get3A_1462 = arith.constant 48 : index
        %get3A_1463 = tpu.vector_load %arg10[%get3A_1461, %get3A_1462] {strides = array<i32>} : memref<128x128xi32, #tpu.memory_space<vmem>>, vector<16xi32>,
        %bitcast3A_1464 = vector.bitcast %get3A_1463 : vector<16xi32> to vector<32xbf16>
        %mul3A_1465 = arith.mulf %bitcast3A_1460, %bitcast3A_1464 : vector<32xbf16>
        %add3A_1466 = arith.addf %add3A_1456, %mul3A_1465 : vector<32xbf16>
        %get3A_1467 = arith.index_cast %add3A_1427 : i32 to index
        %get3A_1468 = arith.constant 64 : index
        %get3A_1469 = tpu.vector_load %arg9[%get3A_1467, %get3A_1468] {strides = array<i32>} : memref<128x128xi32, #tpu.memory_space<vmem>>, vector<16xi32>,
        %bitcast3A_1470 = vector.bitcast %get3A_1469 : vector<16xi32> to vector<32xbf16>
        %get3A_1471 = arith.index_cast %add3A_1427 : i32 to index
        %get3A_1472 = arith.constant 64 : index
        %get3A_1473 = tpu.vector_load %arg10[%get3A_1471, %get3A_1472] {strides = array<i32>} : memref<128x128xi32, #tpu.memory_space<vmem>>, vector<16xi32>,
        %bitcast3A_1474 = vector.bitcast %get3A_1473 : vector<16xi32> to vector<32xbf16>
        %mul3A_1475 = arith.mulf %bitcast3A_1470, %bitcast3A_1474 : vector<32xbf16>
        %add3A_1476 = arith.addf %add3A_1466, %mul3A_1475 : vector<32xbf16>
        %get3A_1477 = arith.index_cast %add3A_1427 : i32 to index
        %get3A_1478 = arith.constant 80 : index
        %get3A_1479 = tpu.vector_load %arg9[%get3A_1477, %get3A_1478] {strides = array<i32>} : memref<128x128xi32, #tpu.memory_space<vmem>>, vector<16xi32>,
        %bitcast3A_1480 = vector.bitcast %get3A_1479 : vector<16xi32> to vector<32xbf16>
        %get3A_1481 = arith.index_cast %add3A_1427 : i32 to index
        %get3A_1482 = arith.constant 80 : index
        %get3A_1483 = tpu.vector_load %arg10[%get3A_1481, %get3A_1482] {strides = array<i32>} : memref<128x128xi32, #tpu.memory_space<vmem>>, vector<16xi32>,
        %bitcast3A_1484 = vector.bitcast %get3A_1483 : vector<16xi32> to vector<32xbf16>
        %mul3A_1485 = arith.mulf %bitcast3A_1480, %bitcast3A_1484 : vector<32xbf16>
        %add3A_1486 = arith.addf %add3A_1476, %mul3A_1485 : vector<32xbf16>
        %get3A_1487 = arith.index_cast %add3A_1427 : i32 to index
        %get3A_1488 = arith.constant 96 : index
        %get3A_1489 = tpu.vector_load %arg9[%get3A_1487, %get3A_1488] {strides = array<i32>} : memref<128x128xi32, #tpu.memory_space<vmem>>, vector<16xi32>,
        %bitcast3A_1490 = vector.bitcast %get3A_1489 : vector<16xi32> to vector<32xbf16>
        %get3A_1491 = arith.index_cast %add3A_1427 : i32 to index
        %get3A_1492 = arith.constant 96 : index
        %get3A_1493 = tpu.vector_load %arg10[%get3A_1491, %get3A_1492] {strides = array<i32>} : memref<128x128xi32, #tpu.memory_space<vmem>>, vector<16xi32>,
        %bitcast3A_1494 = vector.bitcast %get3A_1493 : vector<16xi32> to vector<32xbf16>
        %mul3A_1495 = arith.mulf %bitcast3A_1490, %bitcast3A_1494 : vector<32xbf16>
        %add3A_1496 = arith.addf %add3A_1486, %mul3A_1495 : vector<32xbf16>
        %get3A_1497 = arith.index_cast %add3A_1427 : i32 to index
        %get3A_1498 = arith.constant 112 : index
        %get3A_1499 = tpu.vector_load %arg9[%get3A_1497, %get3A_1498] {strides = array<i32>} : memref<128x128xi32, #tpu.memory_space<vmem>>, vector<16xi32>,
        %bitcast3A_1500 = vector.bitcast %get3A_1499 : vector<16xi32> to vector<32xbf16>
        %get3A_1501 = arith.index_cast %add3A_1427 : i32 to index
        %get3A_1502 = arith.constant 112 : index
        %get3A_1503 = tpu.vector_load %arg10[%get3A_1501, %get3A_1502] {strides = array<i32>} : memref<128x128xi32, #tpu.memory_space<vmem>>, vector<16xi32>,
        %bitcast3A_1504 = vector.bitcast %get3A_1503 : vector<16xi32> to vector<32xbf16>
        %mul3A_1505 = arith.mulf %bitcast3A_1500, %bitcast3A_1504 : vector<32xbf16>
        %add3A_1506 = arith.addf %add3A_1496, %mul3A_1505 : vector<32xbf16>
        %unpack3A_1507 = tpu.unpack_subelements %add3A_1506, 0 {pack_format = #tpu.pack_format<interleaved>} : vector<32xbf16> -> vector<16xf32>
        %unpack3A_1508 = tpu.unpack_subelements %add3A_1506, 1 {pack_format = #tpu.pack_format<interleaved>} : vector<32xbf16> -> vector<16xf32>
        %add3A_1509 = arith.addf %unpack3A_1507, %unpack3A_1508 : vector<16xf32>
        %swap3A_1510 = arith.constant 240 : index
        %swap3A_1511 = tpu.vector_load %arg12[%swap3A_1510] {strides = array<i32>} : memref<256xf32, #tpu.memory_space<vmem>>, vector<16xf32>,
        tpu.vector_store %arg12[%swap3A_1510], %add3A_1509 {strides = array<i32>} : memref<256xf32, #tpu.memory_space<vmem>>, vector<16xf32>,
        %mul3A_1512 = arith.constant 16 : i32
        %mul3A_1513 = vector.broadcast %mul3A_1512 : i32 to vector<16xi32>
        %mul3A_1514 = arith.muli %iota3A, %mul3A_1513 : vector<16xi32>
        %gather3A = tpu.vector_load_idx %arg12[%mul3A_1514] : memref<256xf32, #tpu.memory_space<vmem>>[vector<16xi32>], vector<16xf32>,
        %add3A_1515 = arith.constant 1 : i32
        %add3A_1516 = vector.broadcast %add3A_1515 : i32 to vector<16xi32>
        %add3A_1517 = arith.addi %mul3A_1514, %add3A_1516 : vector<16xi32>
        %gather3A_1518 = tpu.vector_load_idx %arg12[%add3A_1517] : memref<256xf32, #tpu.memory_space<vmem>>[vector<16xi32>], vector<16xf32>,
        %add3A_1519 = arith.addf %gather3A, %gather3A_1518 : vector<16xf32>
        %add3A_1520 = arith.constant 2 : i32
        %add3A_1521 = vector.broadcast %add3A_1520 : i32 to vector<16xi32>
        %add3A_1522 = arith.addi %mul3A_1514, %add3A_1521 : vector<16xi32>
        %gather3A_1523 = tpu.vector_load_idx %arg12[%add3A_1522] : memref<256xf32, #tpu.memory_space<vmem>>[vector<16xi32>], vector<16xf32>,
        %add3A_1524 = arith.addf %add3A_1519, %gather3A_1523 : vector<16xf32>
        %add3A_1525 = arith.constant 3 : i32
        %add3A_1526 = vector.broadcast %add3A_1525 : i32 to vector<16xi32>
        %add3A_1527 = arith.addi %mul3A_1514, %add3A_1526 : vector<16xi32>
        %gather3A_1528 = tpu.vector_load_idx %arg12[%add3A_1527] : memref<256xf32, #tpu.memory_space<vmem>>[vector<16xi32>], vector<16xf32>,
        %add3A_1529 = arith.addf %add3A_1524, %gather3A_1528 : vector<16xf32>
        %add3A_1530 = arith.constant 4 : i32
        %add3A_1531 = vector.broadcast %add3A_1530 : i32 to vector<16xi32>
        %add3A_1532 = arith.addi %mul3A_1514, %add3A_1531 : vector<16xi32>
        %gather3A_1533 = tpu.vector_load_idx %arg12[%add3A_1532] : memref<256xf32, #tpu.memory_space<vmem>>[vector<16xi32>], vector<16xf32>,
        %add3A_1534 = arith.addf %add3A_1529, %gather3A_1533 : vector<16xf32>
        %add3A_1535 = arith.constant 5 : i32
        %add3A_1536 = vector.broadcast %add3A_1535 : i32 to vector<16xi32>
        %add3A_1537 = arith.addi %mul3A_1514, %add3A_1536 : vector<16xi32>
        %gather3A_1538 = tpu.vector_load_idx %arg12[%add3A_1537] : memref<256xf32, #tpu.memory_space<vmem>>[vector<16xi32>], vector<16xf32>,
        %add3A_1539 = arith.addf %add3A_1534, %gather3A_1538 : vector<16xf32>
        %add3A_1540 = arith.constant 6 : i32
        %add3A_1541 = vector.broadcast %add3A_1540 : i32 to vector<16xi32>
        %add3A_1542 = arith.addi %mul3A_1514, %add3A_1541 : vector<16xi32>
        %gather3A_1543 = tpu.vector_load_idx %arg12[%add3A_1542] : memref<256xf32, #tpu.memory_space<vmem>>[vector<16xi32>], vector<16xf32>,
        %add3A_1544 = arith.addf %add3A_1539, %gather3A_1543 : vector<16xf32>
        %add3A_1545 = arith.constant 7 : i32
        %add3A_1546 = vector.broadcast %add3A_1545 : i32 to vector<16xi32>
        %add3A_1547 = arith.addi %mul3A_1514, %add3A_1546 : vector<16xi32>
        %gather3A_1548 = tpu.vector_load_idx %arg12[%add3A_1547] : memref<256xf32, #tpu.memory_space<vmem>>[vector<16xi32>], vector<16xf32>,
        %add3A_1549 = arith.addf %add3A_1544, %gather3A_1548 : vector<16xf32>
        %add3A_1550 = arith.constant 8 : i32
        %add3A_1551 = vector.broadcast %add3A_1550 : i32 to vector<16xi32>
        %add3A_1552 = arith.addi %mul3A_1514, %add3A_1551 : vector<16xi32>
        %gather3A_1553 = tpu.vector_load_idx %arg12[%add3A_1552] : memref<256xf32, #tpu.memory_space<vmem>>[vector<16xi32>], vector<16xf32>,
        %add3A_1554 = arith.addf %add3A_1549, %gather3A_1553 : vector<16xf32>
        %add3A_1555 = arith.constant 9 : i32
        %add3A_1556 = vector.broadcast %add3A_1555 : i32 to vector<16xi32>
        %add3A_1557 = arith.addi %mul3A_1514, %add3A_1556 : vector<16xi32>
        %gather3A_1558 = tpu.vector_load_idx %arg12[%add3A_1557] : memref<256xf32, #tpu.memory_space<vmem>>[vector<16xi32>], vector<16xf32>,
        %add3A_1559 = arith.addf %add3A_1554, %gather3A_1558 : vector<16xf32>
        %add3A_1560 = arith.constant 10 : i32
        %add3A_1561 = vector.broadcast %add3A_1560 : i32 to vector<16xi32>
        %add3A_1562 = arith.addi %mul3A_1514, %add3A_1561 : vector<16xi32>
        %gather3A_1563 = tpu.vector_load_idx %arg12[%add3A_1562] : memref<256xf32, #tpu.memory_space<vmem>>[vector<16xi32>], vector<16xf32>,
        %add3A_1564 = arith.addf %add3A_1559, %gather3A_1563 : vector<16xf32>
        %add3A_1565 = arith.constant 11 : i32
        %add3A_1566 = vector.broadcast %add3A_1565 : i32 to vector<16xi32>
        %add3A_1567 = arith.addi %mul3A_1514, %add3A_1566 : vector<16xi32>
        %gather3A_1568 = tpu.vector_load_idx %arg12[%add3A_1567] : memref<256xf32, #tpu.memory_space<vmem>>[vector<16xi32>], vector<16xf32>,
        %add3A_1569 = arith.addf %add3A_1564, %gather3A_1568 : vector<16xf32>
        %add3A_1570 = arith.constant 12 : i32
        %add3A_1571 = vector.broadcast %add3A_1570 : i32 to vector<16xi32>
        %add3A_1572 = arith.addi %mul3A_1514, %add3A_1571 : vector<16xi32>
        %gather3A_1573 = tpu.vector_load_idx %arg12[%add3A_1572] : memref<256xf32, #tpu.memory_space<vmem>>[vector<16xi32>], vector<16xf32>,
        %add3A_1574 = arith.addf %add3A_1569, %gather3A_1573 : vector<16xf32>
        %add3A_1575 = arith.constant 13 : i32
        %add3A_1576 = vector.broadcast %add3A_1575 : i32 to vector<16xi32>
        %add3A_1577 = arith.addi %mul3A_1514, %add3A_1576 : vector<16xi32>
        %gather3A_1578 = tpu.vector_load_idx %arg12[%add3A_1577] : memref<256xf32, #tpu.memory_space<vmem>>[vector<16xi32>], vector<16xf32>,
        %add3A_1579 = arith.addf %add3A_1574, %gather3A_1578 : vector<16xf32>
        %add3A_1580 = arith.constant 14 : i32
        %add3A_1581 = vector.broadcast %add3A_1580 : i32 to vector<16xi32>
        %add3A_1582 = arith.addi %mul3A_1514, %add3A_1581 : vector<16xi32>
        %gather3A_1583 = tpu.vector_load_idx %arg12[%add3A_1582] : memref<256xf32, #tpu.memory_space<vmem>>[vector<16xi32>], vector<16xf32>,
        %add3A_1584 = arith.addf %add3A_1579, %gather3A_1583 : vector<16xf32>
        %add3A_1585 = arith.constant 15 : i32
        %add3A_1586 = vector.broadcast %add3A_1585 : i32 to vector<16xi32>
        %add3A_1587 = arith.addi %mul3A_1514, %add3A_1586 : vector<16xi32>
        %gather3A_1588 = tpu.vector_load_idx %arg12[%add3A_1587] : memref<256xf32, #tpu.memory_space<vmem>>[vector<16xi32>], vector<16xf32>,
        %add3A_1589 = arith.addf %add3A_1584, %gather3A_1588 : vector<16xf32>
        %neg3A = arith.constant 0.000000e+00 : f32
        %neg3A_1590 = vector.broadcast %neg3A : f32 to vector<16xf32>
        %neg3A_1591 = arith.subf %neg3A_1590, %add3A_1589 : vector<16xf32>
        %exp3A = math.exp %neg3A_1591 : vector<16xf32>
        %add3A_1592 = arith.constant 1.000000e+00 : f32
        %add3A_1593 = vector.broadcast %add3A_1592 : f32 to vector<16xf32>
        %add3A_1594 = arith.addf %add3A_1593, %exp3A : vector<16xf32>
        %div3A = arith.constant 1.000000e+00 : f32
        %div3A_1595 = vector.broadcast %div3A : f32 to vector<16xf32>
        %div3A_1596 = arith.divf %div3A_1595, %add3A_1594 : vector<16xf32>
        %mul3A_1597 = arith.constant 16 : i32
        %mul3A_1598 = arith.muli %scan3A_107, %mul3A_1597 : i32
        %add3A_1599 = arith.addi %min3A_100, %mul3A_1598 : i32
        %swap3A_1600 = arith.index_cast %add3A_1599 : i32 to index
        %swap3A_1601 = tpu.vector_load %arg11[%swap3A_1600] {strides = array<i32>} : memref<5000xf32, #tpu.memory_space<vmem>>, vector<16xf32>,
        tpu.vector_store %arg11[%swap3A_1600], %div3A_1596 {strides = array<i32>} : memref<5000xf32, #tpu.memory_space<vmem>>, vector<16xf32>,
      }
      %scan3A_106 = arith.constant 8 : i32
    }
    %scan3A_18 = arith.constant 20 : i32
    %dma_wait3A = arith.constant 0 : i32
    %dma_wait3A_19 = arith.constant 0 : i32
    %dma_wait3A_20 = tpu.memref_slice %arg2[%dma_wait3A, %dma_wait3A_19] : memref<10000x128xi32, #tpu.memory_space<hbm>> -> memref<128x128xi32, #tpu.memory_space<hbm>>
    %dma_wait3A_21 = arith.constant 0 : i32
    %dma_wait3A_22 = arith.constant 0 : i32
    %dma_wait3A_23 = tpu.memref_slice %arg2[%dma_wait3A_21, %dma_wait3A_22] : memref<10000x128xi32, #tpu.memory_space<hbm>> -> memref<128x128xi32, #tpu.memory_space<hbm>>
    tpu.wait_dma2 semaphore(%arg13 : memref<!tpu.dma_semaphore, #tpu.memory_space<semaphore_mem>>) src(%dma_wait3A_23 : memref<128x128xi32, #tpu.memory_space<hbm>>) dst(%arg7 : memref<128x128xi32, #tpu.memory_space<vmem>>)
    %dma_wait3A_24 = arith.constant 0 : i32
    %dma_wait3A_25 = arith.constant 0 : i32
    %dma_wait3A_26 = tpu.memref_slice %arg2[%dma_wait3A_24, %dma_wait3A_25] : memref<10000x128xi32, #tpu.memory_space<hbm>> -> memref<128x128xi32, #tpu.memory_space<hbm>>
    %dma_wait3A_27 = arith.constant 0 : i32
    %dma_wait3A_28 = arith.constant 0 : i32
    %dma_wait3A_29 = tpu.memref_slice %arg2[%dma_wait3A_27, %dma_wait3A_28] : memref<10000x128xi32, #tpu.memory_space<hbm>> -> memref<128x128xi32, #tpu.memory_space<hbm>>
    tpu.wait_dma2 semaphore(%arg13 : memref<!tpu.dma_semaphore, #tpu.memory_space<semaphore_mem>>) src(%dma_wait3A_29 : memref<128x128xi32, #tpu.memory_space<hbm>>) dst(%arg8 : memref<128x128xi32, #tpu.memory_space<vmem>>)
    "tpu.region"() ({
      %run_scoped3A = tpu.sem_alloc : memref<!tpu.dma_semaphore, #tpu.memory_space<semaphore_mem>>
      %dma_start3A_30 = tpu.memref_slice %arg4[%mul3A_2] : memref<160000xf32, #tpu.memory_space<hbm>> -> memref<5000xf32, #tpu.memory_space<hbm>>
      %dma_start3A_31 = tpu.memref_slice %arg4[%mul3A_2] : memref<160000xf32, #tpu.memory_space<hbm>> -> memref<5000xf32, #tpu.memory_space<hbm>>
      tpu.enqueue_dma source(%arg11 : memref<5000xf32, #tpu.memory_space<vmem>>) target(%dma_start3A_31 : memref<5000xf32, #tpu.memory_space<hbm>>) target_semaphore(%run_scoped3A : memref<!tpu.dma_semaphore, #tpu.memory_space<semaphore_mem>>)
      %dma_wait3A_32 = tpu.memref_slice %arg4[%mul3A_2] : memref<160000xf32, #tpu.memory_space<hbm>> -> memref<5000xf32, #tpu.memory_space<hbm>>
      %dma_wait3A_33 = tpu.memref_slice %arg4[%mul3A_2] : memref<160000xf32, #tpu.memory_space<hbm>> -> memref<5000xf32, #tpu.memory_space<hbm>>
      tpu.wait_dma2 semaphore(%run_scoped3A : memref<!tpu.dma_semaphore, #tpu.memory_space<semaphore_mem>>) src(%arg11 : memref<5000xf32, #tpu.memory_space<vmem>>) dst(%dma_wait3A_33 : memref<5000xf32, #tpu.memory_space<hbm>>)
      tpu.yield
    }) : () -> ()
    return
  }
}

module attributes {stable_mosaic.version = 14 : i64} {
  func.func @_normalize_body(%arg0: i32, %arg1: memref<1000x256xf32, #tpu.memory_space<vmem>>, %arg2: memref<1000x128xi32, #tpu.memory_space<vmem>>) attributes {dimension_semantics = [#tpu.dimension_semantics<arbitrary>], iteration_bounds = array<i64: 10>, scalar_prefetch = 0 : i64, scratch_operands = 0 : i64, tpu.core_type = #tpu.core_type<tc>, window_params = [{transform_indices = @transform_0, window_bounds = array<i64: 1000, 256>}, {transform_indices = @transform_1, window_bounds = array<i64: 1000, 128>}]} {
    %get3A = arith.constant 0 : index
    %get3A_0 = arith.constant 0 : index
    %get3A_1 = vector.load %arg1[%get3A, %get3A_0] : memref<1000x256xf32, #tpu.memory_space<vmem>>, vector<1000x256xf32>
    %mul3A = arith.mulf %get3A_1, %get3A_1 : vector<1000x256xf32>
    %reduce_sum3A = arith.constant dense<0.000000e+00> : vector<1000xf32>
    %reduce_sum3A_2 = vector.multi_reduction <add>, %mul3A, %reduce_sum3A [1] : vector<1000x256xf32> to vector<1000xf32>
    %broadcast_in_dim3A = vector.shape_cast %reduce_sum3A_2 : vector<1000xf32> to vector<1000x1xf32>
    %sqrt3A = math.sqrt %broadcast_in_dim3A : vector<1000x1xf32>
    %max3A = arith.constant 9.99999993E-9 : f32
    %max3A_3 = vector.broadcast %max3A : f32 to vector<1000x1xf32>
    %max3A_4 = arith.maximumf %sqrt3A, %max3A_3 : vector<1000x1xf32>
    %div3A = arith.constant 1.000000e+00 : f32
    %div3A_5 = vector.broadcast %div3A : f32 to vector<1000x1xf32>
    %div3A_6 = arith.divf %div3A_5, %max3A_4 : vector<1000x1xf32>
    %mul3A_7 = vector.broadcast %div3A_6 : vector<1000x1xf32> to vector<1000x256xf32>
    %mul3A_8 = arith.mulf %get3A_1, %mul3A_7 : vector<1000x256xf32>
    %convert_element_type3A = arith.truncf %mul3A_8 : vector<1000x256xf32> to vector<1000x256xbf16>
    %slice3A = vector.extract_strided_slice %convert_element_type3A {offsets = [0, 0], sizes = [1000, 128], strides = [1, 1]} : vector<1000x256xbf16> to vector<1000x128xbf16>
    %bitcast_convert_type3A = tpu.bitcast %slice3A : vector<1000x128xbf16> -> vector<1000x128xi16>
    %convert_element_type3A_9 = arith.extui %bitcast_convert_type3A : vector<1000x128xi16> to vector<1000x128xi32>
    %slice3A_10 = vector.extract_strided_slice %convert_element_type3A {offsets = [0, 128], sizes = [1000, 128], strides = [1, 1]} : vector<1000x256xbf16> to vector<1000x128xbf16>
    %bitcast_convert_type3A_11 = tpu.bitcast %slice3A_10 : vector<1000x128xbf16> -> vector<1000x128xi16>
    %convert_element_type3A_12 = arith.extui %bitcast_convert_type3A_11 : vector<1000x128xi16> to vector<1000x128xi32>
    %shift_left3A = arith.constant 16 : i32
    %shift_left3A_13 = vector.broadcast %shift_left3A : i32 to vector<1000x128xi32>
    %shift_left3A_14 = arith.shli %convert_element_type3A_12, %shift_left3A_13 : vector<1000x128xi32>
    %or3A = arith.ori %convert_element_type3A_9, %shift_left3A_14 : vector<1000x128xi32>
    %bitcast_convert_type3A_15 = tpu.bitcast %or3A : vector<1000x128xi32> -> vector<1000x128xi32>
    %swap3A = arith.constant 0 : index
    %swap3A_16 = arith.constant 0 : index
    %swap3A_17 = vector.load %arg2[%swap3A, %swap3A_16] : memref<1000x128xi32, #tpu.memory_space<vmem>>, vector<1000x128xi32>
    tpu.vector_store %arg2[%swap3A, %swap3A_16], %bitcast_convert_type3A_15 {strides = array<i32>} : memref<1000x128xi32, #tpu.memory_space<vmem>>, vector<1000x128xi32>,
    return
  }
  func.func @transform_0(%arg0: i32) -> (i32, i32) {
    %c0_i32 = arith.constant 0 : i32
    %c0_i32_0 = arith.constant 0 : i32
    return %arg0, %c0_i32 : i32, i32
  }
  func.func @transform_1(%arg0: i32) -> (i32, i32) {
    %c0_i32 = arith.constant 0 : i32
    %c0_i32_0 = arith.constant 0 : i32
    return %arg0, %c0_i32 : i32, i32
  }
}

</mosaic_0001>

<sc_bundles>
// kernel: kernel.4.cloned.1.call-start
scs
__scs_entry_jumppad:
0x0: {  	(pc) =	sbr.rel $0x88, $3  }
0x1: {  	(tag) =	ssettag $0x0;
	lr =	simm.s32 $0x1  }
0x2: {  	[smem:$0x3F9F] =	sst lr;
	_ =	strace $0xD0000000  }
0x3: {  	_ = 	snop  }
0x4: {  	_ = 	snop  }
0x5: {  	_ = 	snop  }
0x6: {  	_ = 	snop  }
0x7: {  	_ = 	snop  }
__scs_overlays_trampoline_lowered:
0x8: {  	[smem:$0x3FAE] =	sst s0  }
0x9: {  	[smem:$0x3FAF] =	sst s1  }
0xa: {  	[smem:$0x3FB0] =	sst s2  }
0xb: {  	[smem:$0x3FB1] =	sst s3  }
0xc: {  	[smem:$0x3FB2] =	sst s4  }
0xd: {  	[smem:$0x3FB3] =	sst s5  }
0xe: {  	[smem:$0x3FB4] =	sst s6  }
0xf: {  	[smem:$0x3FB5] =	sst s7  }
0x10: {  	[smem:$0x3FB6] =	sst s8  }
0x11: {  	[smem:$0x3FB7] =	sst s9;
	s0 =	simm.s32 @!p0 $0x0  }
0x12: {  	s1 =	sld [smem:$0x3F9D];
	s0 =	simm.s32 @p0 $0x1  }
0x13: {  	[smem:$0x3FB8] =	sst s0;
	s0 =	simm.s32 @!p1 $0x0  }
0x14: {  	s2 =	sld [smem:$0x3F9C];
	s0 =	simm.s32 @p1 $0x1  }
0x15: {  	[smem:$0x3FB9] =	sst s0;
	s0 =	simm.s32 @!p2 $0x0  }
0x16: {  	s3 =	sld [smem:$0x3FDB];
	s0 =	simm.s32 @p2 $0x1  }
0x17: {  	s4 =	simm.s32 $0x1BF5;
	[smem:$0x3FBB] =	sst s0  }
0x18: {  	s0 =	sld [smem:$0x3F9E];
	_ =	swait.ge [sflag:s4], $0x0  }
0x19: {  	s7 =	sld [smem:$0x3F9F]  }
0x1a: {  	s8 =	sadd.s32 $0xFFFFE003, lr  }
0x1b: {  	s9 =	sadd.s32 $0xFFFFFEF7, lr;
	s5 =	simm.s32 $0xFFFFFFFF;
	p2 =	slt.u32 s8, $0xFFFFF086  }
0x1c: {  	p1 =	slt.u32 s9, $0xF7A;
	s5 =	simm.s32 @!p2 $0x0  }
0x1d: {  	s5 =	simm.s32 @p1 $0x1;
	p0 =	seq.s32 s7, s2  }
0x1e: {  	s7 =	smul.u32 @!p0 $0xF7A, s2;
	p2 =	seq.s32 @!p0 s5, $0x0  }
0x1f: {  	s9 =	smul.u32 $0xF7A, s1;
	s8 =	simm.s32 @!p0 $0x1BF5;
	p2 =	por !p2, p0  }
0x20: {  	[sflag:s8] =	ssyncset.s32 @!p0 $0xFFFFF086;
	s6 =	sadd.s32 @!p0 s3, s7;
	s7 =	simm.s32 @!p0 $0x108  }
0x21: {  	s3 =	sadd.s32 s3, s9;
	s6 =	sadd.s32 @!p0 $0x88, s6;
	s7 =	simm.s32 @p2 $0x1082  }
0x22: {  	[simem:s7], [sflag:s8] =	dma.local @!p0 [hbm:s6], $0xF7A  }
0x23: {  	s9 =	sor.u32 $0xD0000000, s2;
	s6 =	simm.s32 $0x108;
	_ =	swait.ge @!p0 [sflag:s8], $0x0  }
0x24: {  	s3 =	sadd.s32 $0x88, s3;
	s6 =	simm.s32 @!p1 $0x1082;
	[sflag:s4] =	ssyncset.s32 $0xFFFFF086  }
0x25: {  	[simem:s6], [sflag:s4] =	dma.local [hbm:s3], $0xF7A  }
0x26: {  	[smem:$0x3F9F] =	sst s1;
	(tag) =	ssettag s2;
	_ =	strace s9  }
0x27: {  	s1 =	sld [smem:$0x3FAF]  }
0x28: {  	s2 =	sld [smem:$0x3FB0]  }
0x29: {  	s4 =	sld [smem:$0x3FB2]  }
0x2a: {  	p0 =	seq.s32 s5, $0x0;
	s5 =	sld [smem:$0x3FB3]  }
0x2b: {  	s6 =	sld [smem:$0x3FB4]  }
0x2c: {  	s7 =	sld [smem:$0x3FB5]  }
0x2d: {  	s3 =	simm.s32 $0x108;
	s8 =	sld [smem:$0x3FB6]  }
0x2e: {  	s3 =	simm.s32 @!p0 $0x1082;
	s9 =	sld [smem:$0x3FB7]  }
0x2f: {  	lr =	sadd.s32 s0, s3;
	s0 =	sld [smem:$0x3FAE]  }
0x30: {  	s3 =	sld [smem:$0x3FB1]  }
0x31: {  	[smem:$0x3FBA] =	sst s10  }
0x32: {  	s10 =	sld [smem:$0x3FB8];
	_ =	sdelay $0x3  }
0x33: {  	p0 =	seq.s32 s10, $0x1;
	s10 =	sld [smem:$0x3FBA];
	_ =	sdelay $0x3  }
0x34: {  	[smem:$0x3FBA] =	sst s10  }
0x35: {  	s10 =	sld [smem:$0x3FB9];
	_ =	sdelay $0x3  }
0x36: {  	p1 =	seq.s32 s10, $0x1;
	s10 =	sld [smem:$0x3FBA];
	_ =	sdelay $0x3  }
0x37: {  	[smem:$0x3FBA] =	sst s10  }
0x38: {  	s10 =	sld [smem:$0x3FBB]  }
0x39: {  	_ = 	snop;
	(pc) =	sbr.ind lr, $3  }
0x3a: {  	_ = 	snop  }
0x3b: {  	_ = 	snop  }
0x3c: {  	p2 =	seq.s32 s10, $0x1;
	s10 =	sld [smem:$0x3FBA]  }
0x3d: {  	_ =	shalt  }
0x3e: {  	_ =	shalt  }
0x3f: {  	_ =	shalt  }
0x40: {  	_ =	shalt  }
0x41: {  	_ =	shalt  }
0x42: {  	_ =	shalt  }
0x43: {  	_ =	shalt  }
0x44: {  	_ =	shalt  }
0x45: {  	_ =	shalt  }
0x46: {  	_ =	shalt  }
0x47: {  	_ =	shalt  }
0x48: {  	_ =	shalt  }
0x49: {  	_ =	shalt  }
0x4a: {  	_ =	shalt  }
0x4b: {  	_ =	shalt  }
0x4c: {  	_ =	shalt  }
0x4d: {  	_ =	shalt  }
0x4e: {  	_ =	shalt  }
0x4f: {  	_ =	shalt  }
0x50: {  	_ =	shalt  }
0x51: {  	_ =	shalt  }
0x52: {  	_ =	shalt  }
0x53: {  	_ =	shalt  }
0x54: {  	_ =	shalt  }
0x55: {  	_ =	shalt  }
0x56: {  	_ =	shalt  }
0x57: {  	_ =	shalt  }
0x58: {  	_ =	shalt  }
0x59: {  	_ =	shalt  }
0x5a: {  	_ =	shalt  }
0x5b: {  	_ =	shalt  }
0x5c: {  	_ =	shalt  }
0x5d: {  	_ =	shalt  }
0x5e: {  	_ =	shalt  }
0x5f: {  	_ =	shalt  }
0x60: {  	_ =	shalt  }
0x61: {  	_ =	shalt  }
0x62: {  	_ =	shalt  }
0x63: {  	_ =	shalt  }
0x64: {  	_ =	shalt  }
0x65: {  	_ =	shalt  }
0x66: {  	_ =	shalt  }
0x67: {  	_ =	shalt  }
0x68: {  	_ =	shalt  }
0x69: {  	_ =	shalt  }
0x6a: {  	_ =	shalt  }
0x6b: {  	_ =	shalt  }
0x6c: {  	_ =	shalt  }
0x6d: {  	_ =	shalt  }
0x6e: {  	_ =	shalt  }
0x6f: {  	_ =	shalt  }
0x70: {  	_ =	shalt  }
0x71: {  	_ =	shalt  }
0x72: {  	_ =	shalt  }
0x73: {  	_ =	shalt  }
0x74: {  	_ =	shalt  }
0x75: {  	_ =	shalt  }
0x76: {  	_ =	shalt  }
0x77: {  	_ =	shalt  }
0x78: {  	_ =	shalt  }
0x79: {  	_ =	shalt  }
0x7a: {  	_ =	shalt  }
0x7b: {  	_ =	shalt  }
0x7c: {  	_ =	shalt  }
0x7d: {  	_ =	shalt  }
0x7e: {  	_ =	shalt  }
0x7f: {  	_ =	shalt  }
0x80: {  	_ =	shalt  }
0x81: {  	_ =	shalt  }
0x82: {  	_ =	shalt  }
0x83: {  	_ =	shalt  }
0x84: {  	_ =	shalt  }
0x85: {  	_ =	shalt  }
0x86: {  	_ =	shalt  }
0x87: {  	_ =	shalt  }
.Lfunc_end0:
.L_simem_size_0:
called_computation_lowered:
.L_overlay_start_0:
0x88: {  	s2 =	sld [smem:$0x3FD9]  }
0x89: {  	s3 =	sld [smem:$0x3FFE];
	_ =	sdelay $0x1  }
0x8a: {  	s1 =	srdreg.scid  }
0x8b: {  	s0 =	sand.u32 $0x1, s1  }
0x8c: {  	s17 =	sshll.u32 s0, $0xA;
	s2 =	sadd.s32 s3, s2  }
0x8d: {  	s2 =	sadd.s32 s2, s17  }
0x8e: {  	[smem:$0x3FC6] =	sst s2  }
0x8f: {  	_ = 	snop  }
0x90: {  	s2 =	sld [smem:$0x3FD0];
	(tm) =	ssettm $0x1  }
0x91: {  	s18 =	sld [smem:$0x3FFB];
	_ =	sdelay $0x3  }
0x92: {  	_ =	strace s18  }
0x93: {  	s3 =	sld [smem:$0x3FFC];
	_ =	sdelay $0x3  }
0x94: {  	_ =	strace s3  }
0x95: {  	s3 =	sld [smem:$0x3FFD];
	_ =	sdelay $0x3  }
0x96: {  	_ =	strace s3  }
0x97: {  	_ =	strace $0x8FFFFFFF  }
0x98: {  	s19 =	sld [smem:$0x3FDB];
	_ =	sdelay $0x1  }
0x99: {  	s4 =	simm.s32 $_scs_section_size  }
0x9a: {  	s5 =	simm.s32 $_size__tile_overlayer_lowered;
	s6 =	simm.s32 $_tile_overlayer_lowered  }
0x9b: {  	s22 =	simm.s32 $0x1BFF;
	s21 =	sshll.u32 s6, $0x1;
	s3 =	sadd.s32 s4, s19  }
0x9c: {  	s7 =	simm.s32 $0x0;
	s20 =	sshll.u32 s5, $0x1;
	s5 =	sadd.s32 s21, s3  }
0x9d: {  	[timem:s7], [sflag:s22] =	dma.local [hbm:s5], s20  }
0x9e: {  	_ =	swait.ge [sflag:s22], s20  }
0x9f: {  	s4 =	ssub.s32 $0x0, s20;
	[sflag:s22] =	ssyncset.done $0x0  }
0xa0: {  	[sflag:s22] =	ssyncadd.s32 s4;
	_ =	sdelay $0x1  }
0xa1: {  	s23 =	simm.s32 $0x1B8B  }
0xa2: {  	_ =	swait.ge [sflag:s23], $0x1  }
0xa3: {  	[sflag:s23] =	ssyncset.done $0x0  }
0xa4: {  	s25 =	simm.s32 $0x1B8E;
	s24 =	sld [smem:$0x3FFE];
	[sflag:s23] =	ssyncadd.s32 $0xFFFFFFFF  }
0xa5: {  	s26 =	simm.s32 $execute0_lowered;
	[smem:$0x3FD2] =	sst s25  }
0xa6: {  	s5 =	sshll.u32 s26, $0x1;
	_ =	strace $0x80000046;
	[dreg:$0x1] =	wrdreg $0xFFFFFFFF  }
0xa7: {  	s28 =	simm.s32 $_size_execute0_lowered;
	s3 =	sadd.s32 s3, s5;
	[dreg:$0x0] =	wrdreg $0x0  }
0xa8: {  	s5 =	sshll.u32 s28, $0x1;
	[dreg:$0x2] =	wrdreg s3  }
0xa9: {  	[dreg:$0x3] =	wrdreg s5  }
0xaa: {  	[dreg:$0x4] =	wrdreg $0xC0  }
0xab: {  	_ =	task [dreg:s7], $0x5FFFF  }
0xac: {  	[dreg:$0x1] =	wrdreg $0xFFFFFFFF  }
0xad: {  	[dreg:$0x0] =	wrdreg $0x60  }
0xae: {  	[dreg:$0x2] =	wrdreg s24  }
0xaf: {  	[dreg:$0x3] =	wrdreg s2  }
0xb0: {  	[dreg:$0x4] =	wrdreg $0x9  }
0xb1: {  	_ =	task.clear_ibuf [dreg:s7], $0x5FFFF;
	_ =	strace $0x90000046  }
0xb2: {  	s29 =	simm.s32 $0x9;
	_ =	strace $0x80000048  }
0xb3: {  	_ =	swait.ge [sflag:s29], $0x1  }
0xb4: {  	[sflag:s29] =	ssyncadd.s32 $0xFFFFFFFF  }
0xb5: {  	_ =	strace $0x90000048  }
0xb6: {  	_ =	sfence  }
0xb7: {  	s30 =	sld [smem:$0x0];
	_ =	sdelay $0x2  }
0xb8: {  	s31 =	sshll.u32 s1, $0xD;
	s1 =	sshrl.u32 s1, $0x2  }
0xb9: {  	s3 =	sand.u32 $0x4000, s31;
	s1 =	sadd.s32 s1, s30  }
0xba: {  	s0 =	sor.u32 s3, s0;
	s1 =	sshll.u32 s1, $0x11  }
0xbb: {  	s0 =	sor.u32 s1, s0  }
0xbc: {  	s0 =	sadd.s32 $0x8F2B, s0  }
0xbd: {  	[sflag:s0] =	ssyncadd.remote.s32 $0x1  }
0xbe: {  	_ =	sfence.sel $0xFFFF  }
0xbf: {  	[dreg:$0x0] =	wrdreg $0xFFFFFFFF;
	(pc) =	sbr.abs _section_cstart, $3  }
0xc0: {  	[dreg:$0x1] =	wrdreg $0xFFFFFFFF  }
0xc1: {  	_ =	task.clear_ibuf [dreg:s7], $0x2FFFF;
	_ =	strace $0x9FFFFFFF  }
0xc2: {  	(tm) =	ssettm $0x7FFFFFFF  }
0xc3: {  	_ =	shalt  }
tec
execute0_lowered:
.L_overlay_start_1:
0x0: {  	(tag) =	ssettag $0x1  }
0x1: {  	s1 =	srdreg.scid;
	s4 =	rddreg [dreg:$0x0]  }
0x2: {  	s0 =	stileid.u32;
	s6 =	rddreg [dreg:$0x1]  }
0x3: {  	s2 =	simm.s32 $0x0;
	s10 =	simm.s32 $0x80;
	s11 =	simm.s32 $0x2800  }
0x4: {  	s12 =	simm.s32 $0x6800;
	s13 =	simm.s32 $0x1;
	s14 =	simm.s32 $0xA800  }
0x5: {  	v0 =	vlaneseq.u32;
	s15 =	simm.s32 $0xE800;
	s3 =	sand.u32 $0x1, s1;
	s30 =	sshll.u32 s0, $0x1  }
0x6: {  	s16 =	simm.s32 $0x13C00;
	s17 =	simm.s32 $0x2;
	v0 =	vmul.u32 $0x10, v0;
	s1 =	sor.u32 s3, s30  }
0x7: {  	s18 =	simm.s32 $0x12800;
	s19 =	simm.s32 $0x0;
	s5 =	smul.u32 $0x1388, s1  }
0x8: {  	[smem:$0x7FF] =	sst s2;
	s31 =	ssub.s32 $0x2, s3;
	s3 =	sadd.s32 $0xA600, s4;
	v1 =	vor.u32 $0x1, v0;
	v2 =	vor.u32 $0x2, v0;
	v3 =	vor.u32 $0x3, v0  }
0x9: {  	s1 =	rddreg [dreg:$0x2];
	s9 =	sshrl.u32 s31, $0x1;
	v4 =	vor.u32 $0x4, v0;
	v5 =	vor.u32 $0x5, v0;
	v6 =	vor.u32 $0x6, v0;
	s7 =	sshrl.u32 s5, $0x3  }
0xa: {  	_ =	strace $0x80000047;
	v7 =	vor.u32 $0x7, v0;
	v8 =	vor.u32 $0x8, v0;
	v9 =	vor.u32 $0x9, v0;
	s9 =	ssub.s32 s31, s9;
	s8 =	sadd.s32 s7, s4  }
0xb: {  	v10 =	vor.u32 $0xA, v0;
	v11 =	vor.u32 $0xB, v0;
	v12 =	vor.u32 $0xC, v0;
	s6 =	sadd.s32 s6, s7;
	s7 =	smax.u32 s9, $0x1;
	s9 =	simm.s32 $0x1400  }
0xc: {  	v13 =	vor.u32 $0xD, v0;
	v14 =	vor.u32 $0xE, v0;
	v15 =	vor.u32 $0xF, v0;
	s4 =	sadd.s32 $0x800, s8;
	s5 =	sadd.s32 $0x5620, s8;
	s8 =	simm.s32 $0x3  }
.LBB2_1:
0xd: {  	[tilespmem:s2], [sflag:$0x3] =	stream.linear.gather [hbm4b:s4+s2], $0x1388, $0x38;
	[tilespmem:$0x13D00] =	vst v63  }
0xe: {  	_ =	swait.ge [sflag:s8], $0x1388  }
0xf: {  	[sflag:s8] =	ssyncset.done $0x0  }
0x10: {  	[sflag:s8] =	ssyncadd.s32 $0xFFFFEC78  }
0x11: {  	[tilespmem:s9], [sflag:$0x3] =	stream.linear.gather [hbm4b:s5+s2], $0x1388, $0x38;
	[tilespmem:$0x13D00] =	vst v63  }
0x12: {  	_ =	swait.ge [sflag:s8], $0x1388  }
0x13: {  	[sflag:s8] =	ssyncset.done $0x0  }
0x14: {  	[sflag:s8] =	ssyncadd.s32 $0xFFFFEC78  }
0x15: {  	[tilespmem:s11], [sflag:$0x1] =	stream.indirect.gather [hbm4b:s3+s10], $0x80, s2, s10, $0xb8;
	[tilespmem:$0x13D00] =	vst v63  }
0x16: {  	s20 =	simm.s32 $0x0  }
0x17: {  	[tilespmem:s12], [sflag:$0x1] =	stream.indirect.gather [hbm4b:s3+s10], $0x80, s9, s10, $0xb8;
	[tilespmem:$0x13D00] =	vst v63  }
.LBB2_2:
0x18: {  	_ =	swait.ge [sflag:s13], $0x4000  }
0x19: {  	[sflag:s13] =	ssyncset.done $0x0  }
0x1a: {  	[sflag:s13] =	ssyncadd.s32 $0xFFFFC000  }
0x1b: {  	s22 =	sshll.u32 s20, $0x8;
	_ =	swait.ge [sflag:s13], $0x4000  }
0x1c: {  	s21 =	sor.u32 $0x80, s22;
	[sflag:s13] =	ssyncset.done $0x0  }
0x1d: {  	s21 =	smin.u32 s21, $0x1308;
	[sflag:s13] =	ssyncadd.s32 $0xFFFFC000  }
0x1e: {  	[tilespmem:s14], [sflag:$0x2] =	stream.indirect.gather [hbm4b:s3+s10], $0x80, s21, s10, $0xb8;
	[tilespmem:$0x13D00] =	vst v63  }
0x1f: {  	s24 =	sadd.s32 $0x12800, s22;
	s23 =	sadd.s32 $0x1400, s21  }
0x20: {  	[tilespmem:s15], [sflag:$0x2] =	stream.indirect.gather [hbm4b:s3+s10], $0x80, s23, s10, $0xb8;
	[tilespmem:$0x13D00] =	vst v63  }
0x21: {  	v16 =	vmov s24;
	s23 =	simm.s32 $0x0  }
.LBB2_3:
0x22: {  	s24 =	sshll.u32 s23, $0xB  }
0x23: {  	v17 =	vld [tilespmem:s24+$0x2800]  }
0x24: {  	v18 =	vld [tilespmem:s24+$0x6800]  }
0x25: {  	v19 =	vld [tilespmem:s24+$0x2810]  }
0x26: {  	v20 =	vld [tilespmem:s24+$0x6810]  }
0x27: {  	v21 =	vld [tilespmem:s24+$0x2820]  }
0x28: {  	v22 =	vld [tilespmem:s24+$0x6820]  }
0x29: {  	v23 =	vld [tilespmem:s24+$0x2830]  }
0x2a: {  	v24 =	vld [tilespmem:s24+$0x6830]  }
0x2b: {  	v32 =	vld [tilespmem:s24+$0x6840];
	v17 =	vmul.bf16 v18, v17;
	v18 =	vmul.bf16 v20, v19  }
0x2c: {  	v19 =	vld [tilespmem:s24+$0x2840]  }
0x2d: {  	v33 =	vld [tilespmem:s24+$0x2850];
	v17 =	vadd.bf16 v18, v17;
	v18 =	vmul.bf16 v22, v21  }
0x2e: {  	v34 =	vld [tilespmem:s24+$0x6850]  }
0x2f: {  	v35 =	vld [tilespmem:s24+$0x2860];
	v17 =	vadd.bf16 v18, v17;
	v18 =	vmul.bf16 v24, v23  }
0x30: {  	v36 =	vld [tilespmem:s24+$0x6860]  }
0x31: {  	v37 =	vld [tilespmem:s24+$0x6870];
	v17 =	vadd.bf16 v18, v17;
	v18 =	vmul.bf16 v32, v19  }
0x32: {  	v19 =	vld [tilespmem:s24+$0x2870]  }
0x33: {  	v17 =	vadd.bf16 v18, v17;
	v18 =	vmul.bf16 v34, v33;
	_ =	sdelay $0x1  }
0x34: {  	v17 =	vadd.bf16 v18, v17;
	v18 =	vmul.bf16 v36, v35;
	_ =	sdelay $0x1  }
0x35: {  	v17 =	vadd.bf16 v18, v17;
	v18 =	vmul.bf16 v37, v19;
	_ =	sdelay $0x1  }
0x36: {  	v17 =	vadd.bf16 v18, v17;
	_ =	sdelay $0x1  }
0x37: {  	v18 =	vunpack.i.u.bf16.f32 v17;
	v17 =	vunpack.i.l.bf16.f32 v17  }
0x38: {  	v17 =	vadd.f32 v17, v18;
	_ =	sdelay $0x1  }
0x39: {  	[tilespmem:$0x13C00] =	vst v17  }
0x3a: {  	v17 =	vld [tilespmem:s24+$0x2880]  }
0x3b: {  	v18 =	vld [tilespmem:s24+$0x6880]  }
0x3c: {  	v19 =	vld [tilespmem:s24+$0x2890]  }
0x3d: {  	v38 =	vld [tilespmem:s24+$0x6890]  }
0x3e: {  	v39 =	vld [tilespmem:s24+$0x28A0]  }
0x3f: {  	v40 =	vld [tilespmem:s24+$0x68A0]  }
0x40: {  	v41 =	vld [tilespmem:s24+$0x28B0]  }
0x41: {  	v42 =	vld [tilespmem:s24+$0x68B0]  }
0x42: {  	v43 =	vld [tilespmem:s24+$0x68C0];
	v17 =	vmul.bf16 v18, v17;
	v18 =	vmul.bf16 v38, v19  }
0x43: {  	v19 =	vld [tilespmem:s24+$0x28C0]  }
0x44: {  	v44 =	vld [tilespmem:s24+$0x28D0];
	v17 =	vadd.bf16 v18, v17;
	v18 =	vmul.bf16 v40, v39  }
0x45: {  	v45 =	vld [tilespmem:s24+$0x68D0]  }
0x46: {  	v46 =	vld [tilespmem:s24+$0x28E0];
	v17 =	vadd.bf16 v18, v17;
	v18 =	vmul.bf16 v42, v41  }
0x47: {  	v47 =	vld [tilespmem:s24+$0x68E0]  }
0x48: {  	v48 =	vld [tilespmem:s24+$0x68F0];
	v17 =	vadd.bf16 v18, v17;
	v18 =	vmul.bf16 v43, v19  }
0x49: {  	v19 =	vld [tilespmem:s24+$0x28F0]  }
0x4a: {  	v17 =	vadd.bf16 v18, v17;
	v18 =	vmul.bf16 v45, v44;
	_ =	sdelay $0x1  }
0x4b: {  	v17 =	vadd.bf16 v18, v17;
	v18 =	vmul.bf16 v47, v46;
	_ =	sdelay $0x1  }
0x4c: {  	v17 =	vadd.bf16 v18, v17;
	v18 =	vmul.bf16 v48, v19;
	_ =	sdelay $0x1  }
0x4d: {  	v17 =	vadd.bf16 v18, v17;
	_ =	sdelay $0x1  }
0x4e: {  	v18 =	vunpack.i.u.bf16.f32 v17;
	v17 =	vunpack.i.l.bf16.f32 v17  }
0x4f: {  	v17 =	vadd.f32 v17, v18;
	_ =	sdelay $0x1  }
0x50: {  	[tilespmem:$0x13C10] =	vst v17  }
0x51: {  	v17 =	vld [tilespmem:s24+$0x2900]  }
0x52: {  	v18 =	vld [tilespmem:s24+$0x6900]  }
0x53: {  	v19 =	vld [tilespmem:s24+$0x2910]  }
0x54: {  	v49 =	vld [tilespmem:s24+$0x6910]  }
0x55: {  	v50 =	vld [tilespmem:s24+$0x2920]  }
0x56: {  	v51 =	vld [tilespmem:s24+$0x6920]  }
0x57: {  	v52 =	vld [tilespmem:s24+$0x2930]  }
0x58: {  	v53 =	vld [tilespmem:s24+$0x6930]  }
0x59: {  	v54 =	vld [tilespmem:s24+$0x6940];
	v17 =	vmul.bf16 v18, v17;
	v18 =	vmul.bf16 v49, v19  }
0x5a: {  	v19 =	vld [tilespmem:s24+$0x2940]  }
0x5b: {  	v55 =	vld [tilespmem:s24+$0x2950];
	v17 =	vadd.bf16 v18, v17;
	v18 =	vmul.bf16 v51, v50  }
0x5c: {  	v56 =	vld [tilespmem:s24+$0x6950]  }
0x5d: {  	v57 =	vld [tilespmem:s24+$0x2960];
	v17 =	vadd.bf16 v18, v17;
	v18 =	vmul.bf16 v53, v52  }
0x5e: {  	v58 =	vld [tilespmem:s24+$0x6960]  }
0x5f: {  	v59 =	vld [tilespmem:s24+$0x6970];
	v17 =	vadd.bf16 v18, v17;
	v18 =	vmul.bf16 v54, v19  }
0x60: {  	v19 =	vld [tilespmem:s24+$0x2970]  }
0x61: {  	v17 =	vadd.bf16 v18, v17;
	v18 =	vmul.bf16 v56, v55;
	_ =	sdelay $0x1  }
0x62: {  	v17 =	vadd.bf16 v18, v17;
	v18 =	vmul.bf16 v58, v57;
	_ =	sdelay $0x1  }
0x63: {  	v17 =	vadd.bf16 v18, v17;
	v18 =	vmul.bf16 v59, v19;
	_ =	sdelay $0x1  }
0x64: {  	v17 =	vadd.bf16 v18, v17;
	_ =	sdelay $0x1  }
0x65: {  	v18 =	vunpack.i.u.bf16.f32 v17;
	v17 =	vunpack.i.l.bf16.f32 v17  }
0x66: {  	v17 =	vadd.f32 v17, v18;
	_ =	sdelay $0x1  }
0x67: {  	[tilespmem:$0x13C20] =	vst v17  }
0x68: {  	v17 =	vld [tilespmem:s24+$0x2980]  }
0x69: {  	v18 =	vld [tilespmem:s24+$0x6980]  }
0x6a: {  	v19 =	vld [tilespmem:s24+$0x2990]  }
0x6b: {  	v60 =	vld [tilespmem:s24+$0x6990]  }
0x6c: {  	v61 =	vld [tilespmem:s24+$0x29A0]  }
0x6d: {  	v62 =	vld [tilespmem:s24+$0x69A0]  }
0x6e: {  	v63 =	vld [tilespmem:s24+$0x29B0]  }
0x6f: {  	v28 =	vld [tilespmem:s24+$0x69B0]  }
0x70: {  	v29 =	vld [tilespmem:s24+$0x69C0];
	v17 =	vmul.bf16 v18, v17;
	v18 =	vmul.bf16 v60, v19  }
0x71: {  	v19 =	vld [tilespmem:s24+$0x29C0]  }
0x72: {  	v30 =	vld [tilespmem:s24+$0x29D0];
	v17 =	vadd.bf16 v18, v17;
	v18 =	vmul.bf16 v62, v61  }
0x73: {  	v31 =	vld [tilespmem:s24+$0x69D0]  }
0x74: {  	v32 =	vld [tilespmem:s24+$0x29E0];
	v17 =	vadd.bf16 v18, v17;
	v18 =	vmul.bf16 v28, v63  }
0x75: {  	v33 =	vld [tilespmem:s24+$0x69E0]  }
0x76: {  	v34 =	vld [tilespmem:s24+$0x69F0];
	v17 =	vadd.bf16 v18, v17;
	v18 =	vmul.bf16 v29, v19  }
0x77: {  	v19 =	vld [tilespmem:s24+$0x29F0]  }
0x78: {  	v17 =	vadd.bf16 v18, v17;
	v18 =	vmul.bf16 v31, v30;
	_ =	sdelay $0x1  }
0x79: {  	v17 =	vadd.bf16 v18, v17;
	v18 =	vmul.bf16 v33, v32;
	_ =	sdelay $0x1  }
0x7a: {  	v17 =	vadd.bf16 v18, v17;
	v18 =	vmul.bf16 v34, v19;
	_ =	sdelay $0x1  }
0x7b: {  	v17 =	vadd.bf16 v18, v17;
	_ =	sdelay $0x1  }
0x7c: {  	v18 =	vunpack.i.u.bf16.f32 v17;
	v17 =	vunpack.i.l.bf16.f32 v17  }
0x7d: {  	v17 =	vadd.f32 v17, v18;
	_ =	sdelay $0x1  }
0x7e: {  	[tilespmem:$0x13C30] =	vst v17  }
0x7f: {  	v17 =	vld [tilespmem:s24+$0x2A00]  }
0x80: {  	v18 =	vld [tilespmem:s24+$0x6A00]  }
0x81: {  	v19 =	vld [tilespmem:s24+$0x2A10]  }
0x82: {  	v35 =	vld [tilespmem:s24+$0x6A10]  }
0x83: {  	v36 =	vld [tilespmem:s24+$0x2A20]  }
0x84: {  	v37 =	vld [tilespmem:s24+$0x6A20]  }
0x85: {  	v38 =	vld [tilespmem:s24+$0x2A30]  }
0x86: {  	v39 =	vld [tilespmem:s24+$0x6A30]  }
0x87: {  	v40 =	vld [tilespmem:s24+$0x6A40];
	v17 =	vmul.bf16 v18, v17;
	v18 =	vmul.bf16 v35, v19  }
0x88: {  	v19 =	vld [tilespmem:s24+$0x2A40]  }
0x89: {  	v41 =	vld [tilespmem:s24+$0x2A50];
	v17 =	vadd.bf16 v18, v17;
	v18 =	vmul.bf16 v37, v36  }
0x8a: {  	v42 =	vld [tilespmem:s24+$0x6A50]  }
0x8b: {  	v43 =	vld [tilespmem:s24+$0x2A60];
	v17 =	vadd.bf16 v18, v17;
	v18 =	vmul.bf16 v39, v38  }
0x8c: {  	v44 =	vld [tilespmem:s24+$0x6A60]  }
0x8d: {  	v45 =	vld [tilespmem:s24+$0x6A70];
	v17 =	vadd.bf16 v18, v17;
	v18 =	vmul.bf16 v40, v19  }
0x8e: {  	v19 =	vld [tilespmem:s24+$0x2A70]  }
0x8f: {  	v17 =	vadd.bf16 v18, v17;
	v18 =	vmul.bf16 v42, v41;
	_ =	sdelay $0x1  }
0x90: {  	v17 =	vadd.bf16 v18, v17;
	v18 =	vmul.bf16 v44, v43;
	_ =	sdelay $0x1  }
0x91: {  	v17 =	vadd.bf16 v18, v17;
	v18 =	vmul.bf16 v45, v19;
	_ =	sdelay $0x1  }
0x92: {  	v17 =	vadd.bf16 v18, v17;
	_ =	sdelay $0x1  }
0x93: {  	v18 =	vunpack.i.u.bf16.f32 v17;
	v17 =	vunpack.i.l.bf16.f32 v17  }
0x94: {  	v17 =	vadd.f32 v17, v18;
	_ =	sdelay $0x1  }
0x95: {  	[tilespmem:$0x13C40] =	vst v17  }
0x96: {  	v17 =	vld [tilespmem:s24+$0x2A80]  }
0x97: {  	v18 =	vld [tilespmem:s24+$0x6A80]  }
0x98: {  	v19 =	vld [tilespmem:s24+$0x2A90]  }
0x99: {  	v46 =	vld [tilespmem:s24+$0x6A90]  }
0x9a: {  	v47 =	vld [tilespmem:s24+$0x2AA0]  }
0x9b: {  	v48 =	vld [tilespmem:s24+$0x6AA0]  }
0x9c: {  	v49 =	vld [tilespmem:s24+$0x2AB0]  }
0x9d: {  	v50 =	vld [tilespmem:s24+$0x6AB0]  }
0x9e: {  	v51 =	vld [tilespmem:s24+$0x6AC0];
	v17 =	vmul.bf16 v18, v17;
	v18 =	vmul.bf16 v46, v19  }
0x9f: {  	v19 =	vld [tilespmem:s24+$0x2AC0]  }
0xa0: {  	v52 =	vld [tilespmem:s24+$0x2AD0];
	v17 =	vadd.bf16 v18, v17;
	v18 =	vmul.bf16 v48, v47  }
0xa1: {  	v53 =	vld [tilespmem:s24+$0x6AD0]  }
0xa2: {  	v54 =	vld [tilespmem:s24+$0x2AE0];
	v17 =	vadd.bf16 v18, v17;
	v18 =	vmul.bf16 v50, v49  }
0xa3: {  	v55 =	vld [tilespmem:s24+$0x6AE0]  }
0xa4: {  	v56 =	vld [tilespmem:s24+$0x6AF0];
	v17 =	vadd.bf16 v18, v17;
	v18 =	vmul.bf16 v51, v19  }
0xa5: {  	v19 =	vld [tilespmem:s24+$0x2AF0]  }
0xa6: {  	v17 =	vadd.bf16 v18, v17;
	v18 =	vmul.bf16 v53, v52;
	_ =	sdelay $0x1  }
0xa7: {  	v17 =	vadd.bf16 v18, v17;
	v18 =	vmul.bf16 v55, v54;
	_ =	sdelay $0x1  }
0xa8: {  	v17 =	vadd.bf16 v18, v17;
	v18 =	vmul.bf16 v56, v19;
	_ =	sdelay $0x1  }
0xa9: {  	v17 =	vadd.bf16 v18, v17;
	_ =	sdelay $0x1  }
0xaa: {  	v18 =	vunpack.i.u.bf16.f32 v17;
	v17 =	vunpack.i.l.bf16.f32 v17  }
0xab: {  	v17 =	vadd.f32 v17, v18;
	_ =	sdelay $0x1  }
0xac: {  	[tilespmem:$0x13C50] =	vst v17  }
0xad: {  	v17 =	vld [tilespmem:s24+$0x2B00]  }
0xae: {  	v18 =	vld [tilespmem:s24+$0x6B00]  }
0xaf: {  	v19 =	vld [tilespmem:s24+$0x2B10]  }
0xb0: {  	v57 =	vld [tilespmem:s24+$0x6B10]  }
0xb1: {  	v58 =	vld [tilespmem:s24+$0x2B20]  }
0xb2: {  	v59 =	vld [tilespmem:s24+$0x6B20]  }
0xb3: {  	v60 =	vld [tilespmem:s24+$0x2B30]  }
0xb4: {  	v61 =	vld [tilespmem:s24+$0x6B30]  }
0xb5: {  	v62 =	vld [tilespmem:s24+$0x6B40];
	v17 =	vmul.bf16 v18, v17;
	v18 =	vmul.bf16 v57, v19  }
0xb6: {  	v19 =	vld [tilespmem:s24+$0x2B40]  }
0xb7: {  	v63 =	vld [tilespmem:s24+$0x2B50];
	v17 =	vadd.bf16 v18, v17;
	v18 =	vmul.bf16 v59, v58  }
0xb8: {  	v28 =	vld [tilespmem:s24+$0x6B50]  }
0xb9: {  	v29 =	vld [tilespmem:s24+$0x2B60];
	v17 =	vadd.bf16 v18, v17;
	v18 =	vmul.bf16 v61, v60  }
0xba: {  	v30 =	vld [tilespmem:s24+$0x6B60]  }
0xbb: {  	v31 =	vld [tilespmem:s24+$0x6B70];
	v17 =	vadd.bf16 v18, v17;
	v18 =	vmul.bf16 v62, v19  }
0xbc: {  	v19 =	vld [tilespmem:s24+$0x2B70]  }
0xbd: {  	v17 =	vadd.bf16 v18, v17;
	v18 =	vmul.bf16 v28, v63;
	_ =	sdelay $0x1  }
0xbe: {  	v17 =	vadd.bf16 v18, v17;
	v18 =	vmul.bf16 v30, v29;
	_ =	sdelay $0x1  }
0xbf: {  	v17 =	vadd.bf16 v18, v17;
	v18 =	vmul.bf16 v31, v19;
	_ =	sdelay $0x1  }
0xc0: {  	v17 =	vadd.bf16 v18, v17;
	_ =	sdelay $0x1  }
0xc1: {  	v18 =	vunpack.i.u.bf16.f32 v17;
	v17 =	vunpack.i.l.bf16.f32 v17  }
0xc2: {  	v17 =	vadd.f32 v17, v18;
	_ =	sdelay $0x1  }
0xc3: {  	[tilespmem:$0x13C60] =	vst v17  }
0xc4: {  	v17 =	vld [tilespmem:s24+$0x2B80]  }
0xc5: {  	v18 =	vld [tilespmem:s24+$0x6B80]  }
0xc6: {  	v19 =	vld [tilespmem:s24+$0x2B90]  }
0xc7: {  	v32 =	vld [tilespmem:s24+$0x6B90]  }
0xc8: {  	v33 =	vld [tilespmem:s24+$0x2BA0]  }
0xc9: {  	v34 =	vld [tilespmem:s24+$0x6BA0]  }
0xca: {  	v35 =	vld [tilespmem:s24+$0x2BB0]  }
0xcb: {  	v36 =	vld [tilespmem:s24+$0x6BB0]  }
0xcc: {  	v37 =	vld [tilespmem:s24+$0x6BC0];
	v17 =	vmul.bf16 v18, v17;
	v18 =	vmul.bf16 v32, v19  }
0xcd: {  	v19 =	vld [tilespmem:s24+$0x2BC0]  }
0xce: {  	v38 =	vld [tilespmem:s24+$0x2BD0];
	v17 =	vadd.bf16 v18, v17;
	v18 =	vmul.bf16 v34, v33  }
0xcf: {  	v39 =	vld [tilespmem:s24+$0x6BD0]  }
0xd0: {  	v40 =	vld [tilespmem:s24+$0x2BE0];
	v17 =	vadd.bf16 v18, v17;
	v18 =	vmul.bf16 v36, v35  }
0xd1: {  	v41 =	vld [tilespmem:s24+$0x6BE0]  }
0xd2: {  	v42 =	vld [tilespmem:s24+$0x6BF0];
	v17 =	vadd.bf16 v18, v17;
	v18 =	vmul.bf16 v37, v19  }
0xd3: {  	v19 =	vld [tilespmem:s24+$0x2BF0]  }
0xd4: {  	v17 =	vadd.bf16 v18, v17;
	v18 =	vmul.bf16 v39, v38;
	_ =	sdelay $0x1  }
0xd5: {  	v17 =	vadd.bf16 v18, v17;
	v18 =	vmul.bf16 v41, v40;
	_ =	sdelay $0x1  }
0xd6: {  	v17 =	vadd.bf16 v18, v17;
	v18 =	vmul.bf16 v42, v19;
	_ =	sdelay $0x1  }
0xd7: {  	v17 =	vadd.bf16 v18, v17;
	_ =	sdelay $0x1  }
0xd8: {  	v18 =	vunpack.i.u.bf16.f32 v17;
	v17 =	vunpack.i.l.bf16.f32 v17  }
0xd9: {  	v17 =	vadd.f32 v17, v18;
	_ =	sdelay $0x1  }
0xda: {  	[tilespmem:$0x13C70] =	vst v17  }
0xdb: {  	v17 =	vld [tilespmem:s24+$0x2C00]  }
0xdc: {  	v18 =	vld [tilespmem:s24+$0x6C00]  }
0xdd: {  	v19 =	vld [tilespmem:s24+$0x2C10]  }
0xde: {  	v43 =	vld [tilespmem:s24+$0x6C10]  }
0xdf: {  	v44 =	vld [tilespmem:s24+$0x2C20]  }
0xe0: {  	v45 =	vld [tilespmem:s24+$0x6C20]  }
0xe1: {  	v46 =	vld [tilespmem:s24+$0x2C30]  }
0xe2: {  	v47 =	vld [tilespmem:s24+$0x6C30]  }
0xe3: {  	v48 =	vld [tilespmem:s24+$0x6C40];
	v17 =	vmul.bf16 v18, v17;
	v18 =	vmul.bf16 v43, v19  }
0xe4: {  	v19 =	vld [tilespmem:s24+$0x2C40]  }
0xe5: {  	v49 =	vld [tilespmem:s24+$0x2C50];
	v17 =	vadd.bf16 v18, v17;
	v18 =	vmul.bf16 v45, v44  }
0xe6: {  	v50 =	vld [tilespmem:s24+$0x6C50]  }
0xe7: {  	v51 =	vld [tilespmem:s24+$0x2C60];
	v17 =	vadd.bf16 v18, v17;
	v18 =	vmul.bf16 v47, v46  }
0xe8: {  	v52 =	vld [tilespmem:s24+$0x6C60]  }
0xe9: {  	v53 =	vld [tilespmem:s24+$0x6C70];
	v17 =	vadd.bf16 v18, v17;
	v18 =	vmul.bf16 v48, v19  }
0xea: {  	v19 =	vld [tilespmem:s24+$0x2C70]  }
0xeb: {  	v17 =	vadd.bf16 v18, v17;
	v18 =	vmul.bf16 v50, v49;
	_ =	sdelay $0x1  }
0xec: {  	v17 =	vadd.bf16 v18, v17;
	v18 =	vmul.bf16 v52, v51;
	_ =	sdelay $0x1  }
0xed: {  	v17 =	vadd.bf16 v18, v17;
	v18 =	vmul.bf16 v53, v19;
	_ =	sdelay $0x1  }
0xee: {  	v17 =	vadd.bf16 v18, v17;
	_ =	sdelay $0x1  }
0xef: {  	v18 =	vunpack.i.u.bf16.f32 v17;
	v17 =	vunpack.i.l.bf16.f32 v17  }
0xf0: {  	v17 =	vadd.f32 v17, v18;
	_ =	sdelay $0x1  }
0xf1: {  	[tilespmem:$0x13C80] =	vst v17  }
0xf2: {  	v17 =	vld [tilespmem:s24+$0x2C80]  }
0xf3: {  	v18 =	vld [tilespmem:s24+$0x6C80]  }
0xf4: {  	v19 =	vld [tilespmem:s24+$0x2C90]  }
0xf5: {  	v54 =	vld [tilespmem:s24+$0x6C90]  }
0xf6: {  	v55 =	vld [tilespmem:s24+$0x2CA0]  }
0xf7: {  	v56 =	vld [tilespmem:s24+$0x6CA0]  }
0xf8: {  	v57 =	vld [tilespmem:s24+$0x2CB0]  }
0xf9: {  	v58 =	vld [tilespmem:s24+$0x6CB0]  }
0xfa: {  	v59 =	vld [tilespmem:s24+$0x6CC0];
	v17 =	vmul.bf16 v18, v17;
	v18 =	vmul.bf16 v54, v19  }
0xfb: {  	v19 =	vld [tilespmem:s24+$0x2CC0]  }
0xfc: {  	v60 =	vld [tilespmem:s24+$0x2CD0];
	v17 =	vadd.bf16 v18, v17;
	v18 =	vmul.bf16 v56, v55  }
0xfd: {  	v61 =	vld [tilespmem:s24+$0x6CD0]  }
0xfe: {  	v62 =	vld [tilespmem:s24+$0x2CE0];
	v17 =	vadd.bf16 v18, v17;
	v18 =	vmul.bf16 v58, v57  }
0xff: {  	v63 =	vld [tilespmem:s24+$0x6CE0]  }
0x100: {  	v28 =	vld [tilespmem:s24+$0x6CF0];
	v17 =	vadd.bf16 v18, v17;
	v18 =	vmul.bf16 v59, v19  }
0x101: {  	v19 =	vld [tilespmem:s24+$0x2CF0]  }
0x102: {  	v17 =	vadd.bf16 v18, v17;
	v18 =	vmul.bf16 v61, v60;
	_ =	sdelay $0x1  }
0x103: {  	v17 =	vadd.bf16 v18, v17;
	v18 =	vmul.bf16 v63, v62;
	_ =	sdelay $0x1  }
0x104: {  	v17 =	vadd.bf16 v18, v17;
	v18 =	vmul.bf16 v28, v19;
	_ =	sdelay $0x1  }
0x105: {  	v17 =	vadd.bf16 v18, v17;
	_ =	sdelay $0x1  }
0x106: {  	v18 =	vunpack.i.u.bf16.f32 v17;
	v17 =	vunpack.i.l.bf16.f32 v17  }
0x107: {  	v17 =	vadd.f32 v17, v18;
	_ =	sdelay $0x1  }
0x108: {  	[tilespmem:$0x13C90] =	vst v17  }
0x109: {  	v17 =	vld [tilespmem:s24+$0x2D00]  }
0x10a: {  	v18 =	vld [tilespmem:s24+$0x6D00]  }
0x10b: {  	v19 =	vld [tilespmem:s24+$0x2D10]  }
0x10c: {  	v29 =	vld [tilespmem:s24+$0x6D10]  }
0x10d: {  	v30 =	vld [tilespmem:s24+$0x2D20]  }
0x10e: {  	v31 =	vld [tilespmem:s24+$0x6D20]  }
0x10f: {  	v32 =	vld [tilespmem:s24+$0x2D30]  }
0x110: {  	v33 =	vld [tilespmem:s24+$0x6D30]  }
0x111: {  	v34 =	vld [tilespmem:s24+$0x6D40];
	v17 =	vmul.bf16 v18, v17;
	v18 =	vmul.bf16 v29, v19  }
0x112: {  	v19 =	vld [tilespmem:s24+$0x2D40]  }
0x113: {  	v35 =	vld [tilespmem:s24+$0x2D50];
	v17 =	vadd.bf16 v18, v17;
	v18 =	vmul.bf16 v31, v30  }
0x114: {  	v36 =	vld [tilespmem:s24+$0x6D50]  }
0x115: {  	v37 =	vld [tilespmem:s24+$0x2D60];
	v17 =	vadd.bf16 v18, v17;
	v18 =	vmul.bf16 v33, v32  }
0x116: {  	v38 =	vld [tilespmem:s24+$0x6D60]  }
0x117: {  	v39 =	vld [tilespmem:s24+$0x6D70];
	v17 =	vadd.bf16 v18, v17;
	v18 =	vmul.bf16 v34, v19  }
0x118: {  	v19 =	vld [tilespmem:s24+$0x2D70]  }
0x119: {  	v17 =	vadd.bf16 v18, v17;
	v18 =	vmul.bf16 v36, v35;
	_ =	sdelay $0x1  }
0x11a: {  	v17 =	vadd.bf16 v18, v17;
	v18 =	vmul.bf16 v38, v37;
	_ =	sdelay $0x1  }
0x11b: {  	v17 =	vadd.bf16 v18, v17;
	v18 =	vmul.bf16 v39, v19;
	_ =	sdelay $0x1  }
0x11c: {  	v17 =	vadd.bf16 v18, v17;
	_ =	sdelay $0x1  }
0x11d: {  	v18 =	vunpack.i.u.bf16.f32 v17;
	v17 =	vunpack.i.l.bf16.f32 v17  }
0x11e: {  	v17 =	vadd.f32 v17, v18;
	_ =	sdelay $0x1  }
0x11f: {  	[tilespmem:$0x13CA0] =	vst v17  }
0x120: {  	v17 =	vld [tilespmem:s24+$0x2D80]  }
0x121: {  	v18 =	vld [tilespmem:s24+$0x6D80]  }
0x122: {  	v19 =	vld [tilespmem:s24+$0x2D90]  }
0x123: {  	v40 =	vld [tilespmem:s24+$0x6D90]  }
0x124: {  	v41 =	vld [tilespmem:s24+$0x2DA0]  }
0x125: {  	v42 =	vld [tilespmem:s24+$0x6DA0]  }
0x126: {  	v43 =	vld [tilespmem:s24+$0x2DB0]  }
0x127: {  	v44 =	vld [tilespmem:s24+$0x6DB0]  }
0x128: {  	v45 =	vld [tilespmem:s24+$0x6DC0];
	v17 =	vmul.bf16 v18, v17;
	v18 =	vmul.bf16 v40, v19  }
0x129: {  	v19 =	vld [tilespmem:s24+$0x2DC0]  }
0x12a: {  	v46 =	vld [tilespmem:s24+$0x2DD0];
	v17 =	vadd.bf16 v18, v17;
	v18 =	vmul.bf16 v42, v41  }
0x12b: {  	v47 =	vld [tilespmem:s24+$0x6DD0]  }
0x12c: {  	v48 =	vld [tilespmem:s24+$0x2DE0];
	v17 =	vadd.bf16 v18, v17;
	v18 =	vmul.bf16 v44, v43  }
0x12d: {  	v49 =	vld [tilespmem:s24+$0x6DE0]  }
0x12e: {  	v50 =	vld [tilespmem:s24+$0x6DF0];
	v17 =	vadd.bf16 v18, v17;
	v18 =	vmul.bf16 v45, v19  }
0x12f: {  	v19 =	vld [tilespmem:s24+$0x2DF0]  }
0x130: {  	v17 =	vadd.bf16 v18, v17;
	v18 =	vmul.bf16 v47, v46;
	_ =	sdelay $0x1  }
0x131: {  	v17 =	vadd.bf16 v18, v17;
	v18 =	vmul.bf16 v49, v48;
	_ =	sdelay $0x1  }
0x132: {  	v17 =	vadd.bf16 v18, v17;
	v18 =	vmul.bf16 v50, v19;
	_ =	sdelay $0x1  }
0x133: {  	v17 =	vadd.bf16 v18, v17;
	_ =	sdelay $0x1  }
0x134: {  	v18 =	vunpack.i.u.bf16.f32 v17;
	v17 =	vunpack.i.l.bf16.f32 v17  }
0x135: {  	v17 =	vadd.f32 v17, v18;
	_ =	sdelay $0x1  }
0x136: {  	[tilespmem:$0x13CB0] =	vst v17  }
0x137: {  	v17 =	vld [tilespmem:s24+$0x2E00]  }
0x138: {  	v18 =	vld [tilespmem:s24+$0x6E00]  }
0x139: {  	v19 =	vld [tilespmem:s24+$0x2E10]  }
0x13a: {  	v51 =	vld [tilespmem:s24+$0x6E10]  }
0x13b: {  	v52 =	vld [tilespmem:s24+$0x2E20]  }
0x13c: {  	v53 =	vld [tilespmem:s24+$0x6E20]  }
0x13d: {  	v54 =	vld [tilespmem:s24+$0x2E30]  }
0x13e: {  	v55 =	vld [tilespmem:s24+$0x6E30]  }
0x13f: {  	v56 =	vld [tilespmem:s24+$0x6E40];
	v17 =	vmul.bf16 v18, v17;
	v18 =	vmul.bf16 v51, v19  }
0x140: {  	v19 =	vld [tilespmem:s24+$0x2E40]  }
0x141: {  	v57 =	vld [tilespmem:s24+$0x2E50];
	v17 =	vadd.bf16 v18, v17;
	v18 =	vmul.bf16 v53, v52  }
0x142: {  	v58 =	vld [tilespmem:s24+$0x6E50]  }
0x143: {  	v59 =	vld [tilespmem:s24+$0x2E60];
	v17 =	vadd.bf16 v18, v17;
	v18 =	vmul.bf16 v55, v54  }
0x144: {  	v60 =	vld [tilespmem:s24+$0x6E60]  }
0x145: {  	v61 =	vld [tilespmem:s24+$0x6E70];
	v17 =	vadd.bf16 v18, v17;
	v18 =	vmul.bf16 v56, v19  }
0x146: {  	v19 =	vld [tilespmem:s24+$0x2E70]  }
0x147: {  	v17 =	vadd.bf16 v18, v17;
	v18 =	vmul.bf16 v58, v57;
	_ =	sdelay $0x1  }
0x148: {  	v17 =	vadd.bf16 v18, v17;
	v18 =	vmul.bf16 v60, v59;
	_ =	sdelay $0x1  }
0x149: {  	v17 =	vadd.bf16 v18, v17;
	v18 =	vmul.bf16 v61, v19;
	_ =	sdelay $0x1  }
0x14a: {  	v17 =	vadd.bf16 v18, v17;
	_ =	sdelay $0x1  }
0x14b: {  	v18 =	vunpack.i.u.bf16.f32 v17;
	v17 =	vunpack.i.l.bf16.f32 v17  }
0x14c: {  	v17 =	vadd.f32 v17, v18;
	_ =	sdelay $0x1  }
0x14d: {  	[tilespmem:$0x13CC0] =	vst v17  }
0x14e: {  	v17 =	vld [tilespmem:s24+$0x2E80]  }
0x14f: {  	v18 =	vld [tilespmem:s24+$0x6E80]  }
0x150: {  	v19 =	vld [tilespmem:s24+$0x2E90]  }
0x151: {  	v62 =	vld [tilespmem:s24+$0x6E90]  }
0x152: {  	v63 =	vld [tilespmem:s24+$0x2EA0]  }
0x153: {  	v28 =	vld [tilespmem:s24+$0x6EA0]  }
0x154: {  	v29 =	vld [tilespmem:s24+$0x2EB0]  }
0x155: {  	v30 =	vld [tilespmem:s24+$0x6EB0]  }
0x156: {  	v31 =	vld [tilespmem:s24+$0x6EC0];
	v17 =	vmul.bf16 v18, v17;
	v18 =	vmul.bf16 v62, v19  }
0x157: {  	v19 =	vld [tilespmem:s24+$0x2EC0]  }
0x158: {  	v32 =	vld [tilespmem:s24+$0x2ED0];
	v17 =	vadd.bf16 v18, v17;
	v18 =	vmul.bf16 v28, v63  }
0x159: {  	v33 =	vld [tilespmem:s24+$0x6ED0]  }
0x15a: {  	v34 =	vld [tilespmem:s24+$0x2EE0];
	v17 =	vadd.bf16 v18, v17;
	v18 =	vmul.bf16 v30, v29  }
0x15b: {  	v35 =	vld [tilespmem:s24+$0x6EE0]  }
0x15c: {  	v36 =	vld [tilespmem:s24+$0x6EF0];
	v17 =	vadd.bf16 v18, v17;
	v18 =	vmul.bf16 v31, v19  }
0x15d: {  	v19 =	vld [tilespmem:s24+$0x2EF0]  }
0x15e: {  	v17 =	vadd.bf16 v18, v17;
	v18 =	vmul.bf16 v33, v32;
	_ =	sdelay $0x1  }
0x15f: {  	v17 =	vadd.bf16 v18, v17;
	v18 =	vmul.bf16 v35, v34;
	_ =	sdelay $0x1  }
0x160: {  	v17 =	vadd.bf16 v18, v17;
	v18 =	vmul.bf16 v36, v19;
	_ =	sdelay $0x1  }
0x161: {  	v17 =	vadd.bf16 v18, v17;
	_ =	sdelay $0x1  }
0x162: {  	v18 =	vunpack.i.u.bf16.f32 v17;
	v17 =	vunpack.i.l.bf16.f32 v17  }
0x163: {  	v17 =	vadd.f32 v17, v18;
	_ =	sdelay $0x1  }
0x164: {  	[tilespmem:$0x13CD0] =	vst v17  }
0x165: {  	v17 =	vld [tilespmem:s24+$0x2F00]  }
0x166: {  	v18 =	vld [tilespmem:s24+$0x6F00]  }
0x167: {  	v19 =	vld [tilespmem:s24+$0x2F10]  }
0x168: {  	v37 =	vld [tilespmem:s24+$0x6F10]  }
0x169: {  	v38 =	vld [tilespmem:s24+$0x2F20]  }
0x16a: {  	v39 =	vld [tilespmem:s24+$0x6F20]  }
0x16b: {  	v40 =	vld [tilespmem:s24+$0x2F30]  }
0x16c: {  	v41 =	vld [tilespmem:s24+$0x6F30]  }
0x16d: {  	v42 =	vld [tilespmem:s24+$0x6F40];
	v17 =	vmul.bf16 v18, v17;
	v18 =	vmul.bf16 v37, v19  }
0x16e: {  	v19 =	vld [tilespmem:s24+$0x2F40]  }
0x16f: {  	v43 =	vld [tilespmem:s24+$0x2F50];
	v17 =	vadd.bf16 v18, v17;
	v18 =	vmul.bf16 v39, v38  }
0x170: {  	v44 =	vld [tilespmem:s24+$0x6F50]  }
0x171: {  	v45 =	vld [tilespmem:s24+$0x2F60];
	v17 =	vadd.bf16 v18, v17;
	v18 =	vmul.bf16 v41, v40  }
0x172: {  	v46 =	vld [tilespmem:s24+$0x6F60]  }
0x173: {  	v47 =	vld [tilespmem:s24+$0x6F70];
	v17 =	vadd.bf16 v18, v17;
	v18 =	vmul.bf16 v42, v19  }
0x174: {  	v19 =	vld [tilespmem:s24+$0x2F70]  }
0x175: {  	v17 =	vadd.bf16 v18, v17;
	v18 =	vmul.bf16 v44, v43;
	_ =	sdelay $0x1  }
0x176: {  	v17 =	vadd.bf16 v18, v17;
	v18 =	vmul.bf16 v46, v45;
	_ =	sdelay $0x1  }
0x177: {  	v17 =	vadd.bf16 v18, v17;
	v18 =	vmul.bf16 v47, v19;
	_ =	sdelay $0x1  }
0x178: {  	v17 =	vadd.bf16 v18, v17;
	_ =	sdelay $0x1  }
0x179: {  	v18 =	vunpack.i.u.bf16.f32 v17;
	v17 =	vunpack.i.l.bf16.f32 v17  }
0x17a: {  	v17 =	vadd.f32 v17, v18;
	_ =	sdelay $0x1  }
0x17b: {  	[tilespmem:$0x13CE0] =	vst v17  }
0x17c: {  	v17 =	vld [tilespmem:s24+$0x2F80]  }
0x17d: {  	v18 =	vld [tilespmem:s24+$0x6F80]  }
0x17e: {  	v19 =	vld [tilespmem:s24+$0x2F90]  }
0x17f: {  	v48 =	vld [tilespmem:s24+$0x6F90]  }
0x180: {  	v49 =	vld [tilespmem:s24+$0x2FA0]  }
0x181: {  	v50 =	vld [tilespmem:s24+$0x6FA0]  }
0x182: {  	v51 =	vld [tilespmem:s24+$0x2FB0]  }
0x183: {  	v52 =	vld [tilespmem:s24+$0x6FB0]  }
0x184: {  	v53 =	vld [tilespmem:s24+$0x6FC0];
	v17 =	vmul.bf16 v18, v17;
	v18 =	vmul.bf16 v48, v19  }
0x185: {  	v19 =	vld [tilespmem:s24+$0x2FC0]  }
0x186: {  	v54 =	vld [tilespmem:s24+$0x2FD0];
	v17 =	vadd.bf16 v18, v17;
	v18 =	vmul.bf16 v50, v49  }
0x187: {  	v55 =	vld [tilespmem:s24+$0x6FD0]  }
0x188: {  	v56 =	vld [tilespmem:s24+$0x2FE0];
	v17 =	vadd.bf16 v18, v17;
	v18 =	vmul.bf16 v52, v51  }
0x189: {  	v57 =	vld [tilespmem:s24+$0x6FE0]  }
0x18a: {  	v58 =	vld [tilespmem:s24+$0x6FF0];
	v17 =	vadd.bf16 v18, v17;
	v18 =	vmul.bf16 v53, v19  }
0x18b: {  	v19 =	vld [tilespmem:s24+$0x2FF0]  }
0x18c: {  	v17 =	vadd.bf16 v18, v17;
	v18 =	vmul.bf16 v55, v54;
	_ =	sdelay $0x1  }
0x18d: {  	v17 =	vadd.bf16 v18, v17;
	v18 =	vmul.bf16 v57, v56;
	_ =	sdelay $0x1  }
0x18e: {  	v17 =	vadd.bf16 v18, v17;
	v18 =	vmul.bf16 v58, v19;
	_ =	sdelay $0x1  }
0x18f: {  	v17 =	vadd.bf16 v18, v17;
	_ =	sdelay $0x1  }
0x190: {  	v18 =	vunpack.i.u.bf16.f32 v17;
	v17 =	vunpack.i.l.bf16.f32 v17  }
0x191: {  	v17 =	vadd.f32 v17, v18;
	_ =	sdelay $0x1  }
0x192: {  	[tilespmem:$0x13CF0] =	vst v17  }
0x193: {  	v17 =	vld.idx.msk [tilespmem:v0+s16+$0x0], $0xffff  }
0x194: {  	v18 =	vld.idx.msk [tilespmem:v1+s16+$0x0], $0xffff;
	_ =	sdelay $0x1  }
0x195: {  	v19 =	vld.idx.msk [tilespmem:v2+s16+$0x0], $0xffff;
	_ =	sdelay $0x1  }
0x196: {  	v59 =	vld.idx.msk [tilespmem:v3+s16+$0x0], $0xffff  }
0x197: {  	v17 =	vadd.f32 v18, v17  }
0x198: {  	v18 =	vld.idx.msk [tilespmem:v4+s16+$0x0], $0xffff  }
0x199: {  	v17 =	vadd.f32 v19, v17  }
0x19a: {  	v19 =	vld.idx.msk [tilespmem:v5+s16+$0x0], $0xffff  }
0x19b: {  	v17 =	vadd.f32 v59, v17  }
0x19c: {  	v60 =	vld.idx.msk [tilespmem:v6+s16+$0x0], $0xffff  }
0x19d: {  	v17 =	vadd.f32 v18, v17  }
0x19e: {  	v18 =	vld.idx.msk [tilespmem:v7+s16+$0x0], $0xffff  }
0x19f: {  	v17 =	vadd.f32 v19, v17  }
0x1a0: {  	v19 =	vld.idx.msk [tilespmem:v8+s16+$0x0], $0xffff  }
0x1a1: {  	v17 =	vadd.f32 v60, v17  }
0x1a2: {  	v61 =	vld.idx.msk [tilespmem:v9+s16+$0x0], $0xffff  }
0x1a3: {  	v17 =	vadd.f32 v18, v17  }
0x1a4: {  	v18 =	vld.idx.msk [tilespmem:v10+s16+$0x0], $0xffff  }
0x1a5: {  	v17 =	vadd.f32 v19, v17  }
0x1a6: {  	v19 =	vld.idx.msk [tilespmem:v11+s16+$0x0], $0xffff  }
0x1a7: {  	v17 =	vadd.f32 v61, v17  }
0x1a8: {  	v62 =	vld.idx.msk [tilespmem:v12+s16+$0x0], $0xffff  }
0x1a9: {  	v17 =	vadd.f32 v18, v17  }
0x1aa: {  	v18 =	vld.idx.msk [tilespmem:v13+s16+$0x0], $0xffff  }
0x1ab: {  	v17 =	vadd.f32 v19, v17  }
0x1ac: {  	v19 =	vld.idx.msk [tilespmem:v14+s16+$0x0], $0xffff  }
0x1ad: {  	v17 =	vadd.f32 v62, v17  }
0x1ae: {  	v63 =	vld.idx.msk [tilespmem:v15+s16+$0x0], $0xffff  }
0x1af: {  	v17 =	vadd.f32 v18, v17;
	_ =	sdelay $0x1  }
0x1b0: {  	v17 =	vadd.f32 v19, v17;
	_ =	sdelay $0x1  }
0x1b1: {  	v17 =	vadd.f32 v63, v17;
	_ =	sdelay $0x1  }
0x1b2: {  	v17 =	vsub.f32 $0.0e+00, v17;
	_ =	sdelay $0x1  }
0x1b3: {  	v17 =	vmul.f32 $1.442695020e+00, v17;
	_ =	sdelay $0x1  }
0x1b4: {  	(erf) = vpow2.f32 v17;
	_ =	sdelay $0x8  }
0x1b5: {  	v17 =	vpop (erf)  }
0x1b6: {  	v17 =	vadd.f32 $1.000000000e+00, v17;
	_ =	sdelay $0x1  }
0x1b7: {  	(erf) = vrcp.f32 v17;
	_ =	sdelay $0x4  }
0x1b8: {  	p0 =	sne.s32 s23, $0x7  }
.Ltmp0:
0x1b9: {  	_ = 	snop;
	(pc) =	sbr.rel @p0 .LBB2_3-.Ltmp0, $4  }
0x1ba: {  	_ = 	snop  }
0x1bb: {  	s31 =	sshll.u32 s23, $0x4  }
0x1bc: {  	s24 =	sand.u32 $0x3FFFFFF0, s31;
	v17 =	vpop (erf)  }
0x1bd: {  	s23 =	sadd.s32 $0x1, s23;
	[tilespmem:v16+s24+$0x0 ss:$0x1] =	vst.idx.msk $0xffff, v17  }
0x1be: {  	_ =	swait.ge [sflag:s17], $0x4000  }
0x1bf: {  	[sflag:s17] =	ssyncset.done $0x0  }
0x1c0: {  	[sflag:s17] =	ssyncadd.s32 $0xFFFFC000  }
0x1c1: {  	_ =	swait.ge [sflag:s17], $0x4000  }
0x1c2: {  	s22 =	smin.u32 s22, $0x1208;
	[sflag:s17] =	ssyncset.done $0x0  }
0x1c3: {  	s23 =	sadd.s32 $0x100, s22;
	[sflag:s17] =	ssyncadd.s32 $0xFFFFC000  }
0x1c4: {  	[tilespmem:s11], [sflag:$0x1] =	stream.indirect.gather [hbm4b:s3+s10], $0x80, s23, s10, $0xb8;
	[tilespmem:$0x13D00] =	vst v63  }
0x1c5: {  	s31 =	sadd.s32 $0x12800, s21;
	s21 =	simm.s32 $0x0;
	s22 =	sadd.s32 $0x1500, s22  }
0x1c6: {  	v16 =	vmov s31;
	[tilespmem:s12], [sflag:$0x1] =	stream.indirect.gather [hbm4b:s3+s10], $0x80, s22, s10, $0xb8;
	[tilespmem:$0x13D00] =	vst v63  }
.LBB2_5:
0x1c7: {  	s22 =	sshll.u32 s21, $0xB  }
0x1c8: {  	v17 =	vld [tilespmem:s22+$0xA800]  }
0x1c9: {  	v18 =	vld [tilespmem:s22+$0xE800]  }
0x1ca: {  	v19 =	vld [tilespmem:s22+$0xA810]  }
0x1cb: {  	v20 =	vld [tilespmem:s22+$0xE810]  }
0x1cc: {  	v21 =	vld [tilespmem:s22+$0xA820]  }
0x1cd: {  	v22 =	vld [tilespmem:s22+$0xE820]  }
0x1ce: {  	v23 =	vld [tilespmem:s22+$0xA830]  }
0x1cf: {  	v24 =	vld [tilespmem:s22+$0xE830]  }
0x1d0: {  	v32 =	vld [tilespmem:s22+$0xE840];
	v17 =	vmul.bf16 v18, v17;
	v18 =	vmul.bf16 v20, v19  }
0x1d1: {  	v19 =	vld [tilespmem:s22+$0xA840]  }
0x1d2: {  	v33 =	vld [tilespmem:s22+$0xA850];
	v17 =	vadd.bf16 v18, v17;
	v18 =	vmul.bf16 v22, v21  }
0x1d3: {  	v34 =	vld [tilespmem:s22+$0xE850]  }
0x1d4: {  	v35 =	vld [tilespmem:s22+$0xA860];
	v17 =	vadd.bf16 v18, v17;
	v18 =	vmul.bf16 v24, v23  }
0x1d5: {  	v36 =	vld [tilespmem:s22+$0xE860]  }
0x1d6: {  	v37 =	vld [tilespmem:s22+$0xE870];
	v17 =	vadd.bf16 v18, v17;
	v18 =	vmul.bf16 v32, v19  }
0x1d7: {  	v19 =	vld [tilespmem:s22+$0xA870]  }
0x1d8: {  	v17 =	vadd.bf16 v18, v17;
	v18 =	vmul.bf16 v34, v33;
	_ =	sdelay $0x1  }
0x1d9: {  	v17 =	vadd.bf16 v18, v17;
	v18 =	vmul.bf16 v36, v35;
	_ =	sdelay $0x1  }
0x1da: {  	v17 =	vadd.bf16 v18, v17;
	v18 =	vmul.bf16 v37, v19;
	_ =	sdelay $0x1  }
0x1db: {  	v17 =	vadd.bf16 v18, v17;
	_ =	sdelay $0x1  }
0x1dc: {  	v18 =	vunpack.i.u.bf16.f32 v17;
	v17 =	vunpack.i.l.bf16.f32 v17  }
0x1dd: {  	v17 =	vadd.f32 v17, v18;
	_ =	sdelay $0x1  }
0x1de: {  	[tilespmem:$0x13C00] =	vst v17  }
0x1df: {  	v17 =	vld [tilespmem:s22+$0xA880]  }
0x1e0: {  	v18 =	vld [tilespmem:s22+$0xE880]  }
0x1e1: {  	v19 =	vld [tilespmem:s22+$0xA890]  }
0x1e2: {  	v38 =	vld [tilespmem:s22+$0xE890]  }
0x1e3: {  	v39 =	vld [tilespmem:s22+$0xA8A0]  }
0x1e4: {  	v40 =	vld [tilespmem:s22+$0xE8A0]  }
0x1e5: {  	v41 =	vld [tilespmem:s22+$0xA8B0]  }
0x1e6: {  	v42 =	vld [tilespmem:s22+$0xE8B0]  }
0x1e7: {  	v43 =	vld [tilespmem:s22+$0xE8C0];
	v17 =	vmul.bf16 v18, v17;
	v18 =	vmul.bf16 v38, v19  }
0x1e8: {  	v19 =	vld [tilespmem:s22+$0xA8C0]  }
0x1e9: {  	v44 =	vld [tilespmem:s22+$0xA8D0];
	v17 =	vadd.bf16 v18, v17;
	v18 =	vmul.bf16 v40, v39  }
0x1ea: {  	v45 =	vld [tilespmem:s22+$0xE8D0]  }
0x1eb: {  	v46 =	vld [tilespmem:s22+$0xA8E0];
	v17 =	vadd.bf16 v18, v17;
	v18 =	vmul.bf16 v42, v41  }
0x1ec: {  	v47 =	vld [tilespmem:s22+$0xE8E0]  }
0x1ed: {  	v48 =	vld [tilespmem:s22+$0xE8F0];
	v17 =	vadd.bf16 v18, v17;
	v18 =	vmul.bf16 v43, v19  }
0x1ee: {  	v19 =	vld [tilespmem:s22+$0xA8F0]  }
0x1ef: {  	v17 =	vadd.bf16 v18, v17;
	v18 =	vmul.bf16 v45, v44;
	_ =	sdelay $0x1  }
0x1f0: {  	v17 =	vadd.bf16 v18, v17;
	v18 =	vmul.bf16 v47, v46;
	_ =	sdelay $0x1  }
0x1f1: {  	v17 =	vadd.bf16 v18, v17;
	v18 =	vmul.bf16 v48, v19;
	_ =	sdelay $0x1  }
0x1f2: {  	v17 =	vadd.bf16 v18, v17;
	_ =	sdelay $0x1  }
0x1f3: {  	v18 =	vunpack.i.u.bf16.f32 v17;
	v17 =	vunpack.i.l.bf16.f32 v17  }
0x1f4: {  	v17 =	vadd.f32 v17, v18;
	_ =	sdelay $0x1  }
0x1f5: {  	[tilespmem:$0x13C10] =	vst v17  }
0x1f6: {  	v17 =	vld [tilespmem:s22+$0xA900]  }
0x1f7: {  	v18 =	vld [tilespmem:s22+$0xE900]  }
0x1f8: {  	v19 =	vld [tilespmem:s22+$0xA910]  }
0x1f9: {  	v49 =	vld [tilespmem:s22+$0xE910]  }
0x1fa: {  	v50 =	vld [tilespmem:s22+$0xA920]  }
0x1fb: {  	v51 =	vld [tilespmem:s22+$0xE920]  }
0x1fc: {  	v52 =	vld [tilespmem:s22+$0xA930]  }
0x1fd: {  	v53 =	vld [tilespmem:s22+$0xE930]  }
0x1fe: {  	v54 =	vld [tilespmem:s22+$0xE940];
	v17 =	vmul.bf16 v18, v17;
	v18 =	vmul.bf16 v49, v19  }
0x1ff: {  	v19 =	vld [tilespmem:s22+$0xA940]  }
0x200: {  	v55 =	vld [tilespmem:s22+$0xA950];
	v17 =	vadd.bf16 v18, v17;
	v18 =	vmul.bf16 v51, v50  }
0x201: {  	v56 =	vld [tilespmem:s22+$0xE950]  }
0x202: {  	v57 =	vld [tilespmem:s22+$0xA960];
	v17 =	vadd.bf16 v18, v17;
	v18 =	vmul.bf16 v53, v52  }
0x203: {  	v58 =	vld [tilespmem:s22+$0xE960]  }
0x204: {  	v59 =	vld [tilespmem:s22+$0xE970];
	v17 =	vadd.bf16 v18, v17;
	v18 =	vmul.bf16 v54, v19  }
0x205: {  	v19 =	vld [tilespmem:s22+$0xA970]  }
0x206: {  	v17 =	vadd.bf16 v18, v17;
	v18 =	vmul.bf16 v56, v55;
	_ =	sdelay $0x1  }
0x207: {  	v17 =	vadd.bf16 v18, v17;
	v18 =	vmul.bf16 v58, v57;
	_ =	sdelay $0x1  }
0x208: {  	v17 =	vadd.bf16 v18, v17;
	v18 =	vmul.bf16 v59, v19;
	_ =	sdelay $0x1  }
0x209: {  	v17 =	vadd.bf16 v18, v17;
	_ =	sdelay $0x1  }
0x20a: {  	v18 =	vunpack.i.u.bf16.f32 v17;
	v17 =	vunpack.i.l.bf16.f32 v17  }
0x20b: {  	v17 =	vadd.f32 v17, v18;
	_ =	sdelay $0x1  }
0x20c: {  	[tilespmem:$0x13C20] =	vst v17  }
0x20d: {  	v17 =	vld [tilespmem:s22+$0xA980]  }
0x20e: {  	v18 =	vld [tilespmem:s22+$0xE980]  }
0x20f: {  	v19 =	vld [tilespmem:s22+$0xA990]  }
0x210: {  	v60 =	vld [tilespmem:s22+$0xE990]  }
0x211: {  	v61 =	vld [tilespmem:s22+$0xA9A0]  }
0x212: {  	v62 =	vld [tilespmem:s22+$0xE9A0]  }
0x213: {  	v63 =	vld [tilespmem:s22+$0xA9B0]  }
0x214: {  	v28 =	vld [tilespmem:s22+$0xE9B0]  }
0x215: {  	v29 =	vld [tilespmem:s22+$0xE9C0];
	v17 =	vmul.bf16 v18, v17;
	v18 =	vmul.bf16 v60, v19  }
0x216: {  	v19 =	vld [tilespmem:s22+$0xA9C0]  }
0x217: {  	v30 =	vld [tilespmem:s22+$0xA9D0];
	v17 =	vadd.bf16 v18, v17;
	v18 =	vmul.bf16 v62, v61  }
0x218: {  	v31 =	vld [tilespmem:s22+$0xE9D0]  }
0x219: {  	v32 =	vld [tilespmem:s22+$0xA9E0];
	v17 =	vadd.bf16 v18, v17;
	v18 =	vmul.bf16 v28, v63  }
0x21a: {  	v33 =	vld [tilespmem:s22+$0xE9E0]  }
0x21b: {  	v34 =	vld [tilespmem:s22+$0xE9F0];
	v17 =	vadd.bf16 v18, v17;
	v18 =	vmul.bf16 v29, v19  }
0x21c: {  	v19 =	vld [tilespmem:s22+$0xA9F0]  }
0x21d: {  	v17 =	vadd.bf16 v18, v17;
	v18 =	vmul.bf16 v31, v30;
	_ =	sdelay $0x1  }
0x21e: {  	v17 =	vadd.bf16 v18, v17;
	v18 =	vmul.bf16 v33, v32;
	_ =	sdelay $0x1  }
0x21f: {  	v17 =	vadd.bf16 v18, v17;
	v18 =	vmul.bf16 v34, v19;
	_ =	sdelay $0x1  }
0x220: {  	v17 =	vadd.bf16 v18, v17;
	_ =	sdelay $0x1  }
0x221: {  	v18 =	vunpack.i.u.bf16.f32 v17;
	v17 =	vunpack.i.l.bf16.f32 v17  }
0x222: {  	v17 =	vadd.f32 v17, v18;
	_ =	sdelay $0x1  }
0x223: {  	[tilespmem:$0x13C30] =	vst v17  }
0x224: {  	v17 =	vld [tilespmem:s22+$0xAA00]  }
0x225: {  	v18 =	vld [tilespmem:s22+$0xEA00]  }
0x226: {  	v19 =	vld [tilespmem:s22+$0xAA10]  }
0x227: {  	v35 =	vld [tilespmem:s22+$0xEA10]  }
0x228: {  	v36 =	vld [tilespmem:s22+$0xAA20]  }
0x229: {  	v37 =	vld [tilespmem:s22+$0xEA20]  }
0x22a: {  	v38 =	vld [tilespmem:s22+$0xAA30]  }
0x22b: {  	v39 =	vld [tilespmem:s22+$0xEA30]  }
0x22c: {  	v40 =	vld [tilespmem:s22+$0xEA40];
	v17 =	vmul.bf16 v18, v17;
	v18 =	vmul.bf16 v35, v19  }
0x22d: {  	v19 =	vld [tilespmem:s22+$0xAA40]  }
0x22e: {  	v41 =	vld [tilespmem:s22+$0xAA50];
	v17 =	vadd.bf16 v18, v17;
	v18 =	vmul.bf16 v37, v36  }
0x22f: {  	v42 =	vld [tilespmem:s22+$0xEA50]  }
0x230: {  	v43 =	vld [tilespmem:s22+$0xAA60];
	v17 =	vadd.bf16 v18, v17;
	v18 =	vmul.bf16 v39, v38  }
0x231: {  	v44 =	vld [tilespmem:s22+$0xEA60]  }
0x232: {  	v45 =	vld [tilespmem:s22+$0xEA70];
	v17 =	vadd.bf16 v18, v17;
	v18 =	vmul.bf16 v40, v19  }
0x233: {  	v19 =	vld [tilespmem:s22+$0xAA70]  }
0x234: {  	v17 =	vadd.bf16 v18, v17;
	v18 =	vmul.bf16 v42, v41;
	_ =	sdelay $0x1  }
0x235: {  	v17 =	vadd.bf16 v18, v17;
	v18 =	vmul.bf16 v44, v43;
	_ =	sdelay $0x1  }
0x236: {  	v17 =	vadd.bf16 v18, v17;
	v18 =	vmul.bf16 v45, v19;
	_ =	sdelay $0x1  }
0x237: {  	v17 =	vadd.bf16 v18, v17;
	_ =	sdelay $0x1  }
0x238: {  	v18 =	vunpack.i.u.bf16.f32 v17;
	v17 =	vunpack.i.l.bf16.f32 v17  }
0x239: {  	v17 =	vadd.f32 v17, v18;
	_ =	sdelay $0x1  }
0x23a: {  	[tilespmem:$0x13C40] =	vst v17  }
0x23b: {  	v17 =	vld [tilespmem:s22+$0xAA80]  }
0x23c: {  	v18 =	vld [tilespmem:s22+$0xEA80]  }
0x23d: {  	v19 =	vld [tilespmem:s22+$0xAA90]  }
0x23e: {  	v46 =	vld [tilespmem:s22+$0xEA90]  }
0x23f: {  	v47 =	vld [tilespmem:s22+$0xAAA0]  }
0x240: {  	v48 =	vld [tilespmem:s22+$0xEAA0]  }
0x241: {  	v49 =	vld [tilespmem:s22+$0xAAB0]  }
0x242: {  	v50 =	vld [tilespmem:s22+$0xEAB0]  }
0x243: {  	v51 =	vld [tilespmem:s22+$0xEAC0];
	v17 =	vmul.bf16 v18, v17;
	v18 =	vmul.bf16 v46, v19  }
0x244: {  	v19 =	vld [tilespmem:s22+$0xAAC0]  }
0x245: {  	v52 =	vld [tilespmem:s22+$0xAAD0];
	v17 =	vadd.bf16 v18, v17;
	v18 =	vmul.bf16 v48, v47  }
0x246: {  	v53 =	vld [tilespmem:s22+$0xEAD0]  }
0x247: {  	v54 =	vld [tilespmem:s22+$0xAAE0];
	v17 =	vadd.bf16 v18, v17;
	v18 =	vmul.bf16 v50, v49  }
0x248: {  	v55 =	vld [tilespmem:s22+$0xEAE0]  }
0x249: {  	v56 =	vld [tilespmem:s22+$0xEAF0];
	v17 =	vadd.bf16 v18, v17;
	v18 =	vmul.bf16 v51, v19  }
0x24a: {  	v19 =	vld [tilespmem:s22+$0xAAF0]  }
0x24b: {  	v17 =	vadd.bf16 v18, v17;
	v18 =	vmul.bf16 v53, v52;
	_ =	sdelay $0x1  }
0x24c: {  	v17 =	vadd.bf16 v18, v17;
	v18 =	vmul.bf16 v55, v54;
	_ =	sdelay $0x1  }
0x24d: {  	v17 =	vadd.bf16 v18, v17;
	v18 =	vmul.bf16 v56, v19;
	_ =	sdelay $0x1  }
0x24e: {  	v17 =	vadd.bf16 v18, v17;
	_ =	sdelay $0x1  }
0x24f: {  	v18 =	vunpack.i.u.bf16.f32 v17;
	v17 =	vunpack.i.l.bf16.f32 v17  }
0x250: {  	v17 =	vadd.f32 v17, v18;
	_ =	sdelay $0x1  }
0x251: {  	[tilespmem:$0x13C50] =	vst v17  }
0x252: {  	v17 =	vld [tilespmem:s22+$0xAB00]  }
0x253: {  	v18 =	vld [tilespmem:s22+$0xEB00]  }
0x254: {  	v19 =	vld [tilespmem:s22+$0xAB10]  }
0x255: {  	v57 =	vld [tilespmem:s22+$0xEB10]  }
0x256: {  	v58 =	vld [tilespmem:s22+$0xAB20]  }
0x257: {  	v59 =	vld [tilespmem:s22+$0xEB20]  }
0x258: {  	v60 =	vld [tilespmem:s22+$0xAB30]  }
0x259: {  	v61 =	vld [tilespmem:s22+$0xEB30]  }
0x25a: {  	v62 =	vld [tilespmem:s22+$0xEB40];
	v17 =	vmul.bf16 v18, v17;
	v18 =	vmul.bf16 v57, v19  }
0x25b: {  	v19 =	vld [tilespmem:s22+$0xAB40]  }
0x25c: {  	v63 =	vld [tilespmem:s22+$0xAB50];
	v17 =	vadd.bf16 v18, v17;
	v18 =	vmul.bf16 v59, v58  }
0x25d: {  	v28 =	vld [tilespmem:s22+$0xEB50]  }
0x25e: {  	v29 =	vld [tilespmem:s22+$0xAB60];
	v17 =	vadd.bf16 v18, v17;
	v18 =	vmul.bf16 v61, v60  }
0x25f: {  	v30 =	vld [tilespmem:s22+$0xEB60]  }
0x260: {  	v31 =	vld [tilespmem:s22+$0xEB70];
	v17 =	vadd.bf16 v18, v17;
	v18 =	vmul.bf16 v62, v19  }
0x261: {  	v19 =	vld [tilespmem:s22+$0xAB70]  }
0x262: {  	v17 =	vadd.bf16 v18, v17;
	v18 =	vmul.bf16 v28, v63;
	_ =	sdelay $0x1  }
0x263: {  	v17 =	vadd.bf16 v18, v17;
	v18 =	vmul.bf16 v30, v29;
	_ =	sdelay $0x1  }
0x264: {  	v17 =	vadd.bf16 v18, v17;
	v18 =	vmul.bf16 v31, v19;
	_ =	sdelay $0x1  }
0x265: {  	v17 =	vadd.bf16 v18, v17;
	_ =	sdelay $0x1  }
0x266: {  	v18 =	vunpack.i.u.bf16.f32 v17;
	v17 =	vunpack.i.l.bf16.f32 v17  }
0x267: {  	v17 =	vadd.f32 v17, v18;
	_ =	sdelay $0x1  }
0x268: {  	[tilespmem:$0x13C60] =	vst v17  }
0x269: {  	v17 =	vld [tilespmem:s22+$0xAB80]  }
0x26a: {  	v18 =	vld [tilespmem:s22+$0xEB80]  }
0x26b: {  	v19 =	vld [tilespmem:s22+$0xAB90]  }
0x26c: {  	v32 =	vld [tilespmem:s22+$0xEB90]  }
0x26d: {  	v33 =	vld [tilespmem:s22+$0xABA0]  }
0x26e: {  	v34 =	vld [tilespmem:s22+$0xEBA0]  }
0x26f: {  	v35 =	vld [tilespmem:s22+$0xABB0]  }
0x270: {  	v36 =	vld [tilespmem:s22+$0xEBB0]  }
0x271: {  	v37 =	vld [tilespmem:s22+$0xEBC0];
	v17 =	vmul.bf16 v18, v17;
	v18 =	vmul.bf16 v32, v19  }
0x272: {  	v19 =	vld [tilespmem:s22+$0xABC0]  }
0x273: {  	v38 =	vld [tilespmem:s22+$0xABD0];
	v17 =	vadd.bf16 v18, v17;
	v18 =	vmul.bf16 v34, v33  }
0x274: {  	v39 =	vld [tilespmem:s22+$0xEBD0]  }
0x275: {  	v40 =	vld [tilespmem:s22+$0xABE0];
	v17 =	vadd.bf16 v18, v17;
	v18 =	vmul.bf16 v36, v35  }
0x276: {  	v41 =	vld [tilespmem:s22+$0xEBE0]  }
0x277: {  	v42 =	vld [tilespmem:s22+$0xEBF0];
	v17 =	vadd.bf16 v18, v17;
	v18 =	vmul.bf16 v37, v19  }
0x278: {  	v19 =	vld [tilespmem:s22+$0xABF0]  }
0x279: {  	v17 =	vadd.bf16 v18, v17;
	v18 =	vmul.bf16 v39, v38;
	_ =	sdelay $0x1  }
0x27a: {  	v17 =	vadd.bf16 v18, v17;
	v18 =	vmul.bf16 v41, v40;
	_ =	sdelay $0x1  }
0x27b: {  	v17 =	vadd.bf16 v18, v17;
	v18 =	vmul.bf16 v42, v19;
	_ =	sdelay $0x1  }
0x27c: {  	v17 =	vadd.bf16 v18, v17;
	_ =	sdelay $0x1  }
0x27d: {  	v18 =	vunpack.i.u.bf16.f32 v17;
	v17 =	vunpack.i.l.bf16.f32 v17  }
0x27e: {  	v17 =	vadd.f32 v17, v18;
	_ =	sdelay $0x1  }
0x27f: {  	[tilespmem:$0x13C70] =	vst v17  }
0x280: {  	v17 =	vld [tilespmem:s22+$0xAC00]  }
0x281: {  	v18 =	vld [tilespmem:s22+$0xEC00]  }
0x282: {  	v19 =	vld [tilespmem:s22+$0xAC10]  }
0x283: {  	v43 =	vld [tilespmem:s22+$0xEC10]  }
0x284: {  	v44 =	vld [tilespmem:s22+$0xAC20]  }
0x285: {  	v45 =	vld [tilespmem:s22+$0xEC20]  }
0x286: {  	v46 =	vld [tilespmem:s22+$0xAC30]  }
0x287: {  	v47 =	vld [tilespmem:s22+$0xEC30]  }
0x288: {  	v48 =	vld [tilespmem:s22+$0xEC40];
	v17 =	vmul.bf16 v18, v17;
	v18 =	vmul.bf16 v43, v19  }
0x289: {  	v19 =	vld [tilespmem:s22+$0xAC40]  }
0x28a: {  	v49 =	vld [tilespmem:s22+$0xAC50];
	v17 =	vadd.bf16 v18, v17;
	v18 =	vmul.bf16 v45, v44  }
0x28b: {  	v50 =	vld [tilespmem:s22+$0xEC50]  }
0x28c: {  	v51 =	vld [tilespmem:s22+$0xAC60];
	v17 =	vadd.bf16 v18, v17;
	v18 =	vmul.bf16 v47, v46  }
0x28d: {  	v52 =	vld [tilespmem:s22+$0xEC60]  }
0x28e: {  	v53 =	vld [tilespmem:s22+$0xEC70];
	v17 =	vadd.bf16 v18, v17;
	v18 =	vmul.bf16 v48, v19  }
0x28f: {  	v19 =	vld [tilespmem:s22+$0xAC70]  }
0x290: {  	v17 =	vadd.bf16 v18, v17;
	v18 =	vmul.bf16 v50, v49;
	_ =	sdelay $0x1  }
0x291: {  	v17 =	vadd.bf16 v18, v17;
	v18 =	vmul.bf16 v52, v51;
	_ =	sdelay $0x1  }
0x292: {  	v17 =	vadd.bf16 v18, v17;
	v18 =	vmul.bf16 v53, v19;
	_ =	sdelay $0x1  }
0x293: {  	v17 =	vadd.bf16 v18, v17;
	_ =	sdelay $0x1  }
0x294: {  	v18 =	vunpack.i.u.bf16.f32 v17;
	v17 =	vunpack.i.l.bf16.f32 v17  }
0x295: {  	v17 =	vadd.f32 v17, v18;
	_ =	sdelay $0x1  }
0x296: {  	[tilespmem:$0x13C80] =	vst v17  }
0x297: {  	v17 =	vld [tilespmem:s22+$0xAC80]  }
0x298: {  	v18 =	vld [tilespmem:s22+$0xEC80]  }
0x299: {  	v19 =	vld [tilespmem:s22+$0xAC90]  }
0x29a: {  	v54 =	vld [tilespmem:s22+$0xEC90]  }
0x29b: {  	v55 =	vld [tilespmem:s22+$0xACA0]  }
0x29c: {  	v56 =	vld [tilespmem:s22+$0xECA0]  }
0x29d: {  	v57 =	vld [tilespmem:s22+$0xACB0]  }
0x29e: {  	v58 =	vld [tilespmem:s22+$0xECB0]  }
0x29f: {  	v59 =	vld [tilespmem:s22+$0xECC0];
	v17 =	vmul.bf16 v18, v17;
	v18 =	vmul.bf16 v54, v19  }
0x2a0: {  	v19 =	vld [tilespmem:s22+$0xACC0]  }
0x2a1: {  	v60 =	vld [tilespmem:s22+$0xACD0];
	v17 =	vadd.bf16 v18, v17;
	v18 =	vmul.bf16 v56, v55  }
0x2a2: {  	v61 =	vld [tilespmem:s22+$0xECD0]  }
0x2a3: {  	v62 =	vld [tilespmem:s22+$0xACE0];
	v17 =	vadd.bf16 v18, v17;
	v18 =	vmul.bf16 v58, v57  }
0x2a4: {  	v63 =	vld [tilespmem:s22+$0xECE0]  }
0x2a5: {  	v28 =	vld [tilespmem:s22+$0xECF0];
	v17 =	vadd.bf16 v18, v17;
	v18 =	vmul.bf16 v59, v19  }
0x2a6: {  	v19 =	vld [tilespmem:s22+$0xACF0]  }
0x2a7: {  	v17 =	vadd.bf16 v18, v17;
	v18 =	vmul.bf16 v61, v60;
	_ =	sdelay $0x1  }
0x2a8: {  	v17 =	vadd.bf16 v18, v17;
	v18 =	vmul.bf16 v63, v62;
	_ =	sdelay $0x1  }
0x2a9: {  	v17 =	vadd.bf16 v18, v17;
	v18 =	vmul.bf16 v28, v19;
	_ =	sdelay $0x1  }
0x2aa: {  	v17 =	vadd.bf16 v18, v17;
	_ =	sdelay $0x1  }
0x2ab: {  	v18 =	vunpack.i.u.bf16.f32 v17;
	v17 =	vunpack.i.l.bf16.f32 v17  }
0x2ac: {  	v17 =	vadd.f32 v17, v18;
	_ =	sdelay $0x1  }
0x2ad: {  	[tilespmem:$0x13C90] =	vst v17  }
0x2ae: {  	v17 =	vld [tilespmem:s22+$0xAD00]  }
0x2af: {  	v18 =	vld [tilespmem:s22+$0xED00]  }
0x2b0: {  	v19 =	vld [tilespmem:s22+$0xAD10]  }
0x2b1: {  	v29 =	vld [tilespmem:s22+$0xED10]  }
0x2b2: {  	v30 =	vld [tilespmem:s22+$0xAD20]  }
0x2b3: {  	v31 =	vld [tilespmem:s22+$0xED20]  }
0x2b4: {  	v32 =	vld [tilespmem:s22+$0xAD30]  }
0x2b5: {  	v33 =	vld [tilespmem:s22+$0xED30]  }
0x2b6: {  	v34 =	vld [tilespmem:s22+$0xED40];
	v17 =	vmul.bf16 v18, v17;
	v18 =	vmul.bf16 v29, v19  }
0x2b7: {  	v19 =	vld [tilespmem:s22+$0xAD40]  }
0x2b8: {  	v35 =	vld [tilespmem:s22+$0xAD50];
	v17 =	vadd.bf16 v18, v17;
	v18 =	vmul.bf16 v31, v30  }
0x2b9: {  	v36 =	vld [tilespmem:s22+$0xED50]  }
0x2ba: {  	v37 =	vld [tilespmem:s22+$0xAD60];
	v17 =	vadd.bf16 v18, v17;
	v18 =	vmul.bf16 v33, v32  }
0x2bb: {  	v38 =	vld [tilespmem:s22+$0xED60]  }
0x2bc: {  	v39 =	vld [tilespmem:s22+$0xED70];
	v17 =	vadd.bf16 v18, v17;
	v18 =	vmul.bf16 v34, v19  }
0x2bd: {  	v19 =	vld [tilespmem:s22+$0xAD70]  }
0x2be: {  	v17 =	vadd.bf16 v18, v17;
	v18 =	vmul.bf16 v36, v35;
	_ =	sdelay $0x1  }
0x2bf: {  	v17 =	vadd.bf16 v18, v17;
	v18 =	vmul.bf16 v38, v37;
	_ =	sdelay $0x1  }
0x2c0: {  	v17 =	vadd.bf16 v18, v17;
	v18 =	vmul.bf16 v39, v19;
	_ =	sdelay $0x1  }
0x2c1: {  	v17 =	vadd.bf16 v18, v17;
	_ =	sdelay $0x1  }
0x2c2: {  	v18 =	vunpack.i.u.bf16.f32 v17;
	v17 =	vunpack.i.l.bf16.f32 v17  }
0x2c3: {  	v17 =	vadd.f32 v17, v18;
	_ =	sdelay $0x1  }
0x2c4: {  	[tilespmem:$0x13CA0] =	vst v17  }
0x2c5: {  	v17 =	vld [tilespmem:s22+$0xAD80]  }
0x2c6: {  	v18 =	vld [tilespmem:s22+$0xED80]  }
0x2c7: {  	v19 =	vld [tilespmem:s22+$0xAD90]  }
0x2c8: {  	v40 =	vld [tilespmem:s22+$0xED90]  }
0x2c9: {  	v41 =	vld [tilespmem:s22+$0xADA0]  }
0x2ca: {  	v42 =	vld [tilespmem:s22+$0xEDA0]  }
0x2cb: {  	v43 =	vld [tilespmem:s22+$0xADB0]  }
0x2cc: {  	v44 =	vld [tilespmem:s22+$0xEDB0]  }
0x2cd: {  	v45 =	vld [tilespmem:s22+$0xEDC0];
	v17 =	vmul.bf16 v18, v17;
	v18 =	vmul.bf16 v40, v19  }
0x2ce: {  	v19 =	vld [tilespmem:s22+$0xADC0]  }
0x2cf: {  	v46 =	vld [tilespmem:s22+$0xADD0];
	v17 =	vadd.bf16 v18, v17;
	v18 =	vmul.bf16 v42, v41  }
0x2d0: {  	v47 =	vld [tilespmem:s22+$0xEDD0]  }
0x2d1: {  	v48 =	vld [tilespmem:s22+$0xADE0];
	v17 =	vadd.bf16 v18, v17;
	v18 =	vmul.bf16 v44, v43  }
0x2d2: {  	v49 =	vld [tilespmem:s22+$0xEDE0]  }
0x2d3: {  	v50 =	vld [tilespmem:s22+$0xEDF0];
	v17 =	vadd.bf16 v18, v17;
	v18 =	vmul.bf16 v45, v19  }
0x2d4: {  	v19 =	vld [tilespmem:s22+$0xADF0]  }
0x2d5: {  	v17 =	vadd.bf16 v18, v17;
	v18 =	vmul.bf16 v47, v46;
	_ =	sdelay $0x1  }
0x2d6: {  	v17 =	vadd.bf16 v18, v17;
	v18 =	vmul.bf16 v49, v48;
	_ =	sdelay $0x1  }
0x2d7: {  	v17 =	vadd.bf16 v18, v17;
	v18 =	vmul.bf16 v50, v19;
	_ =	sdelay $0x1  }
0x2d8: {  	v17 =	vadd.bf16 v18, v17;
	_ =	sdelay $0x1  }
0x2d9: {  	v18 =	vunpack.i.u.bf16.f32 v17;
	v17 =	vunpack.i.l.bf16.f32 v17  }
0x2da: {  	v17 =	vadd.f32 v17, v18;
	_ =	sdelay $0x1  }
0x2db: {  	[tilespmem:$0x13CB0] =	vst v17  }
0x2dc: {  	v17 =	vld [tilespmem:s22+$0xAE00]  }
0x2dd: {  	v18 =	vld [tilespmem:s22+$0xEE00]  }
0x2de: {  	v19 =	vld [tilespmem:s22+$0xAE10]  }
0x2df: {  	v51 =	vld [tilespmem:s22+$0xEE10]  }
0x2e0: {  	v52 =	vld [tilespmem:s22+$0xAE20]  }
0x2e1: {  	v53 =	vld [tilespmem:s22+$0xEE20]  }
0x2e2: {  	v54 =	vld [tilespmem:s22+$0xAE30]  }
0x2e3: {  	v55 =	vld [tilespmem:s22+$0xEE30]  }
0x2e4: {  	v56 =	vld [tilespmem:s22+$0xEE40];
	v17 =	vmul.bf16 v18, v17;
	v18 =	vmul.bf16 v51, v19  }
0x2e5: {  	v19 =	vld [tilespmem:s22+$0xAE40]  }
0x2e6: {  	v57 =	vld [tilespmem:s22+$0xAE50];
	v17 =	vadd.bf16 v18, v17;
	v18 =	vmul.bf16 v53, v52  }
0x2e7: {  	v58 =	vld [tilespmem:s22+$0xEE50]  }
0x2e8: {  	v59 =	vld [tilespmem:s22+$0xAE60];
	v17 =	vadd.bf16 v18, v17;
	v18 =	vmul.bf16 v55, v54  }
0x2e9: {  	v60 =	vld [tilespmem:s22+$0xEE60]  }
0x2ea: {  	v61 =	vld [tilespmem:s22+$0xEE70];
	v17 =	vadd.bf16 v18, v17;
	v18 =	vmul.bf16 v56, v19  }
0x2eb: {  	v19 =	vld [tilespmem:s22+$0xAE70]  }
0x2ec: {  	v17 =	vadd.bf16 v18, v17;
	v18 =	vmul.bf16 v58, v57;
	_ =	sdelay $0x1  }
0x2ed: {  	v17 =	vadd.bf16 v18, v17;
	v18 =	vmul.bf16 v60, v59;
	_ =	sdelay $0x1  }
0x2ee: {  	v17 =	vadd.bf16 v18, v17;
	v18 =	vmul.bf16 v61, v19;
	_ =	sdelay $0x1  }
0x2ef: {  	v17 =	vadd.bf16 v18, v17;
	_ =	sdelay $0x1  }
0x2f0: {  	v18 =	vunpack.i.u.bf16.f32 v17;
	v17 =	vunpack.i.l.bf16.f32 v17  }
0x2f1: {  	v17 =	vadd.f32 v17, v18;
	_ =	sdelay $0x1  }
0x2f2: {  	[tilespmem:$0x13CC0] =	vst v17  }
0x2f3: {  	v17 =	vld [tilespmem:s22+$0xAE80]  }
0x2f4: {  	v18 =	vld [tilespmem:s22+$0xEE80]  }
0x2f5: {  	v19 =	vld [tilespmem:s22+$0xAE90]  }
0x2f6: {  	v62 =	vld [tilespmem:s22+$0xEE90]  }
0x2f7: {  	v63 =	vld [tilespmem:s22+$0xAEA0]  }
0x2f8: {  	v28 =	vld [tilespmem:s22+$0xEEA0]  }
0x2f9: {  	v29 =	vld [tilespmem:s22+$0xAEB0]  }
0x2fa: {  	v30 =	vld [tilespmem:s22+$0xEEB0]  }
0x2fb: {  	v31 =	vld [tilespmem:s22+$0xEEC0];
	v17 =	vmul.bf16 v18, v17;
	v18 =	vmul.bf16 v62, v19  }
0x2fc: {  	v19 =	vld [tilespmem:s22+$0xAEC0]  }
0x2fd: {  	v32 =	vld [tilespmem:s22+$0xAED0];
	v17 =	vadd.bf16 v18, v17;
	v18 =	vmul.bf16 v28, v63  }
0x2fe: {  	v33 =	vld [tilespmem:s22+$0xEED0]  }
0x2ff: {  	v34 =	vld [tilespmem:s22+$0xAEE0];
	v17 =	vadd.bf16 v18, v17;
	v18 =	vmul.bf16 v30, v29  }
0x300: {  	v35 =	vld [tilespmem:s22+$0xEEE0]  }
0x301: {  	v36 =	vld [tilespmem:s22+$0xEEF0];
	v17 =	vadd.bf16 v18, v17;
	v18 =	vmul.bf16 v31, v19  }
0x302: {  	v19 =	vld [tilespmem:s22+$0xAEF0]  }
0x303: {  	v17 =	vadd.bf16 v18, v17;
	v18 =	vmul.bf16 v33, v32;
	_ =	sdelay $0x1  }
0x304: {  	v17 =	vadd.bf16 v18, v17;
	v18 =	vmul.bf16 v35, v34;
	_ =	sdelay $0x1  }
0x305: {  	v17 =	vadd.bf16 v18, v17;
	v18 =	vmul.bf16 v36, v19;
	_ =	sdelay $0x1  }
0x306: {  	v17 =	vadd.bf16 v18, v17;
	_ =	sdelay $0x1  }
0x307: {  	v18 =	vunpack.i.u.bf16.f32 v17;
	v17 =	vunpack.i.l.bf16.f32 v17  }
0x308: {  	v17 =	vadd.f32 v17, v18;
	_ =	sdelay $0x1  }
0x309: {  	[tilespmem:$0x13CD0] =	vst v17  }
0x30a: {  	v17 =	vld [tilespmem:s22+$0xAF00]  }
0x30b: {  	v18 =	vld [tilespmem:s22+$0xEF00]  }
0x30c: {  	v19 =	vld [tilespmem:s22+$0xAF10]  }
0x30d: {  	v37 =	vld [tilespmem:s22+$0xEF10]  }
0x30e: {  	v38 =	vld [tilespmem:s22+$0xAF20]  }
0x30f: {  	v39 =	vld [tilespmem:s22+$0xEF20]  }
0x310: {  	v40 =	vld [tilespmem:s22+$0xAF30]  }
0x311: {  	v41 =	vld [tilespmem:s22+$0xEF30]  }
0x312: {  	v42 =	vld [tilespmem:s22+$0xEF40];
	v17 =	vmul.bf16 v18, v17;
	v18 =	vmul.bf16 v37, v19  }
0x313: {  	v19 =	vld [tilespmem:s22+$0xAF40]  }
0x314: {  	v43 =	vld [tilespmem:s22+$0xAF50];
	v17 =	vadd.bf16 v18, v17;
	v18 =	vmul.bf16 v39, v38  }
0x315: {  	v44 =	vld [tilespmem:s22+$0xEF50]  }
0x316: {  	v45 =	vld [tilespmem:s22+$0xAF60];
	v17 =	vadd.bf16 v18, v17;
	v18 =	vmul.bf16 v41, v40  }
0x317: {  	v46 =	vld [tilespmem:s22+$0xEF60]  }
0x318: {  	v47 =	vld [tilespmem:s22+$0xEF70];
	v17 =	vadd.bf16 v18, v17;
	v18 =	vmul.bf16 v42, v19  }
0x319: {  	v19 =	vld [tilespmem:s22+$0xAF70]  }
0x31a: {  	v17 =	vadd.bf16 v18, v17;
	v18 =	vmul.bf16 v44, v43;
	_ =	sdelay $0x1  }
0x31b: {  	v17 =	vadd.bf16 v18, v17;
	v18 =	vmul.bf16 v46, v45;
	_ =	sdelay $0x1  }
0x31c: {  	v17 =	vadd.bf16 v18, v17;
	v18 =	vmul.bf16 v47, v19;
	_ =	sdelay $0x1  }
0x31d: {  	v17 =	vadd.bf16 v18, v17;
	_ =	sdelay $0x1  }
0x31e: {  	v18 =	vunpack.i.u.bf16.f32 v17;
	v17 =	vunpack.i.l.bf16.f32 v17  }
0x31f: {  	v17 =	vadd.f32 v17, v18;
	_ =	sdelay $0x1  }
0x320: {  	[tilespmem:$0x13CE0] =	vst v17  }
0x321: {  	v17 =	vld [tilespmem:s22+$0xAF80]  }
0x322: {  	v18 =	vld [tilespmem:s22+$0xEF80]  }
0x323: {  	v19 =	vld [tilespmem:s22+$0xAF90]  }
0x324: {  	v48 =	vld [tilespmem:s22+$0xEF90]  }
0x325: {  	v49 =	vld [tilespmem:s22+$0xAFA0]  }
0x326: {  	v50 =	vld [tilespmem:s22+$0xEFA0]  }
0x327: {  	v51 =	vld [tilespmem:s22+$0xAFB0]  }
0x328: {  	v52 =	vld [tilespmem:s22+$0xEFB0]  }
0x329: {  	v53 =	vld [tilespmem:s22+$0xEFC0];
	v17 =	vmul.bf16 v18, v17;
	v18 =	vmul.bf16 v48, v19  }
0x32a: {  	v19 =	vld [tilespmem:s22+$0xAFC0]  }
0x32b: {  	v54 =	vld [tilespmem:s22+$0xAFD0];
	v17 =	vadd.bf16 v18, v17;
	v18 =	vmul.bf16 v50, v49  }
0x32c: {  	v55 =	vld [tilespmem:s22+$0xEFD0]  }
0x32d: {  	v56 =	vld [tilespmem:s22+$0xAFE0];
	v17 =	vadd.bf16 v18, v17;
	v18 =	vmul.bf16 v52, v51  }
0x32e: {  	v57 =	vld [tilespmem:s22+$0xEFE0]  }
0x32f: {  	v58 =	vld [tilespmem:s22+$0xEFF0];
	v17 =	vadd.bf16 v18, v17;
	v18 =	vmul.bf16 v53, v19  }
0x330: {  	v19 =	vld [tilespmem:s22+$0xAFF0]  }
0x331: {  	v17 =	vadd.bf16 v18, v17;
	v18 =	vmul.bf16 v55, v54;
	_ =	sdelay $0x1  }
0x332: {  	v17 =	vadd.bf16 v18, v17;
	v18 =	vmul.bf16 v57, v56;
	_ =	sdelay $0x1  }
0x333: {  	v17 =	vadd.bf16 v18, v17;
	v18 =	vmul.bf16 v58, v19;
	_ =	sdelay $0x1  }
0x334: {  	v17 =	vadd.bf16 v18, v17;
	_ =	sdelay $0x1  }
0x335: {  	v18 =	vunpack.i.u.bf16.f32 v17;
	v17 =	vunpack.i.l.bf16.f32 v17  }
0x336: {  	v17 =	vadd.f32 v17, v18;
	_ =	sdelay $0x1  }
0x337: {  	[tilespmem:$0x13CF0] =	vst v17  }
0x338: {  	v17 =	vld.idx.msk [tilespmem:v0+s16+$0x0], $0xffff  }
0x339: {  	v18 =	vld.idx.msk [tilespmem:v1+s16+$0x0], $0xffff;
	_ =	sdelay $0x1  }
0x33a: {  	v19 =	vld.idx.msk [tilespmem:v2+s16+$0x0], $0xffff;
	_ =	sdelay $0x1  }
0x33b: {  	v59 =	vld.idx.msk [tilespmem:v3+s16+$0x0], $0xffff  }
0x33c: {  	v17 =	vadd.f32 v18, v17  }
0x33d: {  	v18 =	vld.idx.msk [tilespmem:v4+s16+$0x0], $0xffff  }
0x33e: {  	v17 =	vadd.f32 v19, v17  }
0x33f: {  	v19 =	vld.idx.msk [tilespmem:v5+s16+$0x0], $0xffff  }
0x340: {  	v17 =	vadd.f32 v59, v17  }
0x341: {  	v60 =	vld.idx.msk [tilespmem:v6+s16+$0x0], $0xffff  }
0x342: {  	v17 =	vadd.f32 v18, v17  }
0x343: {  	v18 =	vld.idx.msk [tilespmem:v7+s16+$0x0], $0xffff  }
0x344: {  	v17 =	vadd.f32 v19, v17  }
0x345: {  	v19 =	vld.idx.msk [tilespmem:v8+s16+$0x0], $0xffff  }
0x346: {  	v17 =	vadd.f32 v60, v17  }
0x347: {  	v61 =	vld.idx.msk [tilespmem:v9+s16+$0x0], $0xffff  }
0x348: {  	v17 =	vadd.f32 v18, v17  }
0x349: {  	v18 =	vld.idx.msk [tilespmem:v10+s16+$0x0], $0xffff  }
0x34a: {  	v17 =	vadd.f32 v19, v17  }
0x34b: {  	v19 =	vld.idx.msk [tilespmem:v11+s16+$0x0], $0xffff  }
0x34c: {  	v17 =	vadd.f32 v61, v17  }
0x34d: {  	v62 =	vld.idx.msk [tilespmem:v12+s16+$0x0], $0xffff  }
0x34e: {  	v17 =	vadd.f32 v18, v17  }
0x34f: {  	v18 =	vld.idx.msk [tilespmem:v13+s16+$0x0], $0xffff  }
0x350: {  	v17 =	vadd.f32 v19, v17  }
0x351: {  	v19 =	vld.idx.msk [tilespmem:v14+s16+$0x0], $0xffff  }
0x352: {  	v17 =	vadd.f32 v62, v17  }
0x353: {  	v63 =	vld.idx.msk [tilespmem:v15+s16+$0x0], $0xffff  }
0x354: {  	v17 =	vadd.f32 v18, v17;
	_ =	sdelay $0x1  }
0x355: {  	v17 =	vadd.f32 v19, v17;
	_ =	sdelay $0x1  }
0x356: {  	v17 =	vadd.f32 v63, v17;
	_ =	sdelay $0x1  }
0x357: {  	v17 =	vsub.f32 $0.0e+00, v17;
	_ =	sdelay $0x1  }
0x358: {  	v17 =	vmul.f32 $1.442695020e+00, v17;
	_ =	sdelay $0x1  }
0x359: {  	(erf) = vpow2.f32 v17;
	_ =	sdelay $0x8  }
0x35a: {  	v17 =	vpop (erf)  }
0x35b: {  	v17 =	vadd.f32 $1.000000000e+00, v17;
	_ =	sdelay $0x1  }
0x35c: {  	(erf) = vrcp.f32 v17;
	_ =	sdelay $0x4  }
0x35d: {  	p0 =	sne.s32 s21, $0x7  }
.Ltmp1:
0x35e: {  	_ = 	snop;
	(pc) =	sbr.rel @p0 .LBB2_5-.Ltmp1, $4  }
0x35f: {  	_ = 	snop  }
0x360: {  	s31 =	sshll.u32 s21, $0x4  }
0x361: {  	s22 =	sand.u32 $0x3FFFFFF0, s31;
	v17 =	vpop (erf)  }
0x362: {  	s21 =	sadd.s32 $0x1, s21;
	[tilespmem:v16+s22+$0x0 ss:$0x1] =	vst.idx.msk $0xffff, v17  }
0x363: {  	s20 =	sadd.s32 $0x1, s20  }
0x364: {  	p0 =	sne.s32 s20, $0x14  }
.Ltmp2:
0x365: {  	_ = 	snop;
	(pc) =	sbr.rel @p0 .LBB2_2-.Ltmp2, $1  }
0x366: {  	_ =	sdelay $0x3  }
0x367: {  	_ =	swait.ge [sflag:s13], $0x4000  }
0x368: {  	[sflag:s13] =	ssyncset.done $0x0  }
0x369: {  	[sflag:s13] =	ssyncadd.s32 $0xFFFFC000  }
0x36a: {  	s19 =	sadd.s32 $0x1, s19;
	_ =	swait.ge [sflag:s13], $0x4000  }
0x36b: {  	p0 =	sne.s32 s19, s7;
	[sflag:s13] =	ssyncset.done $0x0  }
.Ltmp3:
0x36c: {  	[sflag:s13] =	ssyncadd.s32 $0xFFFFC000;
	(pc) =	sbr.rel @p0 .LBB2_1-.Ltmp3, $4  }
0x36d: {  	[hbm4b:s6+s2] =	stream.linear.scatter [tilespmem:s18], [sflag:$0x3], $0x1388, $0x38;
	[tilespmem:$0x13D00] =	vst v63  }
0x36e: {  	_ =	swait.ge [sflag:s8], $0x1388  }
0x36f: {  	[sflag:s8] =	ssyncset.done $0x0  }
0x370: {  	[sflag:s8] =	ssyncadd.s32 $0xFFFFEC78  }
0x371: {  	_ =	sfence.sel $0x180000  }
0x372: {  	[bflag:$0x0] =	sbarrier.arrive $0xFFFF  }
0x373: {  	p0 =	sne.s32 s0, $0x0;
	_ =	strace $0x90000047  }
0x374: {  	s0 =	sadd.s32 @!p0 $0x100000, s1;
	[bflag:$0x2] =	sbarrier.arrive $0xFFFF  }
0x375: {  	[sflag:s0] =	ssyncadd.tile.s32 @!p0 $0x1;
	_ =	shalt  }
.Lfunc_end2:
_tile_overlayer_lowered:
.L_overlay_start_2:
0x376: {  	(tag) =	ssettag $0x2  }
0x377: {  	s0 =	rddreg [dreg:$0x0];
	s2 =	stileid.u32  }
0x378: {  	s1 =	rddreg [dreg:$0x1];
	p0 =	sne.s32 s2, $0x0  }
0x379: {  	s3 =	rddreg [dreg:$0x2];
	[bflag:$0x3] =	sbarrier.arrive $0xFFFF;
	s2 =	simm.s32 @!p0 $0x1C03  }
0x37a: {  	[timem:s3], [sflag:s2] =	dma.local @!p0 [hbm:s0], s1  }
0x37b: {  	s0 =	simm.s32 @!p0 $0x3  }
0x37c: {  	_ =	swait.ge @!p0 [sflag:s0], s1  }
0x37d: {  	s1 =	ssub.s32 @!p0 $0x0, s1;
	[sflag:s0] =	ssyncset.done @!p0 $0x0  }
0x37e: {  	[sflag:s0] =	ssyncadd.s32 @!p0 s1  }
0x37f: {  	[bflag:$0x3] =	sbarrier.arrive $0xFFFF  }
0x380: {  	_ =	shalt  }

</sc_bundles>
